<compile_context>
chip_gen: v7x
topology: tpu7x:2x2x1
jax: 0.10.2.dev20260603
libtpu: 0.0.44.dev20260713+nightly
codegen_flags: <defaults>
</compile_context>

<pallas_src>
import functools

import jax
import jax.numpy as jnp
from jax import lax
from jax.experimental import pallas as pl
from jax.experimental.pallas import tpu as pltpu
from jax.experimental.pallas import tpu_sc as plsc

_K = 2048
_COLS = 32768
_LANES = 16
_NCHUNK = _COLS // _LANES
_UNROLL = 4
_ROWS = 128


def _scan_hist(hist, k):
    iota = lax.iota(jnp.int32, 16)

    def cond(c):
        return jnp.logical_and(c[5] == 0, c[0] < 16)

    def body(c):
        j, above, b, kp, cb, _ = c
        base = 240 - j * 16
        v = hist[pl.ds(base, 16)]
        desc = lax.rev(v, (0,))
        csum = lax.cumsum(desc, axis=0) + above
        m = csum >= k
        nfound = jnp.sum(m.astype(jnp.int32))
        firstm = jnp.logical_and(m, lax.cumsum(m.astype(jnp.int32), axis=0) == 1)
        bb = jnp.sum(jnp.where(firstm, base + 15 - iota, 0))
        kk = k - jnp.sum(jnp.where(firstm, csum - desc, 0))
        cc = jnp.sum(jnp.where(firstm, desc, 0))
        tot = jnp.sum(v)
        found = (nfound > 0).astype(jnp.int32)
        return (j + 1,
                jnp.where(found == 1, above, above + tot),
                jnp.where(found == 1, bb, b),
                jnp.where(found == 1, kk, kp),
                jnp.where(found == 1, cc, cb),
                found)

    out = lax.while_loop(cond, body, (jnp.int32(0), jnp.int32(0),
                                      jnp.int32(0), k, jnp.int32(0),
                                      jnp.int32(0)))
    return out[2], out[3], out[4]


def _zero_hist(hist):
    def zbody(i):
        hist[pl.ds(i * 16, 16)] = jnp.zeros((16,), jnp.int32)
    plsc.parallel_loop(0, 16, unroll=4)(zbody)


def _make_sc_kernel(rows):
    info = plsc.get_sparse_core_info()
    nc, ns = info.num_cores, info.num_subcores
    rows_per_tile = rows // (nc * ns)
    mesh = plsc.VectorSubcoreMesh(core_axis_name="c", subcore_axis_name="s")

    @functools.partial(
        pl.kernel,
        mesh=mesh,
        out_type=jax.ShapeDtypeStruct((rows, _COLS), jnp.float32),
        compiler_params=pltpu.CompilerParams(needs_layout_passes=False),
        scratch_types=[
            pltpu.VMEM((_COLS,), jnp.float32),
            pltpu.VMEM((_COLS,), jnp.float32),
            pltpu.VMEM((_COLS,), jnp.uint32),
            pltpu.VMEM((256,), jnp.int32),
            pltpu.VMEM((256,), jnp.int32),
            pltpu.SemaphoreType.DMA,
            pltpu.SemaphoreType.DMA,
            pltpu.SemaphoreType.DMA,
            pltpu.SemaphoreType.DMA,
        ],
    )
    def sc_topk(x_hbm, out_hbm, row_a, row_b, key_v, hist, hist2,
                sin_a, sin_b, sout_a, sout_b):
        wid = lax.axis_index("s") * nc + lax.axis_index("c")
        ones = jnp.ones((16,), jnp.int32)
        base_row = wid * rows_per_tile
        bufs = (row_a, row_b)
        sins = (sin_a, sin_b)
        souts = (sout_a, sout_b)

        def compute_row(row_v, mid_cb):
            guess = jnp.uint32(0xBF)
            gbase = guess << jnp.uint32(8)
            _zero_hist(hist)
            _zero_hist(hist2)

            def h1_body(i):
                v = row_v[pl.ds(i * 16, 16)]
                ui = lax.bitcast_convert_type(v, jnp.int32)
                flip = (ui >> 31).astype(jnp.uint32) | jnp.uint32(0x80000000)
                key = ui.astype(jnp.uint32) ^ flip
                key_v[pl.ds(i * 16, 16)] = key
                plsc.addupdate_scatter(hist, [(key >> jnp.uint32(24)).astype(jnp.int32)], ones)
                rel2 = (key >> jnp.uint32(16)) - gbase
                m2 = rel2 < jnp.uint32(256)
                plsc.addupdate_scatter(hist2, [rel2.astype(jnp.int32)], ones, mask=m2)

            plsc.parallel_loop(0, _NCHUNK, unroll=_UNROLL)(h1_body)
            mid_cb()
            b1, k2, _c1 = _scan_hist(hist, jnp.int32(_K))
            pfx1 = b1.astype(jnp.uint32)

            def level_pass(href, shift, pfx):
                _zero_hist(href)
                sd = jnp.uint32(shift - 8)
                base = pfx << jnp.uint32(8)

                def hbody(i):
                    key = key_v[pl.ds(i * 16, 16)]
                    rel = (key >> sd) - base
                    m = rel < jnp.uint32(256)
                    plsc.addupdate_scatter(href, [rel.astype(jnp.int32)], ones, mask=m)

                plsc.parallel_loop(0, _NCHUNK, unroll=_UNROLL)(hbody)
                return base

            def _l2_fallback():
                level_pass(hist2, 24, pfx1)

            pl.when(pfx1 != guess)(_l2_fallback)
            b2, k3, _c2 = _scan_hist(hist2, k2)
            pfx2 = (pfx1 << jnp.uint32(8)) | b2.astype(jnp.uint32)

            base3 = level_pass(hist, 16, pfx2)
            b3, k4, c3 = _scan_hist(hist, k3)
            pfx3 = base3 | b3.astype(jnp.uint32)

            straddle = k4 < c3

            def _do_l4():
                level_pass(hist, 8, pfx3)

            pl.when(straddle)(_do_l4)
            b4, _kn4, _c4 = _scan_hist(hist, k4)
            thresh = (pfx3 << jnp.uint32(8)) | jnp.where(
                straddle, b4.astype(jnp.uint32), jnp.uint32(0))

            tbits = jnp.where(thresh >= jnp.uint32(0x80000000),
                              thresh ^ jnp.uint32(0x80000000),
                              ~thresh)
            tval = lax.bitcast_convert_type(tbits, jnp.float32)

            def mask_body(i):
                v = row_v[pl.ds(i * 16, 16)]
                row_v[pl.ds(i * 16, 16)] = jnp.where(
                    v >= tval, jnp.maximum(v, 0.0), 0.0)

            plsc.parallel_loop(0, _NCHUNK, unroll=_UNROLL)(mask_body)

        pltpu.async_copy(x_hbm.at[base_row], bufs[0], sins[0])
        for rr in range(rows_per_tile):
            a = rr % 2
            b = (rr + 1) % 2
            pltpu.make_async_copy(x_hbm.at[base_row + rr], bufs[a], sins[a]).wait()

            def mid_cb(rr=rr, a=a, b=b):
                if rr >= 1:
                    pltpu.make_async_copy(bufs[b], out_hbm.at[base_row + rr - 1],
                                          souts[b]).wait()
                if rr + 1 < rows_per_tile:
                    pltpu.async_copy(x_hbm.at[base_row + rr + 1], bufs[b], sins[b])

            compute_row(bufs[a], mid_cb)
            pltpu.async_copy(bufs[a], out_hbm.at[base_row + rr], souts[a])
        last = rows_per_tile - 1
        pltpu.make_async_copy(bufs[last % 2], out_hbm.at[base_row + last],
                              souts[last % 2]).wait()

    return sc_topk


_sc_kernel = None


def kernel(x):
    global _sc_kernel
    if _sc_kernel is None:
        _sc_kernel = _make_sc_kernel(_ROWS)
    return _sc_kernel(x)

# --- scband reference (transcript-rebuilt; emitter-appended) ---
"""Pipeline reference for scband-top-k-58772332478575 (READ-ONLY COPY).

The authoritative reference and input builder live on the scoring server;
editing this copy changes nothing except your own understanding.
"""

import jax, jax.numpy as jnp
import numpy as np

K = 2048

def setup_inputs(seed: int = 0) -> dict:
    key = jax.random.key(seed)
    x = jax.random.normal(key, (128, 32768), dtype=jnp.float32)
    return {"x": x}

def reference(x):
    # top-k along last dim
    values, indices = jax.lax.top_k(x, K)
    # post-activation ReLU on the top-k values
    values = jnp.maximum(values, 0.0)
    # scatter values back into a zeros tensor at the top-k positions
    result = jnp.zeros_like(x)
    batch_idx = jnp.arange(x.shape[0])[:, None]
    result = result.at[batch_idx, indices].set(values)
    return result

if __name__ == "__main__":
    import jax
    _d = setup_inputs()
    print(jax.jit(kernel)(*tuple(_d.values())))

</pallas_src>

<mosaic_0001>
#map = affine_map<(d0, d1) -> (0, 0)>
module attributes {stable_mosaic.version = 14 : i64} {
  func.func @sc_topk(%arg0: i32, %arg1: i32, %arg2: memref<128x32768xf32, #tpu.memory_space<hbm>>, %arg3: memref<128x32768xf32, #tpu.memory_space<hbm>>, %arg4: memref<32768xf32, #tpu.memory_space<vmem>>, %arg5: memref<32768xf32, #tpu.memory_space<vmem>>, %arg6: memref<32768xi32, #tpu.memory_space<vmem>>, %arg7: memref<256xi32, #tpu.memory_space<vmem>>, %arg8: memref<256xi32, #tpu.memory_space<vmem>>, %arg9: memref<!tpu.dma_semaphore, #tpu.memory_space<semaphore_mem>>, %arg10: memref<!tpu.dma_semaphore, #tpu.memory_space<semaphore_mem>>, %arg11: memref<!tpu.dma_semaphore, #tpu.memory_space<semaphore_mem>>, %arg12: memref<!tpu.dma_semaphore, #tpu.memory_space<semaphore_mem>>) attributes {dimension_semantics = [#tpu.dimension_semantics<core_parallel>, #tpu.dimension_semantics<subcore_parallel>], iteration_bounds = array<i64: 2, 16>, scalar_prefetch = 0 : i64, scratch_operands = 9 : i64, tpu.core_type = #tpu.core_type<sc_vector_subcore>, window_params = [{transform_indices = #map}, {transform_indices = #map}]} {
    %mul3A = arith.constant 2 : i32
    %mul3A_0 = arith.muli %arg1, %mul3A : i32
    %add3A = arith.addi %mul3A_0, %arg0 : i32
    %broadcast_in_dim3A = arith.constant 1 : i32
    %broadcast_in_dim3A_1 = vector.broadcast %broadcast_in_dim3A : i32 to vector<16xi32>
    %mul3A_2 = arith.constant 4 : i32
    %mul3A_3 = arith.muli %add3A, %mul3A_2 : i32
    %dma_start3A = arith.constant 0 : i32
    %dma_start3A_4 = tpu.memref_slice %arg2[%mul3A_3, %dma_start3A] : memref<128x32768xf32, #tpu.memory_space<hbm>> -> memref<1x32768xf32, #tpu.memory_space<hbm>>
    %dma_start3A_5 = tpu.memref_squeeze %dma_start3A_4 : memref<1x32768xf32, #tpu.memory_space<hbm>> -> memref<32768xf32, #tpu.memory_space<hbm>>
    %dma_start3A_6 = arith.constant 0 : i32
    %dma_start3A_7 = tpu.memref_slice %arg2[%mul3A_3, %dma_start3A_6] : memref<128x32768xf32, #tpu.memory_space<hbm>> -> memref<1x32768xf32, #tpu.memory_space<hbm>>
    %dma_start3A_8 = tpu.memref_squeeze %dma_start3A_7 : memref<1x32768xf32, #tpu.memory_space<hbm>> -> memref<32768xf32, #tpu.memory_space<hbm>>
    tpu.enqueue_dma source(%dma_start3A_8 : memref<32768xf32, #tpu.memory_space<hbm>>) target(%arg4 : memref<32768xf32, #tpu.memory_space<vmem>>) target_semaphore(%arg9 : memref<!tpu.dma_semaphore, #tpu.memory_space<semaphore_mem>>)
    %add3A_9 = arith.constant 0 : i32
    %add3A_10 = arith.addi %mul3A_3, %add3A_9 : i32
    %dma_wait3A = arith.constant 0 : i32
    %dma_wait3A_11 = tpu.memref_slice %arg2[%add3A_10, %dma_wait3A] : memref<128x32768xf32, #tpu.memory_space<hbm>> -> memref<1x32768xf32, #tpu.memory_space<hbm>>
    %dma_wait3A_12 = tpu.memref_squeeze %dma_wait3A_11 : memref<1x32768xf32, #tpu.memory_space<hbm>> -> memref<32768xf32, #tpu.memory_space<hbm>>
    %dma_wait3A_13 = arith.constant 0 : i32
    %dma_wait3A_14 = tpu.memref_slice %arg2[%add3A_10, %dma_wait3A_13] : memref<128x32768xf32, #tpu.memory_space<hbm>> -> memref<1x32768xf32, #tpu.memory_space<hbm>>
    %dma_wait3A_15 = tpu.memref_squeeze %dma_wait3A_14 : memref<1x32768xf32, #tpu.memory_space<hbm>> -> memref<32768xf32, #tpu.memory_space<hbm>>
    tpu.wait_dma2 semaphore(%arg9 : memref<!tpu.dma_semaphore, #tpu.memory_space<semaphore_mem>>) src(%dma_wait3A_15 : memref<32768xf32, #tpu.memory_space<hbm>>) dst(%arg4 : memref<32768xf32, #tpu.memory_space<vmem>>)
    %shift_left3A = arith.constant 191 : i32
    %shift_left3A_16 = arith.constant 8 : i32
    %shift_left3A_17 = arith.shli %shift_left3A, %shift_left3A_16 : i32
    %parallel_loop3A = arith.constant 0 : i32
    %parallel_loop3A_18 = arith.constant 16 : i32
    %parallel_loop3A_19 = arith.constant 1 : i32
    scf.for %parallel_loop3A_444 = %parallel_loop3A to %parallel_loop3A_18 step %parallel_loop3A_19  : i32 {
      %parallel_loop3A_445 = arith.constant 0 : i32
      %parallel_loop3A_446 = vector.broadcast %parallel_loop3A_445 : i32 to vector<16xi32>
      %parallel_loop3A_447 = arith.constant 16 : i32
      %parallel_loop3A_448 = arith.muli %parallel_loop3A_444, %parallel_loop3A_447 : i32
      %parallel_loop3A_449 = arith.index_cast %parallel_loop3A_448 : i32 to index
      %parallel_loop3A_450 = tpu.vector_load %arg7[%parallel_loop3A_449] {strides = array<i32>} : memref<256xi32, #tpu.memory_space<vmem>>, vector<16xi32>,
      tpu.vector_store %arg7[%parallel_loop3A_449], %parallel_loop3A_446 {strides = array<i32>} : memref<256xi32, #tpu.memory_space<vmem>>, vector<16xi32>,
    } {sc.loop_unroll_factor = 4 : i64, sc.parallel_access}
    %parallel_loop3A_20 = arith.constant 0 : i32
    %parallel_loop3A_21 = arith.constant 16 : i32
    %parallel_loop3A_22 = arith.constant 1 : i32
    scf.for %parallel_loop3A_444 = %parallel_loop3A_20 to %parallel_loop3A_21 step %parallel_loop3A_22  : i32 {
      %parallel_loop3A_445 = arith.constant 0 : i32
      %parallel_loop3A_446 = vector.broadcast %parallel_loop3A_445 : i32 to vector<16xi32>
      %parallel_loop3A_447 = arith.constant 16 : i32
      %parallel_loop3A_448 = arith.muli %parallel_loop3A_444, %parallel_loop3A_447 : i32
      %parallel_loop3A_449 = arith.index_cast %parallel_loop3A_448 : i32 to index
      %parallel_loop3A_450 = tpu.vector_load %arg8[%parallel_loop3A_449] {strides = array<i32>} : memref<256xi32, #tpu.memory_space<vmem>>, vector<16xi32>,
      tpu.vector_store %arg8[%parallel_loop3A_449], %parallel_loop3A_446 {strides = array<i32>} : memref<256xi32, #tpu.memory_space<vmem>>, vector<16xi32>,
    } {sc.loop_unroll_factor = 4 : i64, sc.parallel_access}
    %parallel_loop3A_23 = arith.constant 0 : i32
    %parallel_loop3A_24 = arith.constant 2048 : i32
    %parallel_loop3A_25 = arith.constant 1 : i32
    scf.for %parallel_loop3A_444 = %parallel_loop3A_23 to %parallel_loop3A_24 step %parallel_loop3A_25  : i32 {
      %parallel_loop3A_445 = arith.constant 16 : i32
      %parallel_loop3A_446 = arith.muli %parallel_loop3A_444, %parallel_loop3A_445 : i32
      %parallel_loop3A_447 = arith.index_cast %parallel_loop3A_446 : i32 to index
      %parallel_loop3A_448 = tpu.vector_load %arg4[%parallel_loop3A_447] {strides = array<i32>} : memref<32768xf32, #tpu.memory_space<vmem>>, vector<16xf32>,
      %parallel_loop3A_449 = tpu.bitcast %parallel_loop3A_448 : vector<16xf32> -> vector<16xi32>
      %parallel_loop3A_450 = arith.constant 31 : i32
      %parallel_loop3A_451 = vector.broadcast %parallel_loop3A_450 : i32 to vector<16xi32>
      %parallel_loop3A_452 = arith.shrsi %parallel_loop3A_449, %parallel_loop3A_451 : vector<16xi32>
      %parallel_loop3A_453 = arith.constant -2147483648 : i32
      %parallel_loop3A_454 = vector.broadcast %parallel_loop3A_453 : i32 to vector<16xi32>
      %parallel_loop3A_455 = arith.ori %parallel_loop3A_452, %parallel_loop3A_454 : vector<16xi32>
      %parallel_loop3A_456 = arith.xori %parallel_loop3A_449, %parallel_loop3A_455 : vector<16xi32>
      %parallel_loop3A_457 = arith.constant 16 : i32
      %parallel_loop3A_458 = arith.muli %parallel_loop3A_444, %parallel_loop3A_457 : i32
      %parallel_loop3A_459 = arith.index_cast %parallel_loop3A_458 : i32 to index
      %parallel_loop3A_460 = tpu.vector_load %arg6[%parallel_loop3A_459] {strides = array<i32>} : memref<32768xi32, #tpu.memory_space<vmem>>, vector<16xi32>,
      tpu.vector_store %arg6[%parallel_loop3A_459], %parallel_loop3A_456 {strides = array<i32>} : memref<32768xi32, #tpu.memory_space<vmem>>, vector<16xi32>,
      %parallel_loop3A_461 = arith.constant 24 : i32
      %parallel_loop3A_462 = vector.broadcast %parallel_loop3A_461 : i32 to vector<16xi32>
      %parallel_loop3A_463 = arith.shrui %parallel_loop3A_456, %parallel_loop3A_462 : vector<16xi32>
      tpu.vector_store_idx %arg7[%parallel_loop3A_463], %broadcast_in_dim3A_1 {add = true} : memref<256xi32, #tpu.memory_space<vmem>>[vector<16xi32>], vector<16xi32>,
      %parallel_loop3A_464 = arith.constant 16 : i32
      %parallel_loop3A_465 = vector.broadcast %parallel_loop3A_464 : i32 to vector<16xi32>
      %parallel_loop3A_466 = arith.shrui %parallel_loop3A_456, %parallel_loop3A_465 : vector<16xi32>
      %parallel_loop3A_467 = vector.broadcast %shift_left3A_17 : i32 to vector<16xi32>
      %parallel_loop3A_468 = arith.subi %parallel_loop3A_466, %parallel_loop3A_467 : vector<16xi32>
      %parallel_loop3A_469 = arith.constant 256 : i32
      %parallel_loop3A_470 = vector.broadcast %parallel_loop3A_469 : i32 to vector<16xi32>
      %parallel_loop3A_471 = arith.cmpi ult, %parallel_loop3A_468, %parallel_loop3A_470 : vector<16xi32>
      tpu.vector_store_idx %arg8[%parallel_loop3A_468], %broadcast_in_dim3A_1 masked %parallel_loop3A_471 {add = true} : memref<256xi32, #tpu.memory_space<vmem>>[vector<16xi32>], vector<16xi32>, vector<16xi1>
    } {sc.loop_unroll_factor = 4 : i64, sc.parallel_access}
    %add3A_26 = arith.constant 0 : i32
    %add3A_27 = arith.addi %mul3A_3, %add3A_26 : i32
    %add3A_28 = arith.constant 1 : i32
    %add3A_29 = arith.addi %add3A_27, %add3A_28 : i32
    %dma_start3A_30 = arith.constant 0 : i32
    %dma_start3A_31 = tpu.memref_slice %arg2[%add3A_29, %dma_start3A_30] : memref<128x32768xf32, #tpu.memory_space<hbm>> -> memref<1x32768xf32, #tpu.memory_space<hbm>>
    %dma_start3A_32 = tpu.memref_squeeze %dma_start3A_31 : memref<1x32768xf32, #tpu.memory_space<hbm>> -> memref<32768xf32, #tpu.memory_space<hbm>>
    %dma_start3A_33 = arith.constant 0 : i32
    %dma_start3A_34 = tpu.memref_slice %arg2[%add3A_29, %dma_start3A_33] : memref<128x32768xf32, #tpu.memory_space<hbm>> -> memref<1x32768xf32, #tpu.memory_space<hbm>>
    %dma_start3A_35 = tpu.memref_squeeze %dma_start3A_34 : memref<1x32768xf32, #tpu.memory_space<hbm>> -> memref<32768xf32, #tpu.memory_space<hbm>>
    tpu.enqueue_dma source(%dma_start3A_35 : memref<32768xf32, #tpu.memory_space<hbm>>) target(%arg5 : memref<32768xf32, #tpu.memory_space<vmem>>) target_semaphore(%arg10 : memref<!tpu.dma_semaphore, #tpu.memory_space<semaphore_mem>>)
    %iota3A = tpu.iota {dimensions = array<i32: 0>} : vector<16xi32>
    %while3A = arith.constant 2048 : i32
    %while3A_36 = arith.constant 0 : i32
    %while3A_37 = arith.constant 0 : i32
    %while3A_38 = arith.constant 0 : i32
    %while3A_39 = arith.constant 2048 : i32
    %while3A_40 = arith.constant 0 : i32
    %while3A_41 = arith.constant 0 : i32
    %while3A_42:6 = scf.while (%while3A_444 = %while3A_36, %while3A_445 = %while3A_37, %while3A_446 = %while3A_38, %while3A_447 = %while3A_39, %while3A_448 = %while3A_40, %while3A_449 = %while3A_41) : (i32, i32, i32, i32, i32, i32) -> (i32, i32, i32, i32, i32, i32) {
      %eq3A = arith.constant 0 : i32
      %eq3A_450 = arith.cmpi eq, %while3A_449, %eq3A : i32
      %lt3A_451 = arith.constant 16 : i32
      %lt3A_452 = arith.cmpi slt, %while3A_444, %lt3A_451 : i32
      %and3A = arith.andi %eq3A_450, %lt3A_452 : i1
      scf.condition(%and3A) %while3A_444, %while3A_445, %while3A_446, %while3A_447, %while3A_448, %while3A_449 : i32, i32, i32, i32, i32, i32
    } do {
    ^bb0(%while3A_444: i32, %while3A_445: i32, %while3A_446: i32, %while3A_447: i32, %while3A_448: i32, %while3A_449: i32):
      %mul3A_450 = arith.constant 16 : i32
      %mul3A_451 = arith.muli %while3A_444, %mul3A_450 : i32
      %sub3A_452 = arith.constant 240 : i32
      %sub3A_453 = arith.subi %sub3A_452, %mul3A_451 : i32
      %get3A = arith.index_cast %sub3A_453 : i32 to index
      %get3A_454 = tpu.vector_load %arg7[%get3A] {strides = array<i32>} : memref<256xi32, #tpu.memory_space<vmem>>, vector<16xi32>,
      %rev3A = arith.constant 15 : i32
      %rev3A_455 = vector.broadcast %rev3A : i32 to vector<16xi32>
      %rev3A_456 = tpu.iota {dimensions = array<i32: 0>} : vector<16xi32>
      %rev3A_457 = arith.subi %rev3A_455, %rev3A_456 : vector<16xi32>
      %rev3A_458 = tpu.dynamic_gather %get3A_454[%rev3A_457] in [0] : vector<16xi32>, vector<16xi32> -> vector<16xi32>
      %cumsum3A = arith.constant true
      %cumsum3A_459 = vector.broadcast %cumsum3A : i1 to vector<16xi1>
      %cumsum3A_460 = tpu.scan <sum>, %rev3A_458 masked %cumsum3A_459 : vector<16xi32>, vector<16xi1> -> vector<16xi32>
      %add3A_461 = vector.broadcast %while3A_445 : i32 to vector<16xi32>
      %add3A_462 = arith.addi %cumsum3A_460, %add3A_461 : vector<16xi32>
      %ge3A_463 = vector.broadcast %while3A : i32 to vector<16xi32>
      %ge3A_464 = arith.cmpi sge, %add3A_462, %ge3A_463 : vector<16xi32>
      %convert_element_type3A_465 = arith.extui %ge3A_464 : vector<16xi1> to vector<16xi32>
      %reduce_sum3A = arith.constant true
      %reduce_sum3A_466 = vector.broadcast %reduce_sum3A : i1 to vector<16xi1>
      %reduce_sum3A_467 = tpu.scan <sum>, %convert_element_type3A_465 masked %reduce_sum3A_466 : vector<16xi32>, vector<16xi1> -> vector<16xi32>
      %reduce_sum3A_468 = vector.extract %reduce_sum3A_467[15] : i32 from vector<16xi32>
      %convert_element_type3A_469 = arith.extui %ge3A_464 : vector<16xi1> to vector<16xi32>
      %cumsum3A_470 = arith.constant true
      %cumsum3A_471 = vector.broadcast %cumsum3A_470 : i1 to vector<16xi1>
      %cumsum3A_472 = tpu.scan <sum>, %convert_element_type3A_469 masked %cumsum3A_471 : vector<16xi32>, vector<16xi1> -> vector<16xi32>
      %eq3A = arith.constant 1 : i32
      %eq3A_473 = vector.broadcast %eq3A : i32 to vector<16xi32>
      %eq3A_474 = arith.cmpi eq, %cumsum3A_472, %eq3A_473 : vector<16xi32>
      %and3A = arith.andi %ge3A_464, %eq3A_474 : vector<16xi1>
      %add3A_475 = arith.constant 15 : i32
      %add3A_476 = arith.addi %sub3A_453, %add3A_475 : i32
      %sub3A_477 = vector.broadcast %add3A_476 : i32 to vector<16xi32>
      %sub3A_478 = arith.subi %sub3A_477, %iota3A : vector<16xi32>
      %jit3A_479 = arith.constant 0 : i32
      %broadcast_in_dim3A_480 = vector.broadcast %jit3A_479 : i32 to vector<16xi32>
      %select_n3A_481 = arith.select %and3A, %sub3A_478, %broadcast_in_dim3A_480 : vector<16xi1>, vector<16xi32>
      %reduce_sum3A_482 = arith.constant true
      %reduce_sum3A_483 = vector.broadcast %reduce_sum3A_482 : i1 to vector<16xi1>
      %reduce_sum3A_484 = tpu.scan <sum>, %select_n3A_481 masked %reduce_sum3A_483 : vector<16xi32>, vector<16xi1> -> vector<16xi32>
      %reduce_sum3A_485 = vector.extract %reduce_sum3A_484[15] : i32 from vector<16xi32>
      %sub3A_486 = arith.subi %add3A_462, %rev3A_458 : vector<16xi32>
      %jit3A_487 = arith.constant 0 : i32
      %broadcast_in_dim3A_488 = vector.broadcast %jit3A_487 : i32 to vector<16xi32>
      %select_n3A_489 = arith.select %and3A, %sub3A_486, %broadcast_in_dim3A_488 : vector<16xi1>, vector<16xi32>
      %reduce_sum3A_490 = arith.constant true
      %reduce_sum3A_491 = vector.broadcast %reduce_sum3A_490 : i1 to vector<16xi1>
      %reduce_sum3A_492 = tpu.scan <sum>, %select_n3A_489 masked %reduce_sum3A_491 : vector<16xi32>, vector<16xi1> -> vector<16xi32>
      %reduce_sum3A_493 = vector.extract %reduce_sum3A_492[15] : i32 from vector<16xi32>
      %sub3A_494 = arith.subi %while3A, %reduce_sum3A_493 : i32
      %jit3A_495 = arith.constant 0 : i32
      %broadcast_in_dim3A_496 = vector.broadcast %jit3A_495 : i32 to vector<16xi32>
      %select_n3A_497 = arith.select %and3A, %rev3A_458, %broadcast_in_dim3A_496 : vector<16xi1>, vector<16xi32>
      %reduce_sum3A_498 = arith.constant true
      %reduce_sum3A_499 = vector.broadcast %reduce_sum3A_498 : i1 to vector<16xi1>
      %reduce_sum3A_500 = tpu.scan <sum>, %select_n3A_497 masked %reduce_sum3A_499 : vector<16xi32>, vector<16xi1> -> vector<16xi32>
      %reduce_sum3A_501 = vector.extract %reduce_sum3A_500[15] : i32 from vector<16xi32>
      %reduce_sum3A_502 = arith.constant true
      %reduce_sum3A_503 = vector.broadcast %reduce_sum3A_502 : i1 to vector<16xi1>
      %reduce_sum3A_504 = tpu.scan <sum>, %get3A_454 masked %reduce_sum3A_503 : vector<16xi32>, vector<16xi1> -> vector<16xi32>
      %reduce_sum3A_505 = vector.extract %reduce_sum3A_504[15] : i32 from vector<16xi32>
      %gt3A = arith.constant 0 : i32
      %gt3A_506 = arith.cmpi sgt, %reduce_sum3A_468, %gt3A : i32
      %convert_element_type3A_507 = arith.extui %gt3A_506 : i1 to i32
      %add3A_508 = arith.constant 1 : i32
      %add3A_509 = arith.addi %while3A_444, %add3A_508 : i32
      %eq3A_510 = arith.constant 1 : i32
      %eq3A_511 = arith.cmpi eq, %convert_element_type3A_507, %eq3A_510 : i32
      %add3A_512 = arith.addi %while3A_445, %reduce_sum3A_505 : i32
      %select_n3A_513 = arith.select %eq3A_511, %while3A_445, %add3A_512 : i32
      %eq3A_514 = arith.constant 1 : i32
      %eq3A_515 = arith.cmpi eq, %convert_element_type3A_507, %eq3A_514 : i32
      %select_n3A_516 = arith.select %eq3A_515, %reduce_sum3A_485, %while3A_446 : i32
      %eq3A_517 = arith.constant 1 : i32
      %eq3A_518 = arith.cmpi eq, %convert_element_type3A_507, %eq3A_517 : i32
      %select_n3A_519 = arith.select %eq3A_518, %sub3A_494, %while3A_447 : i32
      %eq3A_520 = arith.constant 1 : i32
      %eq3A_521 = arith.cmpi eq, %convert_element_type3A_507, %eq3A_520 : i32
      %select_n3A_522 = arith.select %eq3A_521, %reduce_sum3A_501, %while3A_448 : i32
      scf.yield %add3A_509, %select_n3A_513, %select_n3A_516, %select_n3A_519, %select_n3A_522, %convert_element_type3A_507 : i32, i32, i32, i32, i32, i32
    }
    %ne3A = arith.constant 191 : i32
    %ne3A_43 = arith.cmpi ne, %while3A_42#2, %ne3A : i32
    %convert_element_type3A = arith.extui %ne3A_43 : i1 to i32
    %cond3A = arith.constant 0 : i32
    %cond3A_44 = arith.cmpi ne, %convert_element_type3A, %cond3A : i32
    scf.if %cond3A_44 {
      %parallel_loop3A_444 = arith.constant 0 : i32
      %parallel_loop3A_445 = arith.constant 16 : i32
      %parallel_loop3A_446 = arith.constant 1 : i32
      scf.for %parallel_loop3A_453 = %parallel_loop3A_444 to %parallel_loop3A_445 step %parallel_loop3A_446  : i32 {
        %parallel_loop3A_454 = arith.constant 0 : i32
        %parallel_loop3A_455 = vector.broadcast %parallel_loop3A_454 : i32 to vector<16xi32>
        %parallel_loop3A_456 = arith.constant 16 : i32
        %parallel_loop3A_457 = arith.muli %parallel_loop3A_453, %parallel_loop3A_456 : i32
        %parallel_loop3A_458 = arith.index_cast %parallel_loop3A_457 : i32 to index
        %parallel_loop3A_459 = tpu.vector_load %arg8[%parallel_loop3A_458] {strides = array<i32>} : memref<256xi32, #tpu.memory_space<vmem>>, vector<16xi32>,
        tpu.vector_store %arg8[%parallel_loop3A_458], %parallel_loop3A_455 {strides = array<i32>} : memref<256xi32, #tpu.memory_space<vmem>>, vector<16xi32>,
      } {sc.loop_unroll_factor = 4 : i64, sc.parallel_access}
      %shift_left3A_447 = arith.constant 8 : i32
      %shift_left3A_448 = arith.shli %while3A_42#2, %shift_left3A_447 : i32
      %parallel_loop3A_449 = arith.constant 0 : i32
      %parallel_loop3A_450 = arith.constant 2048 : i32
      %parallel_loop3A_451 = arith.constant 1 : i32
      %parallel_loop3A_452 = arith.constant 16 : i32
      scf.for %parallel_loop3A_453 = %parallel_loop3A_449 to %parallel_loop3A_450 step %parallel_loop3A_451  : i32 {
        %parallel_loop3A_454 = arith.constant 16 : i32
        %parallel_loop3A_455 = arith.muli %parallel_loop3A_453, %parallel_loop3A_454 : i32
        %parallel_loop3A_456 = arith.index_cast %parallel_loop3A_455 : i32 to index
        %parallel_loop3A_457 = tpu.vector_load %arg6[%parallel_loop3A_456] {strides = array<i32>} : memref<32768xi32, #tpu.memory_space<vmem>>, vector<16xi32>,
        %parallel_loop3A_458 = vector.broadcast %parallel_loop3A_452 : i32 to vector<16xi32>
        %parallel_loop3A_459 = arith.shrui %parallel_loop3A_457, %parallel_loop3A_458 : vector<16xi32>
        %parallel_loop3A_460 = vector.broadcast %shift_left3A_448 : i32 to vector<16xi32>
        %parallel_loop3A_461 = arith.subi %parallel_loop3A_459, %parallel_loop3A_460 : vector<16xi32>
        %parallel_loop3A_462 = arith.constant 256 : i32
        %parallel_loop3A_463 = vector.broadcast %parallel_loop3A_462 : i32 to vector<16xi32>
        %parallel_loop3A_464 = arith.cmpi ult, %parallel_loop3A_461, %parallel_loop3A_463 : vector<16xi32>
        tpu.vector_store_idx %arg8[%parallel_loop3A_461], %broadcast_in_dim3A_1 masked %parallel_loop3A_464 {add = true} : memref<256xi32, #tpu.memory_space<vmem>>[vector<16xi32>], vector<16xi32>, vector<16xi1>
      } {sc.loop_unroll_factor = 4 : i64, sc.parallel_access}
    } else {
    }
    %iota3A_45 = tpu.iota {dimensions = array<i32: 0>} : vector<16xi32>
    %while3A_46 = arith.constant 0 : i32
    %while3A_47 = arith.constant 0 : i32
    %while3A_48 = arith.constant 0 : i32
    %while3A_49 = arith.constant 0 : i32
    %while3A_50 = arith.constant 0 : i32
    %while3A_51:6 = scf.while (%while3A_444 = %while3A_46, %while3A_445 = %while3A_47, %while3A_446 = %while3A_48, %while3A_447 = %while3A_42#3, %while3A_448 = %while3A_49, %while3A_449 = %while3A_50) : (i32, i32, i32, i32, i32, i32) -> (i32, i32, i32, i32, i32, i32) {
      %eq3A = arith.constant 0 : i32
      %eq3A_450 = arith.cmpi eq, %while3A_449, %eq3A : i32
      %lt3A_451 = arith.constant 16 : i32
      %lt3A_452 = arith.cmpi slt, %while3A_444, %lt3A_451 : i32
      %and3A = arith.andi %eq3A_450, %lt3A_452 : i1
      scf.condition(%and3A) %while3A_444, %while3A_445, %while3A_446, %while3A_447, %while3A_448, %while3A_449 : i32, i32, i32, i32, i32, i32
    } do {
    ^bb0(%while3A_444: i32, %while3A_445: i32, %while3A_446: i32, %while3A_447: i32, %while3A_448: i32, %while3A_449: i32):
      %mul3A_450 = arith.constant 16 : i32
      %mul3A_451 = arith.muli %while3A_444, %mul3A_450 : i32
      %sub3A_452 = arith.constant 240 : i32
      %sub3A_453 = arith.subi %sub3A_452, %mul3A_451 : i32
      %get3A = arith.index_cast %sub3A_453 : i32 to index
      %get3A_454 = tpu.vector_load %arg8[%get3A] {strides = array<i32>} : memref<256xi32, #tpu.memory_space<vmem>>, vector<16xi32>,
      %rev3A = arith.constant 15 : i32
      %rev3A_455 = vector.broadcast %rev3A : i32 to vector<16xi32>
      %rev3A_456 = tpu.iota {dimensions = array<i32: 0>} : vector<16xi32>
      %rev3A_457 = arith.subi %rev3A_455, %rev3A_456 : vector<16xi32>
      %rev3A_458 = tpu.dynamic_gather %get3A_454[%rev3A_457] in [0] : vector<16xi32>, vector<16xi32> -> vector<16xi32>
      %cumsum3A = arith.constant true
      %cumsum3A_459 = vector.broadcast %cumsum3A : i1 to vector<16xi1>
      %cumsum3A_460 = tpu.scan <sum>, %rev3A_458 masked %cumsum3A_459 : vector<16xi32>, vector<16xi1> -> vector<16xi32>
      %add3A_461 = vector.broadcast %while3A_445 : i32 to vector<16xi32>
      %add3A_462 = arith.addi %cumsum3A_460, %add3A_461 : vector<16xi32>
      %ge3A_463 = vector.broadcast %while3A_42#3 : i32 to vector<16xi32>
      %ge3A_464 = arith.cmpi sge, %add3A_462, %ge3A_463 : vector<16xi32>
      %convert_element_type3A_465 = arith.extui %ge3A_464 : vector<16xi1> to vector<16xi32>
      %reduce_sum3A = arith.constant true
      %reduce_sum3A_466 = vector.broadcast %reduce_sum3A : i1 to vector<16xi1>
      %reduce_sum3A_467 = tpu.scan <sum>, %convert_element_type3A_465 masked %reduce_sum3A_466 : vector<16xi32>, vector<16xi1> -> vector<16xi32>
      %reduce_sum3A_468 = vector.extract %reduce_sum3A_467[15] : i32 from vector<16xi32>
      %convert_element_type3A_469 = arith.extui %ge3A_464 : vector<16xi1> to vector<16xi32>
      %cumsum3A_470 = arith.constant true
      %cumsum3A_471 = vector.broadcast %cumsum3A_470 : i1 to vector<16xi1>
      %cumsum3A_472 = tpu.scan <sum>, %convert_element_type3A_469 masked %cumsum3A_471 : vector<16xi32>, vector<16xi1> -> vector<16xi32>
      %eq3A = arith.constant 1 : i32
      %eq3A_473 = vector.broadcast %eq3A : i32 to vector<16xi32>
      %eq3A_474 = arith.cmpi eq, %cumsum3A_472, %eq3A_473 : vector<16xi32>
      %and3A = arith.andi %ge3A_464, %eq3A_474 : vector<16xi1>
      %add3A_475 = arith.constant 15 : i32
      %add3A_476 = arith.addi %sub3A_453, %add3A_475 : i32
      %sub3A_477 = vector.broadcast %add3A_476 : i32 to vector<16xi32>
      %sub3A_478 = arith.subi %sub3A_477, %iota3A_45 : vector<16xi32>
      %jit3A_479 = arith.constant 0 : i32
      %broadcast_in_dim3A_480 = vector.broadcast %jit3A_479 : i32 to vector<16xi32>
      %select_n3A_481 = arith.select %and3A, %sub3A_478, %broadcast_in_dim3A_480 : vector<16xi1>, vector<16xi32>
      %reduce_sum3A_482 = arith.constant true
      %reduce_sum3A_483 = vector.broadcast %reduce_sum3A_482 : i1 to vector<16xi1>
      %reduce_sum3A_484 = tpu.scan <sum>, %select_n3A_481 masked %reduce_sum3A_483 : vector<16xi32>, vector<16xi1> -> vector<16xi32>
      %reduce_sum3A_485 = vector.extract %reduce_sum3A_484[15] : i32 from vector<16xi32>
      %sub3A_486 = arith.subi %add3A_462, %rev3A_458 : vector<16xi32>
      %jit3A_487 = arith.constant 0 : i32
      %broadcast_in_dim3A_488 = vector.broadcast %jit3A_487 : i32 to vector<16xi32>
      %select_n3A_489 = arith.select %and3A, %sub3A_486, %broadcast_in_dim3A_488 : vector<16xi1>, vector<16xi32>
      %reduce_sum3A_490 = arith.constant true
      %reduce_sum3A_491 = vector.broadcast %reduce_sum3A_490 : i1 to vector<16xi1>
      %reduce_sum3A_492 = tpu.scan <sum>, %select_n3A_489 masked %reduce_sum3A_491 : vector<16xi32>, vector<16xi1> -> vector<16xi32>
      %reduce_sum3A_493 = vector.extract %reduce_sum3A_492[15] : i32 from vector<16xi32>
      %sub3A_494 = arith.subi %while3A_42#3, %reduce_sum3A_493 : i32
      %jit3A_495 = arith.constant 0 : i32
      %broadcast_in_dim3A_496 = vector.broadcast %jit3A_495 : i32 to vector<16xi32>
      %select_n3A_497 = arith.select %and3A, %rev3A_458, %broadcast_in_dim3A_496 : vector<16xi1>, vector<16xi32>
      %reduce_sum3A_498 = arith.constant true
      %reduce_sum3A_499 = vector.broadcast %reduce_sum3A_498 : i1 to vector<16xi1>
      %reduce_sum3A_500 = tpu.scan <sum>, %select_n3A_497 masked %reduce_sum3A_499 : vector<16xi32>, vector<16xi1> -> vector<16xi32>
      %reduce_sum3A_501 = vector.extract %reduce_sum3A_500[15] : i32 from vector<16xi32>
      %reduce_sum3A_502 = arith.constant true
      %reduce_sum3A_503 = vector.broadcast %reduce_sum3A_502 : i1 to vector<16xi1>
      %reduce_sum3A_504 = tpu.scan <sum>, %get3A_454 masked %reduce_sum3A_503 : vector<16xi32>, vector<16xi1> -> vector<16xi32>
      %reduce_sum3A_505 = vector.extract %reduce_sum3A_504[15] : i32 from vector<16xi32>
      %gt3A = arith.constant 0 : i32
      %gt3A_506 = arith.cmpi sgt, %reduce_sum3A_468, %gt3A : i32
      %convert_element_type3A_507 = arith.extui %gt3A_506 : i1 to i32
      %add3A_508 = arith.constant 1 : i32
      %add3A_509 = arith.addi %while3A_444, %add3A_508 : i32
      %eq3A_510 = arith.constant 1 : i32
      %eq3A_511 = arith.cmpi eq, %convert_element_type3A_507, %eq3A_510 : i32
      %add3A_512 = arith.addi %while3A_445, %reduce_sum3A_505 : i32
      %select_n3A_513 = arith.select %eq3A_511, %while3A_445, %add3A_512 : i32
      %eq3A_514 = arith.constant 1 : i32
      %eq3A_515 = arith.cmpi eq, %convert_element_type3A_507, %eq3A_514 : i32
      %select_n3A_516 = arith.select %eq3A_515, %reduce_sum3A_485, %while3A_446 : i32
      %eq3A_517 = arith.constant 1 : i32
      %eq3A_518 = arith.cmpi eq, %convert_element_type3A_507, %eq3A_517 : i32
      %select_n3A_519 = arith.select %eq3A_518, %sub3A_494, %while3A_447 : i32
      %eq3A_520 = arith.constant 1 : i32
      %eq3A_521 = arith.cmpi eq, %convert_element_type3A_507, %eq3A_520 : i32
      %select_n3A_522 = arith.select %eq3A_521, %reduce_sum3A_501, %while3A_448 : i32
      scf.yield %add3A_509, %select_n3A_513, %select_n3A_516, %select_n3A_519, %select_n3A_522, %convert_element_type3A_507 : i32, i32, i32, i32, i32, i32
    }
    %shift_left3A_52 = arith.constant 8 : i32
    %shift_left3A_53 = arith.shli %while3A_42#2, %shift_left3A_52 : i32
    %or3A = arith.ori %shift_left3A_53, %while3A_51#2 : i32
    %parallel_loop3A_54 = arith.constant 0 : i32
    %parallel_loop3A_55 = arith.constant 16 : i32
    %parallel_loop3A_56 = arith.constant 1 : i32
    scf.for %parallel_loop3A_444 = %parallel_loop3A_54 to %parallel_loop3A_55 step %parallel_loop3A_56  : i32 {
      %parallel_loop3A_445 = arith.constant 0 : i32
      %parallel_loop3A_446 = vector.broadcast %parallel_loop3A_445 : i32 to vector<16xi32>
      %parallel_loop3A_447 = arith.constant 16 : i32
      %parallel_loop3A_448 = arith.muli %parallel_loop3A_444, %parallel_loop3A_447 : i32
      %parallel_loop3A_449 = arith.index_cast %parallel_loop3A_448 : i32 to index
      %parallel_loop3A_450 = tpu.vector_load %arg7[%parallel_loop3A_449] {strides = array<i32>} : memref<256xi32, #tpu.memory_space<vmem>>, vector<16xi32>,
      tpu.vector_store %arg7[%parallel_loop3A_449], %parallel_loop3A_446 {strides = array<i32>} : memref<256xi32, #tpu.memory_space<vmem>>, vector<16xi32>,
    } {sc.loop_unroll_factor = 4 : i64, sc.parallel_access}
    %shift_left3A_57 = arith.constant 8 : i32
    %shift_left3A_58 = arith.shli %or3A, %shift_left3A_57 : i32
    %parallel_loop3A_59 = arith.constant 0 : i32
    %parallel_loop3A_60 = arith.constant 2048 : i32
    %parallel_loop3A_61 = arith.constant 1 : i32
    %parallel_loop3A_62 = arith.constant 8 : i32
    scf.for %parallel_loop3A_444 = %parallel_loop3A_59 to %parallel_loop3A_60 step %parallel_loop3A_61  : i32 {
      %parallel_loop3A_445 = arith.constant 16 : i32
      %parallel_loop3A_446 = arith.muli %parallel_loop3A_444, %parallel_loop3A_445 : i32
      %parallel_loop3A_447 = arith.index_cast %parallel_loop3A_446 : i32 to index
      %parallel_loop3A_448 = tpu.vector_load %arg6[%parallel_loop3A_447] {strides = array<i32>} : memref<32768xi32, #tpu.memory_space<vmem>>, vector<16xi32>,
      %parallel_loop3A_449 = vector.broadcast %parallel_loop3A_62 : i32 to vector<16xi32>
      %parallel_loop3A_450 = arith.shrui %parallel_loop3A_448, %parallel_loop3A_449 : vector<16xi32>
      %parallel_loop3A_451 = vector.broadcast %shift_left3A_58 : i32 to vector<16xi32>
      %parallel_loop3A_452 = arith.subi %parallel_loop3A_450, %parallel_loop3A_451 : vector<16xi32>
      %parallel_loop3A_453 = arith.constant 256 : i32
      %parallel_loop3A_454 = vector.broadcast %parallel_loop3A_453 : i32 to vector<16xi32>
      %parallel_loop3A_455 = arith.cmpi ult, %parallel_loop3A_452, %parallel_loop3A_454 : vector<16xi32>
      tpu.vector_store_idx %arg7[%parallel_loop3A_452], %broadcast_in_dim3A_1 masked %parallel_loop3A_455 {add = true} : memref<256xi32, #tpu.memory_space<vmem>>[vector<16xi32>], vector<16xi32>, vector<16xi1>
    } {sc.loop_unroll_factor = 4 : i64, sc.parallel_access}
    %iota3A_63 = tpu.iota {dimensions = array<i32: 0>} : vector<16xi32>
    %while3A_64 = arith.constant 0 : i32
    %while3A_65 = arith.constant 0 : i32
    %while3A_66 = arith.constant 0 : i32
    %while3A_67 = arith.constant 0 : i32
    %while3A_68 = arith.constant 0 : i32
    %while3A_69:6 = scf.while (%while3A_444 = %while3A_64, %while3A_445 = %while3A_65, %while3A_446 = %while3A_66, %while3A_447 = %while3A_51#3, %while3A_448 = %while3A_67, %while3A_449 = %while3A_68) : (i32, i32, i32, i32, i32, i32) -> (i32, i32, i32, i32, i32, i32) {
      %eq3A = arith.constant 0 : i32
      %eq3A_450 = arith.cmpi eq, %while3A_449, %eq3A : i32
      %lt3A_451 = arith.constant 16 : i32
      %lt3A_452 = arith.cmpi slt, %while3A_444, %lt3A_451 : i32
      %and3A = arith.andi %eq3A_450, %lt3A_452 : i1
      scf.condition(%and3A) %while3A_444, %while3A_445, %while3A_446, %while3A_447, %while3A_448, %while3A_449 : i32, i32, i32, i32, i32, i32
    } do {
    ^bb0(%while3A_444: i32, %while3A_445: i32, %while3A_446: i32, %while3A_447: i32, %while3A_448: i32, %while3A_449: i32):
      %mul3A_450 = arith.constant 16 : i32
      %mul3A_451 = arith.muli %while3A_444, %mul3A_450 : i32
      %sub3A_452 = arith.constant 240 : i32
      %sub3A_453 = arith.subi %sub3A_452, %mul3A_451 : i32
      %get3A = arith.index_cast %sub3A_453 : i32 to index
      %get3A_454 = tpu.vector_load %arg7[%get3A] {strides = array<i32>} : memref<256xi32, #tpu.memory_space<vmem>>, vector<16xi32>,
      %rev3A = arith.constant 15 : i32
      %rev3A_455 = vector.broadcast %rev3A : i32 to vector<16xi32>
      %rev3A_456 = tpu.iota {dimensions = array<i32: 0>} : vector<16xi32>
      %rev3A_457 = arith.subi %rev3A_455, %rev3A_456 : vector<16xi32>
      %rev3A_458 = tpu.dynamic_gather %get3A_454[%rev3A_457] in [0] : vector<16xi32>, vector<16xi32> -> vector<16xi32>
      %cumsum3A = arith.constant true
      %cumsum3A_459 = vector.broadcast %cumsum3A : i1 to vector<16xi1>
      %cumsum3A_460 = tpu.scan <sum>, %rev3A_458 masked %cumsum3A_459 : vector<16xi32>, vector<16xi1> -> vector<16xi32>
      %add3A_461 = vector.broadcast %while3A_445 : i32 to vector<16xi32>
      %add3A_462 = arith.addi %cumsum3A_460, %add3A_461 : vector<16xi32>
      %ge3A_463 = vector.broadcast %while3A_51#3 : i32 to vector<16xi32>
      %ge3A_464 = arith.cmpi sge, %add3A_462, %ge3A_463 : vector<16xi32>
      %convert_element_type3A_465 = arith.extui %ge3A_464 : vector<16xi1> to vector<16xi32>
      %reduce_sum3A = arith.constant true
      %reduce_sum3A_466 = vector.broadcast %reduce_sum3A : i1 to vector<16xi1>
      %reduce_sum3A_467 = tpu.scan <sum>, %convert_element_type3A_465 masked %reduce_sum3A_466 : vector<16xi32>, vector<16xi1> -> vector<16xi32>
      %reduce_sum3A_468 = vector.extract %reduce_sum3A_467[15] : i32 from vector<16xi32>
      %convert_element_type3A_469 = arith.extui %ge3A_464 : vector<16xi1> to vector<16xi32>
      %cumsum3A_470 = arith.constant true
      %cumsum3A_471 = vector.broadcast %cumsum3A_470 : i1 to vector<16xi1>
      %cumsum3A_472 = tpu.scan <sum>, %convert_element_type3A_469 masked %cumsum3A_471 : vector<16xi32>, vector<16xi1> -> vector<16xi32>
      %eq3A = arith.constant 1 : i32
      %eq3A_473 = vector.broadcast %eq3A : i32 to vector<16xi32>
      %eq3A_474 = arith.cmpi eq, %cumsum3A_472, %eq3A_473 : vector<16xi32>
      %and3A = arith.andi %ge3A_464, %eq3A_474 : vector<16xi1>
      %add3A_475 = arith.constant 15 : i32
      %add3A_476 = arith.addi %sub3A_453, %add3A_475 : i32
      %sub3A_477 = vector.broadcast %add3A_476 : i32 to vector<16xi32>
      %sub3A_478 = arith.subi %sub3A_477, %iota3A_63 : vector<16xi32>
      %jit3A_479 = arith.constant 0 : i32
      %broadcast_in_dim3A_480 = vector.broadcast %jit3A_479 : i32 to vector<16xi32>
      %select_n3A_481 = arith.select %and3A, %sub3A_478, %broadcast_in_dim3A_480 : vector<16xi1>, vector<16xi32>
      %reduce_sum3A_482 = arith.constant true
      %reduce_sum3A_483 = vector.broadcast %reduce_sum3A_482 : i1 to vector<16xi1>
      %reduce_sum3A_484 = tpu.scan <sum>, %select_n3A_481 masked %reduce_sum3A_483 : vector<16xi32>, vector<16xi1> -> vector<16xi32>
      %reduce_sum3A_485 = vector.extract %reduce_sum3A_484[15] : i32 from vector<16xi32>
      %sub3A_486 = arith.subi %add3A_462, %rev3A_458 : vector<16xi32>
      %jit3A_487 = arith.constant 0 : i32
      %broadcast_in_dim3A_488 = vector.broadcast %jit3A_487 : i32 to vector<16xi32>
      %select_n3A_489 = arith.select %and3A, %sub3A_486, %broadcast_in_dim3A_488 : vector<16xi1>, vector<16xi32>
      %reduce_sum3A_490 = arith.constant true
      %reduce_sum3A_491 = vector.broadcast %reduce_sum3A_490 : i1 to vector<16xi1>
      %reduce_sum3A_492 = tpu.scan <sum>, %select_n3A_489 masked %reduce_sum3A_491 : vector<16xi32>, vector<16xi1> -> vector<16xi32>
      %reduce_sum3A_493 = vector.extract %reduce_sum3A_492[15] : i32 from vector<16xi32>
      %sub3A_494 = arith.subi %while3A_51#3, %reduce_sum3A_493 : i32
      %jit3A_495 = arith.constant 0 : i32
      %broadcast_in_dim3A_496 = vector.broadcast %jit3A_495 : i32 to vector<16xi32>
      %select_n3A_497 = arith.select %and3A, %rev3A_458, %broadcast_in_dim3A_496 : vector<16xi1>, vector<16xi32>
      %reduce_sum3A_498 = arith.constant true
      %reduce_sum3A_499 = vector.broadcast %reduce_sum3A_498 : i1 to vector<16xi1>
      %reduce_sum3A_500 = tpu.scan <sum>, %select_n3A_497 masked %reduce_sum3A_499 : vector<16xi32>, vector<16xi1> -> vector<16xi32>
      %reduce_sum3A_501 = vector.extract %reduce_sum3A_500[15] : i32 from vector<16xi32>
      %reduce_sum3A_502 = arith.constant true
      %reduce_sum3A_503 = vector.broadcast %reduce_sum3A_502 : i1 to vector<16xi1>
      %reduce_sum3A_504 = tpu.scan <sum>, %get3A_454 masked %reduce_sum3A_503 : vector<16xi32>, vector<16xi1> -> vector<16xi32>
      %reduce_sum3A_505 = vector.extract %reduce_sum3A_504[15] : i32 from vector<16xi32>
      %gt3A = arith.constant 0 : i32
      %gt3A_506 = arith.cmpi sgt, %reduce_sum3A_468, %gt3A : i32
      %convert_element_type3A_507 = arith.extui %gt3A_506 : i1 to i32
      %add3A_508 = arith.constant 1 : i32
      %add3A_509 = arith.addi %while3A_444, %add3A_508 : i32
      %eq3A_510 = arith.constant 1 : i32
      %eq3A_511 = arith.cmpi eq, %convert_element_type3A_507, %eq3A_510 : i32
      %add3A_512 = arith.addi %while3A_445, %reduce_sum3A_505 : i32
      %select_n3A_513 = arith.select %eq3A_511, %while3A_445, %add3A_512 : i32
      %eq3A_514 = arith.constant 1 : i32
      %eq3A_515 = arith.cmpi eq, %convert_element_type3A_507, %eq3A_514 : i32
      %select_n3A_516 = arith.select %eq3A_515, %reduce_sum3A_485, %while3A_446 : i32
      %eq3A_517 = arith.constant 1 : i32
      %eq3A_518 = arith.cmpi eq, %convert_element_type3A_507, %eq3A_517 : i32
      %select_n3A_519 = arith.select %eq3A_518, %sub3A_494, %while3A_447 : i32
      %eq3A_520 = arith.constant 1 : i32
      %eq3A_521 = arith.cmpi eq, %convert_element_type3A_507, %eq3A_520 : i32
      %select_n3A_522 = arith.select %eq3A_521, %reduce_sum3A_501, %while3A_448 : i32
      scf.yield %add3A_509, %select_n3A_513, %select_n3A_516, %select_n3A_519, %select_n3A_522, %convert_element_type3A_507 : i32, i32, i32, i32, i32, i32
    }
    %or3A_70 = arith.ori %shift_left3A_58, %while3A_69#2 : i32
    %lt3A = arith.cmpi slt, %while3A_69#3, %while3A_69#4 : i32
    %convert_element_type3A_71 = arith.extui %lt3A : i1 to i32
    %cond3A_72 = arith.constant 0 : i32
    %cond3A_73 = arith.cmpi ne, %convert_element_type3A_71, %cond3A_72 : i32
    scf.if %cond3A_73 {
      %parallel_loop3A_444 = arith.constant 0 : i32
      %parallel_loop3A_445 = arith.constant 16 : i32
      %parallel_loop3A_446 = arith.constant 1 : i32
      scf.for %parallel_loop3A_453 = %parallel_loop3A_444 to %parallel_loop3A_445 step %parallel_loop3A_446  : i32 {
        %parallel_loop3A_454 = arith.constant 0 : i32
        %parallel_loop3A_455 = vector.broadcast %parallel_loop3A_454 : i32 to vector<16xi32>
        %parallel_loop3A_456 = arith.constant 16 : i32
        %parallel_loop3A_457 = arith.muli %parallel_loop3A_453, %parallel_loop3A_456 : i32
        %parallel_loop3A_458 = arith.index_cast %parallel_loop3A_457 : i32 to index
        %parallel_loop3A_459 = tpu.vector_load %arg7[%parallel_loop3A_458] {strides = array<i32>} : memref<256xi32, #tpu.memory_space<vmem>>, vector<16xi32>,
        tpu.vector_store %arg7[%parallel_loop3A_458], %parallel_loop3A_455 {strides = array<i32>} : memref<256xi32, #tpu.memory_space<vmem>>, vector<16xi32>,
      } {sc.loop_unroll_factor = 4 : i64, sc.parallel_access}
      %shift_left3A_447 = arith.constant 8 : i32
      %shift_left3A_448 = arith.shli %or3A_70, %shift_left3A_447 : i32
      %parallel_loop3A_449 = arith.constant 0 : i32
      %parallel_loop3A_450 = arith.constant 2048 : i32
      %parallel_loop3A_451 = arith.constant 1 : i32
      %parallel_loop3A_452 = arith.constant 0 : i32
      scf.for %parallel_loop3A_453 = %parallel_loop3A_449 to %parallel_loop3A_450 step %parallel_loop3A_451  : i32 {
        %parallel_loop3A_454 = arith.constant 16 : i32
        %parallel_loop3A_455 = arith.muli %parallel_loop3A_453, %parallel_loop3A_454 : i32
        %parallel_loop3A_456 = arith.index_cast %parallel_loop3A_455 : i32 to index
        %parallel_loop3A_457 = tpu.vector_load %arg6[%parallel_loop3A_456] {strides = array<i32>} : memref<32768xi32, #tpu.memory_space<vmem>>, vector<16xi32>,
        %parallel_loop3A_458 = vector.broadcast %parallel_loop3A_452 : i32 to vector<16xi32>
        %parallel_loop3A_459 = arith.shrui %parallel_loop3A_457, %parallel_loop3A_458 : vector<16xi32>
        %parallel_loop3A_460 = vector.broadcast %shift_left3A_448 : i32 to vector<16xi32>
        %parallel_loop3A_461 = arith.subi %parallel_loop3A_459, %parallel_loop3A_460 : vector<16xi32>
        %parallel_loop3A_462 = arith.constant 256 : i32
        %parallel_loop3A_463 = vector.broadcast %parallel_loop3A_462 : i32 to vector<16xi32>
        %parallel_loop3A_464 = arith.cmpi ult, %parallel_loop3A_461, %parallel_loop3A_463 : vector<16xi32>
        tpu.vector_store_idx %arg7[%parallel_loop3A_461], %broadcast_in_dim3A_1 masked %parallel_loop3A_464 {add = true} : memref<256xi32, #tpu.memory_space<vmem>>[vector<16xi32>], vector<16xi32>, vector<16xi1>
      } {sc.loop_unroll_factor = 4 : i64, sc.parallel_access}
    } else {
    }
    %iota3A_74 = tpu.iota {dimensions = array<i32: 0>} : vector<16xi32>
    %while3A_75 = arith.constant 0 : i32
    %while3A_76 = arith.constant 0 : i32
    %while3A_77 = arith.constant 0 : i32
    %while3A_78 = arith.constant 0 : i32
    %while3A_79 = arith.constant 0 : i32
    %while3A_80:6 = scf.while (%while3A_444 = %while3A_75, %while3A_445 = %while3A_76, %while3A_446 = %while3A_77, %while3A_447 = %while3A_69#3, %while3A_448 = %while3A_78, %while3A_449 = %while3A_79) : (i32, i32, i32, i32, i32, i32) -> (i32, i32, i32, i32, i32, i32) {
      %eq3A = arith.constant 0 : i32
      %eq3A_450 = arith.cmpi eq, %while3A_449, %eq3A : i32
      %lt3A_451 = arith.constant 16 : i32
      %lt3A_452 = arith.cmpi slt, %while3A_444, %lt3A_451 : i32
      %and3A = arith.andi %eq3A_450, %lt3A_452 : i1
      scf.condition(%and3A) %while3A_444, %while3A_445, %while3A_446, %while3A_447, %while3A_448, %while3A_449 : i32, i32, i32, i32, i32, i32
    } do {
    ^bb0(%while3A_444: i32, %while3A_445: i32, %while3A_446: i32, %while3A_447: i32, %while3A_448: i32, %while3A_449: i32):
      %mul3A_450 = arith.constant 16 : i32
      %mul3A_451 = arith.muli %while3A_444, %mul3A_450 : i32
      %sub3A_452 = arith.constant 240 : i32
      %sub3A_453 = arith.subi %sub3A_452, %mul3A_451 : i32
      %get3A = arith.index_cast %sub3A_453 : i32 to index
      %get3A_454 = tpu.vector_load %arg7[%get3A] {strides = array<i32>} : memref<256xi32, #tpu.memory_space<vmem>>, vector<16xi32>,
      %rev3A = arith.constant 15 : i32
      %rev3A_455 = vector.broadcast %rev3A : i32 to vector<16xi32>
      %rev3A_456 = tpu.iota {dimensions = array<i32: 0>} : vector<16xi32>
      %rev3A_457 = arith.subi %rev3A_455, %rev3A_456 : vector<16xi32>
      %rev3A_458 = tpu.dynamic_gather %get3A_454[%rev3A_457] in [0] : vector<16xi32>, vector<16xi32> -> vector<16xi32>
      %cumsum3A = arith.constant true
      %cumsum3A_459 = vector.broadcast %cumsum3A : i1 to vector<16xi1>
      %cumsum3A_460 = tpu.scan <sum>, %rev3A_458 masked %cumsum3A_459 : vector<16xi32>, vector<16xi1> -> vector<16xi32>
      %add3A_461 = vector.broadcast %while3A_445 : i32 to vector<16xi32>
      %add3A_462 = arith.addi %cumsum3A_460, %add3A_461 : vector<16xi32>
      %ge3A_463 = vector.broadcast %while3A_69#3 : i32 to vector<16xi32>
      %ge3A_464 = arith.cmpi sge, %add3A_462, %ge3A_463 : vector<16xi32>
      %convert_element_type3A_465 = arith.extui %ge3A_464 : vector<16xi1> to vector<16xi32>
      %reduce_sum3A = arith.constant true
      %reduce_sum3A_466 = vector.broadcast %reduce_sum3A : i1 to vector<16xi1>
      %reduce_sum3A_467 = tpu.scan <sum>, %convert_element_type3A_465 masked %reduce_sum3A_466 : vector<16xi32>, vector<16xi1> -> vector<16xi32>
      %reduce_sum3A_468 = vector.extract %reduce_sum3A_467[15] : i32 from vector<16xi32>
      %convert_element_type3A_469 = arith.extui %ge3A_464 : vector<16xi1> to vector<16xi32>
      %cumsum3A_470 = arith.constant true
      %cumsum3A_471 = vector.broadcast %cumsum3A_470 : i1 to vector<16xi1>
      %cumsum3A_472 = tpu.scan <sum>, %convert_element_type3A_469 masked %cumsum3A_471 : vector<16xi32>, vector<16xi1> -> vector<16xi32>
      %eq3A = arith.constant 1 : i32
      %eq3A_473 = vector.broadcast %eq3A : i32 to vector<16xi32>
      %eq3A_474 = arith.cmpi eq, %cumsum3A_472, %eq3A_473 : vector<16xi32>
      %and3A = arith.andi %ge3A_464, %eq3A_474 : vector<16xi1>
      %add3A_475 = arith.constant 15 : i32
      %add3A_476 = arith.addi %sub3A_453, %add3A_475 : i32
      %sub3A_477 = vector.broadcast %add3A_476 : i32 to vector<16xi32>
      %sub3A_478 = arith.subi %sub3A_477, %iota3A_74 : vector<16xi32>
      %jit3A_479 = arith.constant 0 : i32
      %broadcast_in_dim3A_480 = vector.broadcast %jit3A_479 : i32 to vector<16xi32>
      %select_n3A_481 = arith.select %and3A, %sub3A_478, %broadcast_in_dim3A_480 : vector<16xi1>, vector<16xi32>
      %reduce_sum3A_482 = arith.constant true
      %reduce_sum3A_483 = vector.broadcast %reduce_sum3A_482 : i1 to vector<16xi1>
      %reduce_sum3A_484 = tpu.scan <sum>, %select_n3A_481 masked %reduce_sum3A_483 : vector<16xi32>, vector<16xi1> -> vector<16xi32>
      %reduce_sum3A_485 = vector.extract %reduce_sum3A_484[15] : i32 from vector<16xi32>
      %sub3A_486 = arith.subi %add3A_462, %rev3A_458 : vector<16xi32>
      %jit3A_487 = arith.constant 0 : i32
      %broadcast_in_dim3A_488 = vector.broadcast %jit3A_487 : i32 to vector<16xi32>
      %select_n3A_489 = arith.select %and3A, %sub3A_486, %broadcast_in_dim3A_488 : vector<16xi1>, vector<16xi32>
      %reduce_sum3A_490 = arith.constant true
      %reduce_sum3A_491 = vector.broadcast %reduce_sum3A_490 : i1 to vector<16xi1>
      %reduce_sum3A_492 = tpu.scan <sum>, %select_n3A_489 masked %reduce_sum3A_491 : vector<16xi32>, vector<16xi1> -> vector<16xi32>
      %reduce_sum3A_493 = vector.extract %reduce_sum3A_492[15] : i32 from vector<16xi32>
      %sub3A_494 = arith.subi %while3A_69#3, %reduce_sum3A_493 : i32
      %jit3A_495 = arith.constant 0 : i32
      %broadcast_in_dim3A_496 = vector.broadcast %jit3A_495 : i32 to vector<16xi32>
      %select_n3A_497 = arith.select %and3A, %rev3A_458, %broadcast_in_dim3A_496 : vector<16xi1>, vector<16xi32>
      %reduce_sum3A_498 = arith.constant true
      %reduce_sum3A_499 = vector.broadcast %reduce_sum3A_498 : i1 to vector<16xi1>
      %reduce_sum3A_500 = tpu.scan <sum>, %select_n3A_497 masked %reduce_sum3A_499 : vector<16xi32>, vector<16xi1> -> vector<16xi32>
      %reduce_sum3A_501 = vector.extract %reduce_sum3A_500[15] : i32 from vector<16xi32>
      %reduce_sum3A_502 = arith.constant true
      %reduce_sum3A_503 = vector.broadcast %reduce_sum3A_502 : i1 to vector<16xi1>
      %reduce_sum3A_504 = tpu.scan <sum>, %get3A_454 masked %reduce_sum3A_503 : vector<16xi32>, vector<16xi1> -> vector<16xi32>
      %reduce_sum3A_505 = vector.extract %reduce_sum3A_504[15] : i32 from vector<16xi32>
      %gt3A = arith.constant 0 : i32
      %gt3A_506 = arith.cmpi sgt, %reduce_sum3A_468, %gt3A : i32
      %convert_element_type3A_507 = arith.extui %gt3A_506 : i1 to i32
      %add3A_508 = arith.constant 1 : i32
      %add3A_509 = arith.addi %while3A_444, %add3A_508 : i32
      %eq3A_510 = arith.constant 1 : i32
      %eq3A_511 = arith.cmpi eq, %convert_element_type3A_507, %eq3A_510 : i32
      %add3A_512 = arith.addi %while3A_445, %reduce_sum3A_505 : i32
      %select_n3A_513 = arith.select %eq3A_511, %while3A_445, %add3A_512 : i32
      %eq3A_514 = arith.constant 1 : i32
      %eq3A_515 = arith.cmpi eq, %convert_element_type3A_507, %eq3A_514 : i32
      %select_n3A_516 = arith.select %eq3A_515, %reduce_sum3A_485, %while3A_446 : i32
      %eq3A_517 = arith.constant 1 : i32
      %eq3A_518 = arith.cmpi eq, %convert_element_type3A_507, %eq3A_517 : i32
      %select_n3A_519 = arith.select %eq3A_518, %sub3A_494, %while3A_447 : i32
      %eq3A_520 = arith.constant 1 : i32
      %eq3A_521 = arith.cmpi eq, %convert_element_type3A_507, %eq3A_520 : i32
      %select_n3A_522 = arith.select %eq3A_521, %reduce_sum3A_501, %while3A_448 : i32
      scf.yield %add3A_509, %select_n3A_513, %select_n3A_516, %select_n3A_519, %select_n3A_522, %convert_element_type3A_507 : i32, i32, i32, i32, i32, i32
    }
    %shift_left3A_81 = arith.constant 8 : i32
    %shift_left3A_82 = arith.shli %or3A_70, %shift_left3A_81 : i32
    %jit3A = arith.constant 0 : i32
    %select_n3A = arith.select %lt3A, %while3A_80#2, %jit3A : i32
    %or3A_83 = arith.ori %shift_left3A_82, %select_n3A : i32
    %ge3A = arith.constant -2147483648 : i32
    %ge3A_84 = arith.cmpi uge, %or3A_83, %ge3A : i32
    %xor3A = arith.constant -2147483648 : i32
    %xor3A_85 = arith.xori %or3A_83, %xor3A : i32
    %not3A = arith.constant -1 : i32
    %not3A_86 = arith.xori %or3A_83, %not3A : i32
    %select_n3A_87 = arith.select %ge3A_84, %xor3A_85, %not3A_86 : i32
    %bitcast_convert_type3A = arith.bitcast %select_n3A_87 : i32 to f32
    %parallel_loop3A_88 = arith.constant 0 : i32
    %parallel_loop3A_89 = arith.constant 2048 : i32
    %parallel_loop3A_90 = arith.constant 1 : i32
    scf.for %parallel_loop3A_444 = %parallel_loop3A_88 to %parallel_loop3A_89 step %parallel_loop3A_90  : i32 {
      %parallel_loop3A_445 = arith.constant 16 : i32
      %parallel_loop3A_446 = arith.muli %parallel_loop3A_444, %parallel_loop3A_445 : i32
      %parallel_loop3A_447 = arith.index_cast %parallel_loop3A_446 : i32 to index
      %parallel_loop3A_448 = tpu.vector_load %arg4[%parallel_loop3A_447] {strides = array<i32>} : memref<32768xf32, #tpu.memory_space<vmem>>, vector<16xf32>,
      %parallel_loop3A_449 = vector.broadcast %bitcast_convert_type3A : f32 to vector<16xf32>
      %parallel_loop3A_450 = arith.cmpf oge, %parallel_loop3A_448, %parallel_loop3A_449 : vector<16xf32>
      %parallel_loop3A_451 = arith.constant 0.000000e+00 : f32
      %parallel_loop3A_452 = vector.broadcast %parallel_loop3A_451 : f32 to vector<16xf32>
      %parallel_loop3A_453 = arith.maximumf %parallel_loop3A_448, %parallel_loop3A_452 : vector<16xf32>
      %parallel_loop3A_454 = arith.constant 0.000000e+00 : f32
      %parallel_loop3A_455 = vector.broadcast %parallel_loop3A_454 : f32 to vector<16xf32>
      %parallel_loop3A_456 = arith.select %parallel_loop3A_450, %parallel_loop3A_453, %parallel_loop3A_455 : vector<16xi1>, vector<16xf32>
      %parallel_loop3A_457 = arith.constant 16 : i32
      %parallel_loop3A_458 = arith.muli %parallel_loop3A_444, %parallel_loop3A_457 : i32
      %parallel_loop3A_459 = arith.index_cast %parallel_loop3A_458 : i32 to index
      %parallel_loop3A_460 = tpu.vector_load %arg4[%parallel_loop3A_459] {strides = array<i32>} : memref<32768xf32, #tpu.memory_space<vmem>>, vector<16xf32>,
      tpu.vector_store %arg4[%parallel_loop3A_459], %parallel_loop3A_456 {strides = array<i32>} : memref<32768xf32, #tpu.memory_space<vmem>>, vector<16xf32>,
    } {sc.loop_unroll_factor = 4 : i64, sc.parallel_access}
    %add3A_91 = arith.constant 0 : i32
    %add3A_92 = arith.addi %mul3A_3, %add3A_91 : i32
    %dma_start3A_93 = arith.constant 0 : i32
    %dma_start3A_94 = tpu.memref_slice %arg3[%add3A_92, %dma_start3A_93] : memref<128x32768xf32, #tpu.memory_space<hbm>> -> memref<1x32768xf32, #tpu.memory_space<hbm>>
    %dma_start3A_95 = tpu.memref_squeeze %dma_start3A_94 : memref<1x32768xf32, #tpu.memory_space<hbm>> -> memref<32768xf32, #tpu.memory_space<hbm>>
    %dma_start3A_96 = arith.constant 0 : i32
    %dma_start3A_97 = tpu.memref_slice %arg3[%add3A_92, %dma_start3A_96] : memref<128x32768xf32, #tpu.memory_space<hbm>> -> memref<1x32768xf32, #tpu.memory_space<hbm>>
    %dma_start3A_98 = tpu.memref_squeeze %dma_start3A_97 : memref<1x32768xf32, #tpu.memory_space<hbm>> -> memref<32768xf32, #tpu.memory_space<hbm>>
    tpu.enqueue_dma source(%arg4 : memref<32768xf32, #tpu.memory_space<vmem>>) target(%dma_start3A_98 : memref<32768xf32, #tpu.memory_space<hbm>>) target_semaphore(%arg11 : memref<!tpu.dma_semaphore, #tpu.memory_space<semaphore_mem>>)
    %add3A_99 = arith.constant 1 : i32
    %add3A_100 = arith.addi %mul3A_3, %add3A_99 : i32
    %dma_wait3A_101 = arith.constant 0 : i32
    %dma_wait3A_102 = tpu.memref_slice %arg2[%add3A_100, %dma_wait3A_101] : memref<128x32768xf32, #tpu.memory_space<hbm>> -> memref<1x32768xf32, #tpu.memory_space<hbm>>
    %dma_wait3A_103 = tpu.memref_squeeze %dma_wait3A_102 : memref<1x32768xf32, #tpu.memory_space<hbm>> -> memref<32768xf32, #tpu.memory_space<hbm>>
    %dma_wait3A_104 = arith.constant 0 : i32
    %dma_wait3A_105 = tpu.memref_slice %arg2[%add3A_100, %dma_wait3A_104] : memref<128x32768xf32, #tpu.memory_space<hbm>> -> memref<1x32768xf32, #tpu.memory_space<hbm>>
    %dma_wait3A_106 = tpu.memref_squeeze %dma_wait3A_105 : memref<1x32768xf32, #tpu.memory_space<hbm>> -> memref<32768xf32, #tpu.memory_space<hbm>>
    tpu.wait_dma2 semaphore(%arg10 : memref<!tpu.dma_semaphore, #tpu.memory_space<semaphore_mem>>) src(%dma_wait3A_106 : memref<32768xf32, #tpu.memory_space<hbm>>) dst(%arg5 : memref<32768xf32, #tpu.memory_space<vmem>>)
    %shift_left3A_107 = arith.constant 191 : i32
    %shift_left3A_108 = arith.constant 8 : i32
    %shift_left3A_109 = arith.shli %shift_left3A_107, %shift_left3A_108 : i32
    %parallel_loop3A_110 = arith.constant 0 : i32
    %parallel_loop3A_111 = arith.constant 16 : i32
    %parallel_loop3A_112 = arith.constant 1 : i32
    scf.for %parallel_loop3A_444 = %parallel_loop3A_110 to %parallel_loop3A_111 step %parallel_loop3A_112  : i32 {
      %parallel_loop3A_445 = arith.constant 0 : i32
      %parallel_loop3A_446 = vector.broadcast %parallel_loop3A_445 : i32 to vector<16xi32>
      %parallel_loop3A_447 = arith.constant 16 : i32
      %parallel_loop3A_448 = arith.muli %parallel_loop3A_444, %parallel_loop3A_447 : i32
      %parallel_loop3A_449 = arith.index_cast %parallel_loop3A_448 : i32 to index
      %parallel_loop3A_450 = tpu.vector_load %arg7[%parallel_loop3A_449] {strides = array<i32>} : memref<256xi32, #tpu.memory_space<vmem>>, vector<16xi32>,
      tpu.vector_store %arg7[%parallel_loop3A_449], %parallel_loop3A_446 {strides = array<i32>} : memref<256xi32, #tpu.memory_space<vmem>>, vector<16xi32>,
    } {sc.loop_unroll_factor = 4 : i64, sc.parallel_access}
    %parallel_loop3A_113 = arith.constant 0 : i32
    %parallel_loop3A_114 = arith.constant 16 : i32
    %parallel_loop3A_115 = arith.constant 1 : i32
    scf.for %parallel_loop3A_444 = %parallel_loop3A_113 to %parallel_loop3A_114 step %parallel_loop3A_115  : i32 {
      %parallel_loop3A_445 = arith.constant 0 : i32
      %parallel_loop3A_446 = vector.broadcast %parallel_loop3A_445 : i32 to vector<16xi32>
      %parallel_loop3A_447 = arith.constant 16 : i32
      %parallel_loop3A_448 = arith.muli %parallel_loop3A_444, %parallel_loop3A_447 : i32
      %parallel_loop3A_449 = arith.index_cast %parallel_loop3A_448 : i32 to index
      %parallel_loop3A_450 = tpu.vector_load %arg8[%parallel_loop3A_449] {strides = array<i32>} : memref<256xi32, #tpu.memory_space<vmem>>, vector<16xi32>,
      tpu.vector_store %arg8[%parallel_loop3A_449], %parallel_loop3A_446 {strides = array<i32>} : memref<256xi32, #tpu.memory_space<vmem>>, vector<16xi32>,
    } {sc.loop_unroll_factor = 4 : i64, sc.parallel_access}
    %parallel_loop3A_116 = arith.constant 0 : i32
    %parallel_loop3A_117 = arith.constant 2048 : i32
    %parallel_loop3A_118 = arith.constant 1 : i32
    scf.for %parallel_loop3A_444 = %parallel_loop3A_116 to %parallel_loop3A_117 step %parallel_loop3A_118  : i32 {
      %parallel_loop3A_445 = arith.constant 16 : i32
      %parallel_loop3A_446 = arith.muli %parallel_loop3A_444, %parallel_loop3A_445 : i32
      %parallel_loop3A_447 = arith.index_cast %parallel_loop3A_446 : i32 to index
      %parallel_loop3A_448 = tpu.vector_load %arg5[%parallel_loop3A_447] {strides = array<i32>} : memref<32768xf32, #tpu.memory_space<vmem>>, vector<16xf32>,
      %parallel_loop3A_449 = tpu.bitcast %parallel_loop3A_448 : vector<16xf32> -> vector<16xi32>
      %parallel_loop3A_450 = arith.constant 31 : i32
      %parallel_loop3A_451 = vector.broadcast %parallel_loop3A_450 : i32 to vector<16xi32>
      %parallel_loop3A_452 = arith.shrsi %parallel_loop3A_449, %parallel_loop3A_451 : vector<16xi32>
      %parallel_loop3A_453 = arith.constant -2147483648 : i32
      %parallel_loop3A_454 = vector.broadcast %parallel_loop3A_453 : i32 to vector<16xi32>
      %parallel_loop3A_455 = arith.ori %parallel_loop3A_452, %parallel_loop3A_454 : vector<16xi32>
      %parallel_loop3A_456 = arith.xori %parallel_loop3A_449, %parallel_loop3A_455 : vector<16xi32>
      %parallel_loop3A_457 = arith.constant 16 : i32
      %parallel_loop3A_458 = arith.muli %parallel_loop3A_444, %parallel_loop3A_457 : i32
      %parallel_loop3A_459 = arith.index_cast %parallel_loop3A_458 : i32 to index
      %parallel_loop3A_460 = tpu.vector_load %arg6[%parallel_loop3A_459] {strides = array<i32>} : memref<32768xi32, #tpu.memory_space<vmem>>, vector<16xi32>,
      tpu.vector_store %arg6[%parallel_loop3A_459], %parallel_loop3A_456 {strides = array<i32>} : memref<32768xi32, #tpu.memory_space<vmem>>, vector<16xi32>,
      %parallel_loop3A_461 = arith.constant 24 : i32
      %parallel_loop3A_462 = vector.broadcast %parallel_loop3A_461 : i32 to vector<16xi32>
      %parallel_loop3A_463 = arith.shrui %parallel_loop3A_456, %parallel_loop3A_462 : vector<16xi32>
      tpu.vector_store_idx %arg7[%parallel_loop3A_463], %broadcast_in_dim3A_1 {add = true} : memref<256xi32, #tpu.memory_space<vmem>>[vector<16xi32>], vector<16xi32>,
      %parallel_loop3A_464 = arith.constant 16 : i32
      %parallel_loop3A_465 = vector.broadcast %parallel_loop3A_464 : i32 to vector<16xi32>
      %parallel_loop3A_466 = arith.shrui %parallel_loop3A_456, %parallel_loop3A_465 : vector<16xi32>
      %parallel_loop3A_467 = vector.broadcast %shift_left3A_109 : i32 to vector<16xi32>
      %parallel_loop3A_468 = arith.subi %parallel_loop3A_466, %parallel_loop3A_467 : vector<16xi32>
      %parallel_loop3A_469 = arith.constant 256 : i32
      %parallel_loop3A_470 = vector.broadcast %parallel_loop3A_469 : i32 to vector<16xi32>
      %parallel_loop3A_471 = arith.cmpi ult, %parallel_loop3A_468, %parallel_loop3A_470 : vector<16xi32>
      tpu.vector_store_idx %arg8[%parallel_loop3A_468], %broadcast_in_dim3A_1 masked %parallel_loop3A_471 {add = true} : memref<256xi32, #tpu.memory_space<vmem>>[vector<16xi32>], vector<16xi32>, vector<16xi1>
    } {sc.loop_unroll_factor = 4 : i64, sc.parallel_access}
    %add3A_119 = arith.constant 1 : i32
    %add3A_120 = arith.addi %mul3A_3, %add3A_119 : i32
    %sub3A = arith.constant 1 : i32
    %sub3A_121 = arith.subi %add3A_120, %sub3A : i32
    %dma_wait3A_122 = arith.constant 0 : i32
    %dma_wait3A_123 = tpu.memref_slice %arg3[%sub3A_121, %dma_wait3A_122] : memref<128x32768xf32, #tpu.memory_space<hbm>> -> memref<1x32768xf32, #tpu.memory_space<hbm>>
    %dma_wait3A_124 = tpu.memref_squeeze %dma_wait3A_123 : memref<1x32768xf32, #tpu.memory_space<hbm>> -> memref<32768xf32, #tpu.memory_space<hbm>>
    %dma_wait3A_125 = arith.constant 0 : i32
    %dma_wait3A_126 = tpu.memref_slice %arg3[%sub3A_121, %dma_wait3A_125] : memref<128x32768xf32, #tpu.memory_space<hbm>> -> memref<1x32768xf32, #tpu.memory_space<hbm>>
    %dma_wait3A_127 = tpu.memref_squeeze %dma_wait3A_126 : memref<1x32768xf32, #tpu.memory_space<hbm>> -> memref<32768xf32, #tpu.memory_space<hbm>>
    tpu.wait_dma2 semaphore(%arg11 : memref<!tpu.dma_semaphore, #tpu.memory_space<semaphore_mem>>) src(%arg4 : memref<32768xf32, #tpu.memory_space<vmem>>) dst(%dma_wait3A_127 : memref<32768xf32, #tpu.memory_space<hbm>>)
    %add3A_128 = arith.constant 1 : i32
    %add3A_129 = arith.addi %mul3A_3, %add3A_128 : i32
    %add3A_130 = arith.constant 1 : i32
    %add3A_131 = arith.addi %add3A_129, %add3A_130 : i32
    %dma_start3A_132 = arith.constant 0 : i32
    %dma_start3A_133 = tpu.memref_slice %arg2[%add3A_131, %dma_start3A_132] : memref<128x32768xf32, #tpu.memory_space<hbm>> -> memref<1x32768xf32, #tpu.memory_space<hbm>>
    %dma_start3A_134 = tpu.memref_squeeze %dma_start3A_133 : memref<1x32768xf32, #tpu.memory_space<hbm>> -> memref<32768xf32, #tpu.memory_space<hbm>>
    %dma_start3A_135 = arith.constant 0 : i32
    %dma_start3A_136 = tpu.memref_slice %arg2[%add3A_131, %dma_start3A_135] : memref<128x32768xf32, #tpu.memory_space<hbm>> -> memref<1x32768xf32, #tpu.memory_space<hbm>>
    %dma_start3A_137 = tpu.memref_squeeze %dma_start3A_136 : memref<1x32768xf32, #tpu.memory_space<hbm>> -> memref<32768xf32, #tpu.memory_space<hbm>>
    tpu.enqueue_dma source(%dma_start3A_137 : memref<32768xf32, #tpu.memory_space<hbm>>) target(%arg4 : memref<32768xf32, #tpu.memory_space<vmem>>) target_semaphore(%arg9 : memref<!tpu.dma_semaphore, #tpu.memory_space<semaphore_mem>>)
    %iota3A_138 = tpu.iota {dimensions = array<i32: 0>} : vector<16xi32>
    %while3A_139 = arith.constant 2048 : i32
    %while3A_140 = arith.constant 0 : i32
    %while3A_141 = arith.constant 0 : i32
    %while3A_142 = arith.constant 0 : i32
    %while3A_143 = arith.constant 2048 : i32
    %while3A_144 = arith.constant 0 : i32
    %while3A_145 = arith.constant 0 : i32
    %while3A_146:6 = scf.while (%while3A_444 = %while3A_140, %while3A_445 = %while3A_141, %while3A_446 = %while3A_142, %while3A_447 = %while3A_143, %while3A_448 = %while3A_144, %while3A_449 = %while3A_145) : (i32, i32, i32, i32, i32, i32) -> (i32, i32, i32, i32, i32, i32) {
      %eq3A = arith.constant 0 : i32
      %eq3A_450 = arith.cmpi eq, %while3A_449, %eq3A : i32
      %lt3A_451 = arith.constant 16 : i32
      %lt3A_452 = arith.cmpi slt, %while3A_444, %lt3A_451 : i32
      %and3A = arith.andi %eq3A_450, %lt3A_452 : i1
      scf.condition(%and3A) %while3A_444, %while3A_445, %while3A_446, %while3A_447, %while3A_448, %while3A_449 : i32, i32, i32, i32, i32, i32
    } do {
    ^bb0(%while3A_444: i32, %while3A_445: i32, %while3A_446: i32, %while3A_447: i32, %while3A_448: i32, %while3A_449: i32):
      %mul3A_450 = arith.constant 16 : i32
      %mul3A_451 = arith.muli %while3A_444, %mul3A_450 : i32
      %sub3A_452 = arith.constant 240 : i32
      %sub3A_453 = arith.subi %sub3A_452, %mul3A_451 : i32
      %get3A = arith.index_cast %sub3A_453 : i32 to index
      %get3A_454 = tpu.vector_load %arg7[%get3A] {strides = array<i32>} : memref<256xi32, #tpu.memory_space<vmem>>, vector<16xi32>,
      %rev3A = arith.constant 15 : i32
      %rev3A_455 = vector.broadcast %rev3A : i32 to vector<16xi32>
      %rev3A_456 = tpu.iota {dimensions = array<i32: 0>} : vector<16xi32>
      %rev3A_457 = arith.subi %rev3A_455, %rev3A_456 : vector<16xi32>
      %rev3A_458 = tpu.dynamic_gather %get3A_454[%rev3A_457] in [0] : vector<16xi32>, vector<16xi32> -> vector<16xi32>
      %cumsum3A = arith.constant true
      %cumsum3A_459 = vector.broadcast %cumsum3A : i1 to vector<16xi1>
      %cumsum3A_460 = tpu.scan <sum>, %rev3A_458 masked %cumsum3A_459 : vector<16xi32>, vector<16xi1> -> vector<16xi32>
      %add3A_461 = vector.broadcast %while3A_445 : i32 to vector<16xi32>
      %add3A_462 = arith.addi %cumsum3A_460, %add3A_461 : vector<16xi32>
      %ge3A_463 = vector.broadcast %while3A_139 : i32 to vector<16xi32>
      %ge3A_464 = arith.cmpi sge, %add3A_462, %ge3A_463 : vector<16xi32>
      %convert_element_type3A_465 = arith.extui %ge3A_464 : vector<16xi1> to vector<16xi32>
      %reduce_sum3A = arith.constant true
      %reduce_sum3A_466 = vector.broadcast %reduce_sum3A : i1 to vector<16xi1>
      %reduce_sum3A_467 = tpu.scan <sum>, %convert_element_type3A_465 masked %reduce_sum3A_466 : vector<16xi32>, vector<16xi1> -> vector<16xi32>
      %reduce_sum3A_468 = vector.extract %reduce_sum3A_467[15] : i32 from vector<16xi32>
      %convert_element_type3A_469 = arith.extui %ge3A_464 : vector<16xi1> to vector<16xi32>
      %cumsum3A_470 = arith.constant true
      %cumsum3A_471 = vector.broadcast %cumsum3A_470 : i1 to vector<16xi1>
      %cumsum3A_472 = tpu.scan <sum>, %convert_element_type3A_469 masked %cumsum3A_471 : vector<16xi32>, vector<16xi1> -> vector<16xi32>
      %eq3A = arith.constant 1 : i32
      %eq3A_473 = vector.broadcast %eq3A : i32 to vector<16xi32>
      %eq3A_474 = arith.cmpi eq, %cumsum3A_472, %eq3A_473 : vector<16xi32>
      %and3A = arith.andi %ge3A_464, %eq3A_474 : vector<16xi1>
      %add3A_475 = arith.constant 15 : i32
      %add3A_476 = arith.addi %sub3A_453, %add3A_475 : i32
      %sub3A_477 = vector.broadcast %add3A_476 : i32 to vector<16xi32>
      %sub3A_478 = arith.subi %sub3A_477, %iota3A_138 : vector<16xi32>
      %jit3A_479 = arith.constant 0 : i32
      %broadcast_in_dim3A_480 = vector.broadcast %jit3A_479 : i32 to vector<16xi32>
      %select_n3A_481 = arith.select %and3A, %sub3A_478, %broadcast_in_dim3A_480 : vector<16xi1>, vector<16xi32>
      %reduce_sum3A_482 = arith.constant true
      %reduce_sum3A_483 = vector.broadcast %reduce_sum3A_482 : i1 to vector<16xi1>
      %reduce_sum3A_484 = tpu.scan <sum>, %select_n3A_481 masked %reduce_sum3A_483 : vector<16xi32>, vector<16xi1> -> vector<16xi32>
      %reduce_sum3A_485 = vector.extract %reduce_sum3A_484[15] : i32 from vector<16xi32>
      %sub3A_486 = arith.subi %add3A_462, %rev3A_458 : vector<16xi32>
      %jit3A_487 = arith.constant 0 : i32
      %broadcast_in_dim3A_488 = vector.broadcast %jit3A_487 : i32 to vector<16xi32>
      %select_n3A_489 = arith.select %and3A, %sub3A_486, %broadcast_in_dim3A_488 : vector<16xi1>, vector<16xi32>
      %reduce_sum3A_490 = arith.constant true
      %reduce_sum3A_491 = vector.broadcast %reduce_sum3A_490 : i1 to vector<16xi1>
      %reduce_sum3A_492 = tpu.scan <sum>, %select_n3A_489 masked %reduce_sum3A_491 : vector<16xi32>, vector<16xi1> -> vector<16xi32>
      %reduce_sum3A_493 = vector.extract %reduce_sum3A_492[15] : i32 from vector<16xi32>
      %sub3A_494 = arith.subi %while3A_139, %reduce_sum3A_493 : i32
      %jit3A_495 = arith.constant 0 : i32
      %broadcast_in_dim3A_496 = vector.broadcast %jit3A_495 : i32 to vector<16xi32>
      %select_n3A_497 = arith.select %and3A, %rev3A_458, %broadcast_in_dim3A_496 : vector<16xi1>, vector<16xi32>
      %reduce_sum3A_498 = arith.constant true
      %reduce_sum3A_499 = vector.broadcast %reduce_sum3A_498 : i1 to vector<16xi1>
      %reduce_sum3A_500 = tpu.scan <sum>, %select_n3A_497 masked %reduce_sum3A_499 : vector<16xi32>, vector<16xi1> -> vector<16xi32>
      %reduce_sum3A_501 = vector.extract %reduce_sum3A_500[15] : i32 from vector<16xi32>
      %reduce_sum3A_502 = arith.constant true
      %reduce_sum3A_503 = vector.broadcast %reduce_sum3A_502 : i1 to vector<16xi1>
      %reduce_sum3A_504 = tpu.scan <sum>, %get3A_454 masked %reduce_sum3A_503 : vector<16xi32>, vector<16xi1> -> vector<16xi32>
      %reduce_sum3A_505 = vector.extract %reduce_sum3A_504[15] : i32 from vector<16xi32>
      %gt3A = arith.constant 0 : i32
      %gt3A_506 = arith.cmpi sgt, %reduce_sum3A_468, %gt3A : i32
      %convert_element_type3A_507 = arith.extui %gt3A_506 : i1 to i32
      %add3A_508 = arith.constant 1 : i32
      %add3A_509 = arith.addi %while3A_444, %add3A_508 : i32
      %eq3A_510 = arith.constant 1 : i32
      %eq3A_511 = arith.cmpi eq, %convert_element_type3A_507, %eq3A_510 : i32
      %add3A_512 = arith.addi %while3A_445, %reduce_sum3A_505 : i32
      %select_n3A_513 = arith.select %eq3A_511, %while3A_445, %add3A_512 : i32
      %eq3A_514 = arith.constant 1 : i32
      %eq3A_515 = arith.cmpi eq, %convert_element_type3A_507, %eq3A_514 : i32
      %select_n3A_516 = arith.select %eq3A_515, %reduce_sum3A_485, %while3A_446 : i32
      %eq3A_517 = arith.constant 1 : i32
      %eq3A_518 = arith.cmpi eq, %convert_element_type3A_507, %eq3A_517 : i32
      %select_n3A_519 = arith.select %eq3A_518, %sub3A_494, %while3A_447 : i32
      %eq3A_520 = arith.constant 1 : i32
      %eq3A_521 = arith.cmpi eq, %convert_element_type3A_507, %eq3A_520 : i32
      %select_n3A_522 = arith.select %eq3A_521, %reduce_sum3A_501, %while3A_448 : i32
      scf.yield %add3A_509, %select_n3A_513, %select_n3A_516, %select_n3A_519, %select_n3A_522, %convert_element_type3A_507 : i32, i32, i32, i32, i32, i32
    }
    %ne3A_147 = arith.constant 191 : i32
    %ne3A_148 = arith.cmpi ne, %while3A_146#2, %ne3A_147 : i32
    %convert_element_type3A_149 = arith.extui %ne3A_148 : i1 to i32
    %cond3A_150 = arith.constant 0 : i32
    %cond3A_151 = arith.cmpi ne, %convert_element_type3A_149, %cond3A_150 : i32
    scf.if %cond3A_151 {
      %parallel_loop3A_444 = arith.constant 0 : i32
      %parallel_loop3A_445 = arith.constant 16 : i32
      %parallel_loop3A_446 = arith.constant 1 : i32
      scf.for %parallel_loop3A_453 = %parallel_loop3A_444 to %parallel_loop3A_445 step %parallel_loop3A_446  : i32 {
        %parallel_loop3A_454 = arith.constant 0 : i32
        %parallel_loop3A_455 = vector.broadcast %parallel_loop3A_454 : i32 to vector<16xi32>
        %parallel_loop3A_456 = arith.constant 16 : i32
        %parallel_loop3A_457 = arith.muli %parallel_loop3A_453, %parallel_loop3A_456 : i32
        %parallel_loop3A_458 = arith.index_cast %parallel_loop3A_457 : i32 to index
        %parallel_loop3A_459 = tpu.vector_load %arg8[%parallel_loop3A_458] {strides = array<i32>} : memref<256xi32, #tpu.memory_space<vmem>>, vector<16xi32>,
        tpu.vector_store %arg8[%parallel_loop3A_458], %parallel_loop3A_455 {strides = array<i32>} : memref<256xi32, #tpu.memory_space<vmem>>, vector<16xi32>,
      } {sc.loop_unroll_factor = 4 : i64, sc.parallel_access}
      %shift_left3A_447 = arith.constant 8 : i32
      %shift_left3A_448 = arith.shli %while3A_146#2, %shift_left3A_447 : i32
      %parallel_loop3A_449 = arith.constant 0 : i32
      %parallel_loop3A_450 = arith.constant 2048 : i32
      %parallel_loop3A_451 = arith.constant 1 : i32
      %parallel_loop3A_452 = arith.constant 16 : i32
      scf.for %parallel_loop3A_453 = %parallel_loop3A_449 to %parallel_loop3A_450 step %parallel_loop3A_451  : i32 {
        %parallel_loop3A_454 = arith.constant 16 : i32
        %parallel_loop3A_455 = arith.muli %parallel_loop3A_453, %parallel_loop3A_454 : i32
        %parallel_loop3A_456 = arith.index_cast %parallel_loop3A_455 : i32 to index
        %parallel_loop3A_457 = tpu.vector_load %arg6[%parallel_loop3A_456] {strides = array<i32>} : memref<32768xi32, #tpu.memory_space<vmem>>, vector<16xi32>,
        %parallel_loop3A_458 = vector.broadcast %parallel_loop3A_452 : i32 to vector<16xi32>
        %parallel_loop3A_459 = arith.shrui %parallel_loop3A_457, %parallel_loop3A_458 : vector<16xi32>
        %parallel_loop3A_460 = vector.broadcast %shift_left3A_448 : i32 to vector<16xi32>
        %parallel_loop3A_461 = arith.subi %parallel_loop3A_459, %parallel_loop3A_460 : vector<16xi32>
        %parallel_loop3A_462 = arith.constant 256 : i32
        %parallel_loop3A_463 = vector.broadcast %parallel_loop3A_462 : i32 to vector<16xi32>
        %parallel_loop3A_464 = arith.cmpi ult, %parallel_loop3A_461, %parallel_loop3A_463 : vector<16xi32>
        tpu.vector_store_idx %arg8[%parallel_loop3A_461], %broadcast_in_dim3A_1 masked %parallel_loop3A_464 {add = true} : memref<256xi32, #tpu.memory_space<vmem>>[vector<16xi32>], vector<16xi32>, vector<16xi1>
      } {sc.loop_unroll_factor = 4 : i64, sc.parallel_access}
    } else {
    }
    %iota3A_152 = tpu.iota {dimensions = array<i32: 0>} : vector<16xi32>
    %while3A_153 = arith.constant 0 : i32
    %while3A_154 = arith.constant 0 : i32
    %while3A_155 = arith.constant 0 : i32
    %while3A_156 = arith.constant 0 : i32
    %while3A_157 = arith.constant 0 : i32
    %while3A_158:6 = scf.while (%while3A_444 = %while3A_153, %while3A_445 = %while3A_154, %while3A_446 = %while3A_155, %while3A_447 = %while3A_146#3, %while3A_448 = %while3A_156, %while3A_449 = %while3A_157) : (i32, i32, i32, i32, i32, i32) -> (i32, i32, i32, i32, i32, i32) {
      %eq3A = arith.constant 0 : i32
      %eq3A_450 = arith.cmpi eq, %while3A_449, %eq3A : i32
      %lt3A_451 = arith.constant 16 : i32
      %lt3A_452 = arith.cmpi slt, %while3A_444, %lt3A_451 : i32
      %and3A = arith.andi %eq3A_450, %lt3A_452 : i1
      scf.condition(%and3A) %while3A_444, %while3A_445, %while3A_446, %while3A_447, %while3A_448, %while3A_449 : i32, i32, i32, i32, i32, i32
    } do {
    ^bb0(%while3A_444: i32, %while3A_445: i32, %while3A_446: i32, %while3A_447: i32, %while3A_448: i32, %while3A_449: i32):
      %mul3A_450 = arith.constant 16 : i32
      %mul3A_451 = arith.muli %while3A_444, %mul3A_450 : i32
      %sub3A_452 = arith.constant 240 : i32
      %sub3A_453 = arith.subi %sub3A_452, %mul3A_451 : i32
      %get3A = arith.index_cast %sub3A_453 : i32 to index
      %get3A_454 = tpu.vector_load %arg8[%get3A] {strides = array<i32>} : memref<256xi32, #tpu.memory_space<vmem>>, vector<16xi32>,
      %rev3A = arith.constant 15 : i32
      %rev3A_455 = vector.broadcast %rev3A : i32 to vector<16xi32>
      %rev3A_456 = tpu.iota {dimensions = array<i32: 0>} : vector<16xi32>
      %rev3A_457 = arith.subi %rev3A_455, %rev3A_456 : vector<16xi32>
      %rev3A_458 = tpu.dynamic_gather %get3A_454[%rev3A_457] in [0] : vector<16xi32>, vector<16xi32> -> vector<16xi32>
      %cumsum3A = arith.constant true
      %cumsum3A_459 = vector.broadcast %cumsum3A : i1 to vector<16xi1>
      %cumsum3A_460 = tpu.scan <sum>, %rev3A_458 masked %cumsum3A_459 : vector<16xi32>, vector<16xi1> -> vector<16xi32>
      %add3A_461 = vector.broadcast %while3A_445 : i32 to vector<16xi32>
      %add3A_462 = arith.addi %cumsum3A_460, %add3A_461 : vector<16xi32>
      %ge3A_463 = vector.broadcast %while3A_146#3 : i32 to vector<16xi32>
      %ge3A_464 = arith.cmpi sge, %add3A_462, %ge3A_463 : vector<16xi32>
      %convert_element_type3A_465 = arith.extui %ge3A_464 : vector<16xi1> to vector<16xi32>
      %reduce_sum3A = arith.constant true
      %reduce_sum3A_466 = vector.broadcast %reduce_sum3A : i1 to vector<16xi1>
      %reduce_sum3A_467 = tpu.scan <sum>, %convert_element_type3A_465 masked %reduce_sum3A_466 : vector<16xi32>, vector<16xi1> -> vector<16xi32>
      %reduce_sum3A_468 = vector.extract %reduce_sum3A_467[15] : i32 from vector<16xi32>
      %convert_element_type3A_469 = arith.extui %ge3A_464 : vector<16xi1> to vector<16xi32>
      %cumsum3A_470 = arith.constant true
      %cumsum3A_471 = vector.broadcast %cumsum3A_470 : i1 to vector<16xi1>
      %cumsum3A_472 = tpu.scan <sum>, %convert_element_type3A_469 masked %cumsum3A_471 : vector<16xi32>, vector<16xi1> -> vector<16xi32>
      %eq3A = arith.constant 1 : i32
      %eq3A_473 = vector.broadcast %eq3A : i32 to vector<16xi32>
      %eq3A_474 = arith.cmpi eq, %cumsum3A_472, %eq3A_473 : vector<16xi32>
      %and3A = arith.andi %ge3A_464, %eq3A_474 : vector<16xi1>
      %add3A_475 = arith.constant 15 : i32
      %add3A_476 = arith.addi %sub3A_453, %add3A_475 : i32
      %sub3A_477 = vector.broadcast %add3A_476 : i32 to vector<16xi32>
      %sub3A_478 = arith.subi %sub3A_477, %iota3A_152 : vector<16xi32>
      %jit3A_479 = arith.constant 0 : i32
      %broadcast_in_dim3A_480 = vector.broadcast %jit3A_479 : i32 to vector<16xi32>
      %select_n3A_481 = arith.select %and3A, %sub3A_478, %broadcast_in_dim3A_480 : vector<16xi1>, vector<16xi32>
      %reduce_sum3A_482 = arith.constant true
      %reduce_sum3A_483 = vector.broadcast %reduce_sum3A_482 : i1 to vector<16xi1>
      %reduce_sum3A_484 = tpu.scan <sum>, %select_n3A_481 masked %reduce_sum3A_483 : vector<16xi32>, vector<16xi1> -> vector<16xi32>
      %reduce_sum3A_485 = vector.extract %reduce_sum3A_484[15] : i32 from vector<16xi32>
      %sub3A_486 = arith.subi %add3A_462, %rev3A_458 : vector<16xi32>
      %jit3A_487 = arith.constant 0 : i32
      %broadcast_in_dim3A_488 = vector.broadcast %jit3A_487 : i32 to vector<16xi32>
      %select_n3A_489 = arith.select %and3A, %sub3A_486, %broadcast_in_dim3A_488 : vector<16xi1>, vector<16xi32>
      %reduce_sum3A_490 = arith.constant true
      %reduce_sum3A_491 = vector.broadcast %reduce_sum3A_490 : i1 to vector<16xi1>
      %reduce_sum3A_492 = tpu.scan <sum>, %select_n3A_489 masked %reduce_sum3A_491 : vector<16xi32>, vector<16xi1> -> vector<16xi32>
      %reduce_sum3A_493 = vector.extract %reduce_sum3A_492[15] : i32 from vector<16xi32>
      %sub3A_494 = arith.subi %while3A_146#3, %reduce_sum3A_493 : i32
      %jit3A_495 = arith.constant 0 : i32
      %broadcast_in_dim3A_496 = vector.broadcast %jit3A_495 : i32 to vector<16xi32>
      %select_n3A_497 = arith.select %and3A, %rev3A_458, %broadcast_in_dim3A_496 : vector<16xi1>, vector<16xi32>
      %reduce_sum3A_498 = arith.constant true
      %reduce_sum3A_499 = vector.broadcast %reduce_sum3A_498 : i1 to vector<16xi1>
      %reduce_sum3A_500 = tpu.scan <sum>, %select_n3A_497 masked %reduce_sum3A_499 : vector<16xi32>, vector<16xi1> -> vector<16xi32>
      %reduce_sum3A_501 = vector.extract %reduce_sum3A_500[15] : i32 from vector<16xi32>
      %reduce_sum3A_502 = arith.constant true
      %reduce_sum3A_503 = vector.broadcast %reduce_sum3A_502 : i1 to vector<16xi1>
      %reduce_sum3A_504 = tpu.scan <sum>, %get3A_454 masked %reduce_sum3A_503 : vector<16xi32>, vector<16xi1> -> vector<16xi32>
      %reduce_sum3A_505 = vector.extract %reduce_sum3A_504[15] : i32 from vector<16xi32>
      %gt3A = arith.constant 0 : i32
      %gt3A_506 = arith.cmpi sgt, %reduce_sum3A_468, %gt3A : i32
      %convert_element_type3A_507 = arith.extui %gt3A_506 : i1 to i32
      %add3A_508 = arith.constant 1 : i32
      %add3A_509 = arith.addi %while3A_444, %add3A_508 : i32
      %eq3A_510 = arith.constant 1 : i32
      %eq3A_511 = arith.cmpi eq, %convert_element_type3A_507, %eq3A_510 : i32
      %add3A_512 = arith.addi %while3A_445, %reduce_sum3A_505 : i32
      %select_n3A_513 = arith.select %eq3A_511, %while3A_445, %add3A_512 : i32
      %eq3A_514 = arith.constant 1 : i32
      %eq3A_515 = arith.cmpi eq, %convert_element_type3A_507, %eq3A_514 : i32
      %select_n3A_516 = arith.select %eq3A_515, %reduce_sum3A_485, %while3A_446 : i32
      %eq3A_517 = arith.constant 1 : i32
      %eq3A_518 = arith.cmpi eq, %convert_element_type3A_507, %eq3A_517 : i32
      %select_n3A_519 = arith.select %eq3A_518, %sub3A_494, %while3A_447 : i32
      %eq3A_520 = arith.constant 1 : i32
      %eq3A_521 = arith.cmpi eq, %convert_element_type3A_507, %eq3A_520 : i32
      %select_n3A_522 = arith.select %eq3A_521, %reduce_sum3A_501, %while3A_448 : i32
      scf.yield %add3A_509, %select_n3A_513, %select_n3A_516, %select_n3A_519, %select_n3A_522, %convert_element_type3A_507 : i32, i32, i32, i32, i32, i32
    }
    %shift_left3A_159 = arith.constant 8 : i32
    %shift_left3A_160 = arith.shli %while3A_146#2, %shift_left3A_159 : i32
    %or3A_161 = arith.ori %shift_left3A_160, %while3A_158#2 : i32
    %parallel_loop3A_162 = arith.constant 0 : i32
    %parallel_loop3A_163 = arith.constant 16 : i32
    %parallel_loop3A_164 = arith.constant 1 : i32
    scf.for %parallel_loop3A_444 = %parallel_loop3A_162 to %parallel_loop3A_163 step %parallel_loop3A_164  : i32 {
      %parallel_loop3A_445 = arith.constant 0 : i32
      %parallel_loop3A_446 = vector.broadcast %parallel_loop3A_445 : i32 to vector<16xi32>
      %parallel_loop3A_447 = arith.constant 16 : i32
      %parallel_loop3A_448 = arith.muli %parallel_loop3A_444, %parallel_loop3A_447 : i32
      %parallel_loop3A_449 = arith.index_cast %parallel_loop3A_448 : i32 to index
      %parallel_loop3A_450 = tpu.vector_load %arg7[%parallel_loop3A_449] {strides = array<i32>} : memref<256xi32, #tpu.memory_space<vmem>>, vector<16xi32>,
      tpu.vector_store %arg7[%parallel_loop3A_449], %parallel_loop3A_446 {strides = array<i32>} : memref<256xi32, #tpu.memory_space<vmem>>, vector<16xi32>,
    } {sc.loop_unroll_factor = 4 : i64, sc.parallel_access}
    %shift_left3A_165 = arith.constant 8 : i32
    %shift_left3A_166 = arith.shli %or3A_161, %shift_left3A_165 : i32
    %parallel_loop3A_167 = arith.constant 0 : i32
    %parallel_loop3A_168 = arith.constant 2048 : i32
    %parallel_loop3A_169 = arith.constant 1 : i32
    %parallel_loop3A_170 = arith.constant 8 : i32
    scf.for %parallel_loop3A_444 = %parallel_loop3A_167 to %parallel_loop3A_168 step %parallel_loop3A_169  : i32 {
      %parallel_loop3A_445 = arith.constant 16 : i32
      %parallel_loop3A_446 = arith.muli %parallel_loop3A_444, %parallel_loop3A_445 : i32
      %parallel_loop3A_447 = arith.index_cast %parallel_loop3A_446 : i32 to index
      %parallel_loop3A_448 = tpu.vector_load %arg6[%parallel_loop3A_447] {strides = array<i32>} : memref<32768xi32, #tpu.memory_space<vmem>>, vector<16xi32>,
      %parallel_loop3A_449 = vector.broadcast %parallel_loop3A_170 : i32 to vector<16xi32>
      %parallel_loop3A_450 = arith.shrui %parallel_loop3A_448, %parallel_loop3A_449 : vector<16xi32>
      %parallel_loop3A_451 = vector.broadcast %shift_left3A_166 : i32 to vector<16xi32>
      %parallel_loop3A_452 = arith.subi %parallel_loop3A_450, %parallel_loop3A_451 : vector<16xi32>
      %parallel_loop3A_453 = arith.constant 256 : i32
      %parallel_loop3A_454 = vector.broadcast %parallel_loop3A_453 : i32 to vector<16xi32>
      %parallel_loop3A_455 = arith.cmpi ult, %parallel_loop3A_452, %parallel_loop3A_454 : vector<16xi32>
      tpu.vector_store_idx %arg7[%parallel_loop3A_452], %broadcast_in_dim3A_1 masked %parallel_loop3A_455 {add = true} : memref<256xi32, #tpu.memory_space<vmem>>[vector<16xi32>], vector<16xi32>, vector<16xi1>
    } {sc.loop_unroll_factor = 4 : i64, sc.parallel_access}
    %iota3A_171 = tpu.iota {dimensions = array<i32: 0>} : vector<16xi32>
    %while3A_172 = arith.constant 0 : i32
    %while3A_173 = arith.constant 0 : i32
    %while3A_174 = arith.constant 0 : i32
    %while3A_175 = arith.constant 0 : i32
    %while3A_176 = arith.constant 0 : i32
    %while3A_177:6 = scf.while (%while3A_444 = %while3A_172, %while3A_445 = %while3A_173, %while3A_446 = %while3A_174, %while3A_447 = %while3A_158#3, %while3A_448 = %while3A_175, %while3A_449 = %while3A_176) : (i32, i32, i32, i32, i32, i32) -> (i32, i32, i32, i32, i32, i32) {
      %eq3A = arith.constant 0 : i32
      %eq3A_450 = arith.cmpi eq, %while3A_449, %eq3A : i32
      %lt3A_451 = arith.constant 16 : i32
      %lt3A_452 = arith.cmpi slt, %while3A_444, %lt3A_451 : i32
      %and3A = arith.andi %eq3A_450, %lt3A_452 : i1
      scf.condition(%and3A) %while3A_444, %while3A_445, %while3A_446, %while3A_447, %while3A_448, %while3A_449 : i32, i32, i32, i32, i32, i32
    } do {
    ^bb0(%while3A_444: i32, %while3A_445: i32, %while3A_446: i32, %while3A_447: i32, %while3A_448: i32, %while3A_449: i32):
      %mul3A_450 = arith.constant 16 : i32
      %mul3A_451 = arith.muli %while3A_444, %mul3A_450 : i32
      %sub3A_452 = arith.constant 240 : i32
      %sub3A_453 = arith.subi %sub3A_452, %mul3A_451 : i32
      %get3A = arith.index_cast %sub3A_453 : i32 to index
      %get3A_454 = tpu.vector_load %arg7[%get3A] {strides = array<i32>} : memref<256xi32, #tpu.memory_space<vmem>>, vector<16xi32>,
      %rev3A = arith.constant 15 : i32
      %rev3A_455 = vector.broadcast %rev3A : i32 to vector<16xi32>
      %rev3A_456 = tpu.iota {dimensions = array<i32: 0>} : vector<16xi32>
      %rev3A_457 = arith.subi %rev3A_455, %rev3A_456 : vector<16xi32>
      %rev3A_458 = tpu.dynamic_gather %get3A_454[%rev3A_457] in [0] : vector<16xi32>, vector<16xi32> -> vector<16xi32>
      %cumsum3A = arith.constant true
      %cumsum3A_459 = vector.broadcast %cumsum3A : i1 to vector<16xi1>
      %cumsum3A_460 = tpu.scan <sum>, %rev3A_458 masked %cumsum3A_459 : vector<16xi32>, vector<16xi1> -> vector<16xi32>
      %add3A_461 = vector.broadcast %while3A_445 : i32 to vector<16xi32>
      %add3A_462 = arith.addi %cumsum3A_460, %add3A_461 : vector<16xi32>
      %ge3A_463 = vector.broadcast %while3A_158#3 : i32 to vector<16xi32>
      %ge3A_464 = arith.cmpi sge, %add3A_462, %ge3A_463 : vector<16xi32>
      %convert_element_type3A_465 = arith.extui %ge3A_464 : vector<16xi1> to vector<16xi32>
      %reduce_sum3A = arith.constant true
      %reduce_sum3A_466 = vector.broadcast %reduce_sum3A : i1 to vector<16xi1>
      %reduce_sum3A_467 = tpu.scan <sum>, %convert_element_type3A_465 masked %reduce_sum3A_466 : vector<16xi32>, vector<16xi1> -> vector<16xi32>
      %reduce_sum3A_468 = vector.extract %reduce_sum3A_467[15] : i32 from vector<16xi32>
      %convert_element_type3A_469 = arith.extui %ge3A_464 : vector<16xi1> to vector<16xi32>
      %cumsum3A_470 = arith.constant true
      %cumsum3A_471 = vector.broadcast %cumsum3A_470 : i1 to vector<16xi1>
      %cumsum3A_472 = tpu.scan <sum>, %convert_element_type3A_469 masked %cumsum3A_471 : vector<16xi32>, vector<16xi1> -> vector<16xi32>
      %eq3A = arith.constant 1 : i32
      %eq3A_473 = vector.broadcast %eq3A : i32 to vector<16xi32>
      %eq3A_474 = arith.cmpi eq, %cumsum3A_472, %eq3A_473 : vector<16xi32>
      %and3A = arith.andi %ge3A_464, %eq3A_474 : vector<16xi1>
      %add3A_475 = arith.constant 15 : i32
      %add3A_476 = arith.addi %sub3A_453, %add3A_475 : i32
      %sub3A_477 = vector.broadcast %add3A_476 : i32 to vector<16xi32>
      %sub3A_478 = arith.subi %sub3A_477, %iota3A_171 : vector<16xi32>
      %jit3A_479 = arith.constant 0 : i32
      %broadcast_in_dim3A_480 = vector.broadcast %jit3A_479 : i32 to vector<16xi32>
      %select_n3A_481 = arith.select %and3A, %sub3A_478, %broadcast_in_dim3A_480 : vector<16xi1>, vector<16xi32>
      %reduce_sum3A_482 = arith.constant true
      %reduce_sum3A_483 = vector.broadcast %reduce_sum3A_482 : i1 to vector<16xi1>
      %reduce_sum3A_484 = tpu.scan <sum>, %select_n3A_481 masked %reduce_sum3A_483 : vector<16xi32>, vector<16xi1> -> vector<16xi32>
      %reduce_sum3A_485 = vector.extract %reduce_sum3A_484[15] : i32 from vector<16xi32>
      %sub3A_486 = arith.subi %add3A_462, %rev3A_458 : vector<16xi32>
      %jit3A_487 = arith.constant 0 : i32
      %broadcast_in_dim3A_488 = vector.broadcast %jit3A_487 : i32 to vector<16xi32>
      %select_n3A_489 = arith.select %and3A, %sub3A_486, %broadcast_in_dim3A_488 : vector<16xi1>, vector<16xi32>
      %reduce_sum3A_490 = arith.constant true
      %reduce_sum3A_491 = vector.broadcast %reduce_sum3A_490 : i1 to vector<16xi1>
      %reduce_sum3A_492 = tpu.scan <sum>, %select_n3A_489 masked %reduce_sum3A_491 : vector<16xi32>, vector<16xi1> -> vector<16xi32>
      %reduce_sum3A_493 = vector.extract %reduce_sum3A_492[15] : i32 from vector<16xi32>
      %sub3A_494 = arith.subi %while3A_158#3, %reduce_sum3A_493 : i32
      %jit3A_495 = arith.constant 0 : i32
      %broadcast_in_dim3A_496 = vector.broadcast %jit3A_495 : i32 to vector<16xi32>
      %select_n3A_497 = arith.select %and3A, %rev3A_458, %broadcast_in_dim3A_496 : vector<16xi1>, vector<16xi32>
      %reduce_sum3A_498 = arith.constant true
      %reduce_sum3A_499 = vector.broadcast %reduce_sum3A_498 : i1 to vector<16xi1>
      %reduce_sum3A_500 = tpu.scan <sum>, %select_n3A_497 masked %reduce_sum3A_499 : vector<16xi32>, vector<16xi1> -> vector<16xi32>
      %reduce_sum3A_501 = vector.extract %reduce_sum3A_500[15] : i32 from vector<16xi32>
      %reduce_sum3A_502 = arith.constant true
      %reduce_sum3A_503 = vector.broadcast %reduce_sum3A_502 : i1 to vector<16xi1>
      %reduce_sum3A_504 = tpu.scan <sum>, %get3A_454 masked %reduce_sum3A_503 : vector<16xi32>, vector<16xi1> -> vector<16xi32>
      %reduce_sum3A_505 = vector.extract %reduce_sum3A_504[15] : i32 from vector<16xi32>
      %gt3A = arith.constant 0 : i32
      %gt3A_506 = arith.cmpi sgt, %reduce_sum3A_468, %gt3A : i32
      %convert_element_type3A_507 = arith.extui %gt3A_506 : i1 to i32
      %add3A_508 = arith.constant 1 : i32
      %add3A_509 = arith.addi %while3A_444, %add3A_508 : i32
      %eq3A_510 = arith.constant 1 : i32
      %eq3A_511 = arith.cmpi eq, %convert_element_type3A_507, %eq3A_510 : i32
      %add3A_512 = arith.addi %while3A_445, %reduce_sum3A_505 : i32
      %select_n3A_513 = arith.select %eq3A_511, %while3A_445, %add3A_512 : i32
      %eq3A_514 = arith.constant 1 : i32
      %eq3A_515 = arith.cmpi eq, %convert_element_type3A_507, %eq3A_514 : i32
      %select_n3A_516 = arith.select %eq3A_515, %reduce_sum3A_485, %while3A_446 : i32
      %eq3A_517 = arith.constant 1 : i32
      %eq3A_518 = arith.cmpi eq, %convert_element_type3A_507, %eq3A_517 : i32
      %select_n3A_519 = arith.select %eq3A_518, %sub3A_494, %while3A_447 : i32
      %eq3A_520 = arith.constant 1 : i32
      %eq3A_521 = arith.cmpi eq, %convert_element_type3A_507, %eq3A_520 : i32
      %select_n3A_522 = arith.select %eq3A_521, %reduce_sum3A_501, %while3A_448 : i32
      scf.yield %add3A_509, %select_n3A_513, %select_n3A_516, %select_n3A_519, %select_n3A_522, %convert_element_type3A_507 : i32, i32, i32, i32, i32, i32
    }
    %or3A_178 = arith.ori %shift_left3A_166, %while3A_177#2 : i32
    %lt3A_179 = arith.cmpi slt, %while3A_177#3, %while3A_177#4 : i32
    %convert_element_type3A_180 = arith.extui %lt3A_179 : i1 to i32
    %cond3A_181 = arith.constant 0 : i32
    %cond3A_182 = arith.cmpi ne, %convert_element_type3A_180, %cond3A_181 : i32
    scf.if %cond3A_182 {
      %parallel_loop3A_444 = arith.constant 0 : i32
      %parallel_loop3A_445 = arith.constant 16 : i32
      %parallel_loop3A_446 = arith.constant 1 : i32
      scf.for %parallel_loop3A_453 = %parallel_loop3A_444 to %parallel_loop3A_445 step %parallel_loop3A_446  : i32 {
        %parallel_loop3A_454 = arith.constant 0 : i32
        %parallel_loop3A_455 = vector.broadcast %parallel_loop3A_454 : i32 to vector<16xi32>
        %parallel_loop3A_456 = arith.constant 16 : i32
        %parallel_loop3A_457 = arith.muli %parallel_loop3A_453, %parallel_loop3A_456 : i32
        %parallel_loop3A_458 = arith.index_cast %parallel_loop3A_457 : i32 to index
        %parallel_loop3A_459 = tpu.vector_load %arg7[%parallel_loop3A_458] {strides = array<i32>} : memref<256xi32, #tpu.memory_space<vmem>>, vector<16xi32>,
        tpu.vector_store %arg7[%parallel_loop3A_458], %parallel_loop3A_455 {strides = array<i32>} : memref<256xi32, #tpu.memory_space<vmem>>, vector<16xi32>,
      } {sc.loop_unroll_factor = 4 : i64, sc.parallel_access}
      %shift_left3A_447 = arith.constant 8 : i32
      %shift_left3A_448 = arith.shli %or3A_178, %shift_left3A_447 : i32
      %parallel_loop3A_449 = arith.constant 0 : i32
      %parallel_loop3A_450 = arith.constant 2048 : i32
      %parallel_loop3A_451 = arith.constant 1 : i32
      %parallel_loop3A_452 = arith.constant 0 : i32
      scf.for %parallel_loop3A_453 = %parallel_loop3A_449 to %parallel_loop3A_450 step %parallel_loop3A_451  : i32 {
        %parallel_loop3A_454 = arith.constant 16 : i32
        %parallel_loop3A_455 = arith.muli %parallel_loop3A_453, %parallel_loop3A_454 : i32
        %parallel_loop3A_456 = arith.index_cast %parallel_loop3A_455 : i32 to index
        %parallel_loop3A_457 = tpu.vector_load %arg6[%parallel_loop3A_456] {strides = array<i32>} : memref<32768xi32, #tpu.memory_space<vmem>>, vector<16xi32>,
        %parallel_loop3A_458 = vector.broadcast %parallel_loop3A_452 : i32 to vector<16xi32>
        %parallel_loop3A_459 = arith.shrui %parallel_loop3A_457, %parallel_loop3A_458 : vector<16xi32>
        %parallel_loop3A_460 = vector.broadcast %shift_left3A_448 : i32 to vector<16xi32>
        %parallel_loop3A_461 = arith.subi %parallel_loop3A_459, %parallel_loop3A_460 : vector<16xi32>
        %parallel_loop3A_462 = arith.constant 256 : i32
        %parallel_loop3A_463 = vector.broadcast %parallel_loop3A_462 : i32 to vector<16xi32>
        %parallel_loop3A_464 = arith.cmpi ult, %parallel_loop3A_461, %parallel_loop3A_463 : vector<16xi32>
        tpu.vector_store_idx %arg7[%parallel_loop3A_461], %broadcast_in_dim3A_1 masked %parallel_loop3A_464 {add = true} : memref<256xi32, #tpu.memory_space<vmem>>[vector<16xi32>], vector<16xi32>, vector<16xi1>
      } {sc.loop_unroll_factor = 4 : i64, sc.parallel_access}
    } else {
    }
    %iota3A_183 = tpu.iota {dimensions = array<i32: 0>} : vector<16xi32>
    %while3A_184 = arith.constant 0 : i32
    %while3A_185 = arith.constant 0 : i32
    %while3A_186 = arith.constant 0 : i32
    %while3A_187 = arith.constant 0 : i32
    %while3A_188 = arith.constant 0 : i32
    %while3A_189:6 = scf.while (%while3A_444 = %while3A_184, %while3A_445 = %while3A_185, %while3A_446 = %while3A_186, %while3A_447 = %while3A_177#3, %while3A_448 = %while3A_187, %while3A_449 = %while3A_188) : (i32, i32, i32, i32, i32, i32) -> (i32, i32, i32, i32, i32, i32) {
      %eq3A = arith.constant 0 : i32
      %eq3A_450 = arith.cmpi eq, %while3A_449, %eq3A : i32
      %lt3A_451 = arith.constant 16 : i32
      %lt3A_452 = arith.cmpi slt, %while3A_444, %lt3A_451 : i32
      %and3A = arith.andi %eq3A_450, %lt3A_452 : i1
      scf.condition(%and3A) %while3A_444, %while3A_445, %while3A_446, %while3A_447, %while3A_448, %while3A_449 : i32, i32, i32, i32, i32, i32
    } do {
    ^bb0(%while3A_444: i32, %while3A_445: i32, %while3A_446: i32, %while3A_447: i32, %while3A_448: i32, %while3A_449: i32):
      %mul3A_450 = arith.constant 16 : i32
      %mul3A_451 = arith.muli %while3A_444, %mul3A_450 : i32
      %sub3A_452 = arith.constant 240 : i32
      %sub3A_453 = arith.subi %sub3A_452, %mul3A_451 : i32
      %get3A = arith.index_cast %sub3A_453 : i32 to index
      %get3A_454 = tpu.vector_load %arg7[%get3A] {strides = array<i32>} : memref<256xi32, #tpu.memory_space<vmem>>, vector<16xi32>,
      %rev3A = arith.constant 15 : i32
      %rev3A_455 = vector.broadcast %rev3A : i32 to vector<16xi32>
      %rev3A_456 = tpu.iota {dimensions = array<i32: 0>} : vector<16xi32>
      %rev3A_457 = arith.subi %rev3A_455, %rev3A_456 : vector<16xi32>
      %rev3A_458 = tpu.dynamic_gather %get3A_454[%rev3A_457] in [0] : vector<16xi32>, vector<16xi32> -> vector<16xi32>
      %cumsum3A = arith.constant true
      %cumsum3A_459 = vector.broadcast %cumsum3A : i1 to vector<16xi1>
      %cumsum3A_460 = tpu.scan <sum>, %rev3A_458 masked %cumsum3A_459 : vector<16xi32>, vector<16xi1> -> vector<16xi32>
      %add3A_461 = vector.broadcast %while3A_445 : i32 to vector<16xi32>
      %add3A_462 = arith.addi %cumsum3A_460, %add3A_461 : vector<16xi32>
      %ge3A_463 = vector.broadcast %while3A_177#3 : i32 to vector<16xi32>
      %ge3A_464 = arith.cmpi sge, %add3A_462, %ge3A_463 : vector<16xi32>
      %convert_element_type3A_465 = arith.extui %ge3A_464 : vector<16xi1> to vector<16xi32>
      %reduce_sum3A = arith.constant true
      %reduce_sum3A_466 = vector.broadcast %reduce_sum3A : i1 to vector<16xi1>
      %reduce_sum3A_467 = tpu.scan <sum>, %convert_element_type3A_465 masked %reduce_sum3A_466 : vector<16xi32>, vector<16xi1> -> vector<16xi32>
      %reduce_sum3A_468 = vector.extract %reduce_sum3A_467[15] : i32 from vector<16xi32>
      %convert_element_type3A_469 = arith.extui %ge3A_464 : vector<16xi1> to vector<16xi32>
      %cumsum3A_470 = arith.constant true
      %cumsum3A_471 = vector.broadcast %cumsum3A_470 : i1 to vector<16xi1>
      %cumsum3A_472 = tpu.scan <sum>, %convert_element_type3A_469 masked %cumsum3A_471 : vector<16xi32>, vector<16xi1> -> vector<16xi32>
      %eq3A = arith.constant 1 : i32
      %eq3A_473 = vector.broadcast %eq3A : i32 to vector<16xi32>
      %eq3A_474 = arith.cmpi eq, %cumsum3A_472, %eq3A_473 : vector<16xi32>
      %and3A = arith.andi %ge3A_464, %eq3A_474 : vector<16xi1>
      %add3A_475 = arith.constant 15 : i32
      %add3A_476 = arith.addi %sub3A_453, %add3A_475 : i32
      %sub3A_477 = vector.broadcast %add3A_476 : i32 to vector<16xi32>
      %sub3A_478 = arith.subi %sub3A_477, %iota3A_183 : vector<16xi32>
      %jit3A_479 = arith.constant 0 : i32
      %broadcast_in_dim3A_480 = vector.broadcast %jit3A_479 : i32 to vector<16xi32>
      %select_n3A_481 = arith.select %and3A, %sub3A_478, %broadcast_in_dim3A_480 : vector<16xi1>, vector<16xi32>
      %reduce_sum3A_482 = arith.constant true
      %reduce_sum3A_483 = vector.broadcast %reduce_sum3A_482 : i1 to vector<16xi1>
      %reduce_sum3A_484 = tpu.scan <sum>, %select_n3A_481 masked %reduce_sum3A_483 : vector<16xi32>, vector<16xi1> -> vector<16xi32>
      %reduce_sum3A_485 = vector.extract %reduce_sum3A_484[15] : i32 from vector<16xi32>
      %sub3A_486 = arith.subi %add3A_462, %rev3A_458 : vector<16xi32>
      %jit3A_487 = arith.constant 0 : i32
      %broadcast_in_dim3A_488 = vector.broadcast %jit3A_487 : i32 to vector<16xi32>
      %select_n3A_489 = arith.select %and3A, %sub3A_486, %broadcast_in_dim3A_488 : vector<16xi1>, vector<16xi32>
      %reduce_sum3A_490 = arith.constant true
      %reduce_sum3A_491 = vector.broadcast %reduce_sum3A_490 : i1 to vector<16xi1>
      %reduce_sum3A_492 = tpu.scan <sum>, %select_n3A_489 masked %reduce_sum3A_491 : vector<16xi32>, vector<16xi1> -> vector<16xi32>
      %reduce_sum3A_493 = vector.extract %reduce_sum3A_492[15] : i32 from vector<16xi32>
      %sub3A_494 = arith.subi %while3A_177#3, %reduce_sum3A_493 : i32
      %jit3A_495 = arith.constant 0 : i32
      %broadcast_in_dim3A_496 = vector.broadcast %jit3A_495 : i32 to vector<16xi32>
      %select_n3A_497 = arith.select %and3A, %rev3A_458, %broadcast_in_dim3A_496 : vector<16xi1>, vector<16xi32>
      %reduce_sum3A_498 = arith.constant true
      %reduce_sum3A_499 = vector.broadcast %reduce_sum3A_498 : i1 to vector<16xi1>
      %reduce_sum3A_500 = tpu.scan <sum>, %select_n3A_497 masked %reduce_sum3A_499 : vector<16xi32>, vector<16xi1> -> vector<16xi32>
      %reduce_sum3A_501 = vector.extract %reduce_sum3A_500[15] : i32 from vector<16xi32>
      %reduce_sum3A_502 = arith.constant true
      %reduce_sum3A_503 = vector.broadcast %reduce_sum3A_502 : i1 to vector<16xi1>
      %reduce_sum3A_504 = tpu.scan <sum>, %get3A_454 masked %reduce_sum3A_503 : vector<16xi32>, vector<16xi1> -> vector<16xi32>
      %reduce_sum3A_505 = vector.extract %reduce_sum3A_504[15] : i32 from vector<16xi32>
      %gt3A = arith.constant 0 : i32
      %gt3A_506 = arith.cmpi sgt, %reduce_sum3A_468, %gt3A : i32
      %convert_element_type3A_507 = arith.extui %gt3A_506 : i1 to i32
      %add3A_508 = arith.constant 1 : i32
      %add3A_509 = arith.addi %while3A_444, %add3A_508 : i32
      %eq3A_510 = arith.constant 1 : i32
      %eq3A_511 = arith.cmpi eq, %convert_element_type3A_507, %eq3A_510 : i32
      %add3A_512 = arith.addi %while3A_445, %reduce_sum3A_505 : i32
      %select_n3A_513 = arith.select %eq3A_511, %while3A_445, %add3A_512 : i32
      %eq3A_514 = arith.constant 1 : i32
      %eq3A_515 = arith.cmpi eq, %convert_element_type3A_507, %eq3A_514 : i32
      %select_n3A_516 = arith.select %eq3A_515, %reduce_sum3A_485, %while3A_446 : i32
      %eq3A_517 = arith.constant 1 : i32
      %eq3A_518 = arith.cmpi eq, %convert_element_type3A_507, %eq3A_517 : i32
      %select_n3A_519 = arith.select %eq3A_518, %sub3A_494, %while3A_447 : i32
      %eq3A_520 = arith.constant 1 : i32
      %eq3A_521 = arith.cmpi eq, %convert_element_type3A_507, %eq3A_520 : i32
      %select_n3A_522 = arith.select %eq3A_521, %reduce_sum3A_501, %while3A_448 : i32
      scf.yield %add3A_509, %select_n3A_513, %select_n3A_516, %select_n3A_519, %select_n3A_522, %convert_element_type3A_507 : i32, i32, i32, i32, i32, i32
    }
    %shift_left3A_190 = arith.constant 8 : i32
    %shift_left3A_191 = arith.shli %or3A_178, %shift_left3A_190 : i32
    %jit3A_192 = arith.constant 0 : i32
    %select_n3A_193 = arith.select %lt3A_179, %while3A_189#2, %jit3A_192 : i32
    %or3A_194 = arith.ori %shift_left3A_191, %select_n3A_193 : i32
    %ge3A_195 = arith.constant -2147483648 : i32
    %ge3A_196 = arith.cmpi uge, %or3A_194, %ge3A_195 : i32
    %xor3A_197 = arith.constant -2147483648 : i32
    %xor3A_198 = arith.xori %or3A_194, %xor3A_197 : i32
    %not3A_199 = arith.constant -1 : i32
    %not3A_200 = arith.xori %or3A_194, %not3A_199 : i32
    %select_n3A_201 = arith.select %ge3A_196, %xor3A_198, %not3A_200 : i32
    %bitcast_convert_type3A_202 = arith.bitcast %select_n3A_201 : i32 to f32
    %parallel_loop3A_203 = arith.constant 0 : i32
    %parallel_loop3A_204 = arith.constant 2048 : i32
    %parallel_loop3A_205 = arith.constant 1 : i32
    scf.for %parallel_loop3A_444 = %parallel_loop3A_203 to %parallel_loop3A_204 step %parallel_loop3A_205  : i32 {
      %parallel_loop3A_445 = arith.constant 16 : i32
      %parallel_loop3A_446 = arith.muli %parallel_loop3A_444, %parallel_loop3A_445 : i32
      %parallel_loop3A_447 = arith.index_cast %parallel_loop3A_446 : i32 to index
      %parallel_loop3A_448 = tpu.vector_load %arg5[%parallel_loop3A_447] {strides = array<i32>} : memref<32768xf32, #tpu.memory_space<vmem>>, vector<16xf32>,
      %parallel_loop3A_449 = vector.broadcast %bitcast_convert_type3A_202 : f32 to vector<16xf32>
      %parallel_loop3A_450 = arith.cmpf oge, %parallel_loop3A_448, %parallel_loop3A_449 : vector<16xf32>
      %parallel_loop3A_451 = arith.constant 0.000000e+00 : f32
      %parallel_loop3A_452 = vector.broadcast %parallel_loop3A_451 : f32 to vector<16xf32>
      %parallel_loop3A_453 = arith.maximumf %parallel_loop3A_448, %parallel_loop3A_452 : vector<16xf32>
      %parallel_loop3A_454 = arith.constant 0.000000e+00 : f32
      %parallel_loop3A_455 = vector.broadcast %parallel_loop3A_454 : f32 to vector<16xf32>
      %parallel_loop3A_456 = arith.select %parallel_loop3A_450, %parallel_loop3A_453, %parallel_loop3A_455 : vector<16xi1>, vector<16xf32>
      %parallel_loop3A_457 = arith.constant 16 : i32
      %parallel_loop3A_458 = arith.muli %parallel_loop3A_444, %parallel_loop3A_457 : i32
      %parallel_loop3A_459 = arith.index_cast %parallel_loop3A_458 : i32 to index
      %parallel_loop3A_460 = tpu.vector_load %arg5[%parallel_loop3A_459] {strides = array<i32>} : memref<32768xf32, #tpu.memory_space<vmem>>, vector<16xf32>,
      tpu.vector_store %arg5[%parallel_loop3A_459], %parallel_loop3A_456 {strides = array<i32>} : memref<32768xf32, #tpu.memory_space<vmem>>, vector<16xf32>,
    } {sc.loop_unroll_factor = 4 : i64, sc.parallel_access}
    %add3A_206 = arith.constant 1 : i32
    %add3A_207 = arith.addi %mul3A_3, %add3A_206 : i32
    %dma_start3A_208 = arith.constant 0 : i32
    %dma_start3A_209 = tpu.memref_slice %arg3[%add3A_207, %dma_start3A_208] : memref<128x32768xf32, #tpu.memory_space<hbm>> -> memref<1x32768xf32, #tpu.memory_space<hbm>>
    %dma_start3A_210 = tpu.memref_squeeze %dma_start3A_209 : memref<1x32768xf32, #tpu.memory_space<hbm>> -> memref<32768xf32, #tpu.memory_space<hbm>>
    %dma_start3A_211 = arith.constant 0 : i32
    %dma_start3A_212 = tpu.memref_slice %arg3[%add3A_207, %dma_start3A_211] : memref<128x32768xf32, #tpu.memory_space<hbm>> -> memref<1x32768xf32, #tpu.memory_space<hbm>>
    %dma_start3A_213 = tpu.memref_squeeze %dma_start3A_212 : memref<1x32768xf32, #tpu.memory_space<hbm>> -> memref<32768xf32, #tpu.memory_space<hbm>>
    tpu.enqueue_dma source(%arg5 : memref<32768xf32, #tpu.memory_space<vmem>>) target(%dma_start3A_213 : memref<32768xf32, #tpu.memory_space<hbm>>) target_semaphore(%arg12 : memref<!tpu.dma_semaphore, #tpu.memory_space<semaphore_mem>>)
    %add3A_214 = arith.constant 2 : i32
    %add3A_215 = arith.addi %mul3A_3, %add3A_214 : i32
    %dma_wait3A_216 = arith.constant 0 : i32
    %dma_wait3A_217 = tpu.memref_slice %arg2[%add3A_215, %dma_wait3A_216] : memref<128x32768xf32, #tpu.memory_space<hbm>> -> memref<1x32768xf32, #tpu.memory_space<hbm>>
    %dma_wait3A_218 = tpu.memref_squeeze %dma_wait3A_217 : memref<1x32768xf32, #tpu.memory_space<hbm>> -> memref<32768xf32, #tpu.memory_space<hbm>>
    %dma_wait3A_219 = arith.constant 0 : i32
    %dma_wait3A_220 = tpu.memref_slice %arg2[%add3A_215, %dma_wait3A_219] : memref<128x32768xf32, #tpu.memory_space<hbm>> -> memref<1x32768xf32, #tpu.memory_space<hbm>>
    %dma_wait3A_221 = tpu.memref_squeeze %dma_wait3A_220 : memref<1x32768xf32, #tpu.memory_space<hbm>> -> memref<32768xf32, #tpu.memory_space<hbm>>
    tpu.wait_dma2 semaphore(%arg9 : memref<!tpu.dma_semaphore, #tpu.memory_space<semaphore_mem>>) src(%dma_wait3A_221 : memref<32768xf32, #tpu.memory_space<hbm>>) dst(%arg4 : memref<32768xf32, #tpu.memory_space<vmem>>)
    %shift_left3A_222 = arith.constant 191 : i32
    %shift_left3A_223 = arith.constant 8 : i32
    %shift_left3A_224 = arith.shli %shift_left3A_222, %shift_left3A_223 : i32
    %parallel_loop3A_225 = arith.constant 0 : i32
    %parallel_loop3A_226 = arith.constant 16 : i32
    %parallel_loop3A_227 = arith.constant 1 : i32
    scf.for %parallel_loop3A_444 = %parallel_loop3A_225 to %parallel_loop3A_226 step %parallel_loop3A_227  : i32 {
      %parallel_loop3A_445 = arith.constant 0 : i32
      %parallel_loop3A_446 = vector.broadcast %parallel_loop3A_445 : i32 to vector<16xi32>
      %parallel_loop3A_447 = arith.constant 16 : i32
      %parallel_loop3A_448 = arith.muli %parallel_loop3A_444, %parallel_loop3A_447 : i32
      %parallel_loop3A_449 = arith.index_cast %parallel_loop3A_448 : i32 to index
      %parallel_loop3A_450 = tpu.vector_load %arg7[%parallel_loop3A_449] {strides = array<i32>} : memref<256xi32, #tpu.memory_space<vmem>>, vector<16xi32>,
      tpu.vector_store %arg7[%parallel_loop3A_449], %parallel_loop3A_446 {strides = array<i32>} : memref<256xi32, #tpu.memory_space<vmem>>, vector<16xi32>,
    } {sc.loop_unroll_factor = 4 : i64, sc.parallel_access}
    %parallel_loop3A_228 = arith.constant 0 : i32
    %parallel_loop3A_229 = arith.constant 16 : i32
    %parallel_loop3A_230 = arith.constant 1 : i32
    scf.for %parallel_loop3A_444 = %parallel_loop3A_228 to %parallel_loop3A_229 step %parallel_loop3A_230  : i32 {
      %parallel_loop3A_445 = arith.constant 0 : i32
      %parallel_loop3A_446 = vector.broadcast %parallel_loop3A_445 : i32 to vector<16xi32>
      %parallel_loop3A_447 = arith.constant 16 : i32
      %parallel_loop3A_448 = arith.muli %parallel_loop3A_444, %parallel_loop3A_447 : i32
      %parallel_loop3A_449 = arith.index_cast %parallel_loop3A_448 : i32 to index
      %parallel_loop3A_450 = tpu.vector_load %arg8[%parallel_loop3A_449] {strides = array<i32>} : memref<256xi32, #tpu.memory_space<vmem>>, vector<16xi32>,
      tpu.vector_store %arg8[%parallel_loop3A_449], %parallel_loop3A_446 {strides = array<i32>} : memref<256xi32, #tpu.memory_space<vmem>>, vector<16xi32>,
    } {sc.loop_unroll_factor = 4 : i64, sc.parallel_access}
    %parallel_loop3A_231 = arith.constant 0 : i32
    %parallel_loop3A_232 = arith.constant 2048 : i32
    %parallel_loop3A_233 = arith.constant 1 : i32
    scf.for %parallel_loop3A_444 = %parallel_loop3A_231 to %parallel_loop3A_232 step %parallel_loop3A_233  : i32 {
      %parallel_loop3A_445 = arith.constant 16 : i32
      %parallel_loop3A_446 = arith.muli %parallel_loop3A_444, %parallel_loop3A_445 : i32
      %parallel_loop3A_447 = arith.index_cast %parallel_loop3A_446 : i32 to index
      %parallel_loop3A_448 = tpu.vector_load %arg4[%parallel_loop3A_447] {strides = array<i32>} : memref<32768xf32, #tpu.memory_space<vmem>>, vector<16xf32>,
      %parallel_loop3A_449 = tpu.bitcast %parallel_loop3A_448 : vector<16xf32> -> vector<16xi32>
      %parallel_loop3A_450 = arith.constant 31 : i32
      %parallel_loop3A_451 = vector.broadcast %parallel_loop3A_450 : i32 to vector<16xi32>
      %parallel_loop3A_452 = arith.shrsi %parallel_loop3A_449, %parallel_loop3A_451 : vector<16xi32>
      %parallel_loop3A_453 = arith.constant -2147483648 : i32
      %parallel_loop3A_454 = vector.broadcast %parallel_loop3A_453 : i32 to vector<16xi32>
      %parallel_loop3A_455 = arith.ori %parallel_loop3A_452, %parallel_loop3A_454 : vector<16xi32>
      %parallel_loop3A_456 = arith.xori %parallel_loop3A_449, %parallel_loop3A_455 : vector<16xi32>
      %parallel_loop3A_457 = arith.constant 16 : i32
      %parallel_loop3A_458 = arith.muli %parallel_loop3A_444, %parallel_loop3A_457 : i32
      %parallel_loop3A_459 = arith.index_cast %parallel_loop3A_458 : i32 to index
      %parallel_loop3A_460 = tpu.vector_load %arg6[%parallel_loop3A_459] {strides = array<i32>} : memref<32768xi32, #tpu.memory_space<vmem>>, vector<16xi32>,
      tpu.vector_store %arg6[%parallel_loop3A_459], %parallel_loop3A_456 {strides = array<i32>} : memref<32768xi32, #tpu.memory_space<vmem>>, vector<16xi32>,
      %parallel_loop3A_461 = arith.constant 24 : i32
      %parallel_loop3A_462 = vector.broadcast %parallel_loop3A_461 : i32 to vector<16xi32>
      %parallel_loop3A_463 = arith.shrui %parallel_loop3A_456, %parallel_loop3A_462 : vector<16xi32>
      tpu.vector_store_idx %arg7[%parallel_loop3A_463], %broadcast_in_dim3A_1 {add = true} : memref<256xi32, #tpu.memory_space<vmem>>[vector<16xi32>], vector<16xi32>,
      %parallel_loop3A_464 = arith.constant 16 : i32
      %parallel_loop3A_465 = vector.broadcast %parallel_loop3A_464 : i32 to vector<16xi32>
      %parallel_loop3A_466 = arith.shrui %parallel_loop3A_456, %parallel_loop3A_465 : vector<16xi32>
      %parallel_loop3A_467 = vector.broadcast %shift_left3A_224 : i32 to vector<16xi32>
      %parallel_loop3A_468 = arith.subi %parallel_loop3A_466, %parallel_loop3A_467 : vector<16xi32>
      %parallel_loop3A_469 = arith.constant 256 : i32
      %parallel_loop3A_470 = vector.broadcast %parallel_loop3A_469 : i32 to vector<16xi32>
      %parallel_loop3A_471 = arith.cmpi ult, %parallel_loop3A_468, %parallel_loop3A_470 : vector<16xi32>
      tpu.vector_store_idx %arg8[%parallel_loop3A_468], %broadcast_in_dim3A_1 masked %parallel_loop3A_471 {add = true} : memref<256xi32, #tpu.memory_space<vmem>>[vector<16xi32>], vector<16xi32>, vector<16xi1>
    } {sc.loop_unroll_factor = 4 : i64, sc.parallel_access}
    %add3A_234 = arith.constant 2 : i32
    %add3A_235 = arith.addi %mul3A_3, %add3A_234 : i32
    %sub3A_236 = arith.constant 1 : i32
    %sub3A_237 = arith.subi %add3A_235, %sub3A_236 : i32
    %dma_wait3A_238 = arith.constant 0 : i32
    %dma_wait3A_239 = tpu.memref_slice %arg3[%sub3A_237, %dma_wait3A_238] : memref<128x32768xf32, #tpu.memory_space<hbm>> -> memref<1x32768xf32, #tpu.memory_space<hbm>>
    %dma_wait3A_240 = tpu.memref_squeeze %dma_wait3A_239 : memref<1x32768xf32, #tpu.memory_space<hbm>> -> memref<32768xf32, #tpu.memory_space<hbm>>
    %dma_wait3A_241 = arith.constant 0 : i32
    %dma_wait3A_242 = tpu.memref_slice %arg3[%sub3A_237, %dma_wait3A_241] : memref<128x32768xf32, #tpu.memory_space<hbm>> -> memref<1x32768xf32, #tpu.memory_space<hbm>>
    %dma_wait3A_243 = tpu.memref_squeeze %dma_wait3A_242 : memref<1x32768xf32, #tpu.memory_space<hbm>> -> memref<32768xf32, #tpu.memory_space<hbm>>
    tpu.wait_dma2 semaphore(%arg12 : memref<!tpu.dma_semaphore, #tpu.memory_space<semaphore_mem>>) src(%arg5 : memref<32768xf32, #tpu.memory_space<vmem>>) dst(%dma_wait3A_243 : memref<32768xf32, #tpu.memory_space<hbm>>)
    %add3A_244 = arith.constant 2 : i32
    %add3A_245 = arith.addi %mul3A_3, %add3A_244 : i32
    %add3A_246 = arith.constant 1 : i32
    %add3A_247 = arith.addi %add3A_245, %add3A_246 : i32
    %dma_start3A_248 = arith.constant 0 : i32
    %dma_start3A_249 = tpu.memref_slice %arg2[%add3A_247, %dma_start3A_248] : memref<128x32768xf32, #tpu.memory_space<hbm>> -> memref<1x32768xf32, #tpu.memory_space<hbm>>
    %dma_start3A_250 = tpu.memref_squeeze %dma_start3A_249 : memref<1x32768xf32, #tpu.memory_space<hbm>> -> memref<32768xf32, #tpu.memory_space<hbm>>
    %dma_start3A_251 = arith.constant 0 : i32
    %dma_start3A_252 = tpu.memref_slice %arg2[%add3A_247, %dma_start3A_251] : memref<128x32768xf32, #tpu.memory_space<hbm>> -> memref<1x32768xf32, #tpu.memory_space<hbm>>
    %dma_start3A_253 = tpu.memref_squeeze %dma_start3A_252 : memref<1x32768xf32, #tpu.memory_space<hbm>> -> memref<32768xf32, #tpu.memory_space<hbm>>
    tpu.enqueue_dma source(%dma_start3A_253 : memref<32768xf32, #tpu.memory_space<hbm>>) target(%arg5 : memref<32768xf32, #tpu.memory_space<vmem>>) target_semaphore(%arg10 : memref<!tpu.dma_semaphore, #tpu.memory_space<semaphore_mem>>)
    %iota3A_254 = tpu.iota {dimensions = array<i32: 0>} : vector<16xi32>
    %while3A_255 = arith.constant 2048 : i32
    %while3A_256 = arith.constant 0 : i32
    %while3A_257 = arith.constant 0 : i32
    %while3A_258 = arith.constant 0 : i32
    %while3A_259 = arith.constant 2048 : i32
    %while3A_260 = arith.constant 0 : i32
    %while3A_261 = arith.constant 0 : i32
    %while3A_262:6 = scf.while (%while3A_444 = %while3A_256, %while3A_445 = %while3A_257, %while3A_446 = %while3A_258, %while3A_447 = %while3A_259, %while3A_448 = %while3A_260, %while3A_449 = %while3A_261) : (i32, i32, i32, i32, i32, i32) -> (i32, i32, i32, i32, i32, i32) {
      %eq3A = arith.constant 0 : i32
      %eq3A_450 = arith.cmpi eq, %while3A_449, %eq3A : i32
      %lt3A_451 = arith.constant 16 : i32
      %lt3A_452 = arith.cmpi slt, %while3A_444, %lt3A_451 : i32
      %and3A = arith.andi %eq3A_450, %lt3A_452 : i1
      scf.condition(%and3A) %while3A_444, %while3A_445, %while3A_446, %while3A_447, %while3A_448, %while3A_449 : i32, i32, i32, i32, i32, i32
    } do {
    ^bb0(%while3A_444: i32, %while3A_445: i32, %while3A_446: i32, %while3A_447: i32, %while3A_448: i32, %while3A_449: i32):
      %mul3A_450 = arith.constant 16 : i32
      %mul3A_451 = arith.muli %while3A_444, %mul3A_450 : i32
      %sub3A_452 = arith.constant 240 : i32
      %sub3A_453 = arith.subi %sub3A_452, %mul3A_451 : i32
      %get3A = arith.index_cast %sub3A_453 : i32 to index
      %get3A_454 = tpu.vector_load %arg7[%get3A] {strides = array<i32>} : memref<256xi32, #tpu.memory_space<vmem>>, vector<16xi32>,
      %rev3A = arith.constant 15 : i32
      %rev3A_455 = vector.broadcast %rev3A : i32 to vector<16xi32>
      %rev3A_456 = tpu.iota {dimensions = array<i32: 0>} : vector<16xi32>
      %rev3A_457 = arith.subi %rev3A_455, %rev3A_456 : vector<16xi32>
      %rev3A_458 = tpu.dynamic_gather %get3A_454[%rev3A_457] in [0] : vector<16xi32>, vector<16xi32> -> vector<16xi32>
      %cumsum3A = arith.constant true
      %cumsum3A_459 = vector.broadcast %cumsum3A : i1 to vector<16xi1>
      %cumsum3A_460 = tpu.scan <sum>, %rev3A_458 masked %cumsum3A_459 : vector<16xi32>, vector<16xi1> -> vector<16xi32>
      %add3A_461 = vector.broadcast %while3A_445 : i32 to vector<16xi32>
      %add3A_462 = arith.addi %cumsum3A_460, %add3A_461 : vector<16xi32>
      %ge3A_463 = vector.broadcast %while3A_255 : i32 to vector<16xi32>
      %ge3A_464 = arith.cmpi sge, %add3A_462, %ge3A_463 : vector<16xi32>
      %convert_element_type3A_465 = arith.extui %ge3A_464 : vector<16xi1> to vector<16xi32>
      %reduce_sum3A = arith.constant true
      %reduce_sum3A_466 = vector.broadcast %reduce_sum3A : i1 to vector<16xi1>
      %reduce_sum3A_467 = tpu.scan <sum>, %convert_element_type3A_465 masked %reduce_sum3A_466 : vector<16xi32>, vector<16xi1> -> vector<16xi32>
      %reduce_sum3A_468 = vector.extract %reduce_sum3A_467[15] : i32 from vector<16xi32>
      %convert_element_type3A_469 = arith.extui %ge3A_464 : vector<16xi1> to vector<16xi32>
      %cumsum3A_470 = arith.constant true
      %cumsum3A_471 = vector.broadcast %cumsum3A_470 : i1 to vector<16xi1>
      %cumsum3A_472 = tpu.scan <sum>, %convert_element_type3A_469 masked %cumsum3A_471 : vector<16xi32>, vector<16xi1> -> vector<16xi32>
      %eq3A = arith.constant 1 : i32
      %eq3A_473 = vector.broadcast %eq3A : i32 to vector<16xi32>
      %eq3A_474 = arith.cmpi eq, %cumsum3A_472, %eq3A_473 : vector<16xi32>
      %and3A = arith.andi %ge3A_464, %eq3A_474 : vector<16xi1>
      %add3A_475 = arith.constant 15 : i32
      %add3A_476 = arith.addi %sub3A_453, %add3A_475 : i32
      %sub3A_477 = vector.broadcast %add3A_476 : i32 to vector<16xi32>
      %sub3A_478 = arith.subi %sub3A_477, %iota3A_254 : vector<16xi32>
      %jit3A_479 = arith.constant 0 : i32
      %broadcast_in_dim3A_480 = vector.broadcast %jit3A_479 : i32 to vector<16xi32>
      %select_n3A_481 = arith.select %and3A, %sub3A_478, %broadcast_in_dim3A_480 : vector<16xi1>, vector<16xi32>
      %reduce_sum3A_482 = arith.constant true
      %reduce_sum3A_483 = vector.broadcast %reduce_sum3A_482 : i1 to vector<16xi1>
      %reduce_sum3A_484 = tpu.scan <sum>, %select_n3A_481 masked %reduce_sum3A_483 : vector<16xi32>, vector<16xi1> -> vector<16xi32>
      %reduce_sum3A_485 = vector.extract %reduce_sum3A_484[15] : i32 from vector<16xi32>
      %sub3A_486 = arith.subi %add3A_462, %rev3A_458 : vector<16xi32>
      %jit3A_487 = arith.constant 0 : i32
      %broadcast_in_dim3A_488 = vector.broadcast %jit3A_487 : i32 to vector<16xi32>
      %select_n3A_489 = arith.select %and3A, %sub3A_486, %broadcast_in_dim3A_488 : vector<16xi1>, vector<16xi32>
      %reduce_sum3A_490 = arith.constant true
      %reduce_sum3A_491 = vector.broadcast %reduce_sum3A_490 : i1 to vector<16xi1>
      %reduce_sum3A_492 = tpu.scan <sum>, %select_n3A_489 masked %reduce_sum3A_491 : vector<16xi32>, vector<16xi1> -> vector<16xi32>
      %reduce_sum3A_493 = vector.extract %reduce_sum3A_492[15] : i32 from vector<16xi32>
      %sub3A_494 = arith.subi %while3A_255, %reduce_sum3A_493 : i32
      %jit3A_495 = arith.constant 0 : i32
      %broadcast_in_dim3A_496 = vector.broadcast %jit3A_495 : i32 to vector<16xi32>
      %select_n3A_497 = arith.select %and3A, %rev3A_458, %broadcast_in_dim3A_496 : vector<16xi1>, vector<16xi32>
      %reduce_sum3A_498 = arith.constant true
      %reduce_sum3A_499 = vector.broadcast %reduce_sum3A_498 : i1 to vector<16xi1>
      %reduce_sum3A_500 = tpu.scan <sum>, %select_n3A_497 masked %reduce_sum3A_499 : vector<16xi32>, vector<16xi1> -> vector<16xi32>
      %reduce_sum3A_501 = vector.extract %reduce_sum3A_500[15] : i32 from vector<16xi32>
      %reduce_sum3A_502 = arith.constant true
      %reduce_sum3A_503 = vector.broadcast %reduce_sum3A_502 : i1 to vector<16xi1>
      %reduce_sum3A_504 = tpu.scan <sum>, %get3A_454 masked %reduce_sum3A_503 : vector<16xi32>, vector<16xi1> -> vector<16xi32>
      %reduce_sum3A_505 = vector.extract %reduce_sum3A_504[15] : i32 from vector<16xi32>
      %gt3A = arith.constant 0 : i32
      %gt3A_506 = arith.cmpi sgt, %reduce_sum3A_468, %gt3A : i32
      %convert_element_type3A_507 = arith.extui %gt3A_506 : i1 to i32
      %add3A_508 = arith.constant 1 : i32
      %add3A_509 = arith.addi %while3A_444, %add3A_508 : i32
      %eq3A_510 = arith.constant 1 : i32
      %eq3A_511 = arith.cmpi eq, %convert_element_type3A_507, %eq3A_510 : i32
      %add3A_512 = arith.addi %while3A_445, %reduce_sum3A_505 : i32
      %select_n3A_513 = arith.select %eq3A_511, %while3A_445, %add3A_512 : i32
      %eq3A_514 = arith.constant 1 : i32
      %eq3A_515 = arith.cmpi eq, %convert_element_type3A_507, %eq3A_514 : i32
      %select_n3A_516 = arith.select %eq3A_515, %reduce_sum3A_485, %while3A_446 : i32
      %eq3A_517 = arith.constant 1 : i32
      %eq3A_518 = arith.cmpi eq, %convert_element_type3A_507, %eq3A_517 : i32
      %select_n3A_519 = arith.select %eq3A_518, %sub3A_494, %while3A_447 : i32
      %eq3A_520 = arith.constant 1 : i32
      %eq3A_521 = arith.cmpi eq, %convert_element_type3A_507, %eq3A_520 : i32
      %select_n3A_522 = arith.select %eq3A_521, %reduce_sum3A_501, %while3A_448 : i32
      scf.yield %add3A_509, %select_n3A_513, %select_n3A_516, %select_n3A_519, %select_n3A_522, %convert_element_type3A_507 : i32, i32, i32, i32, i32, i32
    }
    %ne3A_263 = arith.constant 191 : i32
    %ne3A_264 = arith.cmpi ne, %while3A_262#2, %ne3A_263 : i32
    %convert_element_type3A_265 = arith.extui %ne3A_264 : i1 to i32
    %cond3A_266 = arith.constant 0 : i32
    %cond3A_267 = arith.cmpi ne, %convert_element_type3A_265, %cond3A_266 : i32
    scf.if %cond3A_267 {
      %parallel_loop3A_444 = arith.constant 0 : i32
      %parallel_loop3A_445 = arith.constant 16 : i32
      %parallel_loop3A_446 = arith.constant 1 : i32
      scf.for %parallel_loop3A_453 = %parallel_loop3A_444 to %parallel_loop3A_445 step %parallel_loop3A_446  : i32 {
        %parallel_loop3A_454 = arith.constant 0 : i32
        %parallel_loop3A_455 = vector.broadcast %parallel_loop3A_454 : i32 to vector<16xi32>
        %parallel_loop3A_456 = arith.constant 16 : i32
        %parallel_loop3A_457 = arith.muli %parallel_loop3A_453, %parallel_loop3A_456 : i32
        %parallel_loop3A_458 = arith.index_cast %parallel_loop3A_457 : i32 to index
        %parallel_loop3A_459 = tpu.vector_load %arg8[%parallel_loop3A_458] {strides = array<i32>} : memref<256xi32, #tpu.memory_space<vmem>>, vector<16xi32>,
        tpu.vector_store %arg8[%parallel_loop3A_458], %parallel_loop3A_455 {strides = array<i32>} : memref<256xi32, #tpu.memory_space<vmem>>, vector<16xi32>,
      } {sc.loop_unroll_factor = 4 : i64, sc.parallel_access}
      %shift_left3A_447 = arith.constant 8 : i32
      %shift_left3A_448 = arith.shli %while3A_262#2, %shift_left3A_447 : i32
      %parallel_loop3A_449 = arith.constant 0 : i32
      %parallel_loop3A_450 = arith.constant 2048 : i32
      %parallel_loop3A_451 = arith.constant 1 : i32
      %parallel_loop3A_452 = arith.constant 16 : i32
      scf.for %parallel_loop3A_453 = %parallel_loop3A_449 to %parallel_loop3A_450 step %parallel_loop3A_451  : i32 {
        %parallel_loop3A_454 = arith.constant 16 : i32
        %parallel_loop3A_455 = arith.muli %parallel_loop3A_453, %parallel_loop3A_454 : i32
        %parallel_loop3A_456 = arith.index_cast %parallel_loop3A_455 : i32 to index
        %parallel_loop3A_457 = tpu.vector_load %arg6[%parallel_loop3A_456] {strides = array<i32>} : memref<32768xi32, #tpu.memory_space<vmem>>, vector<16xi32>,
        %parallel_loop3A_458 = vector.broadcast %parallel_loop3A_452 : i32 to vector<16xi32>
        %parallel_loop3A_459 = arith.shrui %parallel_loop3A_457, %parallel_loop3A_458 : vector<16xi32>
        %parallel_loop3A_460 = vector.broadcast %shift_left3A_448 : i32 to vector<16xi32>
        %parallel_loop3A_461 = arith.subi %parallel_loop3A_459, %parallel_loop3A_460 : vector<16xi32>
        %parallel_loop3A_462 = arith.constant 256 : i32
        %parallel_loop3A_463 = vector.broadcast %parallel_loop3A_462 : i32 to vector<16xi32>
        %parallel_loop3A_464 = arith.cmpi ult, %parallel_loop3A_461, %parallel_loop3A_463 : vector<16xi32>
        tpu.vector_store_idx %arg8[%parallel_loop3A_461], %broadcast_in_dim3A_1 masked %parallel_loop3A_464 {add = true} : memref<256xi32, #tpu.memory_space<vmem>>[vector<16xi32>], vector<16xi32>, vector<16xi1>
      } {sc.loop_unroll_factor = 4 : i64, sc.parallel_access}
    } else {
    }
    %iota3A_268 = tpu.iota {dimensions = array<i32: 0>} : vector<16xi32>
    %while3A_269 = arith.constant 0 : i32
    %while3A_270 = arith.constant 0 : i32
    %while3A_271 = arith.constant 0 : i32
    %while3A_272 = arith.constant 0 : i32
    %while3A_273 = arith.constant 0 : i32
    %while3A_274:6 = scf.while (%while3A_444 = %while3A_269, %while3A_445 = %while3A_270, %while3A_446 = %while3A_271, %while3A_447 = %while3A_262#3, %while3A_448 = %while3A_272, %while3A_449 = %while3A_273) : (i32, i32, i32, i32, i32, i32) -> (i32, i32, i32, i32, i32, i32) {
      %eq3A = arith.constant 0 : i32
      %eq3A_450 = arith.cmpi eq, %while3A_449, %eq3A : i32
      %lt3A_451 = arith.constant 16 : i32
      %lt3A_452 = arith.cmpi slt, %while3A_444, %lt3A_451 : i32
      %and3A = arith.andi %eq3A_450, %lt3A_452 : i1
      scf.condition(%and3A) %while3A_444, %while3A_445, %while3A_446, %while3A_447, %while3A_448, %while3A_449 : i32, i32, i32, i32, i32, i32
    } do {
    ^bb0(%while3A_444: i32, %while3A_445: i32, %while3A_446: i32, %while3A_447: i32, %while3A_448: i32, %while3A_449: i32):
      %mul3A_450 = arith.constant 16 : i32
      %mul3A_451 = arith.muli %while3A_444, %mul3A_450 : i32
      %sub3A_452 = arith.constant 240 : i32
      %sub3A_453 = arith.subi %sub3A_452, %mul3A_451 : i32
      %get3A = arith.index_cast %sub3A_453 : i32 to index
      %get3A_454 = tpu.vector_load %arg8[%get3A] {strides = array<i32>} : memref<256xi32, #tpu.memory_space<vmem>>, vector<16xi32>,
      %rev3A = arith.constant 15 : i32
      %rev3A_455 = vector.broadcast %rev3A : i32 to vector<16xi32>
      %rev3A_456 = tpu.iota {dimensions = array<i32: 0>} : vector<16xi32>
      %rev3A_457 = arith.subi %rev3A_455, %rev3A_456 : vector<16xi32>
      %rev3A_458 = tpu.dynamic_gather %get3A_454[%rev3A_457] in [0] : vector<16xi32>, vector<16xi32> -> vector<16xi32>
      %cumsum3A = arith.constant true
      %cumsum3A_459 = vector.broadcast %cumsum3A : i1 to vector<16xi1>
      %cumsum3A_460 = tpu.scan <sum>, %rev3A_458 masked %cumsum3A_459 : vector<16xi32>, vector<16xi1> -> vector<16xi32>
      %add3A_461 = vector.broadcast %while3A_445 : i32 to vector<16xi32>
      %add3A_462 = arith.addi %cumsum3A_460, %add3A_461 : vector<16xi32>
      %ge3A_463 = vector.broadcast %while3A_262#3 : i32 to vector<16xi32>
      %ge3A_464 = arith.cmpi sge, %add3A_462, %ge3A_463 : vector<16xi32>
      %convert_element_type3A_465 = arith.extui %ge3A_464 : vector<16xi1> to vector<16xi32>
      %reduce_sum3A = arith.constant true
      %reduce_sum3A_466 = vector.broadcast %reduce_sum3A : i1 to vector<16xi1>
      %reduce_sum3A_467 = tpu.scan <sum>, %convert_element_type3A_465 masked %reduce_sum3A_466 : vector<16xi32>, vector<16xi1> -> vector<16xi32>
      %reduce_sum3A_468 = vector.extract %reduce_sum3A_467[15] : i32 from vector<16xi32>
      %convert_element_type3A_469 = arith.extui %ge3A_464 : vector<16xi1> to vector<16xi32>
      %cumsum3A_470 = arith.constant true
      %cumsum3A_471 = vector.broadcast %cumsum3A_470 : i1 to vector<16xi1>
      %cumsum3A_472 = tpu.scan <sum>, %convert_element_type3A_469 masked %cumsum3A_471 : vector<16xi32>, vector<16xi1> -> vector<16xi32>
      %eq3A = arith.constant 1 : i32
      %eq3A_473 = vector.broadcast %eq3A : i32 to vector<16xi32>
      %eq3A_474 = arith.cmpi eq, %cumsum3A_472, %eq3A_473 : vector<16xi32>
      %and3A = arith.andi %ge3A_464, %eq3A_474 : vector<16xi1>
      %add3A_475 = arith.constant 15 : i32
      %add3A_476 = arith.addi %sub3A_453, %add3A_475 : i32
      %sub3A_477 = vector.broadcast %add3A_476 : i32 to vector<16xi32>
      %sub3A_478 = arith.subi %sub3A_477, %iota3A_268 : vector<16xi32>
      %jit3A_479 = arith.constant 0 : i32
      %broadcast_in_dim3A_480 = vector.broadcast %jit3A_479 : i32 to vector<16xi32>
      %select_n3A_481 = arith.select %and3A, %sub3A_478, %broadcast_in_dim3A_480 : vector<16xi1>, vector<16xi32>
      %reduce_sum3A_482 = arith.constant true
      %reduce_sum3A_483 = vector.broadcast %reduce_sum3A_482 : i1 to vector<16xi1>
      %reduce_sum3A_484 = tpu.scan <sum>, %select_n3A_481 masked %reduce_sum3A_483 : vector<16xi32>, vector<16xi1> -> vector<16xi32>
      %reduce_sum3A_485 = vector.extract %reduce_sum3A_484[15] : i32 from vector<16xi32>
      %sub3A_486 = arith.subi %add3A_462, %rev3A_458 : vector<16xi32>
      %jit3A_487 = arith.constant 0 : i32
      %broadcast_in_dim3A_488 = vector.broadcast %jit3A_487 : i32 to vector<16xi32>
      %select_n3A_489 = arith.select %and3A, %sub3A_486, %broadcast_in_dim3A_488 : vector<16xi1>, vector<16xi32>
      %reduce_sum3A_490 = arith.constant true
      %reduce_sum3A_491 = vector.broadcast %reduce_sum3A_490 : i1 to vector<16xi1>
      %reduce_sum3A_492 = tpu.scan <sum>, %select_n3A_489 masked %reduce_sum3A_491 : vector<16xi32>, vector<16xi1> -> vector<16xi32>
      %reduce_sum3A_493 = vector.extract %reduce_sum3A_492[15] : i32 from vector<16xi32>
      %sub3A_494 = arith.subi %while3A_262#3, %reduce_sum3A_493 : i32
      %jit3A_495 = arith.constant 0 : i32
      %broadcast_in_dim3A_496 = vector.broadcast %jit3A_495 : i32 to vector<16xi32>
      %select_n3A_497 = arith.select %and3A, %rev3A_458, %broadcast_in_dim3A_496 : vector<16xi1>, vector<16xi32>
      %reduce_sum3A_498 = arith.constant true
      %reduce_sum3A_499 = vector.broadcast %reduce_sum3A_498 : i1 to vector<16xi1>
      %reduce_sum3A_500 = tpu.scan <sum>, %select_n3A_497 masked %reduce_sum3A_499 : vector<16xi32>, vector<16xi1> -> vector<16xi32>
      %reduce_sum3A_501 = vector.extract %reduce_sum3A_500[15] : i32 from vector<16xi32>
      %reduce_sum3A_502 = arith.constant true
      %reduce_sum3A_503 = vector.broadcast %reduce_sum3A_502 : i1 to vector<16xi1>
      %reduce_sum3A_504 = tpu.scan <sum>, %get3A_454 masked %reduce_sum3A_503 : vector<16xi32>, vector<16xi1> -> vector<16xi32>
      %reduce_sum3A_505 = vector.extract %reduce_sum3A_504[15] : i32 from vector<16xi32>
      %gt3A = arith.constant 0 : i32
      %gt3A_506 = arith.cmpi sgt, %reduce_sum3A_468, %gt3A : i32
      %convert_element_type3A_507 = arith.extui %gt3A_506 : i1 to i32
      %add3A_508 = arith.constant 1 : i32
      %add3A_509 = arith.addi %while3A_444, %add3A_508 : i32
      %eq3A_510 = arith.constant 1 : i32
      %eq3A_511 = arith.cmpi eq, %convert_element_type3A_507, %eq3A_510 : i32
      %add3A_512 = arith.addi %while3A_445, %reduce_sum3A_505 : i32
      %select_n3A_513 = arith.select %eq3A_511, %while3A_445, %add3A_512 : i32
      %eq3A_514 = arith.constant 1 : i32
      %eq3A_515 = arith.cmpi eq, %convert_element_type3A_507, %eq3A_514 : i32
      %select_n3A_516 = arith.select %eq3A_515, %reduce_sum3A_485, %while3A_446 : i32
      %eq3A_517 = arith.constant 1 : i32
      %eq3A_518 = arith.cmpi eq, %convert_element_type3A_507, %eq3A_517 : i32
      %select_n3A_519 = arith.select %eq3A_518, %sub3A_494, %while3A_447 : i32
      %eq3A_520 = arith.constant 1 : i32
      %eq3A_521 = arith.cmpi eq, %convert_element_type3A_507, %eq3A_520 : i32
      %select_n3A_522 = arith.select %eq3A_521, %reduce_sum3A_501, %while3A_448 : i32
      scf.yield %add3A_509, %select_n3A_513, %select_n3A_516, %select_n3A_519, %select_n3A_522, %convert_element_type3A_507 : i32, i32, i32, i32, i32, i32
    }
    %shift_left3A_275 = arith.constant 8 : i32
    %shift_left3A_276 = arith.shli %while3A_262#2, %shift_left3A_275 : i32
    %or3A_277 = arith.ori %shift_left3A_276, %while3A_274#2 : i32
    %parallel_loop3A_278 = arith.constant 0 : i32
    %parallel_loop3A_279 = arith.constant 16 : i32
    %parallel_loop3A_280 = arith.constant 1 : i32
    scf.for %parallel_loop3A_444 = %parallel_loop3A_278 to %parallel_loop3A_279 step %parallel_loop3A_280  : i32 {
      %parallel_loop3A_445 = arith.constant 0 : i32
      %parallel_loop3A_446 = vector.broadcast %parallel_loop3A_445 : i32 to vector<16xi32>
      %parallel_loop3A_447 = arith.constant 16 : i32
      %parallel_loop3A_448 = arith.muli %parallel_loop3A_444, %parallel_loop3A_447 : i32
      %parallel_loop3A_449 = arith.index_cast %parallel_loop3A_448 : i32 to index
      %parallel_loop3A_450 = tpu.vector_load %arg7[%parallel_loop3A_449] {strides = array<i32>} : memref<256xi32, #tpu.memory_space<vmem>>, vector<16xi32>,
      tpu.vector_store %arg7[%parallel_loop3A_449], %parallel_loop3A_446 {strides = array<i32>} : memref<256xi32, #tpu.memory_space<vmem>>, vector<16xi32>,
    } {sc.loop_unroll_factor = 4 : i64, sc.parallel_access}
    %shift_left3A_281 = arith.constant 8 : i32
    %shift_left3A_282 = arith.shli %or3A_277, %shift_left3A_281 : i32
    %parallel_loop3A_283 = arith.constant 0 : i32
    %parallel_loop3A_284 = arith.constant 2048 : i32
    %parallel_loop3A_285 = arith.constant 1 : i32
    %parallel_loop3A_286 = arith.constant 8 : i32
    scf.for %parallel_loop3A_444 = %parallel_loop3A_283 to %parallel_loop3A_284 step %parallel_loop3A_285  : i32 {
      %parallel_loop3A_445 = arith.constant 16 : i32
      %parallel_loop3A_446 = arith.muli %parallel_loop3A_444, %parallel_loop3A_445 : i32
      %parallel_loop3A_447 = arith.index_cast %parallel_loop3A_446 : i32 to index
      %parallel_loop3A_448 = tpu.vector_load %arg6[%parallel_loop3A_447] {strides = array<i32>} : memref<32768xi32, #tpu.memory_space<vmem>>, vector<16xi32>,
      %parallel_loop3A_449 = vector.broadcast %parallel_loop3A_286 : i32 to vector<16xi32>
      %parallel_loop3A_450 = arith.shrui %parallel_loop3A_448, %parallel_loop3A_449 : vector<16xi32>
      %parallel_loop3A_451 = vector.broadcast %shift_left3A_282 : i32 to vector<16xi32>
      %parallel_loop3A_452 = arith.subi %parallel_loop3A_450, %parallel_loop3A_451 : vector<16xi32>
      %parallel_loop3A_453 = arith.constant 256 : i32
      %parallel_loop3A_454 = vector.broadcast %parallel_loop3A_453 : i32 to vector<16xi32>
      %parallel_loop3A_455 = arith.cmpi ult, %parallel_loop3A_452, %parallel_loop3A_454 : vector<16xi32>
      tpu.vector_store_idx %arg7[%parallel_loop3A_452], %broadcast_in_dim3A_1 masked %parallel_loop3A_455 {add = true} : memref<256xi32, #tpu.memory_space<vmem>>[vector<16xi32>], vector<16xi32>, vector<16xi1>
    } {sc.loop_unroll_factor = 4 : i64, sc.parallel_access}
    %iota3A_287 = tpu.iota {dimensions = array<i32: 0>} : vector<16xi32>
    %while3A_288 = arith.constant 0 : i32
    %while3A_289 = arith.constant 0 : i32
    %while3A_290 = arith.constant 0 : i32
    %while3A_291 = arith.constant 0 : i32
    %while3A_292 = arith.constant 0 : i32
    %while3A_293:6 = scf.while (%while3A_444 = %while3A_288, %while3A_445 = %while3A_289, %while3A_446 = %while3A_290, %while3A_447 = %while3A_274#3, %while3A_448 = %while3A_291, %while3A_449 = %while3A_292) : (i32, i32, i32, i32, i32, i32) -> (i32, i32, i32, i32, i32, i32) {
      %eq3A = arith.constant 0 : i32
      %eq3A_450 = arith.cmpi eq, %while3A_449, %eq3A : i32
      %lt3A_451 = arith.constant 16 : i32
      %lt3A_452 = arith.cmpi slt, %while3A_444, %lt3A_451 : i32
      %and3A = arith.andi %eq3A_450, %lt3A_452 : i1
      scf.condition(%and3A) %while3A_444, %while3A_445, %while3A_446, %while3A_447, %while3A_448, %while3A_449 : i32, i32, i32, i32, i32, i32
    } do {
    ^bb0(%while3A_444: i32, %while3A_445: i32, %while3A_446: i32, %while3A_447: i32, %while3A_448: i32, %while3A_449: i32):
      %mul3A_450 = arith.constant 16 : i32
      %mul3A_451 = arith.muli %while3A_444, %mul3A_450 : i32
      %sub3A_452 = arith.constant 240 : i32
      %sub3A_453 = arith.subi %sub3A_452, %mul3A_451 : i32
      %get3A = arith.index_cast %sub3A_453 : i32 to index
      %get3A_454 = tpu.vector_load %arg7[%get3A] {strides = array<i32>} : memref<256xi32, #tpu.memory_space<vmem>>, vector<16xi32>,
      %rev3A = arith.constant 15 : i32
      %rev3A_455 = vector.broadcast %rev3A : i32 to vector<16xi32>
      %rev3A_456 = tpu.iota {dimensions = array<i32: 0>} : vector<16xi32>
      %rev3A_457 = arith.subi %rev3A_455, %rev3A_456 : vector<16xi32>
      %rev3A_458 = tpu.dynamic_gather %get3A_454[%rev3A_457] in [0] : vector<16xi32>, vector<16xi32> -> vector<16xi32>
      %cumsum3A = arith.constant true
      %cumsum3A_459 = vector.broadcast %cumsum3A : i1 to vector<16xi1>
      %cumsum3A_460 = tpu.scan <sum>, %rev3A_458 masked %cumsum3A_459 : vector<16xi32>, vector<16xi1> -> vector<16xi32>
      %add3A_461 = vector.broadcast %while3A_445 : i32 to vector<16xi32>
      %add3A_462 = arith.addi %cumsum3A_460, %add3A_461 : vector<16xi32>
      %ge3A_463 = vector.broadcast %while3A_274#3 : i32 to vector<16xi32>
      %ge3A_464 = arith.cmpi sge, %add3A_462, %ge3A_463 : vector<16xi32>
      %convert_element_type3A_465 = arith.extui %ge3A_464 : vector<16xi1> to vector<16xi32>
      %reduce_sum3A = arith.constant true
      %reduce_sum3A_466 = vector.broadcast %reduce_sum3A : i1 to vector<16xi1>
      %reduce_sum3A_467 = tpu.scan <sum>, %convert_element_type3A_465 masked %reduce_sum3A_466 : vector<16xi32>, vector<16xi1> -> vector<16xi32>
      %reduce_sum3A_468 = vector.extract %reduce_sum3A_467[15] : i32 from vector<16xi32>
      %convert_element_type3A_469 = arith.extui %ge3A_464 : vector<16xi1> to vector<16xi32>
      %cumsum3A_470 = arith.constant true
      %cumsum3A_471 = vector.broadcast %cumsum3A_470 : i1 to vector<16xi1>
      %cumsum3A_472 = tpu.scan <sum>, %convert_element_type3A_469 masked %cumsum3A_471 : vector<16xi32>, vector<16xi1> -> vector<16xi32>
      %eq3A = arith.constant 1 : i32
      %eq3A_473 = vector.broadcast %eq3A : i32 to vector<16xi32>
      %eq3A_474 = arith.cmpi eq, %cumsum3A_472, %eq3A_473 : vector<16xi32>
      %and3A = arith.andi %ge3A_464, %eq3A_474 : vector<16xi1>
      %add3A_475 = arith.constant 15 : i32
      %add3A_476 = arith.addi %sub3A_453, %add3A_475 : i32
      %sub3A_477 = vector.broadcast %add3A_476 : i32 to vector<16xi32>
      %sub3A_478 = arith.subi %sub3A_477, %iota3A_287 : vector<16xi32>
      %jit3A_479 = arith.constant 0 : i32
      %broadcast_in_dim3A_480 = vector.broadcast %jit3A_479 : i32 to vector<16xi32>
      %select_n3A_481 = arith.select %and3A, %sub3A_478, %broadcast_in_dim3A_480 : vector<16xi1>, vector<16xi32>
      %reduce_sum3A_482 = arith.constant true
      %reduce_sum3A_483 = vector.broadcast %reduce_sum3A_482 : i1 to vector<16xi1>
      %reduce_sum3A_484 = tpu.scan <sum>, %select_n3A_481 masked %reduce_sum3A_483 : vector<16xi32>, vector<16xi1> -> vector<16xi32>
      %reduce_sum3A_485 = vector.extract %reduce_sum3A_484[15] : i32 from vector<16xi32>
      %sub3A_486 = arith.subi %add3A_462, %rev3A_458 : vector<16xi32>
      %jit3A_487 = arith.constant 0 : i32
      %broadcast_in_dim3A_488 = vector.broadcast %jit3A_487 : i32 to vector<16xi32>
      %select_n3A_489 = arith.select %and3A, %sub3A_486, %broadcast_in_dim3A_488 : vector<16xi1>, vector<16xi32>
      %reduce_sum3A_490 = arith.constant true
      %reduce_sum3A_491 = vector.broadcast %reduce_sum3A_490 : i1 to vector<16xi1>
      %reduce_sum3A_492 = tpu.scan <sum>, %select_n3A_489 masked %reduce_sum3A_491 : vector<16xi32>, vector<16xi1> -> vector<16xi32>
      %reduce_sum3A_493 = vector.extract %reduce_sum3A_492[15] : i32 from vector<16xi32>
      %sub3A_494 = arith.subi %while3A_274#3, %reduce_sum3A_493 : i32
      %jit3A_495 = arith.constant 0 : i32
      %broadcast_in_dim3A_496 = vector.broadcast %jit3A_495 : i32 to vector<16xi32>
      %select_n3A_497 = arith.select %and3A, %rev3A_458, %broadcast_in_dim3A_496 : vector<16xi1>, vector<16xi32>
      %reduce_sum3A_498 = arith.constant true
      %reduce_sum3A_499 = vector.broadcast %reduce_sum3A_498 : i1 to vector<16xi1>
      %reduce_sum3A_500 = tpu.scan <sum>, %select_n3A_497 masked %reduce_sum3A_499 : vector<16xi32>, vector<16xi1> -> vector<16xi32>
      %reduce_sum3A_501 = vector.extract %reduce_sum3A_500[15] : i32 from vector<16xi32>
      %reduce_sum3A_502 = arith.constant true
      %reduce_sum3A_503 = vector.broadcast %reduce_sum3A_502 : i1 to vector<16xi1>
      %reduce_sum3A_504 = tpu.scan <sum>, %get3A_454 masked %reduce_sum3A_503 : vector<16xi32>, vector<16xi1> -> vector<16xi32>
      %reduce_sum3A_505 = vector.extract %reduce_sum3A_504[15] : i32 from vector<16xi32>
      %gt3A = arith.constant 0 : i32
      %gt3A_506 = arith.cmpi sgt, %reduce_sum3A_468, %gt3A : i32
      %convert_element_type3A_507 = arith.extui %gt3A_506 : i1 to i32
      %add3A_508 = arith.constant 1 : i32
      %add3A_509 = arith.addi %while3A_444, %add3A_508 : i32
      %eq3A_510 = arith.constant 1 : i32
      %eq3A_511 = arith.cmpi eq, %convert_element_type3A_507, %eq3A_510 : i32
      %add3A_512 = arith.addi %while3A_445, %reduce_sum3A_505 : i32
      %select_n3A_513 = arith.select %eq3A_511, %while3A_445, %add3A_512 : i32
      %eq3A_514 = arith.constant 1 : i32
      %eq3A_515 = arith.cmpi eq, %convert_element_type3A_507, %eq3A_514 : i32
      %select_n3A_516 = arith.select %eq3A_515, %reduce_sum3A_485, %while3A_446 : i32
      %eq3A_517 = arith.constant 1 : i32
      %eq3A_518 = arith.cmpi eq, %convert_element_type3A_507, %eq3A_517 : i32
      %select_n3A_519 = arith.select %eq3A_518, %sub3A_494, %while3A_447 : i32
      %eq3A_520 = arith.constant 1 : i32
      %eq3A_521 = arith.cmpi eq, %convert_element_type3A_507, %eq3A_520 : i32
      %select_n3A_522 = arith.select %eq3A_521, %reduce_sum3A_501, %while3A_448 : i32
      scf.yield %add3A_509, %select_n3A_513, %select_n3A_516, %select_n3A_519, %select_n3A_522, %convert_element_type3A_507 : i32, i32, i32, i32, i32, i32
    }
    %or3A_294 = arith.ori %shift_left3A_282, %while3A_293#2 : i32
    %lt3A_295 = arith.cmpi slt, %while3A_293#3, %while3A_293#4 : i32
    %convert_element_type3A_296 = arith.extui %lt3A_295 : i1 to i32
    %cond3A_297 = arith.constant 0 : i32
    %cond3A_298 = arith.cmpi ne, %convert_element_type3A_296, %cond3A_297 : i32
    scf.if %cond3A_298 {
      %parallel_loop3A_444 = arith.constant 0 : i32
      %parallel_loop3A_445 = arith.constant 16 : i32
      %parallel_loop3A_446 = arith.constant 1 : i32
      scf.for %parallel_loop3A_453 = %parallel_loop3A_444 to %parallel_loop3A_445 step %parallel_loop3A_446  : i32 {
        %parallel_loop3A_454 = arith.constant 0 : i32
        %parallel_loop3A_455 = vector.broadcast %parallel_loop3A_454 : i32 to vector<16xi32>
        %parallel_loop3A_456 = arith.constant 16 : i32
        %parallel_loop3A_457 = arith.muli %parallel_loop3A_453, %parallel_loop3A_456 : i32
        %parallel_loop3A_458 = arith.index_cast %parallel_loop3A_457 : i32 to index
        %parallel_loop3A_459 = tpu.vector_load %arg7[%parallel_loop3A_458] {strides = array<i32>} : memref<256xi32, #tpu.memory_space<vmem>>, vector<16xi32>,
        tpu.vector_store %arg7[%parallel_loop3A_458], %parallel_loop3A_455 {strides = array<i32>} : memref<256xi32, #tpu.memory_space<vmem>>, vector<16xi32>,
      } {sc.loop_unroll_factor = 4 : i64, sc.parallel_access}
      %shift_left3A_447 = arith.constant 8 : i32
      %shift_left3A_448 = arith.shli %or3A_294, %shift_left3A_447 : i32
      %parallel_loop3A_449 = arith.constant 0 : i32
      %parallel_loop3A_450 = arith.constant 2048 : i32
      %parallel_loop3A_451 = arith.constant 1 : i32
      %parallel_loop3A_452 = arith.constant 0 : i32
      scf.for %parallel_loop3A_453 = %parallel_loop3A_449 to %parallel_loop3A_450 step %parallel_loop3A_451  : i32 {
        %parallel_loop3A_454 = arith.constant 16 : i32
        %parallel_loop3A_455 = arith.muli %parallel_loop3A_453, %parallel_loop3A_454 : i32
        %parallel_loop3A_456 = arith.index_cast %parallel_loop3A_455 : i32 to index
        %parallel_loop3A_457 = tpu.vector_load %arg6[%parallel_loop3A_456] {strides = array<i32>} : memref<32768xi32, #tpu.memory_space<vmem>>, vector<16xi32>,
        %parallel_loop3A_458 = vector.broadcast %parallel_loop3A_452 : i32 to vector<16xi32>
        %parallel_loop3A_459 = arith.shrui %parallel_loop3A_457, %parallel_loop3A_458 : vector<16xi32>
        %parallel_loop3A_460 = vector.broadcast %shift_left3A_448 : i32 to vector<16xi32>
        %parallel_loop3A_461 = arith.subi %parallel_loop3A_459, %parallel_loop3A_460 : vector<16xi32>
        %parallel_loop3A_462 = arith.constant 256 : i32
        %parallel_loop3A_463 = vector.broadcast %parallel_loop3A_462 : i32 to vector<16xi32>
        %parallel_loop3A_464 = arith.cmpi ult, %parallel_loop3A_461, %parallel_loop3A_463 : vector<16xi32>
        tpu.vector_store_idx %arg7[%parallel_loop3A_461], %broadcast_in_dim3A_1 masked %parallel_loop3A_464 {add = true} : memref<256xi32, #tpu.memory_space<vmem>>[vector<16xi32>], vector<16xi32>, vector<16xi1>
      } {sc.loop_unroll_factor = 4 : i64, sc.parallel_access}
    } else {
    }
    %iota3A_299 = tpu.iota {dimensions = array<i32: 0>} : vector<16xi32>
    %while3A_300 = arith.constant 0 : i32
    %while3A_301 = arith.constant 0 : i32
    %while3A_302 = arith.constant 0 : i32
    %while3A_303 = arith.constant 0 : i32
    %while3A_304 = arith.constant 0 : i32
    %while3A_305:6 = scf.while (%while3A_444 = %while3A_300, %while3A_445 = %while3A_301, %while3A_446 = %while3A_302, %while3A_447 = %while3A_293#3, %while3A_448 = %while3A_303, %while3A_449 = %while3A_304) : (i32, i32, i32, i32, i32, i32) -> (i32, i32, i32, i32, i32, i32) {
      %eq3A = arith.constant 0 : i32
      %eq3A_450 = arith.cmpi eq, %while3A_449, %eq3A : i32
      %lt3A_451 = arith.constant 16 : i32
      %lt3A_452 = arith.cmpi slt, %while3A_444, %lt3A_451 : i32
      %and3A = arith.andi %eq3A_450, %lt3A_452 : i1
      scf.condition(%and3A) %while3A_444, %while3A_445, %while3A_446, %while3A_447, %while3A_448, %while3A_449 : i32, i32, i32, i32, i32, i32
    } do {
    ^bb0(%while3A_444: i32, %while3A_445: i32, %while3A_446: i32, %while3A_447: i32, %while3A_448: i32, %while3A_449: i32):
      %mul3A_450 = arith.constant 16 : i32
      %mul3A_451 = arith.muli %while3A_444, %mul3A_450 : i32
      %sub3A_452 = arith.constant 240 : i32
      %sub3A_453 = arith.subi %sub3A_452, %mul3A_451 : i32
      %get3A = arith.index_cast %sub3A_453 : i32 to index
      %get3A_454 = tpu.vector_load %arg7[%get3A] {strides = array<i32>} : memref<256xi32, #tpu.memory_space<vmem>>, vector<16xi32>,
      %rev3A = arith.constant 15 : i32
      %rev3A_455 = vector.broadcast %rev3A : i32 to vector<16xi32>
      %rev3A_456 = tpu.iota {dimensions = array<i32: 0>} : vector<16xi32>
      %rev3A_457 = arith.subi %rev3A_455, %rev3A_456 : vector<16xi32>
      %rev3A_458 = tpu.dynamic_gather %get3A_454[%rev3A_457] in [0] : vector<16xi32>, vector<16xi32> -> vector<16xi32>
      %cumsum3A = arith.constant true
      %cumsum3A_459 = vector.broadcast %cumsum3A : i1 to vector<16xi1>
      %cumsum3A_460 = tpu.scan <sum>, %rev3A_458 masked %cumsum3A_459 : vector<16xi32>, vector<16xi1> -> vector<16xi32>
      %add3A_461 = vector.broadcast %while3A_445 : i32 to vector<16xi32>
      %add3A_462 = arith.addi %cumsum3A_460, %add3A_461 : vector<16xi32>
      %ge3A_463 = vector.broadcast %while3A_293#3 : i32 to vector<16xi32>
      %ge3A_464 = arith.cmpi sge, %add3A_462, %ge3A_463 : vector<16xi32>
      %convert_element_type3A_465 = arith.extui %ge3A_464 : vector<16xi1> to vector<16xi32>
      %reduce_sum3A = arith.constant true
      %reduce_sum3A_466 = vector.broadcast %reduce_sum3A : i1 to vector<16xi1>
      %reduce_sum3A_467 = tpu.scan <sum>, %convert_element_type3A_465 masked %reduce_sum3A_466 : vector<16xi32>, vector<16xi1> -> vector<16xi32>
      %reduce_sum3A_468 = vector.extract %reduce_sum3A_467[15] : i32 from vector<16xi32>
      %convert_element_type3A_469 = arith.extui %ge3A_464 : vector<16xi1> to vector<16xi32>
      %cumsum3A_470 = arith.constant true
      %cumsum3A_471 = vector.broadcast %cumsum3A_470 : i1 to vector<16xi1>
      %cumsum3A_472 = tpu.scan <sum>, %convert_element_type3A_469 masked %cumsum3A_471 : vector<16xi32>, vector<16xi1> -> vector<16xi32>
      %eq3A = arith.constant 1 : i32
      %eq3A_473 = vector.broadcast %eq3A : i32 to vector<16xi32>
      %eq3A_474 = arith.cmpi eq, %cumsum3A_472, %eq3A_473 : vector<16xi32>
      %and3A = arith.andi %ge3A_464, %eq3A_474 : vector<16xi1>
      %add3A_475 = arith.constant 15 : i32
      %add3A_476 = arith.addi %sub3A_453, %add3A_475 : i32
      %sub3A_477 = vector.broadcast %add3A_476 : i32 to vector<16xi32>
      %sub3A_478 = arith.subi %sub3A_477, %iota3A_299 : vector<16xi32>
      %jit3A_479 = arith.constant 0 : i32
      %broadcast_in_dim3A_480 = vector.broadcast %jit3A_479 : i32 to vector<16xi32>
      %select_n3A_481 = arith.select %and3A, %sub3A_478, %broadcast_in_dim3A_480 : vector<16xi1>, vector<16xi32>
      %reduce_sum3A_482 = arith.constant true
      %reduce_sum3A_483 = vector.broadcast %reduce_sum3A_482 : i1 to vector<16xi1>
      %reduce_sum3A_484 = tpu.scan <sum>, %select_n3A_481 masked %reduce_sum3A_483 : vector<16xi32>, vector<16xi1> -> vector<16xi32>
      %reduce_sum3A_485 = vector.extract %reduce_sum3A_484[15] : i32 from vector<16xi32>
      %sub3A_486 = arith.subi %add3A_462, %rev3A_458 : vector<16xi32>
      %jit3A_487 = arith.constant 0 : i32
      %broadcast_in_dim3A_488 = vector.broadcast %jit3A_487 : i32 to vector<16xi32>
      %select_n3A_489 = arith.select %and3A, %sub3A_486, %broadcast_in_dim3A_488 : vector<16xi1>, vector<16xi32>
      %reduce_sum3A_490 = arith.constant true
      %reduce_sum3A_491 = vector.broadcast %reduce_sum3A_490 : i1 to vector<16xi1>
      %reduce_sum3A_492 = tpu.scan <sum>, %select_n3A_489 masked %reduce_sum3A_491 : vector<16xi32>, vector<16xi1> -> vector<16xi32>
      %reduce_sum3A_493 = vector.extract %reduce_sum3A_492[15] : i32 from vector<16xi32>
      %sub3A_494 = arith.subi %while3A_293#3, %reduce_sum3A_493 : i32
      %jit3A_495 = arith.constant 0 : i32
      %broadcast_in_dim3A_496 = vector.broadcast %jit3A_495 : i32 to vector<16xi32>
      %select_n3A_497 = arith.select %and3A, %rev3A_458, %broadcast_in_dim3A_496 : vector<16xi1>, vector<16xi32>
      %reduce_sum3A_498 = arith.constant true
      %reduce_sum3A_499 = vector.broadcast %reduce_sum3A_498 : i1 to vector<16xi1>
      %reduce_sum3A_500 = tpu.scan <sum>, %select_n3A_497 masked %reduce_sum3A_499 : vector<16xi32>, vector<16xi1> -> vector<16xi32>
      %reduce_sum3A_501 = vector.extract %reduce_sum3A_500[15] : i32 from vector<16xi32>
      %reduce_sum3A_502 = arith.constant true
      %reduce_sum3A_503 = vector.broadcast %reduce_sum3A_502 : i1 to vector<16xi1>
      %reduce_sum3A_504 = tpu.scan <sum>, %get3A_454 masked %reduce_sum3A_503 : vector<16xi32>, vector<16xi1> -> vector<16xi32>
      %reduce_sum3A_505 = vector.extract %reduce_sum3A_504[15] : i32 from vector<16xi32>
      %gt3A = arith.constant 0 : i32
      %gt3A_506 = arith.cmpi sgt, %reduce_sum3A_468, %gt3A : i32
      %convert_element_type3A_507 = arith.extui %gt3A_506 : i1 to i32
      %add3A_508 = arith.constant 1 : i32
      %add3A_509 = arith.addi %while3A_444, %add3A_508 : i32
      %eq3A_510 = arith.constant 1 : i32
      %eq3A_511 = arith.cmpi eq, %convert_element_type3A_507, %eq3A_510 : i32
      %add3A_512 = arith.addi %while3A_445, %reduce_sum3A_505 : i32
      %select_n3A_513 = arith.select %eq3A_511, %while3A_445, %add3A_512 : i32
      %eq3A_514 = arith.constant 1 : i32
      %eq3A_515 = arith.cmpi eq, %convert_element_type3A_507, %eq3A_514 : i32
      %select_n3A_516 = arith.select %eq3A_515, %reduce_sum3A_485, %while3A_446 : i32
      %eq3A_517 = arith.constant 1 : i32
      %eq3A_518 = arith.cmpi eq, %convert_element_type3A_507, %eq3A_517 : i32
      %select_n3A_519 = arith.select %eq3A_518, %sub3A_494, %while3A_447 : i32
      %eq3A_520 = arith.constant 1 : i32
      %eq3A_521 = arith.cmpi eq, %convert_element_type3A_507, %eq3A_520 : i32
      %select_n3A_522 = arith.select %eq3A_521, %reduce_sum3A_501, %while3A_448 : i32
      scf.yield %add3A_509, %select_n3A_513, %select_n3A_516, %select_n3A_519, %select_n3A_522, %convert_element_type3A_507 : i32, i32, i32, i32, i32, i32
    }
    %shift_left3A_306 = arith.constant 8 : i32
    %shift_left3A_307 = arith.shli %or3A_294, %shift_left3A_306 : i32
    %jit3A_308 = arith.constant 0 : i32
    %select_n3A_309 = arith.select %lt3A_295, %while3A_305#2, %jit3A_308 : i32
    %or3A_310 = arith.ori %shift_left3A_307, %select_n3A_309 : i32
    %ge3A_311 = arith.constant -2147483648 : i32
    %ge3A_312 = arith.cmpi uge, %or3A_310, %ge3A_311 : i32
    %xor3A_313 = arith.constant -2147483648 : i32
    %xor3A_314 = arith.xori %or3A_310, %xor3A_313 : i32
    %not3A_315 = arith.constant -1 : i32
    %not3A_316 = arith.xori %or3A_310, %not3A_315 : i32
    %select_n3A_317 = arith.select %ge3A_312, %xor3A_314, %not3A_316 : i32
    %bitcast_convert_type3A_318 = arith.bitcast %select_n3A_317 : i32 to f32
    %parallel_loop3A_319 = arith.constant 0 : i32
    %parallel_loop3A_320 = arith.constant 2048 : i32
    %parallel_loop3A_321 = arith.constant 1 : i32
    scf.for %parallel_loop3A_444 = %parallel_loop3A_319 to %parallel_loop3A_320 step %parallel_loop3A_321  : i32 {
      %parallel_loop3A_445 = arith.constant 16 : i32
      %parallel_loop3A_446 = arith.muli %parallel_loop3A_444, %parallel_loop3A_445 : i32
      %parallel_loop3A_447 = arith.index_cast %parallel_loop3A_446 : i32 to index
      %parallel_loop3A_448 = tpu.vector_load %arg4[%parallel_loop3A_447] {strides = array<i32>} : memref<32768xf32, #tpu.memory_space<vmem>>, vector<16xf32>,
      %parallel_loop3A_449 = vector.broadcast %bitcast_convert_type3A_318 : f32 to vector<16xf32>
      %parallel_loop3A_450 = arith.cmpf oge, %parallel_loop3A_448, %parallel_loop3A_449 : vector<16xf32>
      %parallel_loop3A_451 = arith.constant 0.000000e+00 : f32
      %parallel_loop3A_452 = vector.broadcast %parallel_loop3A_451 : f32 to vector<16xf32>
      %parallel_loop3A_453 = arith.maximumf %parallel_loop3A_448, %parallel_loop3A_452 : vector<16xf32>
      %parallel_loop3A_454 = arith.constant 0.000000e+00 : f32
      %parallel_loop3A_455 = vector.broadcast %parallel_loop3A_454 : f32 to vector<16xf32>
      %parallel_loop3A_456 = arith.select %parallel_loop3A_450, %parallel_loop3A_453, %parallel_loop3A_455 : vector<16xi1>, vector<16xf32>
      %parallel_loop3A_457 = arith.constant 16 : i32
      %parallel_loop3A_458 = arith.muli %parallel_loop3A_444, %parallel_loop3A_457 : i32
      %parallel_loop3A_459 = arith.index_cast %parallel_loop3A_458 : i32 to index
      %parallel_loop3A_460 = tpu.vector_load %arg4[%parallel_loop3A_459] {strides = array<i32>} : memref<32768xf32, #tpu.memory_space<vmem>>, vector<16xf32>,
      tpu.vector_store %arg4[%parallel_loop3A_459], %parallel_loop3A_456 {strides = array<i32>} : memref<32768xf32, #tpu.memory_space<vmem>>, vector<16xf32>,
    } {sc.loop_unroll_factor = 4 : i64, sc.parallel_access}
    %add3A_322 = arith.constant 2 : i32
    %add3A_323 = arith.addi %mul3A_3, %add3A_322 : i32
    %dma_start3A_324 = arith.constant 0 : i32
    %dma_start3A_325 = tpu.memref_slice %arg3[%add3A_323, %dma_start3A_324] : memref<128x32768xf32, #tpu.memory_space<hbm>> -> memref<1x32768xf32, #tpu.memory_space<hbm>>
    %dma_start3A_326 = tpu.memref_squeeze %dma_start3A_325 : memref<1x32768xf32, #tpu.memory_space<hbm>> -> memref<32768xf32, #tpu.memory_space<hbm>>
    %dma_start3A_327 = arith.constant 0 : i32
    %dma_start3A_328 = tpu.memref_slice %arg3[%add3A_323, %dma_start3A_327] : memref<128x32768xf32, #tpu.memory_space<hbm>> -> memref<1x32768xf32, #tpu.memory_space<hbm>>
    %dma_start3A_329 = tpu.memref_squeeze %dma_start3A_328 : memref<1x32768xf32, #tpu.memory_space<hbm>> -> memref<32768xf32, #tpu.memory_space<hbm>>
    tpu.enqueue_dma source(%arg4 : memref<32768xf32, #tpu.memory_space<vmem>>) target(%dma_start3A_329 : memref<32768xf32, #tpu.memory_space<hbm>>) target_semaphore(%arg11 : memref<!tpu.dma_semaphore, #tpu.memory_space<semaphore_mem>>)
    %add3A_330 = arith.constant 3 : i32
    %add3A_331 = arith.addi %mul3A_3, %add3A_330 : i32
    %dma_wait3A_332 = arith.constant 0 : i32
    %dma_wait3A_333 = tpu.memref_slice %arg2[%add3A_331, %dma_wait3A_332] : memref<128x32768xf32, #tpu.memory_space<hbm>> -> memref<1x32768xf32, #tpu.memory_space<hbm>>
    %dma_wait3A_334 = tpu.memref_squeeze %dma_wait3A_333 : memref<1x32768xf32, #tpu.memory_space<hbm>> -> memref<32768xf32, #tpu.memory_space<hbm>>
    %dma_wait3A_335 = arith.constant 0 : i32
    %dma_wait3A_336 = tpu.memref_slice %arg2[%add3A_331, %dma_wait3A_335] : memref<128x32768xf32, #tpu.memory_space<hbm>> -> memref<1x32768xf32, #tpu.memory_space<hbm>>
    %dma_wait3A_337 = tpu.memref_squeeze %dma_wait3A_336 : memref<1x32768xf32, #tpu.memory_space<hbm>> -> memref<32768xf32, #tpu.memory_space<hbm>>
    tpu.wait_dma2 semaphore(%arg10 : memref<!tpu.dma_semaphore, #tpu.memory_space<semaphore_mem>>) src(%dma_wait3A_337 : memref<32768xf32, #tpu.memory_space<hbm>>) dst(%arg5 : memref<32768xf32, #tpu.memory_space<vmem>>)
    %shift_left3A_338 = arith.constant 191 : i32
    %shift_left3A_339 = arith.constant 8 : i32
    %shift_left3A_340 = arith.shli %shift_left3A_338, %shift_left3A_339 : i32
    %parallel_loop3A_341 = arith.constant 0 : i32
    %parallel_loop3A_342 = arith.constant 16 : i32
    %parallel_loop3A_343 = arith.constant 1 : i32
    scf.for %parallel_loop3A_444 = %parallel_loop3A_341 to %parallel_loop3A_342 step %parallel_loop3A_343  : i32 {
      %parallel_loop3A_445 = arith.constant 0 : i32
      %parallel_loop3A_446 = vector.broadcast %parallel_loop3A_445 : i32 to vector<16xi32>
      %parallel_loop3A_447 = arith.constant 16 : i32
      %parallel_loop3A_448 = arith.muli %parallel_loop3A_444, %parallel_loop3A_447 : i32
      %parallel_loop3A_449 = arith.index_cast %parallel_loop3A_448 : i32 to index
      %parallel_loop3A_450 = tpu.vector_load %arg7[%parallel_loop3A_449] {strides = array<i32>} : memref<256xi32, #tpu.memory_space<vmem>>, vector<16xi32>,
      tpu.vector_store %arg7[%parallel_loop3A_449], %parallel_loop3A_446 {strides = array<i32>} : memref<256xi32, #tpu.memory_space<vmem>>, vector<16xi32>,
    } {sc.loop_unroll_factor = 4 : i64, sc.parallel_access}
    %parallel_loop3A_344 = arith.constant 0 : i32
    %parallel_loop3A_345 = arith.constant 16 : i32
    %parallel_loop3A_346 = arith.constant 1 : i32
    scf.for %parallel_loop3A_444 = %parallel_loop3A_344 to %parallel_loop3A_345 step %parallel_loop3A_346  : i32 {
      %parallel_loop3A_445 = arith.constant 0 : i32
      %parallel_loop3A_446 = vector.broadcast %parallel_loop3A_445 : i32 to vector<16xi32>
      %parallel_loop3A_447 = arith.constant 16 : i32
      %parallel_loop3A_448 = arith.muli %parallel_loop3A_444, %parallel_loop3A_447 : i32
      %parallel_loop3A_449 = arith.index_cast %parallel_loop3A_448 : i32 to index
      %parallel_loop3A_450 = tpu.vector_load %arg8[%parallel_loop3A_449] {strides = array<i32>} : memref<256xi32, #tpu.memory_space<vmem>>, vector<16xi32>,
      tpu.vector_store %arg8[%parallel_loop3A_449], %parallel_loop3A_446 {strides = array<i32>} : memref<256xi32, #tpu.memory_space<vmem>>, vector<16xi32>,
    } {sc.loop_unroll_factor = 4 : i64, sc.parallel_access}
    %parallel_loop3A_347 = arith.constant 0 : i32
    %parallel_loop3A_348 = arith.constant 2048 : i32
    %parallel_loop3A_349 = arith.constant 1 : i32
    scf.for %parallel_loop3A_444 = %parallel_loop3A_347 to %parallel_loop3A_348 step %parallel_loop3A_349  : i32 {
      %parallel_loop3A_445 = arith.constant 16 : i32
      %parallel_loop3A_446 = arith.muli %parallel_loop3A_444, %parallel_loop3A_445 : i32
      %parallel_loop3A_447 = arith.index_cast %parallel_loop3A_446 : i32 to index
      %parallel_loop3A_448 = tpu.vector_load %arg5[%parallel_loop3A_447] {strides = array<i32>} : memref<32768xf32, #tpu.memory_space<vmem>>, vector<16xf32>,
      %parallel_loop3A_449 = tpu.bitcast %parallel_loop3A_448 : vector<16xf32> -> vector<16xi32>
      %parallel_loop3A_450 = arith.constant 31 : i32
      %parallel_loop3A_451 = vector.broadcast %parallel_loop3A_450 : i32 to vector<16xi32>
      %parallel_loop3A_452 = arith.shrsi %parallel_loop3A_449, %parallel_loop3A_451 : vector<16xi32>
      %parallel_loop3A_453 = arith.constant -2147483648 : i32
      %parallel_loop3A_454 = vector.broadcast %parallel_loop3A_453 : i32 to vector<16xi32>
      %parallel_loop3A_455 = arith.ori %parallel_loop3A_452, %parallel_loop3A_454 : vector<16xi32>
      %parallel_loop3A_456 = arith.xori %parallel_loop3A_449, %parallel_loop3A_455 : vector<16xi32>
      %parallel_loop3A_457 = arith.constant 16 : i32
      %parallel_loop3A_458 = arith.muli %parallel_loop3A_444, %parallel_loop3A_457 : i32
      %parallel_loop3A_459 = arith.index_cast %parallel_loop3A_458 : i32 to index
      %parallel_loop3A_460 = tpu.vector_load %arg6[%parallel_loop3A_459] {strides = array<i32>} : memref<32768xi32, #tpu.memory_space<vmem>>, vector<16xi32>,
      tpu.vector_store %arg6[%parallel_loop3A_459], %parallel_loop3A_456 {strides = array<i32>} : memref<32768xi32, #tpu.memory_space<vmem>>, vector<16xi32>,
      %parallel_loop3A_461 = arith.constant 24 : i32
      %parallel_loop3A_462 = vector.broadcast %parallel_loop3A_461 : i32 to vector<16xi32>
      %parallel_loop3A_463 = arith.shrui %parallel_loop3A_456, %parallel_loop3A_462 : vector<16xi32>
      tpu.vector_store_idx %arg7[%parallel_loop3A_463], %broadcast_in_dim3A_1 {add = true} : memref<256xi32, #tpu.memory_space<vmem>>[vector<16xi32>], vector<16xi32>,
      %parallel_loop3A_464 = arith.constant 16 : i32
      %parallel_loop3A_465 = vector.broadcast %parallel_loop3A_464 : i32 to vector<16xi32>
      %parallel_loop3A_466 = arith.shrui %parallel_loop3A_456, %parallel_loop3A_465 : vector<16xi32>
      %parallel_loop3A_467 = vector.broadcast %shift_left3A_340 : i32 to vector<16xi32>
      %parallel_loop3A_468 = arith.subi %parallel_loop3A_466, %parallel_loop3A_467 : vector<16xi32>
      %parallel_loop3A_469 = arith.constant 256 : i32
      %parallel_loop3A_470 = vector.broadcast %parallel_loop3A_469 : i32 to vector<16xi32>
      %parallel_loop3A_471 = arith.cmpi ult, %parallel_loop3A_468, %parallel_loop3A_470 : vector<16xi32>
      tpu.vector_store_idx %arg8[%parallel_loop3A_468], %broadcast_in_dim3A_1 masked %parallel_loop3A_471 {add = true} : memref<256xi32, #tpu.memory_space<vmem>>[vector<16xi32>], vector<16xi32>, vector<16xi1>
    } {sc.loop_unroll_factor = 4 : i64, sc.parallel_access}
    %add3A_350 = arith.constant 3 : i32
    %add3A_351 = arith.addi %mul3A_3, %add3A_350 : i32
    %sub3A_352 = arith.constant 1 : i32
    %sub3A_353 = arith.subi %add3A_351, %sub3A_352 : i32
    %dma_wait3A_354 = arith.constant 0 : i32
    %dma_wait3A_355 = tpu.memref_slice %arg3[%sub3A_353, %dma_wait3A_354] : memref<128x32768xf32, #tpu.memory_space<hbm>> -> memref<1x32768xf32, #tpu.memory_space<hbm>>
    %dma_wait3A_356 = tpu.memref_squeeze %dma_wait3A_355 : memref<1x32768xf32, #tpu.memory_space<hbm>> -> memref<32768xf32, #tpu.memory_space<hbm>>
    %dma_wait3A_357 = arith.constant 0 : i32
    %dma_wait3A_358 = tpu.memref_slice %arg3[%sub3A_353, %dma_wait3A_357] : memref<128x32768xf32, #tpu.memory_space<hbm>> -> memref<1x32768xf32, #tpu.memory_space<hbm>>
    %dma_wait3A_359 = tpu.memref_squeeze %dma_wait3A_358 : memref<1x32768xf32, #tpu.memory_space<hbm>> -> memref<32768xf32, #tpu.memory_space<hbm>>
    tpu.wait_dma2 semaphore(%arg11 : memref<!tpu.dma_semaphore, #tpu.memory_space<semaphore_mem>>) src(%arg4 : memref<32768xf32, #tpu.memory_space<vmem>>) dst(%dma_wait3A_359 : memref<32768xf32, #tpu.memory_space<hbm>>)
    %iota3A_360 = tpu.iota {dimensions = array<i32: 0>} : vector<16xi32>
    %while3A_361 = arith.constant 2048 : i32
    %while3A_362 = arith.constant 0 : i32
    %while3A_363 = arith.constant 0 : i32
    %while3A_364 = arith.constant 0 : i32
    %while3A_365 = arith.constant 2048 : i32
    %while3A_366 = arith.constant 0 : i32
    %while3A_367 = arith.constant 0 : i32
    %while3A_368:6 = scf.while (%while3A_444 = %while3A_362, %while3A_445 = %while3A_363, %while3A_446 = %while3A_364, %while3A_447 = %while3A_365, %while3A_448 = %while3A_366, %while3A_449 = %while3A_367) : (i32, i32, i32, i32, i32, i32) -> (i32, i32, i32, i32, i32, i32) {
      %eq3A = arith.constant 0 : i32
      %eq3A_450 = arith.cmpi eq, %while3A_449, %eq3A : i32
      %lt3A_451 = arith.constant 16 : i32
      %lt3A_452 = arith.cmpi slt, %while3A_444, %lt3A_451 : i32
      %and3A = arith.andi %eq3A_450, %lt3A_452 : i1
      scf.condition(%and3A) %while3A_444, %while3A_445, %while3A_446, %while3A_447, %while3A_448, %while3A_449 : i32, i32, i32, i32, i32, i32
    } do {
    ^bb0(%while3A_444: i32, %while3A_445: i32, %while3A_446: i32, %while3A_447: i32, %while3A_448: i32, %while3A_449: i32):
      %mul3A_450 = arith.constant 16 : i32
      %mul3A_451 = arith.muli %while3A_444, %mul3A_450 : i32
      %sub3A_452 = arith.constant 240 : i32
      %sub3A_453 = arith.subi %sub3A_452, %mul3A_451 : i32
      %get3A = arith.index_cast %sub3A_453 : i32 to index
      %get3A_454 = tpu.vector_load %arg7[%get3A] {strides = array<i32>} : memref<256xi32, #tpu.memory_space<vmem>>, vector<16xi32>,
      %rev3A = arith.constant 15 : i32
      %rev3A_455 = vector.broadcast %rev3A : i32 to vector<16xi32>
      %rev3A_456 = tpu.iota {dimensions = array<i32: 0>} : vector<16xi32>
      %rev3A_457 = arith.subi %rev3A_455, %rev3A_456 : vector<16xi32>
      %rev3A_458 = tpu.dynamic_gather %get3A_454[%rev3A_457] in [0] : vector<16xi32>, vector<16xi32> -> vector<16xi32>
      %cumsum3A = arith.constant true
      %cumsum3A_459 = vector.broadcast %cumsum3A : i1 to vector<16xi1>
      %cumsum3A_460 = tpu.scan <sum>, %rev3A_458 masked %cumsum3A_459 : vector<16xi32>, vector<16xi1> -> vector<16xi32>
      %add3A_461 = vector.broadcast %while3A_445 : i32 to vector<16xi32>
      %add3A_462 = arith.addi %cumsum3A_460, %add3A_461 : vector<16xi32>
      %ge3A_463 = vector.broadcast %while3A_361 : i32 to vector<16xi32>
      %ge3A_464 = arith.cmpi sge, %add3A_462, %ge3A_463 : vector<16xi32>
      %convert_element_type3A_465 = arith.extui %ge3A_464 : vector<16xi1> to vector<16xi32>
      %reduce_sum3A = arith.constant true
      %reduce_sum3A_466 = vector.broadcast %reduce_sum3A : i1 to vector<16xi1>
      %reduce_sum3A_467 = tpu.scan <sum>, %convert_element_type3A_465 masked %reduce_sum3A_466 : vector<16xi32>, vector<16xi1> -> vector<16xi32>
      %reduce_sum3A_468 = vector.extract %reduce_sum3A_467[15] : i32 from vector<16xi32>
      %convert_element_type3A_469 = arith.extui %ge3A_464 : vector<16xi1> to vector<16xi32>
      %cumsum3A_470 = arith.constant true
      %cumsum3A_471 = vector.broadcast %cumsum3A_470 : i1 to vector<16xi1>
      %cumsum3A_472 = tpu.scan <sum>, %convert_element_type3A_469 masked %cumsum3A_471 : vector<16xi32>, vector<16xi1> -> vector<16xi32>
      %eq3A = arith.constant 1 : i32
      %eq3A_473 = vector.broadcast %eq3A : i32 to vector<16xi32>
      %eq3A_474 = arith.cmpi eq, %cumsum3A_472, %eq3A_473 : vector<16xi32>
      %and3A = arith.andi %ge3A_464, %eq3A_474 : vector<16xi1>
      %add3A_475 = arith.constant 15 : i32
      %add3A_476 = arith.addi %sub3A_453, %add3A_475 : i32
      %sub3A_477 = vector.broadcast %add3A_476 : i32 to vector<16xi32>
      %sub3A_478 = arith.subi %sub3A_477, %iota3A_360 : vector<16xi32>
      %jit3A_479 = arith.constant 0 : i32
      %broadcast_in_dim3A_480 = vector.broadcast %jit3A_479 : i32 to vector<16xi32>
      %select_n3A_481 = arith.select %and3A, %sub3A_478, %broadcast_in_dim3A_480 : vector<16xi1>, vector<16xi32>
      %reduce_sum3A_482 = arith.constant true
      %reduce_sum3A_483 = vector.broadcast %reduce_sum3A_482 : i1 to vector<16xi1>
      %reduce_sum3A_484 = tpu.scan <sum>, %select_n3A_481 masked %reduce_sum3A_483 : vector<16xi32>, vector<16xi1> -> vector<16xi32>
      %reduce_sum3A_485 = vector.extract %reduce_sum3A_484[15] : i32 from vector<16xi32>
      %sub3A_486 = arith.subi %add3A_462, %rev3A_458 : vector<16xi32>
      %jit3A_487 = arith.constant 0 : i32
      %broadcast_in_dim3A_488 = vector.broadcast %jit3A_487 : i32 to vector<16xi32>
      %select_n3A_489 = arith.select %and3A, %sub3A_486, %broadcast_in_dim3A_488 : vector<16xi1>, vector<16xi32>
      %reduce_sum3A_490 = arith.constant true
      %reduce_sum3A_491 = vector.broadcast %reduce_sum3A_490 : i1 to vector<16xi1>
      %reduce_sum3A_492 = tpu.scan <sum>, %select_n3A_489 masked %reduce_sum3A_491 : vector<16xi32>, vector<16xi1> -> vector<16xi32>
      %reduce_sum3A_493 = vector.extract %reduce_sum3A_492[15] : i32 from vector<16xi32>
      %sub3A_494 = arith.subi %while3A_361, %reduce_sum3A_493 : i32
      %jit3A_495 = arith.constant 0 : i32
      %broadcast_in_dim3A_496 = vector.broadcast %jit3A_495 : i32 to vector<16xi32>
      %select_n3A_497 = arith.select %and3A, %rev3A_458, %broadcast_in_dim3A_496 : vector<16xi1>, vector<16xi32>
      %reduce_sum3A_498 = arith.constant true
      %reduce_sum3A_499 = vector.broadcast %reduce_sum3A_498 : i1 to vector<16xi1>
      %reduce_sum3A_500 = tpu.scan <sum>, %select_n3A_497 masked %reduce_sum3A_499 : vector<16xi32>, vector<16xi1> -> vector<16xi32>
      %reduce_sum3A_501 = vector.extract %reduce_sum3A_500[15] : i32 from vector<16xi32>
      %reduce_sum3A_502 = arith.constant true
      %reduce_sum3A_503 = vector.broadcast %reduce_sum3A_502 : i1 to vector<16xi1>
      %reduce_sum3A_504 = tpu.scan <sum>, %get3A_454 masked %reduce_sum3A_503 : vector<16xi32>, vector<16xi1> -> vector<16xi32>
      %reduce_sum3A_505 = vector.extract %reduce_sum3A_504[15] : i32 from vector<16xi32>
      %gt3A = arith.constant 0 : i32
      %gt3A_506 = arith.cmpi sgt, %reduce_sum3A_468, %gt3A : i32
      %convert_element_type3A_507 = arith.extui %gt3A_506 : i1 to i32
      %add3A_508 = arith.constant 1 : i32
      %add3A_509 = arith.addi %while3A_444, %add3A_508 : i32
      %eq3A_510 = arith.constant 1 : i32
      %eq3A_511 = arith.cmpi eq, %convert_element_type3A_507, %eq3A_510 : i32
      %add3A_512 = arith.addi %while3A_445, %reduce_sum3A_505 : i32
      %select_n3A_513 = arith.select %eq3A_511, %while3A_445, %add3A_512 : i32
      %eq3A_514 = arith.constant 1 : i32
      %eq3A_515 = arith.cmpi eq, %convert_element_type3A_507, %eq3A_514 : i32
      %select_n3A_516 = arith.select %eq3A_515, %reduce_sum3A_485, %while3A_446 : i32
      %eq3A_517 = arith.constant 1 : i32
      %eq3A_518 = arith.cmpi eq, %convert_element_type3A_507, %eq3A_517 : i32
      %select_n3A_519 = arith.select %eq3A_518, %sub3A_494, %while3A_447 : i32
      %eq3A_520 = arith.constant 1 : i32
      %eq3A_521 = arith.cmpi eq, %convert_element_type3A_507, %eq3A_520 : i32
      %select_n3A_522 = arith.select %eq3A_521, %reduce_sum3A_501, %while3A_448 : i32
      scf.yield %add3A_509, %select_n3A_513, %select_n3A_516, %select_n3A_519, %select_n3A_522, %convert_element_type3A_507 : i32, i32, i32, i32, i32, i32
    }
    %ne3A_369 = arith.constant 191 : i32
    %ne3A_370 = arith.cmpi ne, %while3A_368#2, %ne3A_369 : i32
    %convert_element_type3A_371 = arith.extui %ne3A_370 : i1 to i32
    %cond3A_372 = arith.constant 0 : i32
    %cond3A_373 = arith.cmpi ne, %convert_element_type3A_371, %cond3A_372 : i32
    scf.if %cond3A_373 {
      %parallel_loop3A_444 = arith.constant 0 : i32
      %parallel_loop3A_445 = arith.constant 16 : i32
      %parallel_loop3A_446 = arith.constant 1 : i32
      scf.for %parallel_loop3A_453 = %parallel_loop3A_444 to %parallel_loop3A_445 step %parallel_loop3A_446  : i32 {
        %parallel_loop3A_454 = arith.constant 0 : i32
        %parallel_loop3A_455 = vector.broadcast %parallel_loop3A_454 : i32 to vector<16xi32>
        %parallel_loop3A_456 = arith.constant 16 : i32
        %parallel_loop3A_457 = arith.muli %parallel_loop3A_453, %parallel_loop3A_456 : i32
        %parallel_loop3A_458 = arith.index_cast %parallel_loop3A_457 : i32 to index
        %parallel_loop3A_459 = tpu.vector_load %arg8[%parallel_loop3A_458] {strides = array<i32>} : memref<256xi32, #tpu.memory_space<vmem>>, vector<16xi32>,
        tpu.vector_store %arg8[%parallel_loop3A_458], %parallel_loop3A_455 {strides = array<i32>} : memref<256xi32, #tpu.memory_space<vmem>>, vector<16xi32>,
      } {sc.loop_unroll_factor = 4 : i64, sc.parallel_access}
      %shift_left3A_447 = arith.constant 8 : i32
      %shift_left3A_448 = arith.shli %while3A_368#2, %shift_left3A_447 : i32
      %parallel_loop3A_449 = arith.constant 0 : i32
      %parallel_loop3A_450 = arith.constant 2048 : i32
      %parallel_loop3A_451 = arith.constant 1 : i32
      %parallel_loop3A_452 = arith.constant 16 : i32
      scf.for %parallel_loop3A_453 = %parallel_loop3A_449 to %parallel_loop3A_450 step %parallel_loop3A_451  : i32 {
        %parallel_loop3A_454 = arith.constant 16 : i32
        %parallel_loop3A_455 = arith.muli %parallel_loop3A_453, %parallel_loop3A_454 : i32
        %parallel_loop3A_456 = arith.index_cast %parallel_loop3A_455 : i32 to index
        %parallel_loop3A_457 = tpu.vector_load %arg6[%parallel_loop3A_456] {strides = array<i32>} : memref<32768xi32, #tpu.memory_space<vmem>>, vector<16xi32>,
        %parallel_loop3A_458 = vector.broadcast %parallel_loop3A_452 : i32 to vector<16xi32>
        %parallel_loop3A_459 = arith.shrui %parallel_loop3A_457, %parallel_loop3A_458 : vector<16xi32>
        %parallel_loop3A_460 = vector.broadcast %shift_left3A_448 : i32 to vector<16xi32>
        %parallel_loop3A_461 = arith.subi %parallel_loop3A_459, %parallel_loop3A_460 : vector<16xi32>
        %parallel_loop3A_462 = arith.constant 256 : i32
        %parallel_loop3A_463 = vector.broadcast %parallel_loop3A_462 : i32 to vector<16xi32>
        %parallel_loop3A_464 = arith.cmpi ult, %parallel_loop3A_461, %parallel_loop3A_463 : vector<16xi32>
        tpu.vector_store_idx %arg8[%parallel_loop3A_461], %broadcast_in_dim3A_1 masked %parallel_loop3A_464 {add = true} : memref<256xi32, #tpu.memory_space<vmem>>[vector<16xi32>], vector<16xi32>, vector<16xi1>
      } {sc.loop_unroll_factor = 4 : i64, sc.parallel_access}
    } else {
    }
    %iota3A_374 = tpu.iota {dimensions = array<i32: 0>} : vector<16xi32>
    %while3A_375 = arith.constant 0 : i32
    %while3A_376 = arith.constant 0 : i32
    %while3A_377 = arith.constant 0 : i32
    %while3A_378 = arith.constant 0 : i32
    %while3A_379 = arith.constant 0 : i32
    %while3A_380:6 = scf.while (%while3A_444 = %while3A_375, %while3A_445 = %while3A_376, %while3A_446 = %while3A_377, %while3A_447 = %while3A_368#3, %while3A_448 = %while3A_378, %while3A_449 = %while3A_379) : (i32, i32, i32, i32, i32, i32) -> (i32, i32, i32, i32, i32, i32) {
      %eq3A = arith.constant 0 : i32
      %eq3A_450 = arith.cmpi eq, %while3A_449, %eq3A : i32
      %lt3A_451 = arith.constant 16 : i32
      %lt3A_452 = arith.cmpi slt, %while3A_444, %lt3A_451 : i32
      %and3A = arith.andi %eq3A_450, %lt3A_452 : i1
      scf.condition(%and3A) %while3A_444, %while3A_445, %while3A_446, %while3A_447, %while3A_448, %while3A_449 : i32, i32, i32, i32, i32, i32
    } do {
    ^bb0(%while3A_444: i32, %while3A_445: i32, %while3A_446: i32, %while3A_447: i32, %while3A_448: i32, %while3A_449: i32):
      %mul3A_450 = arith.constant 16 : i32
      %mul3A_451 = arith.muli %while3A_444, %mul3A_450 : i32
      %sub3A_452 = arith.constant 240 : i32
      %sub3A_453 = arith.subi %sub3A_452, %mul3A_451 : i32
      %get3A = arith.index_cast %sub3A_453 : i32 to index
      %get3A_454 = tpu.vector_load %arg8[%get3A] {strides = array<i32>} : memref<256xi32, #tpu.memory_space<vmem>>, vector<16xi32>,
      %rev3A = arith.constant 15 : i32
      %rev3A_455 = vector.broadcast %rev3A : i32 to vector<16xi32>
      %rev3A_456 = tpu.iota {dimensions = array<i32: 0>} : vector<16xi32>
      %rev3A_457 = arith.subi %rev3A_455, %rev3A_456 : vector<16xi32>
      %rev3A_458 = tpu.dynamic_gather %get3A_454[%rev3A_457] in [0] : vector<16xi32>, vector<16xi32> -> vector<16xi32>
      %cumsum3A = arith.constant true
      %cumsum3A_459 = vector.broadcast %cumsum3A : i1 to vector<16xi1>
      %cumsum3A_460 = tpu.scan <sum>, %rev3A_458 masked %cumsum3A_459 : vector<16xi32>, vector<16xi1> -> vector<16xi32>
      %add3A_461 = vector.broadcast %while3A_445 : i32 to vector<16xi32>
      %add3A_462 = arith.addi %cumsum3A_460, %add3A_461 : vector<16xi32>
      %ge3A_463 = vector.broadcast %while3A_368#3 : i32 to vector<16xi32>
      %ge3A_464 = arith.cmpi sge, %add3A_462, %ge3A_463 : vector<16xi32>
      %convert_element_type3A_465 = arith.extui %ge3A_464 : vector<16xi1> to vector<16xi32>
      %reduce_sum3A = arith.constant true
      %reduce_sum3A_466 = vector.broadcast %reduce_sum3A : i1 to vector<16xi1>
      %reduce_sum3A_467 = tpu.scan <sum>, %convert_element_type3A_465 masked %reduce_sum3A_466 : vector<16xi32>, vector<16xi1> -> vector<16xi32>
      %reduce_sum3A_468 = vector.extract %reduce_sum3A_467[15] : i32 from vector<16xi32>
      %convert_element_type3A_469 = arith.extui %ge3A_464 : vector<16xi1> to vector<16xi32>
      %cumsum3A_470 = arith.constant true
      %cumsum3A_471 = vector.broadcast %cumsum3A_470 : i1 to vector<16xi1>
      %cumsum3A_472 = tpu.scan <sum>, %convert_element_type3A_469 masked %cumsum3A_471 : vector<16xi32>, vector<16xi1> -> vector<16xi32>
      %eq3A = arith.constant 1 : i32
      %eq3A_473 = vector.broadcast %eq3A : i32 to vector<16xi32>
      %eq3A_474 = arith.cmpi eq, %cumsum3A_472, %eq3A_473 : vector<16xi32>
      %and3A = arith.andi %ge3A_464, %eq3A_474 : vector<16xi1>
      %add3A_475 = arith.constant 15 : i32
      %add3A_476 = arith.addi %sub3A_453, %add3A_475 : i32
      %sub3A_477 = vector.broadcast %add3A_476 : i32 to vector<16xi32>
      %sub3A_478 = arith.subi %sub3A_477, %iota3A_374 : vector<16xi32>
      %jit3A_479 = arith.constant 0 : i32
      %broadcast_in_dim3A_480 = vector.broadcast %jit3A_479 : i32 to vector<16xi32>
      %select_n3A_481 = arith.select %and3A, %sub3A_478, %broadcast_in_dim3A_480 : vector<16xi1>, vector<16xi32>
      %reduce_sum3A_482 = arith.constant true
      %reduce_sum3A_483 = vector.broadcast %reduce_sum3A_482 : i1 to vector<16xi1>
      %reduce_sum3A_484 = tpu.scan <sum>, %select_n3A_481 masked %reduce_sum3A_483 : vector<16xi32>, vector<16xi1> -> vector<16xi32>
      %reduce_sum3A_485 = vector.extract %reduce_sum3A_484[15] : i32 from vector<16xi32>
      %sub3A_486 = arith.subi %add3A_462, %rev3A_458 : vector<16xi32>
      %jit3A_487 = arith.constant 0 : i32
      %broadcast_in_dim3A_488 = vector.broadcast %jit3A_487 : i32 to vector<16xi32>
      %select_n3A_489 = arith.select %and3A, %sub3A_486, %broadcast_in_dim3A_488 : vector<16xi1>, vector<16xi32>
      %reduce_sum3A_490 = arith.constant true
      %reduce_sum3A_491 = vector.broadcast %reduce_sum3A_490 : i1 to vector<16xi1>
      %reduce_sum3A_492 = tpu.scan <sum>, %select_n3A_489 masked %reduce_sum3A_491 : vector<16xi32>, vector<16xi1> -> vector<16xi32>
      %reduce_sum3A_493 = vector.extract %reduce_sum3A_492[15] : i32 from vector<16xi32>
      %sub3A_494 = arith.subi %while3A_368#3, %reduce_sum3A_493 : i32
      %jit3A_495 = arith.constant 0 : i32
      %broadcast_in_dim3A_496 = vector.broadcast %jit3A_495 : i32 to vector<16xi32>
      %select_n3A_497 = arith.select %and3A, %rev3A_458, %broadcast_in_dim3A_496 : vector<16xi1>, vector<16xi32>
      %reduce_sum3A_498 = arith.constant true
      %reduce_sum3A_499 = vector.broadcast %reduce_sum3A_498 : i1 to vector<16xi1>
      %reduce_sum3A_500 = tpu.scan <sum>, %select_n3A_497 masked %reduce_sum3A_499 : vector<16xi32>, vector<16xi1> -> vector<16xi32>
      %reduce_sum3A_501 = vector.extract %reduce_sum3A_500[15] : i32 from vector<16xi32>
      %reduce_sum3A_502 = arith.constant true
      %reduce_sum3A_503 = vector.broadcast %reduce_sum3A_502 : i1 to vector<16xi1>
      %reduce_sum3A_504 = tpu.scan <sum>, %get3A_454 masked %reduce_sum3A_503 : vector<16xi32>, vector<16xi1> -> vector<16xi32>
      %reduce_sum3A_505 = vector.extract %reduce_sum3A_504[15] : i32 from vector<16xi32>
      %gt3A = arith.constant 0 : i32
      %gt3A_506 = arith.cmpi sgt, %reduce_sum3A_468, %gt3A : i32
      %convert_element_type3A_507 = arith.extui %gt3A_506 : i1 to i32
      %add3A_508 = arith.constant 1 : i32
      %add3A_509 = arith.addi %while3A_444, %add3A_508 : i32
      %eq3A_510 = arith.constant 1 : i32
      %eq3A_511 = arith.cmpi eq, %convert_element_type3A_507, %eq3A_510 : i32
      %add3A_512 = arith.addi %while3A_445, %reduce_sum3A_505 : i32
      %select_n3A_513 = arith.select %eq3A_511, %while3A_445, %add3A_512 : i32
      %eq3A_514 = arith.constant 1 : i32
      %eq3A_515 = arith.cmpi eq, %convert_element_type3A_507, %eq3A_514 : i32
      %select_n3A_516 = arith.select %eq3A_515, %reduce_sum3A_485, %while3A_446 : i32
      %eq3A_517 = arith.constant 1 : i32
      %eq3A_518 = arith.cmpi eq, %convert_element_type3A_507, %eq3A_517 : i32
      %select_n3A_519 = arith.select %eq3A_518, %sub3A_494, %while3A_447 : i32
      %eq3A_520 = arith.constant 1 : i32
      %eq3A_521 = arith.cmpi eq, %convert_element_type3A_507, %eq3A_520 : i32
      %select_n3A_522 = arith.select %eq3A_521, %reduce_sum3A_501, %while3A_448 : i32
      scf.yield %add3A_509, %select_n3A_513, %select_n3A_516, %select_n3A_519, %select_n3A_522, %convert_element_type3A_507 : i32, i32, i32, i32, i32, i32
    }
    %shift_left3A_381 = arith.constant 8 : i32
    %shift_left3A_382 = arith.shli %while3A_368#2, %shift_left3A_381 : i32
    %or3A_383 = arith.ori %shift_left3A_382, %while3A_380#2 : i32
    %parallel_loop3A_384 = arith.constant 0 : i32
    %parallel_loop3A_385 = arith.constant 16 : i32
    %parallel_loop3A_386 = arith.constant 1 : i32
    scf.for %parallel_loop3A_444 = %parallel_loop3A_384 to %parallel_loop3A_385 step %parallel_loop3A_386  : i32 {
      %parallel_loop3A_445 = arith.constant 0 : i32
      %parallel_loop3A_446 = vector.broadcast %parallel_loop3A_445 : i32 to vector<16xi32>
      %parallel_loop3A_447 = arith.constant 16 : i32
      %parallel_loop3A_448 = arith.muli %parallel_loop3A_444, %parallel_loop3A_447 : i32
      %parallel_loop3A_449 = arith.index_cast %parallel_loop3A_448 : i32 to index
      %parallel_loop3A_450 = tpu.vector_load %arg7[%parallel_loop3A_449] {strides = array<i32>} : memref<256xi32, #tpu.memory_space<vmem>>, vector<16xi32>,
      tpu.vector_store %arg7[%parallel_loop3A_449], %parallel_loop3A_446 {strides = array<i32>} : memref<256xi32, #tpu.memory_space<vmem>>, vector<16xi32>,
    } {sc.loop_unroll_factor = 4 : i64, sc.parallel_access}
    %shift_left3A_387 = arith.constant 8 : i32
    %shift_left3A_388 = arith.shli %or3A_383, %shift_left3A_387 : i32
    %parallel_loop3A_389 = arith.constant 0 : i32
    %parallel_loop3A_390 = arith.constant 2048 : i32
    %parallel_loop3A_391 = arith.constant 1 : i32
    %parallel_loop3A_392 = arith.constant 8 : i32
    scf.for %parallel_loop3A_444 = %parallel_loop3A_389 to %parallel_loop3A_390 step %parallel_loop3A_391  : i32 {
      %parallel_loop3A_445 = arith.constant 16 : i32
      %parallel_loop3A_446 = arith.muli %parallel_loop3A_444, %parallel_loop3A_445 : i32
      %parallel_loop3A_447 = arith.index_cast %parallel_loop3A_446 : i32 to index
      %parallel_loop3A_448 = tpu.vector_load %arg6[%parallel_loop3A_447] {strides = array<i32>} : memref<32768xi32, #tpu.memory_space<vmem>>, vector<16xi32>,
      %parallel_loop3A_449 = vector.broadcast %parallel_loop3A_392 : i32 to vector<16xi32>
      %parallel_loop3A_450 = arith.shrui %parallel_loop3A_448, %parallel_loop3A_449 : vector<16xi32>
      %parallel_loop3A_451 = vector.broadcast %shift_left3A_388 : i32 to vector<16xi32>
      %parallel_loop3A_452 = arith.subi %parallel_loop3A_450, %parallel_loop3A_451 : vector<16xi32>
      %parallel_loop3A_453 = arith.constant 256 : i32
      %parallel_loop3A_454 = vector.broadcast %parallel_loop3A_453 : i32 to vector<16xi32>
      %parallel_loop3A_455 = arith.cmpi ult, %parallel_loop3A_452, %parallel_loop3A_454 : vector<16xi32>
      tpu.vector_store_idx %arg7[%parallel_loop3A_452], %broadcast_in_dim3A_1 masked %parallel_loop3A_455 {add = true} : memref<256xi32, #tpu.memory_space<vmem>>[vector<16xi32>], vector<16xi32>, vector<16xi1>
    } {sc.loop_unroll_factor = 4 : i64, sc.parallel_access}
    %iota3A_393 = tpu.iota {dimensions = array<i32: 0>} : vector<16xi32>
    %while3A_394 = arith.constant 0 : i32
    %while3A_395 = arith.constant 0 : i32
    %while3A_396 = arith.constant 0 : i32
    %while3A_397 = arith.constant 0 : i32
    %while3A_398 = arith.constant 0 : i32
    %while3A_399:6 = scf.while (%while3A_444 = %while3A_394, %while3A_445 = %while3A_395, %while3A_446 = %while3A_396, %while3A_447 = %while3A_380#3, %while3A_448 = %while3A_397, %while3A_449 = %while3A_398) : (i32, i32, i32, i32, i32, i32) -> (i32, i32, i32, i32, i32, i32) {
      %eq3A = arith.constant 0 : i32
      %eq3A_450 = arith.cmpi eq, %while3A_449, %eq3A : i32
      %lt3A_451 = arith.constant 16 : i32
      %lt3A_452 = arith.cmpi slt, %while3A_444, %lt3A_451 : i32
      %and3A = arith.andi %eq3A_450, %lt3A_452 : i1
      scf.condition(%and3A) %while3A_444, %while3A_445, %while3A_446, %while3A_447, %while3A_448, %while3A_449 : i32, i32, i32, i32, i32, i32
    } do {
    ^bb0(%while3A_444: i32, %while3A_445: i32, %while3A_446: i32, %while3A_447: i32, %while3A_448: i32, %while3A_449: i32):
      %mul3A_450 = arith.constant 16 : i32
      %mul3A_451 = arith.muli %while3A_444, %mul3A_450 : i32
      %sub3A_452 = arith.constant 240 : i32
      %sub3A_453 = arith.subi %sub3A_452, %mul3A_451 : i32
      %get3A = arith.index_cast %sub3A_453 : i32 to index
      %get3A_454 = tpu.vector_load %arg7[%get3A] {strides = array<i32>} : memref<256xi32, #tpu.memory_space<vmem>>, vector<16xi32>,
      %rev3A = arith.constant 15 : i32
      %rev3A_455 = vector.broadcast %rev3A : i32 to vector<16xi32>
      %rev3A_456 = tpu.iota {dimensions = array<i32: 0>} : vector<16xi32>
      %rev3A_457 = arith.subi %rev3A_455, %rev3A_456 : vector<16xi32>
      %rev3A_458 = tpu.dynamic_gather %get3A_454[%rev3A_457] in [0] : vector<16xi32>, vector<16xi32> -> vector<16xi32>
      %cumsum3A = arith.constant true
      %cumsum3A_459 = vector.broadcast %cumsum3A : i1 to vector<16xi1>
      %cumsum3A_460 = tpu.scan <sum>, %rev3A_458 masked %cumsum3A_459 : vector<16xi32>, vector<16xi1> -> vector<16xi32>
      %add3A_461 = vector.broadcast %while3A_445 : i32 to vector<16xi32>
      %add3A_462 = arith.addi %cumsum3A_460, %add3A_461 : vector<16xi32>
      %ge3A_463 = vector.broadcast %while3A_380#3 : i32 to vector<16xi32>
      %ge3A_464 = arith.cmpi sge, %add3A_462, %ge3A_463 : vector<16xi32>
      %convert_element_type3A_465 = arith.extui %ge3A_464 : vector<16xi1> to vector<16xi32>
      %reduce_sum3A = arith.constant true
      %reduce_sum3A_466 = vector.broadcast %reduce_sum3A : i1 to vector<16xi1>
      %reduce_sum3A_467 = tpu.scan <sum>, %convert_element_type3A_465 masked %reduce_sum3A_466 : vector<16xi32>, vector<16xi1> -> vector<16xi32>
      %reduce_sum3A_468 = vector.extract %reduce_sum3A_467[15] : i32 from vector<16xi32>
      %convert_element_type3A_469 = arith.extui %ge3A_464 : vector<16xi1> to vector<16xi32>
      %cumsum3A_470 = arith.constant true
      %cumsum3A_471 = vector.broadcast %cumsum3A_470 : i1 to vector<16xi1>
      %cumsum3A_472 = tpu.scan <sum>, %convert_element_type3A_469 masked %cumsum3A_471 : vector<16xi32>, vector<16xi1> -> vector<16xi32>
      %eq3A = arith.constant 1 : i32
      %eq3A_473 = vector.broadcast %eq3A : i32 to vector<16xi32>
      %eq3A_474 = arith.cmpi eq, %cumsum3A_472, %eq3A_473 : vector<16xi32>
      %and3A = arith.andi %ge3A_464, %eq3A_474 : vector<16xi1>
      %add3A_475 = arith.constant 15 : i32
      %add3A_476 = arith.addi %sub3A_453, %add3A_475 : i32
      %sub3A_477 = vector.broadcast %add3A_476 : i32 to vector<16xi32>
      %sub3A_478 = arith.subi %sub3A_477, %iota3A_393 : vector<16xi32>
      %jit3A_479 = arith.constant 0 : i32
      %broadcast_in_dim3A_480 = vector.broadcast %jit3A_479 : i32 to vector<16xi32>
      %select_n3A_481 = arith.select %and3A, %sub3A_478, %broadcast_in_dim3A_480 : vector<16xi1>, vector<16xi32>
      %reduce_sum3A_482 = arith.constant true
      %reduce_sum3A_483 = vector.broadcast %reduce_sum3A_482 : i1 to vector<16xi1>
      %reduce_sum3A_484 = tpu.scan <sum>, %select_n3A_481 masked %reduce_sum3A_483 : vector<16xi32>, vector<16xi1> -> vector<16xi32>
      %reduce_sum3A_485 = vector.extract %reduce_sum3A_484[15] : i32 from vector<16xi32>
      %sub3A_486 = arith.subi %add3A_462, %rev3A_458 : vector<16xi32>
      %jit3A_487 = arith.constant 0 : i32
      %broadcast_in_dim3A_488 = vector.broadcast %jit3A_487 : i32 to vector<16xi32>
      %select_n3A_489 = arith.select %and3A, %sub3A_486, %broadcast_in_dim3A_488 : vector<16xi1>, vector<16xi32>
      %reduce_sum3A_490 = arith.constant true
      %reduce_sum3A_491 = vector.broadcast %reduce_sum3A_490 : i1 to vector<16xi1>
      %reduce_sum3A_492 = tpu.scan <sum>, %select_n3A_489 masked %reduce_sum3A_491 : vector<16xi32>, vector<16xi1> -> vector<16xi32>
      %reduce_sum3A_493 = vector.extract %reduce_sum3A_492[15] : i32 from vector<16xi32>
      %sub3A_494 = arith.subi %while3A_380#3, %reduce_sum3A_493 : i32
      %jit3A_495 = arith.constant 0 : i32
      %broadcast_in_dim3A_496 = vector.broadcast %jit3A_495 : i32 to vector<16xi32>
      %select_n3A_497 = arith.select %and3A, %rev3A_458, %broadcast_in_dim3A_496 : vector<16xi1>, vector<16xi32>
      %reduce_sum3A_498 = arith.constant true
      %reduce_sum3A_499 = vector.broadcast %reduce_sum3A_498 : i1 to vector<16xi1>
      %reduce_sum3A_500 = tpu.scan <sum>, %select_n3A_497 masked %reduce_sum3A_499 : vector<16xi32>, vector<16xi1> -> vector<16xi32>
      %reduce_sum3A_501 = vector.extract %reduce_sum3A_500[15] : i32 from vector<16xi32>
      %reduce_sum3A_502 = arith.constant true
      %reduce_sum3A_503 = vector.broadcast %reduce_sum3A_502 : i1 to vector<16xi1>
      %reduce_sum3A_504 = tpu.scan <sum>, %get3A_454 masked %reduce_sum3A_503 : vector<16xi32>, vector<16xi1> -> vector<16xi32>
      %reduce_sum3A_505 = vector.extract %reduce_sum3A_504[15] : i32 from vector<16xi32>
      %gt3A = arith.constant 0 : i32
      %gt3A_506 = arith.cmpi sgt, %reduce_sum3A_468, %gt3A : i32
      %convert_element_type3A_507 = arith.extui %gt3A_506 : i1 to i32
      %add3A_508 = arith.constant 1 : i32
      %add3A_509 = arith.addi %while3A_444, %add3A_508 : i32
      %eq3A_510 = arith.constant 1 : i32
      %eq3A_511 = arith.cmpi eq, %convert_element_type3A_507, %eq3A_510 : i32
      %add3A_512 = arith.addi %while3A_445, %reduce_sum3A_505 : i32
      %select_n3A_513 = arith.select %eq3A_511, %while3A_445, %add3A_512 : i32
      %eq3A_514 = arith.constant 1 : i32
      %eq3A_515 = arith.cmpi eq, %convert_element_type3A_507, %eq3A_514 : i32
      %select_n3A_516 = arith.select %eq3A_515, %reduce_sum3A_485, %while3A_446 : i32
      %eq3A_517 = arith.constant 1 : i32
      %eq3A_518 = arith.cmpi eq, %convert_element_type3A_507, %eq3A_517 : i32
      %select_n3A_519 = arith.select %eq3A_518, %sub3A_494, %while3A_447 : i32
      %eq3A_520 = arith.constant 1 : i32
      %eq3A_521 = arith.cmpi eq, %convert_element_type3A_507, %eq3A_520 : i32
      %select_n3A_522 = arith.select %eq3A_521, %reduce_sum3A_501, %while3A_448 : i32
      scf.yield %add3A_509, %select_n3A_513, %select_n3A_516, %select_n3A_519, %select_n3A_522, %convert_element_type3A_507 : i32, i32, i32, i32, i32, i32
    }
    %or3A_400 = arith.ori %shift_left3A_388, %while3A_399#2 : i32
    %lt3A_401 = arith.cmpi slt, %while3A_399#3, %while3A_399#4 : i32
    %convert_element_type3A_402 = arith.extui %lt3A_401 : i1 to i32
    %cond3A_403 = arith.constant 0 : i32
    %cond3A_404 = arith.cmpi ne, %convert_element_type3A_402, %cond3A_403 : i32
    scf.if %cond3A_404 {
      %parallel_loop3A_444 = arith.constant 0 : i32
      %parallel_loop3A_445 = arith.constant 16 : i32
      %parallel_loop3A_446 = arith.constant 1 : i32
      scf.for %parallel_loop3A_453 = %parallel_loop3A_444 to %parallel_loop3A_445 step %parallel_loop3A_446  : i32 {
        %parallel_loop3A_454 = arith.constant 0 : i32
        %parallel_loop3A_455 = vector.broadcast %parallel_loop3A_454 : i32 to vector<16xi32>
        %parallel_loop3A_456 = arith.constant 16 : i32
        %parallel_loop3A_457 = arith.muli %parallel_loop3A_453, %parallel_loop3A_456 : i32
        %parallel_loop3A_458 = arith.index_cast %parallel_loop3A_457 : i32 to index
        %parallel_loop3A_459 = tpu.vector_load %arg7[%parallel_loop3A_458] {strides = array<i32>} : memref<256xi32, #tpu.memory_space<vmem>>, vector<16xi32>,
        tpu.vector_store %arg7[%parallel_loop3A_458], %parallel_loop3A_455 {strides = array<i32>} : memref<256xi32, #tpu.memory_space<vmem>>, vector<16xi32>,
      } {sc.loop_unroll_factor = 4 : i64, sc.parallel_access}
      %shift_left3A_447 = arith.constant 8 : i32
      %shift_left3A_448 = arith.shli %or3A_400, %shift_left3A_447 : i32
      %parallel_loop3A_449 = arith.constant 0 : i32
      %parallel_loop3A_450 = arith.constant 2048 : i32
      %parallel_loop3A_451 = arith.constant 1 : i32
      %parallel_loop3A_452 = arith.constant 0 : i32
      scf.for %parallel_loop3A_453 = %parallel_loop3A_449 to %parallel_loop3A_450 step %parallel_loop3A_451  : i32 {
        %parallel_loop3A_454 = arith.constant 16 : i32
        %parallel_loop3A_455 = arith.muli %parallel_loop3A_453, %parallel_loop3A_454 : i32
        %parallel_loop3A_456 = arith.index_cast %parallel_loop3A_455 : i32 to index
        %parallel_loop3A_457 = tpu.vector_load %arg6[%parallel_loop3A_456] {strides = array<i32>} : memref<32768xi32, #tpu.memory_space<vmem>>, vector<16xi32>,
        %parallel_loop3A_458 = vector.broadcast %parallel_loop3A_452 : i32 to vector<16xi32>
        %parallel_loop3A_459 = arith.shrui %parallel_loop3A_457, %parallel_loop3A_458 : vector<16xi32>
        %parallel_loop3A_460 = vector.broadcast %shift_left3A_448 : i32 to vector<16xi32>
        %parallel_loop3A_461 = arith.subi %parallel_loop3A_459, %parallel_loop3A_460 : vector<16xi32>
        %parallel_loop3A_462 = arith.constant 256 : i32
        %parallel_loop3A_463 = vector.broadcast %parallel_loop3A_462 : i32 to vector<16xi32>
        %parallel_loop3A_464 = arith.cmpi ult, %parallel_loop3A_461, %parallel_loop3A_463 : vector<16xi32>
        tpu.vector_store_idx %arg7[%parallel_loop3A_461], %broadcast_in_dim3A_1 masked %parallel_loop3A_464 {add = true} : memref<256xi32, #tpu.memory_space<vmem>>[vector<16xi32>], vector<16xi32>, vector<16xi1>
      } {sc.loop_unroll_factor = 4 : i64, sc.parallel_access}
    } else {
    }
    %iota3A_405 = tpu.iota {dimensions = array<i32: 0>} : vector<16xi32>
    %while3A_406 = arith.constant 0 : i32
    %while3A_407 = arith.constant 0 : i32
    %while3A_408 = arith.constant 0 : i32
    %while3A_409 = arith.constant 0 : i32
    %while3A_410 = arith.constant 0 : i32
    %while3A_411:6 = scf.while (%while3A_444 = %while3A_406, %while3A_445 = %while3A_407, %while3A_446 = %while3A_408, %while3A_447 = %while3A_399#3, %while3A_448 = %while3A_409, %while3A_449 = %while3A_410) : (i32, i32, i32, i32, i32, i32) -> (i32, i32, i32, i32, i32, i32) {
      %eq3A = arith.constant 0 : i32
      %eq3A_450 = arith.cmpi eq, %while3A_449, %eq3A : i32
      %lt3A_451 = arith.constant 16 : i32
      %lt3A_452 = arith.cmpi slt, %while3A_444, %lt3A_451 : i32
      %and3A = arith.andi %eq3A_450, %lt3A_452 : i1
      scf.condition(%and3A) %while3A_444, %while3A_445, %while3A_446, %while3A_447, %while3A_448, %while3A_449 : i32, i32, i32, i32, i32, i32
    } do {
    ^bb0(%while3A_444: i32, %while3A_445: i32, %while3A_446: i32, %while3A_447: i32, %while3A_448: i32, %while3A_449: i32):
      %mul3A_450 = arith.constant 16 : i32
      %mul3A_451 = arith.muli %while3A_444, %mul3A_450 : i32
      %sub3A_452 = arith.constant 240 : i32
      %sub3A_453 = arith.subi %sub3A_452, %mul3A_451 : i32
      %get3A = arith.index_cast %sub3A_453 : i32 to index
      %get3A_454 = tpu.vector_load %arg7[%get3A] {strides = array<i32>} : memref<256xi32, #tpu.memory_space<vmem>>, vector<16xi32>,
      %rev3A = arith.constant 15 : i32
      %rev3A_455 = vector.broadcast %rev3A : i32 to vector<16xi32>
      %rev3A_456 = tpu.iota {dimensions = array<i32: 0>} : vector<16xi32>
      %rev3A_457 = arith.subi %rev3A_455, %rev3A_456 : vector<16xi32>
      %rev3A_458 = tpu.dynamic_gather %get3A_454[%rev3A_457] in [0] : vector<16xi32>, vector<16xi32> -> vector<16xi32>
      %cumsum3A = arith.constant true
      %cumsum3A_459 = vector.broadcast %cumsum3A : i1 to vector<16xi1>
      %cumsum3A_460 = tpu.scan <sum>, %rev3A_458 masked %cumsum3A_459 : vector<16xi32>, vector<16xi1> -> vector<16xi32>
      %add3A_461 = vector.broadcast %while3A_445 : i32 to vector<16xi32>
      %add3A_462 = arith.addi %cumsum3A_460, %add3A_461 : vector<16xi32>
      %ge3A_463 = vector.broadcast %while3A_399#3 : i32 to vector<16xi32>
      %ge3A_464 = arith.cmpi sge, %add3A_462, %ge3A_463 : vector<16xi32>
      %convert_element_type3A_465 = arith.extui %ge3A_464 : vector<16xi1> to vector<16xi32>
      %reduce_sum3A = arith.constant true
      %reduce_sum3A_466 = vector.broadcast %reduce_sum3A : i1 to vector<16xi1>
      %reduce_sum3A_467 = tpu.scan <sum>, %convert_element_type3A_465 masked %reduce_sum3A_466 : vector<16xi32>, vector<16xi1> -> vector<16xi32>
      %reduce_sum3A_468 = vector.extract %reduce_sum3A_467[15] : i32 from vector<16xi32>
      %convert_element_type3A_469 = arith.extui %ge3A_464 : vector<16xi1> to vector<16xi32>
      %cumsum3A_470 = arith.constant true
      %cumsum3A_471 = vector.broadcast %cumsum3A_470 : i1 to vector<16xi1>
      %cumsum3A_472 = tpu.scan <sum>, %convert_element_type3A_469 masked %cumsum3A_471 : vector<16xi32>, vector<16xi1> -> vector<16xi32>
      %eq3A = arith.constant 1 : i32
      %eq3A_473 = vector.broadcast %eq3A : i32 to vector<16xi32>
      %eq3A_474 = arith.cmpi eq, %cumsum3A_472, %eq3A_473 : vector<16xi32>
      %and3A = arith.andi %ge3A_464, %eq3A_474 : vector<16xi1>
      %add3A_475 = arith.constant 15 : i32
      %add3A_476 = arith.addi %sub3A_453, %add3A_475 : i32
      %sub3A_477 = vector.broadcast %add3A_476 : i32 to vector<16xi32>
      %sub3A_478 = arith.subi %sub3A_477, %iota3A_405 : vector<16xi32>
      %jit3A_479 = arith.constant 0 : i32
      %broadcast_in_dim3A_480 = vector.broadcast %jit3A_479 : i32 to vector<16xi32>
      %select_n3A_481 = arith.select %and3A, %sub3A_478, %broadcast_in_dim3A_480 : vector<16xi1>, vector<16xi32>
      %reduce_sum3A_482 = arith.constant true
      %reduce_sum3A_483 = vector.broadcast %reduce_sum3A_482 : i1 to vector<16xi1>
      %reduce_sum3A_484 = tpu.scan <sum>, %select_n3A_481 masked %reduce_sum3A_483 : vector<16xi32>, vector<16xi1> -> vector<16xi32>
      %reduce_sum3A_485 = vector.extract %reduce_sum3A_484[15] : i32 from vector<16xi32>
      %sub3A_486 = arith.subi %add3A_462, %rev3A_458 : vector<16xi32>
      %jit3A_487 = arith.constant 0 : i32
      %broadcast_in_dim3A_488 = vector.broadcast %jit3A_487 : i32 to vector<16xi32>
      %select_n3A_489 = arith.select %and3A, %sub3A_486, %broadcast_in_dim3A_488 : vector<16xi1>, vector<16xi32>
      %reduce_sum3A_490 = arith.constant true
      %reduce_sum3A_491 = vector.broadcast %reduce_sum3A_490 : i1 to vector<16xi1>
      %reduce_sum3A_492 = tpu.scan <sum>, %select_n3A_489 masked %reduce_sum3A_491 : vector<16xi32>, vector<16xi1> -> vector<16xi32>
      %reduce_sum3A_493 = vector.extract %reduce_sum3A_492[15] : i32 from vector<16xi32>
      %sub3A_494 = arith.subi %while3A_399#3, %reduce_sum3A_493 : i32
      %jit3A_495 = arith.constant 0 : i32
      %broadcast_in_dim3A_496 = vector.broadcast %jit3A_495 : i32 to vector<16xi32>
      %select_n3A_497 = arith.select %and3A, %rev3A_458, %broadcast_in_dim3A_496 : vector<16xi1>, vector<16xi32>
      %reduce_sum3A_498 = arith.constant true
      %reduce_sum3A_499 = vector.broadcast %reduce_sum3A_498 : i1 to vector<16xi1>
      %reduce_sum3A_500 = tpu.scan <sum>, %select_n3A_497 masked %reduce_sum3A_499 : vector<16xi32>, vector<16xi1> -> vector<16xi32>
      %reduce_sum3A_501 = vector.extract %reduce_sum3A_500[15] : i32 from vector<16xi32>
      %reduce_sum3A_502 = arith.constant true
      %reduce_sum3A_503 = vector.broadcast %reduce_sum3A_502 : i1 to vector<16xi1>
      %reduce_sum3A_504 = tpu.scan <sum>, %get3A_454 masked %reduce_sum3A_503 : vector<16xi32>, vector<16xi1> -> vector<16xi32>
      %reduce_sum3A_505 = vector.extract %reduce_sum3A_504[15] : i32 from vector<16xi32>
      %gt3A = arith.constant 0 : i32
      %gt3A_506 = arith.cmpi sgt, %reduce_sum3A_468, %gt3A : i32
      %convert_element_type3A_507 = arith.extui %gt3A_506 : i1 to i32
      %add3A_508 = arith.constant 1 : i32
      %add3A_509 = arith.addi %while3A_444, %add3A_508 : i32
      %eq3A_510 = arith.constant 1 : i32
      %eq3A_511 = arith.cmpi eq, %convert_element_type3A_507, %eq3A_510 : i32
      %add3A_512 = arith.addi %while3A_445, %reduce_sum3A_505 : i32
      %select_n3A_513 = arith.select %eq3A_511, %while3A_445, %add3A_512 : i32
      %eq3A_514 = arith.constant 1 : i32
      %eq3A_515 = arith.cmpi eq, %convert_element_type3A_507, %eq3A_514 : i32
      %select_n3A_516 = arith.select %eq3A_515, %reduce_sum3A_485, %while3A_446 : i32
      %eq3A_517 = arith.constant 1 : i32
      %eq3A_518 = arith.cmpi eq, %convert_element_type3A_507, %eq3A_517 : i32
      %select_n3A_519 = arith.select %eq3A_518, %sub3A_494, %while3A_447 : i32
      %eq3A_520 = arith.constant 1 : i32
      %eq3A_521 = arith.cmpi eq, %convert_element_type3A_507, %eq3A_520 : i32
      %select_n3A_522 = arith.select %eq3A_521, %reduce_sum3A_501, %while3A_448 : i32
      scf.yield %add3A_509, %select_n3A_513, %select_n3A_516, %select_n3A_519, %select_n3A_522, %convert_element_type3A_507 : i32, i32, i32, i32, i32, i32
    }
    %shift_left3A_412 = arith.constant 8 : i32
    %shift_left3A_413 = arith.shli %or3A_400, %shift_left3A_412 : i32
    %jit3A_414 = arith.constant 0 : i32
    %select_n3A_415 = arith.select %lt3A_401, %while3A_411#2, %jit3A_414 : i32
    %or3A_416 = arith.ori %shift_left3A_413, %select_n3A_415 : i32
    %ge3A_417 = arith.constant -2147483648 : i32
    %ge3A_418 = arith.cmpi uge, %or3A_416, %ge3A_417 : i32
    %xor3A_419 = arith.constant -2147483648 : i32
    %xor3A_420 = arith.xori %or3A_416, %xor3A_419 : i32
    %not3A_421 = arith.constant -1 : i32
    %not3A_422 = arith.xori %or3A_416, %not3A_421 : i32
    %select_n3A_423 = arith.select %ge3A_418, %xor3A_420, %not3A_422 : i32
    %bitcast_convert_type3A_424 = arith.bitcast %select_n3A_423 : i32 to f32
    %parallel_loop3A_425 = arith.constant 0 : i32
    %parallel_loop3A_426 = arith.constant 2048 : i32
    %parallel_loop3A_427 = arith.constant 1 : i32
    scf.for %parallel_loop3A_444 = %parallel_loop3A_425 to %parallel_loop3A_426 step %parallel_loop3A_427  : i32 {
      %parallel_loop3A_445 = arith.constant 16 : i32
      %parallel_loop3A_446 = arith.muli %parallel_loop3A_444, %parallel_loop3A_445 : i32
      %parallel_loop3A_447 = arith.index_cast %parallel_loop3A_446 : i32 to index
      %parallel_loop3A_448 = tpu.vector_load %arg5[%parallel_loop3A_447] {strides = array<i32>} : memref<32768xf32, #tpu.memory_space<vmem>>, vector<16xf32>,
      %parallel_loop3A_449 = vector.broadcast %bitcast_convert_type3A_424 : f32 to vector<16xf32>
      %parallel_loop3A_450 = arith.cmpf oge, %parallel_loop3A_448, %parallel_loop3A_449 : vector<16xf32>
      %parallel_loop3A_451 = arith.constant 0.000000e+00 : f32
      %parallel_loop3A_452 = vector.broadcast %parallel_loop3A_451 : f32 to vector<16xf32>
      %parallel_loop3A_453 = arith.maximumf %parallel_loop3A_448, %parallel_loop3A_452 : vector<16xf32>
      %parallel_loop3A_454 = arith.constant 0.000000e+00 : f32
      %parallel_loop3A_455 = vector.broadcast %parallel_loop3A_454 : f32 to vector<16xf32>
      %parallel_loop3A_456 = arith.select %parallel_loop3A_450, %parallel_loop3A_453, %parallel_loop3A_455 : vector<16xi1>, vector<16xf32>
      %parallel_loop3A_457 = arith.constant 16 : i32
      %parallel_loop3A_458 = arith.muli %parallel_loop3A_444, %parallel_loop3A_457 : i32
      %parallel_loop3A_459 = arith.index_cast %parallel_loop3A_458 : i32 to index
      %parallel_loop3A_460 = tpu.vector_load %arg5[%parallel_loop3A_459] {strides = array<i32>} : memref<32768xf32, #tpu.memory_space<vmem>>, vector<16xf32>,
      tpu.vector_store %arg5[%parallel_loop3A_459], %parallel_loop3A_456 {strides = array<i32>} : memref<32768xf32, #tpu.memory_space<vmem>>, vector<16xf32>,
    } {sc.loop_unroll_factor = 4 : i64, sc.parallel_access}
    %add3A_428 = arith.constant 3 : i32
    %add3A_429 = arith.addi %mul3A_3, %add3A_428 : i32
    %dma_start3A_430 = arith.constant 0 : i32
    %dma_start3A_431 = tpu.memref_slice %arg3[%add3A_429, %dma_start3A_430] : memref<128x32768xf32, #tpu.memory_space<hbm>> -> memref<1x32768xf32, #tpu.memory_space<hbm>>
    %dma_start3A_432 = tpu.memref_squeeze %dma_start3A_431 : memref<1x32768xf32, #tpu.memory_space<hbm>> -> memref<32768xf32, #tpu.memory_space<hbm>>
    %dma_start3A_433 = arith.constant 0 : i32
    %dma_start3A_434 = tpu.memref_slice %arg3[%add3A_429, %dma_start3A_433] : memref<128x32768xf32, #tpu.memory_space<hbm>> -> memref<1x32768xf32, #tpu.memory_space<hbm>>
    %dma_start3A_435 = tpu.memref_squeeze %dma_start3A_434 : memref<1x32768xf32, #tpu.memory_space<hbm>> -> memref<32768xf32, #tpu.memory_space<hbm>>
    tpu.enqueue_dma source(%arg5 : memref<32768xf32, #tpu.memory_space<vmem>>) target(%dma_start3A_435 : memref<32768xf32, #tpu.memory_space<hbm>>) target_semaphore(%arg12 : memref<!tpu.dma_semaphore, #tpu.memory_space<semaphore_mem>>)
    %add3A_436 = arith.constant 3 : i32
    %add3A_437 = arith.addi %mul3A_3, %add3A_436 : i32
    %dma_wait3A_438 = arith.constant 0 : i32
    %dma_wait3A_439 = tpu.memref_slice %arg3[%add3A_437, %dma_wait3A_438] : memref<128x32768xf32, #tpu.memory_space<hbm>> -> memref<1x32768xf32, #tpu.memory_space<hbm>>
    %dma_wait3A_440 = tpu.memref_squeeze %dma_wait3A_439 : memref<1x32768xf32, #tpu.memory_space<hbm>> -> memref<32768xf32, #tpu.memory_space<hbm>>
    %dma_wait3A_441 = arith.constant 0 : i32
    %dma_wait3A_442 = tpu.memref_slice %arg3[%add3A_437, %dma_wait3A_441] : memref<128x32768xf32, #tpu.memory_space<hbm>> -> memref<1x32768xf32, #tpu.memory_space<hbm>>
    %dma_wait3A_443 = tpu.memref_squeeze %dma_wait3A_442 : memref<1x32768xf32, #tpu.memory_space<hbm>> -> memref<32768xf32, #tpu.memory_space<hbm>>
    tpu.wait_dma2 semaphore(%arg12 : memref<!tpu.dma_semaphore, #tpu.memory_space<semaphore_mem>>) src(%arg5 : memref<32768xf32, #tpu.memory_space<vmem>>) dst(%dma_wait3A_443 : memref<32768xf32, #tpu.memory_space<hbm>>)
    return
  }
}

</mosaic_0001>

<sc_bundles>
// kernel: kernel.3.cloned.1.call-start
scs
__scs_entry_jumppad:
0x0: {  	(pc) =	sbr.rel $0x88, $3  }
0x1: {  	(tag) =	ssettag $0x0;
	lr =	simm.s32 $0x1  }
0x2: {  	[smem:$0x3FA0] =	sst lr;
	_ =	strace $0xD0000000  }
0x3: {  	_ = 	snop  }
0x4: {  	_ = 	snop  }
0x5: {  	_ = 	snop  }
0x6: {  	_ = 	snop  }
0x7: {  	_ = 	snop  }
__scs_overlays_trampoline_lowered:
0x8: {  	[smem:$0x3FAF] =	sst s0  }
0x9: {  	[smem:$0x3FB0] =	sst s1  }
0xa: {  	[smem:$0x3FB1] =	sst s2  }
0xb: {  	[smem:$0x3FB2] =	sst s3  }
0xc: {  	[smem:$0x3FB3] =	sst s4  }
0xd: {  	[smem:$0x3FB4] =	sst s5  }
0xe: {  	[smem:$0x3FB5] =	sst s6  }
0xf: {  	[smem:$0x3FB6] =	sst s7  }
0x10: {  	[smem:$0x3FB7] =	sst s8  }
0x11: {  	[smem:$0x3FB8] =	sst s9;
	s0 =	simm.s32 @!p0 $0x0  }
0x12: {  	s1 =	sld [smem:$0x3F9E];
	s0 =	simm.s32 @p0 $0x1  }
0x13: {  	[smem:$0x3FB9] =	sst s0;
	s0 =	simm.s32 @!p1 $0x0  }
0x14: {  	s2 =	sld [smem:$0x3F9D];
	s0 =	simm.s32 @p1 $0x1  }
0x15: {  	[smem:$0x3FBA] =	sst s0;
	s0 =	simm.s32 @!p2 $0x0  }
0x16: {  	s3 =	sld [smem:$0x3FDB];
	s0 =	simm.s32 @p2 $0x1  }
0x17: {  	s4 =	simm.s32 $0x1BF5;
	[smem:$0x3FBC] =	sst s0  }
0x18: {  	s0 =	sld [smem:$0x3F9F];
	_ =	swait.ge [sflag:s4], $0x0  }
0x19: {  	s7 =	sld [smem:$0x3FA0]  }
0x1a: {  	s8 =	sadd.s32 $0xFFFFE003, lr  }
0x1b: {  	s9 =	sadd.s32 $0xFFFFFEF7, lr;
	s5 =	simm.s32 $0xFFFFFFFF;
	p2 =	slt.u32 s8, $0xFFFFF086  }
0x1c: {  	p1 =	slt.u32 s9, $0xF7A;
	s5 =	simm.s32 @!p2 $0x0  }
0x1d: {  	s5 =	simm.s32 @p1 $0x1;
	p0 =	seq.s32 s7, s2  }
0x1e: {  	s7 =	smul.u32 @!p0 $0xF7A, s2;
	p2 =	seq.s32 @!p0 s5, $0x0  }
0x1f: {  	s9 =	smul.u32 $0xF7A, s1;
	s8 =	simm.s32 @!p0 $0x1BF5;
	p2 =	por !p2, p0  }
0x20: {  	[sflag:s8] =	ssyncset.s32 @!p0 $0xFFFFF086;
	s6 =	sadd.s32 @!p0 s3, s7;
	s7 =	simm.s32 @!p0 $0x108  }
0x21: {  	s3 =	sadd.s32 s3, s9;
	s6 =	sadd.s32 @!p0 $0x88, s6;
	s7 =	simm.s32 @p2 $0x1082  }
0x22: {  	[simem:s7], [sflag:s8] =	dma.local @!p0 [hbm:s6], $0xF7A  }
0x23: {  	s9 =	sor.u32 $0xD0000000, s2;
	s6 =	simm.s32 $0x108;
	_ =	swait.ge @!p0 [sflag:s8], $0x0  }
0x24: {  	s3 =	sadd.s32 $0x88, s3;
	s6 =	simm.s32 @!p1 $0x1082;
	[sflag:s4] =	ssyncset.s32 $0xFFFFF086  }
0x25: {  	[simem:s6], [sflag:s4] =	dma.local [hbm:s3], $0xF7A  }
0x26: {  	[smem:$0x3FA0] =	sst s1;
	(tag) =	ssettag s2;
	_ =	strace s9  }
0x27: {  	s1 =	sld [smem:$0x3FB0]  }
0x28: {  	s2 =	sld [smem:$0x3FB1]  }
0x29: {  	s4 =	sld [smem:$0x3FB3]  }
0x2a: {  	p0 =	seq.s32 s5, $0x0;
	s5 =	sld [smem:$0x3FB4]  }
0x2b: {  	s6 =	sld [smem:$0x3FB5]  }
0x2c: {  	s7 =	sld [smem:$0x3FB6]  }
0x2d: {  	s3 =	simm.s32 $0x108;
	s8 =	sld [smem:$0x3FB7]  }
0x2e: {  	s3 =	simm.s32 @!p0 $0x1082;
	s9 =	sld [smem:$0x3FB8]  }
0x2f: {  	lr =	sadd.s32 s0, s3;
	s0 =	sld [smem:$0x3FAF]  }
0x30: {  	s3 =	sld [smem:$0x3FB2]  }
0x31: {  	[smem:$0x3FBB] =	sst s10  }
0x32: {  	s10 =	sld [smem:$0x3FB9];
	_ =	sdelay $0x3  }
0x33: {  	p0 =	seq.s32 s10, $0x1;
	s10 =	sld [smem:$0x3FBB];
	_ =	sdelay $0x3  }
0x34: {  	[smem:$0x3FBB] =	sst s10  }
0x35: {  	s10 =	sld [smem:$0x3FBA];
	_ =	sdelay $0x3  }
0x36: {  	p1 =	seq.s32 s10, $0x1;
	s10 =	sld [smem:$0x3FBB];
	_ =	sdelay $0x3  }
0x37: {  	[smem:$0x3FBB] =	sst s10  }
0x38: {  	s10 =	sld [smem:$0x3FBC]  }
0x39: {  	_ = 	snop;
	(pc) =	sbr.ind lr, $3  }
0x3a: {  	_ = 	snop  }
0x3b: {  	_ = 	snop  }
0x3c: {  	p2 =	seq.s32 s10, $0x1;
	s10 =	sld [smem:$0x3FBB]  }
0x3d: {  	_ =	shalt  }
0x3e: {  	_ =	shalt  }
0x3f: {  	_ =	shalt  }
0x40: {  	_ =	shalt  }
0x41: {  	_ =	shalt  }
0x42: {  	_ =	shalt  }
0x43: {  	_ =	shalt  }
0x44: {  	_ =	shalt  }
0x45: {  	_ =	shalt  }
0x46: {  	_ =	shalt  }
0x47: {  	_ =	shalt  }
0x48: {  	_ =	shalt  }
0x49: {  	_ =	shalt  }
0x4a: {  	_ =	shalt  }
0x4b: {  	_ =	shalt  }
0x4c: {  	_ =	shalt  }
0x4d: {  	_ =	shalt  }
0x4e: {  	_ =	shalt  }
0x4f: {  	_ =	shalt  }
0x50: {  	_ =	shalt  }
0x51: {  	_ =	shalt  }
0x52: {  	_ =	shalt  }
0x53: {  	_ =	shalt  }
0x54: {  	_ =	shalt  }
0x55: {  	_ =	shalt  }
0x56: {  	_ =	shalt  }
0x57: {  	_ =	shalt  }
0x58: {  	_ =	shalt  }
0x59: {  	_ =	shalt  }
0x5a: {  	_ =	shalt  }
0x5b: {  	_ =	shalt  }
0x5c: {  	_ =	shalt  }
0x5d: {  	_ =	shalt  }
0x5e: {  	_ =	shalt  }
0x5f: {  	_ =	shalt  }
0x60: {  	_ =	shalt  }
0x61: {  	_ =	shalt  }
0x62: {  	_ =	shalt  }
0x63: {  	_ =	shalt  }
0x64: {  	_ =	shalt  }
0x65: {  	_ =	shalt  }
0x66: {  	_ =	shalt  }
0x67: {  	_ =	shalt  }
0x68: {  	_ =	shalt  }
0x69: {  	_ =	shalt  }
0x6a: {  	_ =	shalt  }
0x6b: {  	_ =	shalt  }
0x6c: {  	_ =	shalt  }
0x6d: {  	_ =	shalt  }
0x6e: {  	_ =	shalt  }
0x6f: {  	_ =	shalt  }
0x70: {  	_ =	shalt  }
0x71: {  	_ =	shalt  }
0x72: {  	_ =	shalt  }
0x73: {  	_ =	shalt  }
0x74: {  	_ =	shalt  }
0x75: {  	_ =	shalt  }
0x76: {  	_ =	shalt  }
0x77: {  	_ =	shalt  }
0x78: {  	_ =	shalt  }
0x79: {  	_ =	shalt  }
0x7a: {  	_ =	shalt  }
0x7b: {  	_ =	shalt  }
0x7c: {  	_ =	shalt  }
0x7d: {  	_ =	shalt  }
0x7e: {  	_ =	shalt  }
0x7f: {  	_ =	shalt  }
0x80: {  	_ =	shalt  }
0x81: {  	_ =	shalt  }
0x82: {  	_ =	shalt  }
0x83: {  	_ =	shalt  }
0x84: {  	_ =	shalt  }
0x85: {  	_ =	shalt  }
0x86: {  	_ =	shalt  }
0x87: {  	_ =	shalt  }
.Lfunc_end0:
.L_simem_size_0:
called_computation_lowered:
.L_overlay_start_0:
0x88: {  	s2 =	sld [smem:$0x3FD9]  }
0x89: {  	s3 =	sld [smem:$0x3FFE];
	_ =	sdelay $0x1  }
0x8a: {  	s1 =	srdreg.scid  }
0x8b: {  	s0 =	sand.u32 $0x1, s1  }
0x8c: {  	s18 =	sshll.u32 s0, $0xA;
	s2 =	sadd.s32 s3, s2  }
0x8d: {  	s2 =	sadd.s32 s2, s18  }
0x8e: {  	[smem:$0x3FC7] =	sst s2  }
0x8f: {  	_ = 	snop  }
0x90: {  	s2 =	sld [smem:$0x3FC9]  }
0x91: {  	s19 =	sld [smem:$0x3FD0];
	(tm) =	ssettm $0x1  }
0x92: {  	s4 =	sld [smem:$0x3FFB];
	_ =	sdelay $0x3  }
0x93: {  	_ =	strace s4  }
0x94: {  	s4 =	sld [smem:$0x3FFC];
	_ =	sdelay $0x3  }
0x95: {  	_ =	strace s4  }
0x96: {  	s4 =	sld [smem:$0x3FFD];
	_ =	sdelay $0x3  }
0x97: {  	_ =	strace s4  }
0x98: {  	_ =	strace $0x8FFFFFFF  }
0x99: {  	s20 =	sld [smem:$0x3FDB];
	_ =	sdelay $0x1  }
0x9a: {  	s5 =	simm.s32 $_scs_section_size  }
0x9b: {  	s6 =	simm.s32 $_size__tile_overlayer_lowered;
	s7 =	simm.s32 $_tile_overlayer_lowered  }
0x9c: {  	s23 =	simm.s32 $0x1BFF;
	s22 =	sshll.u32 s7, $0x1;
	s4 =	sadd.s32 s5, s20  }
0x9d: {  	s8 =	simm.s32 $0x0;
	s21 =	sshll.u32 s6, $0x1;
	s6 =	sadd.s32 s22, s4  }
0x9e: {  	[timem:s8], [sflag:s23] =	dma.local [hbm:s6], s21  }
0x9f: {  	_ =	swait.ge [sflag:s23], s21  }
0xa0: {  	s5 =	ssub.s32 $0x0, s21;
	[sflag:s23] =	ssyncset.done $0x0  }
0xa1: {  	[sflag:s23] =	ssyncadd.s32 s5;
	_ =	sdelay $0x1  }
0xa2: {  	s24 =	simm.s32 $0x1B8B  }
0xa3: {  	_ =	swait.ge [sflag:s24], $0x1  }
0xa4: {  	[sflag:s24] =	ssyncset.done $0x0  }
0xa5: {  	s25 =	simm.s32 $0x1B8E;
	[sflag:s24] =	ssyncadd.s32 $0xFFFFFFFF  }
0xa6: {  	s26 =	simm.s32 $execute0_lowered;
	[smem:$0x3FD2] =	sst s25  }
0xa7: {  	s5 =	sshll.u32 s26, $0x1;
	_ =	strace $0x80000046;
	[dreg:$0x1] =	wrdreg $0xFFFFFFFF  }
0xa8: {  	s28 =	simm.s32 $_size_execute0_lowered;
	s4 =	sadd.s32 s4, s5;
	[dreg:$0x0] =	wrdreg $0x0  }
0xa9: {  	s5 =	sshll.u32 s28, $0x1;
	[dreg:$0x2] =	wrdreg s4  }
0xaa: {  	[dreg:$0x3] =	wrdreg s5  }
0xab: {  	[dreg:$0x4] =	wrdreg $0xC0  }
0xac: {  	_ =	task [dreg:s8], $0x5FFFF  }
0xad: {  	[dreg:$0x1] =	wrdreg $0xFFFFFFFF  }
0xae: {  	[dreg:$0x0] =	wrdreg $0x60  }
0xaf: {  	[dreg:$0x2] =	wrdreg s2  }
0xb0: {  	[dreg:$0x3] =	wrdreg s19  }
0xb1: {  	[dreg:$0x4] =	wrdreg $0x9  }
0xb2: {  	_ =	task.clear_ibuf [dreg:s8], $0x5FFFF;
	_ =	strace $0x90000046  }
0xb3: {  	s29 =	simm.s32 $0x9;
	_ =	strace $0x80000048  }
0xb4: {  	_ =	swait.ge [sflag:s29], $0x1  }
0xb5: {  	[sflag:s29] =	ssyncadd.s32 $0xFFFFFFFF  }
0xb6: {  	_ =	strace $0x90000048  }
0xb7: {  	_ =	sfence  }
0xb8: {  	s30 =	sld [smem:$0x0];
	_ =	sdelay $0x2  }
0xb9: {  	s31 =	sshll.u32 s1, $0xD;
	s1 =	sshrl.u32 s1, $0x2  }
0xba: {  	s3 =	sand.u32 $0x4000, s31;
	s1 =	sadd.s32 s1, s30  }
0xbb: {  	s0 =	sor.u32 s3, s0;
	s1 =	sshll.u32 s1, $0x11  }
0xbc: {  	s0 =	sor.u32 s1, s0  }
0xbd: {  	s0 =	sadd.s32 $0x8F2B, s0  }
0xbe: {  	[sflag:s0] =	ssyncadd.remote.s32 $0x1  }
0xbf: {  	_ =	sfence.sel $0xFFFF  }
0xc0: {  	[dreg:$0x0] =	wrdreg $0xFFFFFFFF;
	(pc) =	sbr.abs _section_cstart, $3  }
0xc1: {  	[dreg:$0x1] =	wrdreg $0xFFFFFFFF  }
0xc2: {  	_ =	task.clear_ibuf [dreg:s8], $0x2FFFF;
	_ =	strace $0x9FFFFFFF  }
0xc3: {  	(tm) =	ssettm $0x7FFFFFFF  }
tec
execute0_lowered:
.L_overlay_start_1:
0x0: {  	(tag) =	ssettag $0x1  }
0x1: {  	s0 =	rddreg [dreg:$0x0]  }
0x2: {  	s10 =	rddreg [dreg:$0x1];
	s2 =	simm.s32 $0x0  }
0x3: {  	s3 =	srdreg.scid;
	s1 =	stileid.u32;
	s13 =	simm.s32 $0x400  }
0x4: {  	s14 =	simm.s32 $0x1;
	s15 =	simm.s32 $0x18000;
	s16 =	simm.s32 $0x18100  }
0x5: {  	s17 =	simm.s32 $0x8000;
	s18 =	simm.s32 $0x18020;
	s19 =	simm.s32 $0x2  }
0x6: {  	s20 =	simm.s32 $0x3;
	s21 =	simm.s32 $0x4;
	s3 =	sand.u32 $0x1, s3  }
0x7: {  	s22 =	simm.s32 $0x0;
	[smem:$0x7FF] =	sst s2;
	s4 =	ssub.s32 $0x2, s3  }
0x8: {  	s5 =	sshll.u32 s1, $0xF;
	s3 =	sshll.u32 s3, $0x6;
	s6 =	sshrl.u32 s4, $0x1  }
0x9: {  	_ =	strace $0x80000047;
	s8 =	sor.u32 s3, s5;
	s11 =	ssub.s32 s4, s6  }
0xa: {  	s26 =	sadd.s32 s0, s8;
	s7 =	sor.u32 $0x10, s8;
	s29 =	sadd.s32 s10, s8  }
0xb: {  	s9 =	sor.u32 $0x20, s8;
	s12 =	sor.u32 $0x30, s8;
	[dreg:$0x3] =	wrdreg s26  }
0xc: {  	v0 =	vlaneseq.u32;
	s28 =	sadd.s32 s0, s7;
	[dreg:$0x5] =	wrdreg s29;
	s30 =	sadd.s32 s0, s9  }
0xd: {  	v0 =	vmul.u32 $0xFFFFFFFF, v0;
	s31 =	sadd.s32 s10, s7;
	s8 =	sadd.s32 s0, s12;
	[dreg:$0x4] =	wrdreg s28  }
0xe: {  	s9 =	sadd.s32 s10, s9;
	s10 =	sadd.s32 s10, s12;
	[dreg:$0x6] =	wrdreg s30  }
0xf: {  	v1 =	vimm.s32 $0x0;
	v2 =	vimm.s32 $0x1;
	v3 =	vadd.s32 $0xF, v0;
	s11 =	smax.u32 s11, $0x1;
	s12 =	simm.s32 $0x80;
	[dreg:$0x7] =	wrdreg s31  }
.LBB2_1:
0x10: {  	s0 =	rddreg [dreg:$0x3]  }
0x11: {  	[tilespmem:s2], [sflag:$0x1] =	stream.strided.gather [hbm4b:s0+s12], $0x8000, s13, s12, $0x38;
	[tilespmem:$0x18200] =	vst v63  }
0x12: {  	_ =	swait.ge [sflag:s14], $0x8000  }
0x13: {  	[sflag:s14] =	ssyncset.done $0x0  }
0x14: {  	[sflag:s14] =	ssyncadd.s32 $0xFFFF8000  }
0x15: {  	[tilespmem:s18+$0xFFFFFFE0] =	vst v1  }
0x16: {  	[tilespmem:s18+$0x10] =	vst v1  }
0x17: {  	s23 =	simm.s32 $0x0;
	s24 =	simm.s32 $0x18020;
	s0 =	simm.s32 $0x18120;
	[tilespmem:s18+$0x0] =	vst v1  }
.LBB2_2:
0x18: {  	s23 =	sadd.s32 $0x4, s23  }
0x19: {  	[tilespmem:s24+$0xFFFFFFF0] =	vst v1;
	s24 =	sadd.s32 $0x40, s24;
	p0 =	slt.u32 s23, $0xC  }
.Ltmp0:
0x1a: {  	[tilespmem:s24+$0xFFFFFFE0] =	vst v1;
	(pc) =	sbr.rel @p0 .LBB2_2-.Ltmp0, $3  }
0x1b: {  	_ =	sdelay $0x1  }
0x1c: {  	[tilespmem:s24+$0x10] =	vst v1  }
0x1d: {  	[tilespmem:s24+$0x0] =	vst v1  }
0x1e: {  	[tilespmem:s24+$0xFFFFFFF0] =	vst v1  }
0x1f: {  	[tilespmem:s0+$0xFFFFFFE0] =	vst v1  }
0x20: {  	[tilespmem:s0+$0x10] =	vst v1  }
0x21: {  	s25 =	simm.s32 $0x0;
	s24 =	simm.s32 $0x20;
	[tilespmem:s0+$0x0] =	vst v1  }
.LBB2_4:
0x22: {  	s25 =	sadd.s32 $0x4, s25  }
0x23: {  	[tilespmem:s0+$0xFFFFFFF0] =	vst v1;
	s0 =	sadd.s32 $0x40, s0;
	s23 =	simm.s32 $0x10020;
	p0 =	slt.u32 s25, $0xC  }
.Ltmp1:
0x24: {  	[tilespmem:s0+$0xFFFFFFE0] =	vst v1;
	(pc) =	sbr.rel @p0 .LBB2_4-.Ltmp1, $3  }
0x25: {  	_ =	sdelay $0x1  }
0x26: {  	[tilespmem:s0+$0x10] =	vst v1  }
0x27: {  	[tilespmem:s0+$0x0] =	vst v1  }
0x28: {  	[tilespmem:s0+$0xFFFFFFF0] =	vst v1  }
0x29: {  	v4 =	vld [tilespmem:s24+$0xFFFFFFE0];
	_ =	sdelay $0x1  }
0x2a: {  	v5 =	vld [tilespmem:s24+$0xFFFFFFF0]  }
0x2b: {  	v6 =	vld [tilespmem:s24+$0x10]  }
0x2c: {  	v7 =	vld [tilespmem:s24+$0x0]  }
0x2d: {  	v8 =	vshra.s32 v4, $0x1F  }
0x2e: {  	v8 =	vor.u32 $0x80000000, v8  }
0x2f: {  	v9 =	vshra.s32 v5, $0x1F;
	v8 =	vxor.u32 v4, v8  }
0x30: {  	v10 =	vshra.s32 v6, $0x1F;
	v9 =	vor.u32 $0x80000000, v9;
	v4 =	vshrl.u32 v8, $0x18  }
0x31: {  	v11 =	vshra.s32 v7, $0x1F;
	v10 =	vor.u32 $0x80000000, v10;
	v12 =	vxor.u32 v5, v9  }
0x32: {  	s24 =	simm.s32 $0x60;
	v6 =	vxor.u32 v6, v10;
	v10 =	vor.u32 $0x80000000, v11;
	[tilespmem:s23+$0xFFFFFFF0] =	vst v12;
	v11 =	vshrl.u32 v12, $0x18  }
0x33: {  	v5 =	vld [tilespmem:s24+$0x10];
	v13 =	vshrl.u32 v6, $0x18;
	[tilespmem:s23+$0xFFFFFFE0] =	vst v8  }
0x34: {  	v9 =	vld [tilespmem:s24+$0xFFFFFFE0];
	v14 =	vxor.u32 v7, v10;
	v7 =	vshrl.u32 v6, $0x10;
	v12 =	vshrl.u32 v12, $0x10;
	[tilespmem:s23+$0x10] =	vst v6  }
0x35: {  	v6 =	vshrl.u32 v8, $0x10;
	v15 =	vshrl.u32 v14, $0x18;
	v10 =	vadd.s32 $0xFFFF4100, v7;
	[tilespmem:v4+s15+$0x0] =	vst.idx.add.s32.msk $0xffff, v2  }
0x36: {  	v8 =	vadd.s32 $0xFFFF4100, v12;
	v12 =	vshrl.u32 v14, $0x10;
	vm2 =	vlt.u32 v10, $0x100;
	v4 =	vld [tilespmem:s24+$0x0]  }
0x37: {  	vm1 =	vlt.u32 v8, $0x100;
	[tilespmem:v11+s15+$0x0] =	vst.idx.add.s32.msk $0xffff, v2;
	v11 =	vadd.s32 $0xFFFF4100, v12  }
0x38: {  	v7 =	vld [tilespmem:s24+$0xFFFFFFF0];
	v6 =	vadd.s32 $0xFFFF4100, v6;
	vm3 =	vlt.u32 v11, $0x100  }
0x39: {  	[tilespmem:s23+$0x0] =	vst v14;
	vm0 =	vlt.u32 v6, $0x100  }
0x3a: {  	v12 =	vshra.s32 v9, $0x1F;
	[tilespmem:v13+s15+$0x0] =	vst.idx.add.s32.msk $0xffff, v2  }
0x3b: {  	s25 =	simm.s32 $0x4;
	v13 =	vor.u32 $0x80000000, v12;
	v12 =	vshra.s32 v5, $0x1F;
	[tilespmem:v15+s15+$0x0] =	vst.idx.add.s32.msk $0xffff, v2  }
.LBB2_6:
0x3c: {  	s25 =	sadd.s32 $0x4, s25;
	v13 =	vxor.u32 v9, v13;
	v9 =	vshra.s32 v4, $0x1F;
	v12 =	vor.u32 $0x80000000, v12;
	[tilespmem:v10+s16+$0x0] =	vst.idx.add.s32.msk vm2, v2;
	s23 =	sadd.s32 $0x40, s23  }
0x3d: {  	p0 =	slt.u32 s25, $0x7FC;
	v14 =	vshrl.u32 v13, $0x18;
	v10 =	vshra.s32 v7, $0x1F;
	v12 =	vxor.u32 v5, v12;
	[tilespmem:v8+s16+$0x0] =	vst.idx.add.s32.msk vm1, v2  }
0x3e: {  	v15 =	vor.u32 $0x80000000, v9;
	v5 =	vor.u32 $0x80000000, v10;
	v8 =	vshrl.u32 v12, $0x10;
	[tilespmem:v11+s16+$0x0] =	vst.idx.add.s32.msk vm3, v2  }
0x3f: {  	s24 =	sadd.s32 $0x40, s24;
	v11 =	vshrl.u32 v13, $0x10;
	v16 =	vshrl.u32 v12, $0x18;
	v7 =	vxor.u32 v7, v5;
	[tilespmem:v6+s16+$0x0] =	vst.idx.add.s32.msk vm0, v2  }
0x40: {  	v10 =	vadd.s32 $0xFFFF4100, v8;
	v5 =	vld [tilespmem:s24+$0x10];
	[tilespmem:s23+$0xFFFFFFF0] =	vst v7;
	v17 =	vshrl.u32 v7, $0x18;
	v6 =	vshrl.u32 v7, $0x10  }
0x41: {  	vm2 =	vlt.u32 v10, $0x100;
	v9 =	vld [tilespmem:s24+$0xFFFFFFE0];
	[tilespmem:s23+$0xFFFFFFE0] =	vst v13;
	v8 =	vadd.s32 $0xFFFF4100, v6;
	v13 =	vxor.u32 v4, v15  }
0x42: {  	[tilespmem:v14+s15+$0x0] =	vst.idx.add.s32.msk $0xffff, v2;
	vm1 =	vlt.u32 v8, $0x100;
	v14 =	vshrl.u32 v13, $0x18;
	v7 =	vshrl.u32 v13, $0x10  }
.Ltmp2:
0x43: {  	v6 =	vadd.s32 $0xFFFF4100, v11;
	v4 =	vld [tilespmem:s24+$0x0];
	v11 =	vadd.s32 $0xFFFF4100, v7;
	[tilespmem:s23+$0x10] =	vst v12;
	(pc) =	sbr.rel @p0 .LBB2_6-.Ltmp2, $4  }
0x44: {  	vm0 =	vlt.u32 v6, $0x100;
	v7 =	vld [tilespmem:s24+$0xFFFFFFF0];
	[tilespmem:s23+$0x0] =	vst v13;
	vm3 =	vlt.u32 v11, $0x100  }
0x45: {  	[tilespmem:v17+s15+$0x0] =	vst.idx.add.s32.msk $0xffff, v2  }
0x46: {  	v12 =	vshra.s32 v9, $0x1F;
	[tilespmem:v16+s15+$0x0] =	vst.idx.add.s32.msk $0xffff, v2  }
0x47: {  	v13 =	vor.u32 $0x80000000, v12;
	v12 =	vshra.s32 v5, $0x1F;
	[tilespmem:v14+s15+$0x0] =	vst.idx.add.s32.msk $0xffff, v2  }
0x48: {  	_ =	sdelay $0x4  }
0x49: {  	v9 =	vxor.u32 v9, v13;
	[tilespmem:v10+s16+$0x0] =	vst.idx.add.s32.msk vm2, v2  }
0x4a: {  	v55 =	vor.u32 $0x80000000, v12;
	[tilespmem:v8+s16+$0x0] =	vst.idx.add.s32.msk vm1, v2;
	v58 =	vshra.s32 v4, $0x1F;
	v56 =	vshrl.u32 v9, $0x18  }
0x4b: {  	[tilespmem:v11+s16+$0x0] =	vst.idx.add.s32.msk vm3, v2;
	s0 =	sadd.s32 $0x40, s23;
	v57 =	vshra.s32 v7, $0x1F;
	v5 =	vxor.u32 v5, v55;
	v8 =	vor.u32 $0x80000000, v58  }
0x4c: {  	[tilespmem:s0+$0xFFFFFFE0] =	vst v9;
	v9 =	vshrl.u32 v9, $0x10;
	v59 =	vor.u32 $0x80000000, v57;
	v60 =	vshrl.u32 v5, $0x10  }
0x4d: {  	v62 =	vshrl.u32 v5, $0x18;
	v4 =	vxor.u32 v4, v8;
	[tilespmem:s0+$0x10] =	vst v5;
	v5 =	vadd.s32 $0xFFFF4100, v9  }
0x4e: {  	[tilespmem:v6+s16+$0x0] =	vst.idx.add.s32.msk vm0, v2;
	v61 =	vxor.u32 v7, v59;
	v11 =	vadd.s32 $0xFFFF4100, v60;
	v8 =	vshrl.u32 v4, $0x18  }
0x4f: {  	v63 =	vshrl.u32 v4, $0x10;
	[tilespmem:s0+$0x0] =	vst v4;
	vm15 =	vlt.u32 v5, $0x100;
	v10 =	vshrl.u32 v61, $0x18  }
0x50: {  	[tilespmem:s0+$0xFFFFFFF0] =	vst v61;
	v7 =	vshrl.u32 v61, $0x10;
	vm12 =	vlt.u32 v11, $0x100;
	v12 =	vadd.s32 $0xFFFF4100, v63  }
0x51: {  	v7 =	vadd.s32 $0xFFFF4100, v7;
	vm14 =	vlt.u32 v12, $0x100;
	[tilespmem:v56+s15+$0x0] =	vst.idx.add.s32.msk $0xffff, v2  }
0x52: {  	vm13 =	vlt.u32 v7, $0x100;
	[tilespmem:v62+s15+$0x0] =	vst.idx.add.s32.msk $0xffff, v2  }
0x53: {  	[tilespmem:v8+s15+$0x0] =	vst.idx.add.s32.msk $0xffff, v2  }
0x54: {  	[tilespmem:v10+s15+$0x0] =	vst.idx.add.s32.msk $0xffff, v2  }
0x55: {  	[tilespmem:v5+s16+$0x0] =	vst.idx.add.s32.msk vm15, v2  }
0x56: {  	[tilespmem:v11+s16+$0x0] =	vst.idx.add.s32.msk vm12, v2  }
0x57: {  	[tilespmem:v12+s16+$0x0] =	vst.idx.add.s32.msk vm14, v2  }
0x58: {  	s23 =	simm.s32 $0x0;
	[tilespmem:v7+s16+$0x0] =	vst.idx.add.s32.msk vm13, v2  }
0x59: {  	s1 =	simm.s32 $0x800;
	s24 =	simm.s32 $0x180F0;
	s0 =	rddreg [dreg:$0x4]  }
0x5a: {  	[tilespmem:s17], [sflag:$0x2] =	stream.strided.gather [hbm4b:s0+s12], $0x8000, s13, s12, $0x38;
	[tilespmem:$0x18200] =	vst v63  }
0x5b: {  	s26 =	simm.s32 $0xFF;
	s28 =	simm.s32 $0x0;
	s0 =	simm.s32 $0x0  }
.LBB2_8:
0x5c: {  	v4 =	vld [tilespmem:s24+$0x0];
	_ =	sdelay $0x4  }
0x5d: {  	v5 =	vperm.xlane v4, v3;
	_ =	sdelay $0x1  }
0x5e: {  	(xrf0) =	vadd.scan.msk.s32 $0xffff, v5;
	_ =	sdelay $0x5  }
0x5f: {  	v6, _, _ =	vpop (xrf0)  }
0x60: {  	v6 =	vadd.s32 s28, v6  }
0x61: {  	vm0 =	vgt.s32 v6, $0x7FF  }
0x62: {  	v7 =	vsel vm0, $0x1, v1  }
0x63: {  	(xrf0) =	vadd.scan.msk.s32 $0xffff, v7;
	_ =	sdelay $0x5  }
0x64: {  	v7, _, _ =	vpop (xrf0)  }
0x65: {  	vm1 =	veq.s32 v7, $0x1  }
0x66: {  	v8 =	vadd.s32 s26, v0;
	vm0 =	vmand vm0, vm1  }
0x67: {  	v5 =	vsub.s32 v6, v5;
	v63 =	vnsel vm0, $0x0, v8  }
0x68: {  	v5 =	vnsel vm0, $0x0, v5;
	(xrf0) =	vadd.scan.msk.s32 $0xffff, v63  }
0x69: {  	(xrf0) =	vadd.scan.msk.s32 $0xffff, v5  }
0x6a: {  	(xrf0) =	vadd.scan.msk.s32 $0xffff, v4;
	_ =	sdelay $0x1  }
0x6b: {  	(v2sf) =	vpush v7, $0xF;
	_ =	sdelay $0x1  }
0x6c: {  	v4, _, _ =	vpop (xrf0)  }
0x6d: {  	v5, _, _ =	vpop (xrf0);
	(v2sf) =	vpush v4, $0xF  }
0x6e: {  	(v2sf) =	vpush v5, $0xF;
	v4, _, _ =	vpop (xrf0)  }
0x6f: {  	(v2sf) =	vpush v4, $0xF;
	_ =	sdelay $0x9  }
0x70: {  	p0 =	sgt.u32 s0, $0xE;
	s29 =	spop (v2sf)  }
0x71: {  	p2 =	slt.s32 @!p0 s29, $0x1  }
0x72: {  	p0 =	por p0, !p2  }
.Ltmp3:
0x73: {  	s30 =	smov.u32 s23;
	s23 =	spop (v2sf);
	(pc) =	sbr.rel @!p0 .LBB2_8-.Ltmp3, $4  }
0x74: {  	s25 =	smov.u32 s1;
	s0 =	sadd.s32 $0x1, s0;
	s31 =	spop (v2sf)  }
0x75: {  	s24 =	sadd.s32 $0xFFFFFFF0, s24;
	p1 =	slt.s32 s29, $0x1;
	s3 =	spop (v2sf)  }
0x76: {  	s26 =	sadd.s32 $0xFFFFFFF0, s26;
	s1 =	ssub.s32 $0x800, s31;
	s3 =	simm.s32 @!p1 $0x0  }
0x77: {  	s23 =	smov.u32 @p1 s30;
	s1 =	smov.u32 @p1 s25;
	s28 =	sadd.s32 s28, s3  }
0x78: {  	p0 =	seq.s32 s23, $0xBF  }
.Ltmp4:
0x79: {  	_ = 	snop;
	(pc) =	sbr.rel @p0 .LBB2_15-.Ltmp4, $1  }
0x7a: {  	_ =	sdelay $0x3  }
0x7b: {  	s0 =	simm.s32 $0x18120  }
0x7c: {  	[tilespmem:s0+$0xFFFFFFE0] =	vst v1  }
0x7d: {  	[tilespmem:s0+$0x10] =	vst v1  }
0x7e: {  	s24 =	simm.s32 $0x0;
	[tilespmem:s0+$0x0] =	vst v1  }
.LBB2_11:
0x7f: {  	s24 =	sadd.s32 $0x4, s24  }
0x80: {  	[tilespmem:s0+$0xFFFFFFF0] =	vst v1;
	s0 =	sadd.s32 $0x40, s0;
	p0 =	slt.u32 s24, $0xC  }
.Ltmp5:
0x81: {  	[tilespmem:s0+$0xFFFFFFE0] =	vst v1;
	(pc) =	sbr.rel @p0 .LBB2_11-.Ltmp5, $3  }
0x82: {  	_ =	sdelay $0x1  }
0x83: {  	[tilespmem:s0+$0x10] =	vst v1  }
0x84: {  	[tilespmem:s0+$0x0] =	vst v1  }
0x85: {  	[tilespmem:s0+$0xFFFFFFF0] =	vst v1;
	s29 =	simm.s32 $0x10020  }
0x86: {  	v5 =	vld [tilespmem:s29+$0x10]  }
0x87: {  	v6 =	vld [tilespmem:s29+$0xFFFFFFF0]  }
0x88: {  	v7 =	vld [tilespmem:s29+$0x0]  }
0x89: {  	v8 =	vld [tilespmem:s29+$0xFFFFFFE0]  }
0x8a: {  	s30 =	sshll.u32 s23, $0x8  }
0x8b: {  	s31 =	simm.s32 $0x10060;
	v4 =	vmov s30;
	v5 =	vshrl.u32 v5, $0x10  }
0x8c: {  	v10 =	vld [tilespmem:s31+$0x10];
	v6 =	vshrl.u32 v6, $0x10;
	v9 =	vsub.s32 v5, v4  }
0x8d: {  	v5 =	vand.u32 $0x7F, v5;
	vm1 =	vlt.u32 v9, $0x100;
	v9 =	vand.u32 $0xFFFFFF80, v9  }
0x8e: {  	v8 =	vshrl.u32 v8, $0x10;
	v7 =	vshrl.u32 v7, $0x10;
	v11 =	vor.u32 v5, v9  }
0x8f: {  	v12 =	vld [tilespmem:s31+$0xFFFFFFF0];
	v5 =	vsub.s32 v8, v4;
	v9 =	vsub.s32 v6, v4;
	v8 =	vand.u32 $0x7F, v8  }
0x90: {  	v14 =	vand.u32 $0xFFFFFF80, v5;
	v15 =	vand.u32 $0xFFFFFF80, v9;
	vm2 =	vlt.u32 v9, $0x100;
	v9 =	vld [tilespmem:s31+$0x0]  }
0x91: {  	vm0 =	vlt.u32 v5, $0x100;
	v5 =	vor.u32 v8, v14;
	v14 =	vshrl.u32 v10, $0x10;
	v10 =	vld [tilespmem:s31+$0xFFFFFFE0]  }
0x92: {  	v13 =	vsub.s32 v7, v4;
	v17 =	vand.u32 $0x7F, v7;
	v6 =	vand.u32 $0x7F, v6  }
0x93: {  	v16 =	vand.u32 $0xFFFFFF80, v13;
	vm3 =	vlt.u32 v13, $0x100;
	v7 =	vor.u32 v6, v15  }
0x94: {  	v8 =	vshrl.u32 v12, $0x10;
	v6 =	vor.u32 v17, v16;
	v12 =	vsub.s32 v14, v4  }
0x95: {  	s24 =	simm.s32 $0x4;
	s26 =	simm.s32 $0x100A0;
	[tilespmem:v11+s16+$0x0] =	vst.idx.add.s32.msk vm1, v2;
	vm1 =	vlt.u32 v12, $0x100;
	v11 =	vand.u32 $0xFFFFFF80, v12;
	v12 =	vand.u32 $0x7F, v14  }
.LBB2_13:
0x96: {  	v14 =	vshrl.u32 v10, $0x10;
	v15 =	vshrl.u32 v9, $0x10  }
0x97: {  	v13 =	vld [tilespmem:s26+$0x10];
	s24 =	sadd.s32 $0x4, s24;
	v11 =	vor.u32 v12, v11;
	vm5 =	vmmov vm2;
	vm4 =	vmmov vm3  }
0x98: {  	v17 =	vsub.s32 v8, v4;
	v12 =	vld [tilespmem:s26+$0xFFFFFFF0];
	p0 =	slt.u32 s24, $0x7FC;
	v16 =	vsub.s32 v14, v4;
	v18 =	vsub.s32 v15, v4  }
0x99: {  	v20 =	vand.u32 $0xFFFFFF80, v17;
	v9 =	vld [tilespmem:s26+$0x0];
	v19 =	vand.u32 $0xFFFFFF80, v16;
	v21 =	vand.u32 $0xFFFFFF80, v18  }
.Ltmp6:
0x9a: {  	v8 =	vand.u32 $0x7F, v8;
	v14 =	vand.u32 $0x7F, v14;
	v15 =	vand.u32 $0x7F, v15;
	v10 =	vld [tilespmem:s26+$0xFFFFFFE0];
	(pc) =	sbr.rel @p0 .LBB2_13-.Ltmp6, $4  }
0x9b: {  	vm2 =	vlt.u32 v17, $0x100;
	[tilespmem:v5+s16+$0x0] =	vst.idx.add.s32.msk vm0, v2;
	v5 =	vor.u32 v14, v19;
	vm0 =	vlt.u32 v16, $0x100  }
0x9c: {  	vm3 =	vlt.u32 v18, $0x100;
	v14 =	vor.u32 v8, v20;
	v13 =	vshrl.u32 v13, $0x10;
	[tilespmem:v11+s16+$0x0] =	vst.idx.add.s32.msk vm1, v2  }
0x9d: {  	v15 =	vor.u32 v15, v21;
	v8 =	vshrl.u32 v12, $0x10;
	v11 =	vsub.s32 v13, v4;
	[tilespmem:v7+s16+$0x0] =	vst.idx.add.s32.msk vm5, v2  }
0x9e: {  	s26 =	sadd.s32 $0x40, s26;
	v12 =	vand.u32 $0x7F, v13;
	v7 =	vmovc v14;
	vm1 =	vlt.u32 v11, $0x100;
	v11 =	vand.u32 $0xFFFFFF80, v11;
	[tilespmem:v6+s16+$0x0] =	vst.idx.add.s32.msk vm4, v2;
	v6 =	vmovc v15  }
0x9f: {  	v10 =	vshrl.u32 v10, $0x10;
	v9 =	vshrl.u32 v9, $0x10  }
0xa0: {  	v11 =	vor.u32 v12, v11;
	vm2 =	vmmov vm2;
	vm3 =	vmmov vm3  }
0xa1: {  	v13 =	vsub.s32 v8, v4;
	v63 =	vand.u32 $0x7F, v8;
	v62 =	vsub.s32 v10, v4  }
0xa2: {  	v4 =	vsub.s32 v9, v4;
	v15 =	vand.u32 $0xFFFFFF80, v13;
	v10 =	vand.u32 $0x7F, v10  }
0xa3: {  	vm5 =	vlt.u32 v13, $0x100;
	v14 =	vand.u32 $0xFFFFFF80, v62;
	vm4 =	vlt.u32 v62, $0x100  }
0xa4: {  	v16 =	vand.u32 $0xFFFFFF80, v4;
	vm5 =	vmmov vm5;
	v10 =	vor.u32 v10, v14  }
0xa5: {  	[tilespmem:v5+s16+$0x0] =	vst.idx.add.s32.msk vm0, v2;
	vm6 =	vlt.u32 v4, $0x100;
	v4 =	vand.u32 $0x7F, v9;
	v5 =	vor.u32 v63, v15  }
0xa6: {  	v4 =	vor.u32 v4, v16;
	[tilespmem:v11+s16+$0x0] =	vst.idx.add.s32.msk vm1, v2  }
0xa7: {  	[tilespmem:v7+s16+$0x0] =	vst.idx.add.s32.msk vm2, v2  }
0xa8: {  	[tilespmem:v6+s16+$0x0] =	vst.idx.add.s32.msk vm3, v2  }
0xa9: {  	[tilespmem:v10+s16+$0x0] =	vst.idx.add.s32.msk vm4, v2  }
0xaa: {  	[tilespmem:v5+s16+$0x0] =	vst.idx.add.s32.msk vm5, v2  }
0xab: {  	vm15 =	vmmov vm6;
	[tilespmem:v4+s16+$0x0] =	vst.idx.add.s32.msk vm6, v2  }
.LBB2_15:
0xac: {  	s26 =	simm.s32 $0x0;
	s28 =	simm.s32 $0x181F0;
	s29 =	simm.s32 $0xFF  }
0xad: {  	v4 =	vmov s1;
	s6 =	smov.u32 s1;
	s30 =	simm.s32 $0x0;
	s0 =	simm.s32 $0x0  }
.LBB2_16:
0xae: {  	v5 =	vld [tilespmem:s28+$0x0];
	_ =	sdelay $0x4  }
0xaf: {  	v6 =	vperm.xlane v5, v3;
	_ =	sdelay $0x1  }
0xb0: {  	(xrf0) =	vadd.scan.msk.s32 $0xffff, v6;
	_ =	sdelay $0x5  }
0xb1: {  	v7, _, _ =	vpop (xrf0)  }
0xb2: {  	v7 =	vadd.s32 s30, v7  }
0xb3: {  	vm0 =	vge.s32 v7, v4  }
0xb4: {  	v8 =	vsel vm0, $0x1, v1  }
0xb5: {  	(xrf0) =	vadd.scan.msk.s32 $0xffff, v8;
	_ =	sdelay $0x5  }
0xb6: {  	v8, _, _ =	vpop (xrf0)  }
0xb7: {  	vm1 =	veq.s32 v8, $0x1  }
0xb8: {  	v9 =	vadd.s32 s29, v0;
	vm0 =	vmand vm0, vm1  }
0xb9: {  	v6 =	vsub.s32 v7, v6;
	v7 =	vnsel vm0, $0x0, v9  }
0xba: {  	v6 =	vnsel vm0, $0x0, v6;
	(xrf0) =	vadd.scan.msk.s32 $0xffff, v7  }
0xbb: {  	(xrf0) =	vadd.scan.msk.s32 $0xffff, v6  }
0xbc: {  	(xrf0) =	vadd.scan.msk.s32 $0xffff, v5;
	_ =	sdelay $0x3  }
0xbd: {  	(v2sf) =	vpush v8, $0xF;
	v5, _, _ =	vpop (xrf0)  }
0xbe: {  	v6, _, _ =	vpop (xrf0);
	(v2sf) =	vpush v5, $0xF  }
0xbf: {  	(v2sf) =	vpush v6, $0xF;
	v5, _, _ =	vpop (xrf0)  }
0xc0: {  	(v2sf) =	vpush v5, $0xF;
	_ =	sdelay $0xb  }
0xc1: {  	s25 =	smov.u32 s26;
	s3 =	spop (v2sf)  }
0xc2: {  	s24 =	smov.u32 s6;
	p0 =	sgt.u32 s0, $0xE;
	s26 =	spop (v2sf)  }
0xc3: {  	p1 =	slt.s32 s3, $0x1;
	p2 =	slt.s32 @!p0 s3, $0x1;
	s31 =	spop (v2sf)  }
0xc4: {  	s26 =	smov.u32 @p1 s25;
	s6 =	ssub.s32 s1, s31;
	s31 =	spop (v2sf)  }
0xc5: {  	s31 =	simm.s32 @!p1 $0x0;
	s6 =	smov.u32 @p1 s24;
	p1 =	por p0, !p2  }
.Ltmp7:
0xc6: {  	_ = 	snop;
	(pc) =	sbr.rel @!p1 .LBB2_16-.Ltmp7, $3  }
0xc7: {  	_ =	sdelay $0x1  }
0xc8: {  	s0 =	sadd.s32 $0x1, s0  }
0xc9: {  	s28 =	sadd.s32 $0xFFFFFFF0, s28;
	s29 =	sadd.s32 $0xFFFFFFF0, s29;
	s30 =	sadd.s32 s30, s31  }
0xca: {  	s1 =	simm.s32 $0xFFFFFFFC  }
0xcb: {  	s1 =	simm.s32 @p0 $0xFFFFFFFC  }
0xcc: {  	s0 =	simm.s32 $0x18020;
	s25 =	sadd.s32 $0x4, s1  }
0xcd: {  	s0 =	simm.s32 @p0 $0x18020;
	p0 =	slt.u32 s25, $0xC  }
.Ltmp8:
0xce: {  	_ = 	snop;
	(pc) =	sbr.rel @!p0 .LBB2_19-.Ltmp8, $4  }
0xcf: {  	_ = 	snop  }
0xd0: {  	[tilespmem:s0+$0xFFFFFFE0] =	vst v1  }
0xd1: {  	[tilespmem:s0+$0x10] =	vst v1  }
0xd2: {  	[tilespmem:s0+$0x0] =	vst v1  }
.LBB2_18:
0xd3: {  	s25 =	sadd.s32 $0x4, s25  }
0xd4: {  	[tilespmem:s0+$0xFFFFFFF0] =	vst v1;
	s0 =	sadd.s32 $0x40, s0;
	p0 =	slt.u32 s25, $0xC  }
.Ltmp9:
0xd5: {  	[tilespmem:s0+$0xFFFFFFE0] =	vst v1;
	(pc) =	sbr.rel @p0 .LBB2_18-.Ltmp9, $3  }
0xd6: {  	_ =	sdelay $0x1  }
0xd7: {  	[tilespmem:s0+$0x10] =	vst v1  }
0xd8: {  	[tilespmem:s0+$0x0] =	vst v1  }
.LBB2_19:
0xd9: {  	[tilespmem:s0+$0xFFFFFFF0] =	vst v1;
	s30 =	simm.s32 $0x10020  }
0xda: {  	v5 =	vld [tilespmem:s30+$0x10]  }
0xdb: {  	v6 =	vld [tilespmem:s30+$0xFFFFFFF0]  }
0xdc: {  	v7 =	vld [tilespmem:s30+$0x0]  }
0xdd: {  	s1 =	sshll.u32 s23, $0x10;
	s3 =	sshll.u32 s26, $0x8;
	v8 =	vld [tilespmem:s30+$0xFFFFFFE0]  }
0xde: {  	s26 =	sor.u32 s1, s3  }
0xdf: {  	s31 =	simm.s32 $0x10060;
	v4 =	vmov s26;
	v5 =	vshrl.u32 v5, $0x8  }
0xe0: {  	v10 =	vld [tilespmem:s31+$0x10];
	v6 =	vshrl.u32 v6, $0x8;
	v9 =	vsub.s32 v5, v4  }
0xe1: {  	v5 =	vand.u32 $0x7F, v5;
	vm1 =	vlt.u32 v9, $0x100;
	v9 =	vand.u32 $0xFFFFFF80, v9  }
0xe2: {  	v8 =	vshrl.u32 v8, $0x8;
	v7 =	vshrl.u32 v7, $0x8;
	v11 =	vor.u32 v5, v9  }
0xe3: {  	v12 =	vld [tilespmem:s31+$0xFFFFFFF0];
	v5 =	vsub.s32 v8, v4;
	v9 =	vsub.s32 v6, v4;
	v8 =	vand.u32 $0x7F, v8  }
0xe4: {  	v14 =	vand.u32 $0xFFFFFF80, v5;
	v15 =	vand.u32 $0xFFFFFF80, v9;
	vm2 =	vlt.u32 v9, $0x100;
	v9 =	vld [tilespmem:s31+$0x0]  }
0xe5: {  	vm0 =	vlt.u32 v5, $0x100;
	v5 =	vor.u32 v8, v14;
	v14 =	vshrl.u32 v10, $0x8;
	v10 =	vld [tilespmem:s31+$0xFFFFFFE0]  }
0xe6: {  	v13 =	vsub.s32 v7, v4;
	v17 =	vand.u32 $0x7F, v7;
	v6 =	vand.u32 $0x7F, v6  }
0xe7: {  	v16 =	vand.u32 $0xFFFFFF80, v13;
	vm3 =	vlt.u32 v13, $0x100;
	v7 =	vor.u32 v6, v15  }
0xe8: {  	v8 =	vshrl.u32 v12, $0x8;
	v6 =	vor.u32 v17, v16;
	v12 =	vsub.s32 v14, v4  }
0xe9: {  	s23 =	simm.s32 $0x4;
	s25 =	simm.s32 $0x100A0;
	[tilespmem:v11+s15+$0x0] =	vst.idx.add.s32.msk vm1, v2;
	vm1 =	vlt.u32 v12, $0x100;
	v11 =	vand.u32 $0xFFFFFF80, v12;
	v12 =	vand.u32 $0x7F, v14  }
.LBB2_20:
0xea: {  	v14 =	vshrl.u32 v10, $0x8;
	v15 =	vshrl.u32 v9, $0x8  }
0xeb: {  	v13 =	vld [tilespmem:s25+$0x10];
	s23 =	sadd.s32 $0x4, s23;
	v11 =	vor.u32 v12, v11;
	vm5 =	vmmov vm2;
	vm4 =	vmmov vm3  }
0xec: {  	v17 =	vsub.s32 v8, v4;
	v12 =	vld [tilespmem:s25+$0xFFFFFFF0];
	p0 =	slt.u32 s23, $0x7FC;
	v16 =	vsub.s32 v14, v4;
	v18 =	vsub.s32 v15, v4  }
0xed: {  	v20 =	vand.u32 $0xFFFFFF80, v17;
	v9 =	vld [tilespmem:s25+$0x0];
	v19 =	vand.u32 $0xFFFFFF80, v16;
	v21 =	vand.u32 $0xFFFFFF80, v18  }
.Ltmp10:
0xee: {  	v8 =	vand.u32 $0x7F, v8;
	v14 =	vand.u32 $0x7F, v14;
	v15 =	vand.u32 $0x7F, v15;
	v10 =	vld [tilespmem:s25+$0xFFFFFFE0];
	(pc) =	sbr.rel @p0 .LBB2_20-.Ltmp10, $4  }
0xef: {  	vm2 =	vlt.u32 v17, $0x100;
	[tilespmem:v5+s15+$0x0] =	vst.idx.add.s32.msk vm0, v2;
	v5 =	vor.u32 v14, v19;
	vm0 =	vlt.u32 v16, $0x100  }
0xf0: {  	vm3 =	vlt.u32 v18, $0x100;
	v14 =	vor.u32 v8, v20;
	v13 =	vshrl.u32 v13, $0x8;
	[tilespmem:v11+s15+$0x0] =	vst.idx.add.s32.msk vm1, v2  }
0xf1: {  	v15 =	vor.u32 v15, v21;
	v8 =	vshrl.u32 v12, $0x8;
	v11 =	vsub.s32 v13, v4;
	[tilespmem:v7+s15+$0x0] =	vst.idx.add.s32.msk vm5, v2  }
0xf2: {  	s25 =	sadd.s32 $0x40, s25;
	v12 =	vand.u32 $0x7F, v13;
	v7 =	vmovc v14;
	vm1 =	vlt.u32 v11, $0x100;
	v11 =	vand.u32 $0xFFFFFF80, v11;
	[tilespmem:v6+s15+$0x0] =	vst.idx.add.s32.msk vm4, v2;
	v6 =	vmovc v15  }
0xf3: {  	v10 =	vshrl.u32 v10, $0x8;
	v9 =	vshrl.u32 v9, $0x8  }
0xf4: {  	v11 =	vor.u32 v12, v11;
	vm2 =	vmmov vm2;
	vm3 =	vmmov vm3  }
0xf5: {  	v13 =	vsub.s32 v8, v4;
	v63 =	vand.u32 $0x7F, v8;
	v62 =	vsub.s32 v10, v4  }
0xf6: {  	v4 =	vsub.s32 v9, v4;
	v15 =	vand.u32 $0xFFFFFF80, v13;
	v10 =	vand.u32 $0x7F, v10  }
0xf7: {  	vm5 =	vlt.u32 v13, $0x100;
	v14 =	vand.u32 $0xFFFFFF80, v62;
	vm4 =	vlt.u32 v62, $0x100  }
0xf8: {  	v16 =	vand.u32 $0xFFFFFF80, v4;
	vm5 =	vmmov vm5;
	v10 =	vor.u32 v10, v14  }
0xf9: {  	[tilespmem:v5+s15+$0x0] =	vst.idx.add.s32.msk vm0, v2;
	vm6 =	vlt.u32 v4, $0x100;
	v4 =	vand.u32 $0x7F, v9;
	v5 =	vor.u32 v63, v15  }
0xfa: {  	v4 =	vor.u32 v4, v16;
	[tilespmem:v11+s15+$0x0] =	vst.idx.add.s32.msk vm1, v2  }
0xfb: {  	[tilespmem:v7+s15+$0x0] =	vst.idx.add.s32.msk vm2, v2  }
0xfc: {  	[tilespmem:v6+s15+$0x0] =	vst.idx.add.s32.msk vm3, v2  }
0xfd: {  	s5 =	simm.s32 $0x0;
	[tilespmem:v10+s15+$0x0] =	vst.idx.add.s32.msk vm4, v2  }
0xfe: {  	s28 =	simm.s32 $0x180F0;
	s29 =	simm.s32 $0xFF;
	s4 =	smov.u32 s6;
	[tilespmem:v5+s15+$0x0] =	vst.idx.add.s32.msk vm5, v2  }
0xff: {  	s30 =	simm.s32 $0x0;
	s31 =	simm.s32 $0x0;
	s0 =	simm.s32 $0x0;
	vm15 =	vmmov vm6;
	[tilespmem:v4+s15+$0x0] =	vst.idx.add.s32.msk vm6, v2;
	v4 =	vmov s6  }
.LBB2_22:
0x100: {  	v5 =	vld [tilespmem:s28+$0x0];
	_ =	sdelay $0x4  }
0x101: {  	v6 =	vperm.xlane v5, v3;
	_ =	sdelay $0x1  }
0x102: {  	(xrf0) =	vadd.scan.msk.s32 $0xffff, v6;
	_ =	sdelay $0x5  }
0x103: {  	v7, _, _ =	vpop (xrf0)  }
0x104: {  	v7 =	vadd.s32 s31, v7  }
0x105: {  	vm0 =	vge.s32 v7, v4  }
0x106: {  	v8 =	vsel vm0, $0x1, v1  }
0x107: {  	(xrf0) =	vadd.scan.msk.s32 $0xffff, v8;
	_ =	sdelay $0x5  }
0x108: {  	v8, _, _ =	vpop (xrf0)  }
0x109: {  	vm1 =	veq.s32 v8, $0x1  }
0x10a: {  	v9 =	vadd.s32 s29, v0;
	vm0 =	vmand vm0, vm1  }
0x10b: {  	v7 =	vsub.s32 v7, v6;
	v9 =	vnsel vm0, $0x0, v9  }
0x10c: {  	v7 =	vnsel vm0, $0x0, v7;
	(xrf0) =	vadd.scan.msk.s32 $0xffff, v9  }
0x10d: {  	v6 =	vnsel vm0, $0x0, v6;
	(xrf0) =	vadd.scan.msk.s32 $0xffff, v7  }
0x10e: {  	(xrf0) =	vadd.scan.msk.s32 $0xffff, v6  }
0x10f: {  	(xrf0) =	vadd.scan.msk.s32 $0xffff, v5;
	_ =	sdelay $0x1  }
0x110: {  	(v2sf) =	vpush v8, $0xF  }
0x111: {  	v5, _, _ =	vpop (xrf0)  }
0x112: {  	v6, _, _ =	vpop (xrf0);
	(v2sf) =	vpush v5, $0xF  }
0x113: {  	v5, _, _ =	vpop (xrf0);
	(v2sf) =	vpush v6, $0xF  }
0x114: {  	(v2sf) =	vpush v5, $0xF;
	v5, _, _ =	vpop (xrf0)  }
0x115: {  	(v2sf) =	vpush v5, $0xF;
	_ =	sdelay $0x9  }
0x116: {  	p0 =	sgt.u32 s0, $0xE;
	s1 =	spop (v2sf)  }
0x117: {  	s3 =	smov.u32 s30;
	p1 =	slt.s32 @!p0 s1, $0x1  }
0x118: {  	s23 =	smov.u32 s5;
	p0 =	por p0, !p1;
	s30 =	spop (v2sf)  }
.Ltmp11:
0x119: {  	s25 =	smov.u32 s4;
	s24 =	spop (v2sf);
	(pc) =	sbr.rel @!p0 .LBB2_22-.Ltmp11, $4  }
0x11a: {  	s0 =	sadd.s32 $0x1, s0;
	s28 =	sadd.s32 $0xFFFFFFF0, s28;
	s5 =	spop (v2sf)  }
0x11b: {  	s29 =	sadd.s32 $0xFFFFFFF0, s29;
	p1 =	slt.s32 s1, $0x1;
	s7 =	spop (v2sf)  }
0x11c: {  	s30 =	smov.u32 @p1 s3;
	s4 =	ssub.s32 s6, s24;
	s7 =	simm.s32 @!p1 $0x0  }
0x11d: {  	s4 =	smov.u32 @p1 s25;
	s5 =	smov.u32 @p1 s23;
	s31 =	sadd.s32 s31, s7  }
0x11e: {  	p0 =	sge.s32 s4, s5  }
.Ltmp12:
0x11f: {  	_ = 	snop;
	(pc) =	sbr.rel @p0 .LBB2_29-.Ltmp12, $2  }
0x120: {  	_ =	sdelay $0x2  }
0x121: {  	s24 =	sor.u32 s26, s30  }
0x122: {  	s0 =	simm.s32 $0x18020  }
0x123: {  	[tilespmem:s0+$0xFFFFFFE0] =	vst v1  }
0x124: {  	[tilespmem:s0+$0x10] =	vst v1  }
0x125: {  	s26 =	simm.s32 $0x0;
	[tilespmem:s0+$0x0] =	vst v1  }
.LBB2_25:
0x126: {  	s26 =	sadd.s32 $0x4, s26  }
0x127: {  	[tilespmem:s0+$0xFFFFFFF0] =	vst v1;
	s0 =	sadd.s32 $0x40, s0;
	p0 =	slt.u32 s26, $0xC  }
.Ltmp13:
0x128: {  	[tilespmem:s0+$0xFFFFFFE0] =	vst v1;
	(pc) =	sbr.rel @p0 .LBB2_25-.Ltmp13, $3  }
0x129: {  	_ =	sdelay $0x1  }
0x12a: {  	[tilespmem:s0+$0x10] =	vst v1  }
0x12b: {  	[tilespmem:s0+$0x0] =	vst v1  }
0x12c: {  	[tilespmem:s0+$0xFFFFFFF0] =	vst v1;
	s31 =	simm.s32 $0x10020  }
0x12d: {  	v6 =	vld [tilespmem:s31+$0x0]  }
0x12e: {  	v5 =	vld [tilespmem:s31+$0xFFFFFFF0]  }
0x12f: {  	v8 =	vld [tilespmem:s31+$0x10]  }
0x130: {  	s1 =	sshll.u32 s24, $0x8;
	v10 =	vld [tilespmem:s31+$0xFFFFFFE0]  }
0x131: {  	v4 =	vmov s1  }
0x132: {  	v13 =	vsub.s32 v6, v4  }
0x133: {  	s26 =	simm.s32 $0x10060;
	v12 =	vand.u32 $0x7F, v6;
	v6 =	vsub.s32 v5, v4;
	v5 =	vand.u32 $0x7F, v5  }
0x134: {  	v7 =	vld [tilespmem:s26+$0xFFFFFFF0];
	v14 =	vsub.s32 v8, v4;
	vm2 =	vlt.u32 v6, $0x100;
	v6 =	vand.u32 $0xFFFFFF80, v6  }
0x135: {  	v11 =	vld [tilespmem:s26+$0x0];
	v15 =	vsub.s32 v10, v4;
	v16 =	vand.u32 $0x7F, v10;
	v9 =	vor.u32 v5, v6  }
0x136: {  	vm0 =	vlt.u32 v14, $0x100;
	v10 =	vand.u32 $0xFFFFFF80, v14;
	v6 =	vand.u32 $0x7F, v8;
	v8 =	vld [tilespmem:s26+$0x10]  }
0x137: {  	v10 =	vor.u32 v6, v10  }
0x138: {  	vm1 =	vlt.u32 v15, $0x100;
	v14 =	vand.u32 $0xFFFFFF80, v15;
	v5 =	vand.u32 $0xFFFFFF80, v13  }
0x139: {  	s0 =	simm.s32 $0x4;
	vm3 =	vlt.u32 v13, $0x100;
	v6 =	vor.u32 v16, v14;
	v5 =	vor.u32 v12, v5;
	v12 =	vld [tilespmem:s26+$0xFFFFFFE0]  }
.LBB2_27:
0x13a: {  	s0 =	sadd.s32 $0x4, s0;
	v13 =	vsub.s32 v11, v4;
	v14 =	vand.u32 $0x7F, v11;
	s26 =	sadd.s32 $0x40, s26;
	[tilespmem:v9+s15+$0x0] =	vst.idx.add.s32.msk vm2, v2  }
0x13b: {  	v9 =	vsub.s32 v7, v4;
	v15 =	vand.u32 $0x7F, v7;
	p0 =	slt.u32 s0, $0x7FC;
	v7 =	vld [tilespmem:s26+$0xFFFFFFF0];
	v16 =	vsub.s32 v8, v4  }
0x13c: {  	vm2 =	vlt.u32 v9, $0x100;
	v9 =	vand.u32 $0xFFFFFF80, v9;
	[tilespmem:v10+s15+$0x0] =	vst.idx.add.s32.msk vm0, v2;
	vm0 =	vlt.u32 v16, $0x100  }
.Ltmp14:
0x13d: {  	v9 =	vor.u32 v15, v9;
	v15 =	vand.u32 $0xFFFFFF80, v13;
	v10 =	vand.u32 $0x7F, v8;
	v11 =	vld [tilespmem:s26+$0x0];
	(pc) =	sbr.rel @p0 .LBB2_27-.Ltmp14, $4  }
0x13e: {  	v16 =	vand.u32 $0xFFFFFF80, v16;
	v8 =	vld [tilespmem:s26+$0x10];
	v17 =	vsub.s32 v12, v4;
	v12 =	vand.u32 $0x7F, v12  }
0x13f: {  	v10 =	vor.u32 v10, v16;
	v18 =	vand.u32 $0xFFFFFF80, v17;
	[tilespmem:v6+s15+$0x0] =	vst.idx.add.s32.msk vm1, v2;
	vm1 =	vlt.u32 v17, $0x100  }
0x140: {  	v6 =	vor.u32 v12, v18;
	[tilespmem:v5+s15+$0x0] =	vst.idx.add.s32.msk vm3, v2;
	v5 =	vor.u32 v14, v15  }
0x141: {  	vm3 =	vlt.u32 v13, $0x100;
	v12 =	vld [tilespmem:s26+$0xFFFFFFE0]  }
0x142: {  	_ = 	snop  }
0x143: {  	v13 =	vsub.s32 v7, v4  }
0x144: {  	v57 =	vand.u32 $0x7F, v7;
	v14 =	vsub.s32 v11, v4;
	v59 =	vand.u32 $0x7F, v11  }
0x145: {  	vm4 =	vlt.u32 v13, $0x100;
	v13 =	vand.u32 $0xFFFFFF80, v13;
	v58 =	vsub.s32 v8, v4  }
0x146: {  	v60 =	vand.u32 $0x7F, v8;
	v62 =	vand.u32 $0xFFFFFF80, v14;
	vm15 =	vlt.u32 v14, $0x100  }
0x147: {  	[tilespmem:v9+s15+$0x0] =	vst.idx.add.s32.msk vm2, v2;
	v7 =	vor.u32 v57, v13;
	vm5 =	vlt.u32 v58, $0x100;
	v13 =	vand.u32 $0xFFFFFF80, v58  }
0x148: {  	v63 =	vor.u32 v59, v62;
	v8 =	vor.u32 v60, v13;
	v4 =	vsub.s32 v12, v4  }
0x149: {  	[tilespmem:v10+s15+$0x0] =	vst.idx.add.s32.msk vm0, v2;
	v61 =	vand.u32 $0x7F, v12;
	vm14 =	vlt.u32 v4, $0x100;
	v4 =	vand.u32 $0xFFFFFF80, v4  }
0x14a: {  	[tilespmem:v6+s15+$0x0] =	vst.idx.add.s32.msk vm1, v2;
	v4 =	vor.u32 v61, v4  }
0x14b: {  	[tilespmem:v5+s15+$0x0] =	vst.idx.add.s32.msk vm3, v2  }
0x14c: {  	[tilespmem:v7+s15+$0x0] =	vst.idx.add.s32.msk vm4, v2  }
0x14d: {  	[tilespmem:v63+s15+$0x0] =	vst.idx.add.s32.msk vm15, v2  }
0x14e: {  	[tilespmem:v8+s15+$0x0] =	vst.idx.add.s32.msk vm5, v2  }
0x14f: {  	[tilespmem:v4+s15+$0x0] =	vst.idx.add.s32.msk vm14, v2  }
.LBB2_29:
0x150: {  	s0 =	simm.s32 $0x0;
	s26 =	simm.s32 $0x180F0  }
0x151: {  	v4 =	vmov s4;
	s28 =	simm.s32 $0xFF;
	s29 =	simm.s32 $0x0;
	s30 =	simm.s32 $0x0  }
.LBB2_30:
0x152: {  	v5 =	vld [tilespmem:s26+$0x0];
	_ =	sdelay $0x4  }
0x153: {  	v6 =	vperm.xlane v5, v3;
	_ =	sdelay $0x1  }
0x154: {  	(xrf0) =	vadd.scan.msk.s32 $0xffff, v6;
	_ =	sdelay $0x5  }
0x155: {  	v6, _, _ =	vpop (xrf0)  }
0x156: {  	v6 =	vadd.s32 s29, v6  }
0x157: {  	vm0 =	vge.s32 v6, v4  }
0x158: {  	v6 =	vsel vm0, $0x1, v1  }
0x159: {  	(xrf0) =	vadd.scan.msk.s32 $0xffff, v6;
	_ =	sdelay $0x5  }
0x15a: {  	v6, _, _ =	vpop (xrf0)  }
0x15b: {  	vm1 =	veq.s32 v6, $0x1  }
0x15c: {  	v7 =	vadd.s32 s28, v0;
	vm0 =	vmand vm0, vm1  }
0x15d: {  	v7 =	vnsel vm0, $0x0, v7  }
0x15e: {  	(xrf0) =	vadd.scan.msk.s32 $0xffff, v7  }
0x15f: {  	(xrf0) =	vadd.scan.msk.s32 $0xffff, v5;
	_ =	sdelay $0x1  }
0x160: {  	(v2sf) =	vpush v6, $0xF;
	_ =	sdelay $0x2  }
0x161: {  	v5, _, _ =	vpop (xrf0)  }
0x162: {  	(v2sf) =	vpush v5, $0xF;
	v5, _, _ =	vpop (xrf0)  }
0x163: {  	(v2sf) =	vpush v5, $0xF;
	_ =	sdelay $0x9  }
0x164: {  	p1 =	sgt.u32 s30, $0xE;
	s1 =	spop (v2sf)  }
0x165: {  	p2 =	slt.s32 @!p1 s1, $0x1  }
0x166: {  	p1 =	por p1, !p2  }
.Ltmp15:
0x167: {  	_ = 	snop;
	(pc) =	sbr.rel @!p1 .LBB2_30-.Ltmp15, $4  }
0x168: {  	s3 =	smov.u32 s0;
	s0 =	spop (v2sf)  }
0x169: {  	p0 =	slt.s32 s1, $0x1;
	s6 =	spop (v2sf)  }
0x16a: {  	s30 =	sadd.s32 $0x1, s30;
	s26 =	sadd.s32 $0xFFFFFFF0, s26;
	s6 =	simm.s32 @!p0 $0x0  }
0x16b: {  	s28 =	sadd.s32 $0xFFFFFFF0, s28;
	s0 =	smov.u32 @p0 s3;
	s29 =	sadd.s32 s29, s6  }
0x16c: {  	p0 =	slt.s32 s4, s5  }
0x16d: {  	s1 =	sshll.u32 s24, $0x8;
	s0 =	simm.s32 @!p0 $0x0  }
0x16e: {  	s0 =	sor.u32 s1, s0  }
0x16f: {  	s24 =	simm.s32 $0x20;
	s1 =	simm.s32 $0xFFFFFFFF;
	p0 =	sgt.s32 s0, $0xFFFFFFFF  }
0x170: {  	v5 =	vld [tilespmem:s24+$0xFFFFFFE0];
	s1 =	simm.s32 @!p0 $0x80000000  }
0x171: {  	v8 =	vld [tilespmem:s24+$0x0];
	s0 =	sxor.u32 s0, s1  }
0x172: {  	v7 =	vld [tilespmem:s24+$0x10];
	v4 =	vmov s0  }
0x173: {  	v9 =	vld [tilespmem:s24+$0xFFFFFFF0];
	v4 =	vbroadcast v4, $0x0;
	_ =	sdelay $0x1  }
0x174: {  	s23 =	simm.s32 $0x60;
	vm0 =	vge.f32 v5, v4;
	v5 =	vmax.f32 v5, $0.0e+00  }
0x175: {  	v6 =	vld [tilespmem:s23+$0xFFFFFFE0];
	vm1 =	vge.f32 v8, v4;
	v8 =	vmax.f32 v8, $0.0e+00;
	v10 =	vnsel vm0, $0x0, v5  }
0x176: {  	vm14 =	vge.f32 v7, v4;
	v7 =	vmax.f32 v7, $0.0e+00;
	v5 =	vld [tilespmem:s23+$0x10];
	v11 =	vnsel vm1, $0x0, v8;
	[tilespmem:s24+$0xFFFFFFE0] =	vst v10  }
0x177: {  	vm15 =	vge.f32 v9, v4;
	v9 =	vmax.f32 v9, $0.0e+00;
	v8 =	vld [tilespmem:s23+$0xFFFFFFF0];
	v10 =	vnsel vm14, $0x0, v7;
	[tilespmem:s24+$0x0] =	vst v11  }
0x178: {  	s0 =	simm.s32 $0x4;
	v9 =	vnsel vm15, $0x0, v9;
	v7 =	vld [tilespmem:s23+$0x0];
	[tilespmem:s24+$0x10] =	vst v10  }
.LBB2_32:
0x179: {  	s0 =	sadd.s32 $0x4, s0  }
0x17a: {  	[tilespmem:s24+$0xFFFFFFF0] =	vst v9;
	s24 =	smov.u32 s23;
	p0 =	slt.u32 s0, $0x7FC  }
.Ltmp16:
0x17b: {  	s23 =	sadd.s32 $0x40, s23;
	vm0 =	vge.f32 v6, v4;
	v9 =	vmax.f32 v6, $0.0e+00;
	(pc) =	sbr.rel @p0 .LBB2_32-.Ltmp16, $4  }
0x17c: {  	v6 =	vld [tilespmem:s23+$0xFFFFFFE0];
	v9 =	vnsel vm0, $0x0, v9;
	vm0 =	vge.f32 v5, v4;
	v10 =	vmax.f32 v5, $0.0e+00  }
0x17d: {  	v5 =	vld [tilespmem:s23+$0x10];
	[tilespmem:s24+$0xFFFFFFE0] =	vst v9;
	vm1 =	vge.f32 v7, v4;
	v9 =	vmax.f32 v7, $0.0e+00;
	v10 =	vnsel vm0, $0x0, v10  }
0x17e: {  	v7 =	vld [tilespmem:s23+$0x0];
	vm0 =	vge.f32 v8, v4;
	v11 =	vmax.f32 v8, $0.0e+00;
	v12 =	vnsel vm1, $0x0, v9;
	[tilespmem:s24+$0x10] =	vst v10  }
0x17f: {  	v8 =	vld [tilespmem:s23+$0xFFFFFFF0];
	v9 =	vnsel vm0, $0x0, v11;
	[tilespmem:s24+$0x0] =	vst v12  }
0x180: {  	_ = 	snop  }
0x181: {  	vm0 =	vge.f32 v6, v4;
	v62 =	vmax.f32 v6, $0.0e+00  }
0x182: {  	[tilespmem:s24+$0xFFFFFFF0] =	vst v9;
	v6 =	vnsel vm0, $0x0, v62;
	vm14 =	vge.f32 v5, v4;
	v5 =	vmax.f32 v5, $0.0e+00  }
0x183: {  	[tilespmem:s23+$0xFFFFFFE0] =	vst v6;
	vm1 =	vge.f32 v7, v4;
	v63 =	vmax.f32 v7, $0.0e+00;
	v5 =	vnsel vm14, $0x0, v5  }
0x184: {  	vm15 =	vge.f32 v8, v4;
	v4 =	vmax.f32 v8, $0.0e+00;
	v6 =	vnsel vm1, $0x0, v63;
	[tilespmem:s23+$0x10] =	vst v5  }
0x185: {  	v4 =	vnsel vm15, $0x0, v4;
	[tilespmem:s23+$0x0] =	vst v6  }
0x186: {  	[tilespmem:s23+$0xFFFFFFF0] =	vst v4  }
0x187: {  	s0 =	rddreg [dreg:$0x5]  }
0x188: {  	[hbm4b:s0+s12] =	stream.strided.scatter [tilespmem:s2], [sflag:$0x3], $0x8000, s13, s12, $0x38;
	[tilespmem:$0x18200] =	vst v63  }
0x189: {  	_ =	swait.ge [sflag:s19], $0x8000  }
0x18a: {  	[sflag:s19] =	ssyncset.done $0x0  }
0x18b: {  	s0 =	simm.s32 $0x18020;
	[sflag:s19] =	ssyncadd.s32 $0xFFFF8000  }
0x18c: {  	[tilespmem:s0+$0xFFFFFFE0] =	vst v1  }
0x18d: {  	[tilespmem:s0+$0x10] =	vst v1  }
0x18e: {  	s23 =	simm.s32 $0x0;
	[tilespmem:s0+$0x0] =	vst v1  }
.LBB2_34:
0x18f: {  	s23 =	sadd.s32 $0x4, s23  }
0x190: {  	[tilespmem:s0+$0xFFFFFFF0] =	vst v1;
	s0 =	sadd.s32 $0x40, s0;
	p0 =	slt.u32 s23, $0xC  }
.Ltmp17:
0x191: {  	[tilespmem:s0+$0xFFFFFFE0] =	vst v1;
	(pc) =	sbr.rel @p0 .LBB2_34-.Ltmp17, $3  }
0x192: {  	_ =	sdelay $0x1  }
0x193: {  	[tilespmem:s0+$0x10] =	vst v1  }
0x194: {  	[tilespmem:s0+$0x0] =	vst v1  }
0x195: {  	[tilespmem:s0+$0xFFFFFFF0] =	vst v1;
	s0 =	simm.s32 $0x18120  }
0x196: {  	[tilespmem:s0+$0xFFFFFFE0] =	vst v1  }
0x197: {  	[tilespmem:s0+$0x10] =	vst v1  }
0x198: {  	s25 =	simm.s32 $0x0;
	s24 =	simm.s32 $0x8020;
	[tilespmem:s0+$0x0] =	vst v1  }
.LBB2_36:
0x199: {  	s25 =	sadd.s32 $0x4, s25  }
0x19a: {  	[tilespmem:s0+$0xFFFFFFF0] =	vst v1;
	s0 =	sadd.s32 $0x40, s0;
	p0 =	slt.u32 s25, $0xC  }
.Ltmp18:
0x19b: {  	[tilespmem:s0+$0xFFFFFFE0] =	vst v1;
	(pc) =	sbr.rel @p0 .LBB2_36-.Ltmp18, $3  }
0x19c: {  	_ =	sdelay $0x1  }
0x19d: {  	[tilespmem:s0+$0x10] =	vst v1  }
0x19e: {  	s23 =	simm.s32 $0x10020;
	[tilespmem:s0+$0x0] =	vst v1  }
0x19f: {  	[tilespmem:s0+$0xFFFFFFF0] =	vst v1  }
0x1a0: {  	v4 =	vld [tilespmem:s24+$0xFFFFFFE0];
	_ =	sdelay $0x1  }
0x1a1: {  	v5 =	vld [tilespmem:s24+$0xFFFFFFF0]  }
0x1a2: {  	v6 =	vld [tilespmem:s24+$0x10]  }
0x1a3: {  	v7 =	vld [tilespmem:s24+$0x0]  }
0x1a4: {  	v8 =	vshra.s32 v4, $0x1F  }
0x1a5: {  	v8 =	vor.u32 $0x80000000, v8  }
0x1a6: {  	v9 =	vshra.s32 v5, $0x1F;
	v8 =	vxor.u32 v4, v8  }
0x1a7: {  	v10 =	vshra.s32 v6, $0x1F;
	v9 =	vor.u32 $0x80000000, v9;
	v4 =	vshrl.u32 v8, $0x18  }
0x1a8: {  	v11 =	vshra.s32 v7, $0x1F;
	v10 =	vor.u32 $0x80000000, v10;
	v12 =	vxor.u32 v5, v9  }
0x1a9: {  	s24 =	simm.s32 $0x8060;
	v6 =	vxor.u32 v6, v10;
	v10 =	vor.u32 $0x80000000, v11;
	[tilespmem:s23+$0xFFFFFFF0] =	vst v12;
	v11 =	vshrl.u32 v12, $0x18  }
0x1aa: {  	v5 =	vld [tilespmem:s24+$0x10];
	v13 =	vshrl.u32 v6, $0x18;
	[tilespmem:s23+$0xFFFFFFE0] =	vst v8  }
0x1ab: {  	v9 =	vld [tilespmem:s24+$0xFFFFFFE0];
	v14 =	vxor.u32 v7, v10;
	v7 =	vshrl.u32 v6, $0x10;
	v12 =	vshrl.u32 v12, $0x10;
	[tilespmem:s23+$0x10] =	vst v6  }
0x1ac: {  	v6 =	vshrl.u32 v8, $0x10;
	v15 =	vshrl.u32 v14, $0x18;
	v10 =	vadd.s32 $0xFFFF4100, v7;
	[tilespmem:v4+s15+$0x0] =	vst.idx.add.s32.msk $0xffff, v2  }
0x1ad: {  	v8 =	vadd.s32 $0xFFFF4100, v12;
	v12 =	vshrl.u32 v14, $0x10;
	vm2 =	vlt.u32 v10, $0x100;
	v4 =	vld [tilespmem:s24+$0x0]  }
0x1ae: {  	vm1 =	vlt.u32 v8, $0x100;
	[tilespmem:v11+s15+$0x0] =	vst.idx.add.s32.msk $0xffff, v2;
	v11 =	vadd.s32 $0xFFFF4100, v12  }
0x1af: {  	v7 =	vld [tilespmem:s24+$0xFFFFFFF0];
	v6 =	vadd.s32 $0xFFFF4100, v6;
	vm3 =	vlt.u32 v11, $0x100  }
0x1b0: {  	[tilespmem:s23+$0x0] =	vst v14;
	vm0 =	vlt.u32 v6, $0x100  }
0x1b1: {  	v12 =	vshra.s32 v9, $0x1F;
	[tilespmem:v13+s15+$0x0] =	vst.idx.add.s32.msk $0xffff, v2  }
0x1b2: {  	s25 =	simm.s32 $0x4;
	v13 =	vor.u32 $0x80000000, v12;
	v12 =	vshra.s32 v5, $0x1F;
	[tilespmem:v15+s15+$0x0] =	vst.idx.add.s32.msk $0xffff, v2  }
.LBB2_38:
0x1b3: {  	s25 =	sadd.s32 $0x4, s25;
	v13 =	vxor.u32 v9, v13;
	v9 =	vshra.s32 v4, $0x1F;
	v12 =	vor.u32 $0x80000000, v12;
	[tilespmem:v10+s16+$0x0] =	vst.idx.add.s32.msk vm2, v2;
	s23 =	sadd.s32 $0x40, s23  }
0x1b4: {  	p0 =	slt.u32 s25, $0x7FC;
	v14 =	vshrl.u32 v13, $0x18;
	v10 =	vshra.s32 v7, $0x1F;
	v12 =	vxor.u32 v5, v12;
	[tilespmem:v8+s16+$0x0] =	vst.idx.add.s32.msk vm1, v2  }
0x1b5: {  	v15 =	vor.u32 $0x80000000, v9;
	v5 =	vor.u32 $0x80000000, v10;
	v8 =	vshrl.u32 v12, $0x10;
	[tilespmem:v11+s16+$0x0] =	vst.idx.add.s32.msk vm3, v2  }
0x1b6: {  	s24 =	sadd.s32 $0x40, s24;
	v11 =	vshrl.u32 v13, $0x10;
	v16 =	vshrl.u32 v12, $0x18;
	v7 =	vxor.u32 v7, v5;
	[tilespmem:v6+s16+$0x0] =	vst.idx.add.s32.msk vm0, v2  }
0x1b7: {  	v10 =	vadd.s32 $0xFFFF4100, v8;
	v5 =	vld [tilespmem:s24+$0x10];
	[tilespmem:s23+$0xFFFFFFF0] =	vst v7;
	v17 =	vshrl.u32 v7, $0x18;
	v6 =	vshrl.u32 v7, $0x10  }
0x1b8: {  	vm2 =	vlt.u32 v10, $0x100;
	v9 =	vld [tilespmem:s24+$0xFFFFFFE0];
	[tilespmem:s23+$0xFFFFFFE0] =	vst v13;
	v8 =	vadd.s32 $0xFFFF4100, v6;
	v13 =	vxor.u32 v4, v15  }
0x1b9: {  	[tilespmem:v14+s15+$0x0] =	vst.idx.add.s32.msk $0xffff, v2;
	vm1 =	vlt.u32 v8, $0x100;
	v14 =	vshrl.u32 v13, $0x18;
	v7 =	vshrl.u32 v13, $0x10  }
.Ltmp19:
0x1ba: {  	v6 =	vadd.s32 $0xFFFF4100, v11;
	v4 =	vld [tilespmem:s24+$0x0];
	v11 =	vadd.s32 $0xFFFF4100, v7;
	[tilespmem:s23+$0x10] =	vst v12;
	(pc) =	sbr.rel @p0 .LBB2_38-.Ltmp19, $4  }
0x1bb: {  	vm0 =	vlt.u32 v6, $0x100;
	v7 =	vld [tilespmem:s24+$0xFFFFFFF0];
	[tilespmem:s23+$0x0] =	vst v13;
	vm3 =	vlt.u32 v11, $0x100  }
0x1bc: {  	[tilespmem:v17+s15+$0x0] =	vst.idx.add.s32.msk $0xffff, v2  }
0x1bd: {  	v12 =	vshra.s32 v9, $0x1F;
	[tilespmem:v16+s15+$0x0] =	vst.idx.add.s32.msk $0xffff, v2  }
0x1be: {  	v13 =	vor.u32 $0x80000000, v12;
	v12 =	vshra.s32 v5, $0x1F;
	[tilespmem:v14+s15+$0x0] =	vst.idx.add.s32.msk $0xffff, v2  }
0x1bf: {  	_ =	sdelay $0x4  }
0x1c0: {  	v9 =	vxor.u32 v9, v13;
	[tilespmem:v10+s16+$0x0] =	vst.idx.add.s32.msk vm2, v2  }
0x1c1: {  	v55 =	vor.u32 $0x80000000, v12;
	[tilespmem:v8+s16+$0x0] =	vst.idx.add.s32.msk vm1, v2;
	v58 =	vshra.s32 v4, $0x1F;
	v56 =	vshrl.u32 v9, $0x18  }
0x1c2: {  	[tilespmem:v11+s16+$0x0] =	vst.idx.add.s32.msk vm3, v2;
	s0 =	sadd.s32 $0x40, s23;
	v57 =	vshra.s32 v7, $0x1F;
	v5 =	vxor.u32 v5, v55;
	v8 =	vor.u32 $0x80000000, v58  }
0x1c3: {  	[tilespmem:s0+$0xFFFFFFE0] =	vst v9;
	v9 =	vshrl.u32 v9, $0x10;
	v59 =	vor.u32 $0x80000000, v57;
	v60 =	vshrl.u32 v5, $0x10  }
0x1c4: {  	v62 =	vshrl.u32 v5, $0x18;
	v4 =	vxor.u32 v4, v8;
	[tilespmem:s0+$0x10] =	vst v5;
	v5 =	vadd.s32 $0xFFFF4100, v9  }
0x1c5: {  	[tilespmem:v6+s16+$0x0] =	vst.idx.add.s32.msk vm0, v2;
	v61 =	vxor.u32 v7, v59;
	v11 =	vadd.s32 $0xFFFF4100, v60;
	v8 =	vshrl.u32 v4, $0x18  }
0x1c6: {  	v63 =	vshrl.u32 v4, $0x10;
	[tilespmem:s0+$0x0] =	vst v4;
	vm15 =	vlt.u32 v5, $0x100;
	v10 =	vshrl.u32 v61, $0x18  }
0x1c7: {  	[tilespmem:s0+$0xFFFFFFF0] =	vst v61;
	v7 =	vshrl.u32 v61, $0x10;
	vm12 =	vlt.u32 v11, $0x100;
	v12 =	vadd.s32 $0xFFFF4100, v63  }
0x1c8: {  	v7 =	vadd.s32 $0xFFFF4100, v7;
	vm14 =	vlt.u32 v12, $0x100;
	[tilespmem:v56+s15+$0x0] =	vst.idx.add.s32.msk $0xffff, v2  }
0x1c9: {  	vm13 =	vlt.u32 v7, $0x100;
	[tilespmem:v62+s15+$0x0] =	vst.idx.add.s32.msk $0xffff, v2  }
0x1ca: {  	[tilespmem:v8+s15+$0x0] =	vst.idx.add.s32.msk $0xffff, v2  }
0x1cb: {  	[tilespmem:v10+s15+$0x0] =	vst.idx.add.s32.msk $0xffff, v2  }
0x1cc: {  	[tilespmem:v5+s16+$0x0] =	vst.idx.add.s32.msk vm15, v2  }
0x1cd: {  	[tilespmem:v11+s16+$0x0] =	vst.idx.add.s32.msk vm12, v2  }
0x1ce: {  	[tilespmem:v12+s16+$0x0] =	vst.idx.add.s32.msk vm14, v2  }
0x1cf: {  	s23 =	simm.s32 $0x0;
	[tilespmem:v7+s16+$0x0] =	vst.idx.add.s32.msk vm13, v2  }
0x1d0: {  	s25 =	simm.s32 $0x800;
	s24 =	simm.s32 $0x180F0;
	_ =	swait.ge [sflag:s20], $0x8000  }
0x1d1: {  	s26 =	simm.s32 $0xFF;
	s28 =	simm.s32 $0x0;
	[sflag:s20] =	ssyncset.done $0x0  }
0x1d2: {  	s0 =	simm.s32 $0x0;
	s31 =	rddreg [dreg:$0x6];
	[sflag:s20] =	ssyncadd.s32 $0xFFFF8000  }
0x1d3: {  	[tilespmem:s23], [sflag:$0x1] =	stream.strided.gather [hbm4b:s31+s12], $0x8000, s13, s12, $0x38;
	[tilespmem:$0x18200] =	vst v63  }
.LBB2_40:
0x1d4: {  	v4 =	vld [tilespmem:s24+$0x0];
	_ =	sdelay $0x4  }
0x1d5: {  	v5 =	vperm.xlane v4, v3;
	_ =	sdelay $0x1  }
0x1d6: {  	(xrf0) =	vadd.scan.msk.s32 $0xffff, v5;
	_ =	sdelay $0x5  }
0x1d7: {  	v6, _, _ =	vpop (xrf0)  }
0x1d8: {  	v6 =	vadd.s32 s28, v6  }
0x1d9: {  	vm0 =	vgt.s32 v6, $0x7FF  }
0x1da: {  	v7 =	vsel vm0, $0x1, v1  }
0x1db: {  	(xrf0) =	vadd.scan.msk.s32 $0xffff, v7;
	_ =	sdelay $0x5  }
0x1dc: {  	v7, _, _ =	vpop (xrf0)  }
0x1dd: {  	vm1 =	veq.s32 v7, $0x1  }
0x1de: {  	v8 =	vadd.s32 s26, v0;
	vm0 =	vmand vm0, vm1  }
0x1df: {  	v5 =	vsub.s32 v6, v5;
	v63 =	vnsel vm0, $0x0, v8  }
0x1e0: {  	v5 =	vnsel vm0, $0x0, v5;
	(xrf0) =	vadd.scan.msk.s32 $0xffff, v63  }
0x1e1: {  	(xrf0) =	vadd.scan.msk.s32 $0xffff, v5  }
0x1e2: {  	(xrf0) =	vadd.scan.msk.s32 $0xffff, v4;
	_ =	sdelay $0x1  }
0x1e3: {  	(v2sf) =	vpush v7, $0xF;
	_ =	sdelay $0x1  }
0x1e4: {  	v4, _, _ =	vpop (xrf0)  }
0x1e5: {  	v5, _, _ =	vpop (xrf0);
	(v2sf) =	vpush v4, $0xF  }
0x1e6: {  	(v2sf) =	vpush v5, $0xF;
	v4, _, _ =	vpop (xrf0)  }
0x1e7: {  	(v2sf) =	vpush v4, $0xF;
	_ =	sdelay $0x9  }
0x1e8: {  	p0 =	sgt.u32 s0, $0xE;
	s1 =	spop (v2sf)  }
0x1e9: {  	p2 =	slt.s32 @!p0 s1, $0x1  }
0x1ea: {  	p0 =	por p0, !p2  }
.Ltmp20:
0x1eb: {  	s3 =	smov.u32 s23;
	s23 =	spop (v2sf);
	(pc) =	sbr.rel @!p0 .LBB2_40-.Ltmp20, $4  }
0x1ec: {  	s5 =	smov.u32 s25;
	s0 =	sadd.s32 $0x1, s0;
	s4 =	spop (v2sf)  }
0x1ed: {  	s24 =	sadd.s32 $0xFFFFFFF0, s24;
	p1 =	slt.s32 s1, $0x1;
	s6 =	spop (v2sf)  }
0x1ee: {  	s26 =	sadd.s32 $0xFFFFFFF0, s26;
	s25 =	ssub.s32 $0x800, s4;
	s6 =	simm.s32 @!p1 $0x0  }
0x1ef: {  	s23 =	smov.u32 @p1 s3;
	s25 =	smov.u32 @p1 s5;
	s28 =	sadd.s32 s28, s6  }
0x1f0: {  	p0 =	seq.s32 s23, $0xBF  }
.Ltmp21:
0x1f1: {  	_ = 	snop;
	(pc) =	sbr.rel @p0 .LBB2_47-.Ltmp21, $1  }
0x1f2: {  	_ =	sdelay $0x3  }
0x1f3: {  	s0 =	simm.s32 $0x18120  }
0x1f4: {  	[tilespmem:s0+$0xFFFFFFE0] =	vst v1  }
0x1f5: {  	[tilespmem:s0+$0x10] =	vst v1  }
0x1f6: {  	s24 =	simm.s32 $0x0;
	[tilespmem:s0+$0x0] =	vst v1  }
.LBB2_43:
0x1f7: {  	s24 =	sadd.s32 $0x4, s24  }
0x1f8: {  	[tilespmem:s0+$0xFFFFFFF0] =	vst v1;
	s0 =	sadd.s32 $0x40, s0;
	p0 =	slt.u32 s24, $0xC  }
.Ltmp22:
0x1f9: {  	[tilespmem:s0+$0xFFFFFFE0] =	vst v1;
	(pc) =	sbr.rel @p0 .LBB2_43-.Ltmp22, $3  }
0x1fa: {  	_ =	sdelay $0x1  }
0x1fb: {  	[tilespmem:s0+$0x10] =	vst v1  }
0x1fc: {  	[tilespmem:s0+$0x0] =	vst v1  }
0x1fd: {  	[tilespmem:s0+$0xFFFFFFF0] =	vst v1;
	s29 =	simm.s32 $0x10020  }
0x1fe: {  	v5 =	vld [tilespmem:s29+$0x10]  }
0x1ff: {  	v6 =	vld [tilespmem:s29+$0xFFFFFFF0]  }
0x200: {  	v7 =	vld [tilespmem:s29+$0x0]  }
0x201: {  	v8 =	vld [tilespmem:s29+$0xFFFFFFE0]  }
0x202: {  	s30 =	sshll.u32 s23, $0x8  }
0x203: {  	s31 =	simm.s32 $0x10060;
	v4 =	vmov s30;
	v5 =	vshrl.u32 v5, $0x10  }
0x204: {  	v10 =	vld [tilespmem:s31+$0x10];
	v6 =	vshrl.u32 v6, $0x10;
	v9 =	vsub.s32 v5, v4  }
0x205: {  	v5 =	vand.u32 $0x7F, v5;
	vm1 =	vlt.u32 v9, $0x100;
	v9 =	vand.u32 $0xFFFFFF80, v9  }
0x206: {  	v8 =	vshrl.u32 v8, $0x10;
	v7 =	vshrl.u32 v7, $0x10;
	v11 =	vor.u32 v5, v9  }
0x207: {  	v12 =	vld [tilespmem:s31+$0xFFFFFFF0];
	v5 =	vsub.s32 v8, v4;
	v9 =	vsub.s32 v6, v4;
	v8 =	vand.u32 $0x7F, v8  }
0x208: {  	v14 =	vand.u32 $0xFFFFFF80, v5;
	v15 =	vand.u32 $0xFFFFFF80, v9;
	vm2 =	vlt.u32 v9, $0x100;
	v9 =	vld [tilespmem:s31+$0x0]  }
0x209: {  	vm0 =	vlt.u32 v5, $0x100;
	v5 =	vor.u32 v8, v14;
	v14 =	vshrl.u32 v10, $0x10;
	v10 =	vld [tilespmem:s31+$0xFFFFFFE0]  }
0x20a: {  	v13 =	vsub.s32 v7, v4;
	v17 =	vand.u32 $0x7F, v7;
	v6 =	vand.u32 $0x7F, v6  }
0x20b: {  	v16 =	vand.u32 $0xFFFFFF80, v13;
	vm3 =	vlt.u32 v13, $0x100;
	v7 =	vor.u32 v6, v15  }
0x20c: {  	v8 =	vshrl.u32 v12, $0x10;
	v6 =	vor.u32 v17, v16;
	v12 =	vsub.s32 v14, v4  }
0x20d: {  	s24 =	simm.s32 $0x4;
	s26 =	simm.s32 $0x100A0;
	[tilespmem:v11+s16+$0x0] =	vst.idx.add.s32.msk vm1, v2;
	vm1 =	vlt.u32 v12, $0x100;
	v11 =	vand.u32 $0xFFFFFF80, v12;
	v12 =	vand.u32 $0x7F, v14  }
.LBB2_45:
0x20e: {  	v14 =	vshrl.u32 v10, $0x10;
	v15 =	vshrl.u32 v9, $0x10  }
0x20f: {  	v13 =	vld [tilespmem:s26+$0x10];
	s24 =	sadd.s32 $0x4, s24;
	v11 =	vor.u32 v12, v11;
	vm5 =	vmmov vm2;
	vm4 =	vmmov vm3  }
0x210: {  	v17 =	vsub.s32 v8, v4;
	v12 =	vld [tilespmem:s26+$0xFFFFFFF0];
	p0 =	slt.u32 s24, $0x7FC;
	v16 =	vsub.s32 v14, v4;
	v18 =	vsub.s32 v15, v4  }
0x211: {  	v20 =	vand.u32 $0xFFFFFF80, v17;
	v9 =	vld [tilespmem:s26+$0x0];
	v19 =	vand.u32 $0xFFFFFF80, v16;
	v21 =	vand.u32 $0xFFFFFF80, v18  }
.Ltmp23:
0x212: {  	v8 =	vand.u32 $0x7F, v8;
	v14 =	vand.u32 $0x7F, v14;
	v15 =	vand.u32 $0x7F, v15;
	v10 =	vld [tilespmem:s26+$0xFFFFFFE0];
	(pc) =	sbr.rel @p0 .LBB2_45-.Ltmp23, $4  }
0x213: {  	vm2 =	vlt.u32 v17, $0x100;
	[tilespmem:v5+s16+$0x0] =	vst.idx.add.s32.msk vm0, v2;
	v5 =	vor.u32 v14, v19;
	vm0 =	vlt.u32 v16, $0x100  }
0x214: {  	vm3 =	vlt.u32 v18, $0x100;
	v14 =	vor.u32 v8, v20;
	v13 =	vshrl.u32 v13, $0x10;
	[tilespmem:v11+s16+$0x0] =	vst.idx.add.s32.msk vm1, v2  }
0x215: {  	v15 =	vor.u32 v15, v21;
	v8 =	vshrl.u32 v12, $0x10;
	v11 =	vsub.s32 v13, v4;
	[tilespmem:v7+s16+$0x0] =	vst.idx.add.s32.msk vm5, v2  }
0x216: {  	s26 =	sadd.s32 $0x40, s26;
	v12 =	vand.u32 $0x7F, v13;
	v7 =	vmovc v14;
	vm1 =	vlt.u32 v11, $0x100;
	v11 =	vand.u32 $0xFFFFFF80, v11;
	[tilespmem:v6+s16+$0x0] =	vst.idx.add.s32.msk vm4, v2;
	v6 =	vmovc v15  }
0x217: {  	v10 =	vshrl.u32 v10, $0x10;
	v9 =	vshrl.u32 v9, $0x10  }
0x218: {  	v11 =	vor.u32 v12, v11;
	vm2 =	vmmov vm2;
	vm3 =	vmmov vm3  }
0x219: {  	v13 =	vsub.s32 v8, v4;
	v63 =	vand.u32 $0x7F, v8;
	v62 =	vsub.s32 v10, v4  }
0x21a: {  	v4 =	vsub.s32 v9, v4;
	v15 =	vand.u32 $0xFFFFFF80, v13;
	v10 =	vand.u32 $0x7F, v10  }
0x21b: {  	vm5 =	vlt.u32 v13, $0x100;
	v14 =	vand.u32 $0xFFFFFF80, v62;
	vm4 =	vlt.u32 v62, $0x100  }
0x21c: {  	v16 =	vand.u32 $0xFFFFFF80, v4;
	vm5 =	vmmov vm5;
	v10 =	vor.u32 v10, v14  }
0x21d: {  	[tilespmem:v5+s16+$0x0] =	vst.idx.add.s32.msk vm0, v2;
	vm6 =	vlt.u32 v4, $0x100;
	v4 =	vand.u32 $0x7F, v9;
	v5 =	vor.u32 v63, v15  }
0x21e: {  	v4 =	vor.u32 v4, v16;
	[tilespmem:v11+s16+$0x0] =	vst.idx.add.s32.msk vm1, v2  }
0x21f: {  	[tilespmem:v7+s16+$0x0] =	vst.idx.add.s32.msk vm2, v2  }
0x220: {  	[tilespmem:v6+s16+$0x0] =	vst.idx.add.s32.msk vm3, v2  }
0x221: {  	[tilespmem:v10+s16+$0x0] =	vst.idx.add.s32.msk vm4, v2  }
0x222: {  	[tilespmem:v5+s16+$0x0] =	vst.idx.add.s32.msk vm5, v2  }
0x223: {  	vm15 =	vmmov vm6;
	[tilespmem:v4+s16+$0x0] =	vst.idx.add.s32.msk vm6, v2  }
.LBB2_47:
0x224: {  	s26 =	simm.s32 $0x0;
	s28 =	simm.s32 $0x181F0;
	s29 =	simm.s32 $0xFF  }
0x225: {  	v4 =	vmov s25;
	s24 =	smov.u32 s25;
	s0 =	simm.s32 $0x0;
	s30 =	simm.s32 $0x0  }
.LBB2_48:
0x226: {  	v5 =	vld [tilespmem:s28+$0x0];
	_ =	sdelay $0x4  }
0x227: {  	v6 =	vperm.xlane v5, v3;
	_ =	sdelay $0x1  }
0x228: {  	(xrf0) =	vadd.scan.msk.s32 $0xffff, v6;
	_ =	sdelay $0x5  }
0x229: {  	v7, _, _ =	vpop (xrf0)  }
0x22a: {  	v7 =	vadd.s32 s0, v7  }
0x22b: {  	vm0 =	vge.s32 v7, v4  }
0x22c: {  	v8 =	vsel vm0, $0x1, v1  }
0x22d: {  	(xrf0) =	vadd.scan.msk.s32 $0xffff, v8;
	_ =	sdelay $0x5  }
0x22e: {  	v8, _, _ =	vpop (xrf0)  }
0x22f: {  	vm1 =	veq.s32 v8, $0x1  }
0x230: {  	v9 =	vadd.s32 s29, v0;
	vm0 =	vmand vm0, vm1  }
0x231: {  	v6 =	vsub.s32 v7, v6;
	v7 =	vnsel vm0, $0x0, v9  }
0x232: {  	v6 =	vnsel vm0, $0x0, v6;
	(xrf0) =	vadd.scan.msk.s32 $0xffff, v7  }
0x233: {  	(xrf0) =	vadd.scan.msk.s32 $0xffff, v6  }
0x234: {  	(xrf0) =	vadd.scan.msk.s32 $0xffff, v5;
	_ =	sdelay $0x3  }
0x235: {  	(v2sf) =	vpush v8, $0xF;
	v5, _, _ =	vpop (xrf0)  }
0x236: {  	v6, _, _ =	vpop (xrf0);
	(v2sf) =	vpush v5, $0xF  }
0x237: {  	(v2sf) =	vpush v6, $0xF;
	v5, _, _ =	vpop (xrf0)  }
0x238: {  	(v2sf) =	vpush v5, $0xF;
	_ =	sdelay $0xb  }
0x239: {  	s3 =	smov.u32 s26;
	s1 =	spop (v2sf)  }
0x23a: {  	s5 =	smov.u32 s24;
	p0 =	sgt.u32 s30, $0xE;
	s26 =	spop (v2sf)  }
0x23b: {  	p1 =	slt.s32 s1, $0x1;
	p2 =	slt.s32 @!p0 s1, $0x1;
	s4 =	spop (v2sf)  }
0x23c: {  	s26 =	smov.u32 @p1 s3;
	s24 =	ssub.s32 s25, s4;
	s4 =	spop (v2sf)  }
0x23d: {  	s4 =	simm.s32 @!p1 $0x0;
	s24 =	smov.u32 @p1 s5;
	p1 =	por p0, !p2  }
.Ltmp24:
0x23e: {  	_ = 	snop;
	(pc) =	sbr.rel @!p1 .LBB2_48-.Ltmp24, $3  }
0x23f: {  	_ =	sdelay $0x1  }
0x240: {  	s30 =	sadd.s32 $0x1, s30  }
0x241: {  	s28 =	sadd.s32 $0xFFFFFFF0, s28;
	s29 =	sadd.s32 $0xFFFFFFF0, s29;
	s0 =	sadd.s32 s0, s4  }
0x242: {  	s1 =	simm.s32 $0xFFFFFFFC  }
0x243: {  	s1 =	simm.s32 @p0 $0xFFFFFFFC  }
0x244: {  	s0 =	simm.s32 $0x18020;
	s25 =	sadd.s32 $0x4, s1  }
0x245: {  	s0 =	simm.s32 @p0 $0x18020;
	p0 =	slt.u32 s25, $0xC  }
.Ltmp25:
0x246: {  	_ = 	snop;
	(pc) =	sbr.rel @!p0 .LBB2_51-.Ltmp25, $4  }
0x247: {  	_ = 	snop  }
0x248: {  	[tilespmem:s0+$0xFFFFFFE0] =	vst v1  }
0x249: {  	[tilespmem:s0+$0x10] =	vst v1  }
0x24a: {  	[tilespmem:s0+$0x0] =	vst v1  }
.LBB2_50:
0x24b: {  	s25 =	sadd.s32 $0x4, s25  }
0x24c: {  	[tilespmem:s0+$0xFFFFFFF0] =	vst v1;
	s0 =	sadd.s32 $0x40, s0;
	p0 =	slt.u32 s25, $0xC  }
.Ltmp26:
0x24d: {  	[tilespmem:s0+$0xFFFFFFE0] =	vst v1;
	(pc) =	sbr.rel @p0 .LBB2_50-.Ltmp26, $3  }
0x24e: {  	_ =	sdelay $0x1  }
0x24f: {  	[tilespmem:s0+$0x10] =	vst v1  }
0x250: {  	[tilespmem:s0+$0x0] =	vst v1  }
.LBB2_51:
0x251: {  	[tilespmem:s0+$0xFFFFFFF0] =	vst v1;
	s30 =	simm.s32 $0x10020  }
0x252: {  	v5 =	vld [tilespmem:s30+$0x10]  }
0x253: {  	v6 =	vld [tilespmem:s30+$0xFFFFFFF0]  }
0x254: {  	v7 =	vld [tilespmem:s30+$0x0]  }
0x255: {  	s1 =	sshll.u32 s23, $0x10;
	s3 =	sshll.u32 s26, $0x8;
	v8 =	vld [tilespmem:s30+$0xFFFFFFE0]  }
0x256: {  	s26 =	sor.u32 s1, s3  }
0x257: {  	s31 =	simm.s32 $0x10060;
	v4 =	vmov s26;
	v5 =	vshrl.u32 v5, $0x8  }
0x258: {  	v10 =	vld [tilespmem:s31+$0x10];
	v6 =	vshrl.u32 v6, $0x8;
	v9 =	vsub.s32 v5, v4  }
0x259: {  	v5 =	vand.u32 $0x7F, v5;
	vm1 =	vlt.u32 v9, $0x100;
	v9 =	vand.u32 $0xFFFFFF80, v9  }
0x25a: {  	v8 =	vshrl.u32 v8, $0x8;
	v7 =	vshrl.u32 v7, $0x8;
	v11 =	vor.u32 v5, v9  }
0x25b: {  	v12 =	vld [tilespmem:s31+$0xFFFFFFF0];
	v5 =	vsub.s32 v8, v4;
	v9 =	vsub.s32 v6, v4;
	v8 =	vand.u32 $0x7F, v8  }
0x25c: {  	v14 =	vand.u32 $0xFFFFFF80, v5;
	v15 =	vand.u32 $0xFFFFFF80, v9;
	vm2 =	vlt.u32 v9, $0x100;
	v9 =	vld [tilespmem:s31+$0x0]  }
0x25d: {  	vm0 =	vlt.u32 v5, $0x100;
	v5 =	vor.u32 v8, v14;
	v14 =	vshrl.u32 v10, $0x8;
	v10 =	vld [tilespmem:s31+$0xFFFFFFE0]  }
0x25e: {  	v13 =	vsub.s32 v7, v4;
	v17 =	vand.u32 $0x7F, v7;
	v6 =	vand.u32 $0x7F, v6  }
0x25f: {  	v16 =	vand.u32 $0xFFFFFF80, v13;
	vm3 =	vlt.u32 v13, $0x100;
	v7 =	vor.u32 v6, v15  }
0x260: {  	v8 =	vshrl.u32 v12, $0x8;
	v6 =	vor.u32 v17, v16;
	v12 =	vsub.s32 v14, v4  }
0x261: {  	s23 =	simm.s32 $0x4;
	s25 =	simm.s32 $0x100A0;
	[tilespmem:v11+s15+$0x0] =	vst.idx.add.s32.msk vm1, v2;
	vm1 =	vlt.u32 v12, $0x100;
	v11 =	vand.u32 $0xFFFFFF80, v12;
	v12 =	vand.u32 $0x7F, v14  }
.LBB2_52:
0x262: {  	v14 =	vshrl.u32 v10, $0x8;
	v15 =	vshrl.u32 v9, $0x8  }
0x263: {  	v13 =	vld [tilespmem:s25+$0x10];
	s23 =	sadd.s32 $0x4, s23;
	v11 =	vor.u32 v12, v11;
	vm5 =	vmmov vm2;
	vm4 =	vmmov vm3  }
0x264: {  	v17 =	vsub.s32 v8, v4;
	v12 =	vld [tilespmem:s25+$0xFFFFFFF0];
	p0 =	slt.u32 s23, $0x7FC;
	v16 =	vsub.s32 v14, v4;
	v18 =	vsub.s32 v15, v4  }
0x265: {  	v20 =	vand.u32 $0xFFFFFF80, v17;
	v9 =	vld [tilespmem:s25+$0x0];
	v19 =	vand.u32 $0xFFFFFF80, v16;
	v21 =	vand.u32 $0xFFFFFF80, v18  }
.Ltmp27:
0x266: {  	v8 =	vand.u32 $0x7F, v8;
	v14 =	vand.u32 $0x7F, v14;
	v15 =	vand.u32 $0x7F, v15;
	v10 =	vld [tilespmem:s25+$0xFFFFFFE0];
	(pc) =	sbr.rel @p0 .LBB2_52-.Ltmp27, $4  }
0x267: {  	vm2 =	vlt.u32 v17, $0x100;
	[tilespmem:v5+s15+$0x0] =	vst.idx.add.s32.msk vm0, v2;
	v5 =	vor.u32 v14, v19;
	vm0 =	vlt.u32 v16, $0x100  }
0x268: {  	vm3 =	vlt.u32 v18, $0x100;
	v14 =	vor.u32 v8, v20;
	v13 =	vshrl.u32 v13, $0x8;
	[tilespmem:v11+s15+$0x0] =	vst.idx.add.s32.msk vm1, v2  }
0x269: {  	v15 =	vor.u32 v15, v21;
	v8 =	vshrl.u32 v12, $0x8;
	v11 =	vsub.s32 v13, v4;
	[tilespmem:v7+s15+$0x0] =	vst.idx.add.s32.msk vm5, v2  }
0x26a: {  	s25 =	sadd.s32 $0x40, s25;
	v12 =	vand.u32 $0x7F, v13;
	v7 =	vmovc v14;
	vm1 =	vlt.u32 v11, $0x100;
	v11 =	vand.u32 $0xFFFFFF80, v11;
	[tilespmem:v6+s15+$0x0] =	vst.idx.add.s32.msk vm4, v2;
	v6 =	vmovc v15  }
0x26b: {  	v10 =	vshrl.u32 v10, $0x8;
	v9 =	vshrl.u32 v9, $0x8  }
0x26c: {  	v11 =	vor.u32 v12, v11;
	vm2 =	vmmov vm2;
	vm3 =	vmmov vm3  }
0x26d: {  	v13 =	vsub.s32 v8, v4;
	v63 =	vand.u32 $0x7F, v8;
	v62 =	vsub.s32 v10, v4  }
0x26e: {  	v4 =	vsub.s32 v9, v4;
	v15 =	vand.u32 $0xFFFFFF80, v13;
	v10 =	vand.u32 $0x7F, v10  }
0x26f: {  	vm5 =	vlt.u32 v13, $0x100;
	v14 =	vand.u32 $0xFFFFFF80, v62;
	vm4 =	vlt.u32 v62, $0x100  }
0x270: {  	v16 =	vand.u32 $0xFFFFFF80, v4;
	vm5 =	vmmov vm5;
	v10 =	vor.u32 v10, v14  }
0x271: {  	[tilespmem:v5+s15+$0x0] =	vst.idx.add.s32.msk vm0, v2;
	vm6 =	vlt.u32 v4, $0x100;
	v4 =	vand.u32 $0x7F, v9;
	v5 =	vor.u32 v63, v15  }
0x272: {  	v4 =	vor.u32 v4, v16;
	[tilespmem:v11+s15+$0x0] =	vst.idx.add.s32.msk vm1, v2  }
0x273: {  	[tilespmem:v7+s15+$0x0] =	vst.idx.add.s32.msk vm2, v2  }
0x274: {  	[tilespmem:v6+s15+$0x0] =	vst.idx.add.s32.msk vm3, v2  }
0x275: {  	s23 =	simm.s32 $0x0;
	[tilespmem:v10+s15+$0x0] =	vst.idx.add.s32.msk vm4, v2  }
0x276: {  	s28 =	simm.s32 $0x180F0;
	s29 =	simm.s32 $0xFF;
	s25 =	smov.u32 s24;
	[tilespmem:v5+s15+$0x0] =	vst.idx.add.s32.msk vm5, v2  }
0x277: {  	s30 =	simm.s32 $0x0;
	s31 =	simm.s32 $0x0;
	s0 =	simm.s32 $0x0;
	vm15 =	vmmov vm6;
	[tilespmem:v4+s15+$0x0] =	vst.idx.add.s32.msk vm6, v2;
	v4 =	vmov s24  }
.LBB2_54:
0x278: {  	v5 =	vld [tilespmem:s28+$0x0];
	_ =	sdelay $0x4  }
0x279: {  	v6 =	vperm.xlane v5, v3;
	_ =	sdelay $0x1  }
0x27a: {  	(xrf0) =	vadd.scan.msk.s32 $0xffff, v6;
	_ =	sdelay $0x5  }
0x27b: {  	v7, _, _ =	vpop (xrf0)  }
0x27c: {  	v7 =	vadd.s32 s31, v7  }
0x27d: {  	vm0 =	vge.s32 v7, v4  }
0x27e: {  	v8 =	vsel vm0, $0x1, v1  }
0x27f: {  	(xrf0) =	vadd.scan.msk.s32 $0xffff, v8;
	_ =	sdelay $0x5  }
0x280: {  	v8, _, _ =	vpop (xrf0)  }
0x281: {  	vm1 =	veq.s32 v8, $0x1  }
0x282: {  	v9 =	vadd.s32 s29, v0;
	vm0 =	vmand vm0, vm1  }
0x283: {  	v7 =	vsub.s32 v7, v6;
	v9 =	vnsel vm0, $0x0, v9  }
0x284: {  	v7 =	vnsel vm0, $0x0, v7;
	(xrf0) =	vadd.scan.msk.s32 $0xffff, v9  }
0x285: {  	v6 =	vnsel vm0, $0x0, v6;
	(xrf0) =	vadd.scan.msk.s32 $0xffff, v7  }
0x286: {  	(xrf0) =	vadd.scan.msk.s32 $0xffff, v6  }
0x287: {  	(xrf0) =	vadd.scan.msk.s32 $0xffff, v5;
	_ =	sdelay $0x1  }
0x288: {  	(v2sf) =	vpush v8, $0xF  }
0x289: {  	v5, _, _ =	vpop (xrf0)  }
0x28a: {  	v6, _, _ =	vpop (xrf0);
	(v2sf) =	vpush v5, $0xF  }
0x28b: {  	v5, _, _ =	vpop (xrf0);
	(v2sf) =	vpush v6, $0xF  }
0x28c: {  	(v2sf) =	vpush v5, $0xF;
	v5, _, _ =	vpop (xrf0)  }
0x28d: {  	(v2sf) =	vpush v5, $0xF;
	_ =	sdelay $0x9  }
0x28e: {  	p0 =	sgt.u32 s0, $0xE;
	s1 =	spop (v2sf)  }
0x28f: {  	s3 =	smov.u32 s30;
	p1 =	slt.s32 @!p0 s1, $0x1  }
0x290: {  	s5 =	smov.u32 s23;
	p0 =	por p0, !p1;
	s30 =	spop (v2sf)  }
.Ltmp28:
0x291: {  	s6 =	smov.u32 s25;
	s4 =	spop (v2sf);
	(pc) =	sbr.rel @!p0 .LBB2_54-.Ltmp28, $4  }
0x292: {  	s0 =	sadd.s32 $0x1, s0;
	s28 =	sadd.s32 $0xFFFFFFF0, s28;
	s23 =	spop (v2sf)  }
0x293: {  	s29 =	sadd.s32 $0xFFFFFFF0, s29;
	p1 =	slt.s32 s1, $0x1;
	s7 =	spop (v2sf)  }
0x294: {  	s30 =	smov.u32 @p1 s3;
	s25 =	ssub.s32 s24, s4;
	s7 =	simm.s32 @!p1 $0x0  }
0x295: {  	s25 =	smov.u32 @p1 s6;
	s23 =	smov.u32 @p1 s5;
	s31 =	sadd.s32 s31, s7  }
0x296: {  	p0 =	sge.s32 s25, s23  }
.Ltmp29:
0x297: {  	_ = 	snop;
	(pc) =	sbr.rel @p0 .LBB2_61-.Ltmp29, $2  }
0x298: {  	_ =	sdelay $0x2  }
0x299: {  	s24 =	sor.u32 s26, s30  }
0x29a: {  	s0 =	simm.s32 $0x18020  }
0x29b: {  	[tilespmem:s0+$0xFFFFFFE0] =	vst v1  }
0x29c: {  	[tilespmem:s0+$0x10] =	vst v1  }
0x29d: {  	s26 =	simm.s32 $0x0;
	[tilespmem:s0+$0x0] =	vst v1  }
.LBB2_57:
0x29e: {  	s26 =	sadd.s32 $0x4, s26  }
0x29f: {  	[tilespmem:s0+$0xFFFFFFF0] =	vst v1;
	s0 =	sadd.s32 $0x40, s0;
	p0 =	slt.u32 s26, $0xC  }
.Ltmp30:
0x2a0: {  	[tilespmem:s0+$0xFFFFFFE0] =	vst v1;
	(pc) =	sbr.rel @p0 .LBB2_57-.Ltmp30, $3  }
0x2a1: {  	_ =	sdelay $0x1  }
0x2a2: {  	[tilespmem:s0+$0x10] =	vst v1  }
0x2a3: {  	[tilespmem:s0+$0x0] =	vst v1  }
0x2a4: {  	[tilespmem:s0+$0xFFFFFFF0] =	vst v1;
	s31 =	simm.s32 $0x10020  }
0x2a5: {  	v6 =	vld [tilespmem:s31+$0x0]  }
0x2a6: {  	v5 =	vld [tilespmem:s31+$0xFFFFFFF0]  }
0x2a7: {  	v8 =	vld [tilespmem:s31+$0x10]  }
0x2a8: {  	s1 =	sshll.u32 s24, $0x8;
	v10 =	vld [tilespmem:s31+$0xFFFFFFE0]  }
0x2a9: {  	v4 =	vmov s1  }
0x2aa: {  	v13 =	vsub.s32 v6, v4  }
0x2ab: {  	s26 =	simm.s32 $0x10060;
	v12 =	vand.u32 $0x7F, v6;
	v6 =	vsub.s32 v5, v4;
	v5 =	vand.u32 $0x7F, v5  }
0x2ac: {  	v7 =	vld [tilespmem:s26+$0xFFFFFFF0];
	v14 =	vsub.s32 v8, v4;
	vm2 =	vlt.u32 v6, $0x100;
	v6 =	vand.u32 $0xFFFFFF80, v6  }
0x2ad: {  	v11 =	vld [tilespmem:s26+$0x0];
	v15 =	vsub.s32 v10, v4;
	v16 =	vand.u32 $0x7F, v10;
	v9 =	vor.u32 v5, v6  }
0x2ae: {  	vm0 =	vlt.u32 v14, $0x100;
	v10 =	vand.u32 $0xFFFFFF80, v14;
	v6 =	vand.u32 $0x7F, v8;
	v8 =	vld [tilespmem:s26+$0x10]  }
0x2af: {  	v10 =	vor.u32 v6, v10  }
0x2b0: {  	vm1 =	vlt.u32 v15, $0x100;
	v14 =	vand.u32 $0xFFFFFF80, v15;
	v5 =	vand.u32 $0xFFFFFF80, v13  }
0x2b1: {  	s0 =	simm.s32 $0x4;
	vm3 =	vlt.u32 v13, $0x100;
	v6 =	vor.u32 v16, v14;
	v5 =	vor.u32 v12, v5;
	v12 =	vld [tilespmem:s26+$0xFFFFFFE0]  }
.LBB2_59:
0x2b2: {  	s0 =	sadd.s32 $0x4, s0;
	v13 =	vsub.s32 v11, v4;
	v14 =	vand.u32 $0x7F, v11;
	s26 =	sadd.s32 $0x40, s26;
	[tilespmem:v9+s15+$0x0] =	vst.idx.add.s32.msk vm2, v2  }
0x2b3: {  	v9 =	vsub.s32 v7, v4;
	v15 =	vand.u32 $0x7F, v7;
	p0 =	slt.u32 s0, $0x7FC;
	v7 =	vld [tilespmem:s26+$0xFFFFFFF0];
	v16 =	vsub.s32 v8, v4  }
0x2b4: {  	vm2 =	vlt.u32 v9, $0x100;
	v9 =	vand.u32 $0xFFFFFF80, v9;
	[tilespmem:v10+s15+$0x0] =	vst.idx.add.s32.msk vm0, v2;
	vm0 =	vlt.u32 v16, $0x100  }
.Ltmp31:
0x2b5: {  	v9 =	vor.u32 v15, v9;
	v15 =	vand.u32 $0xFFFFFF80, v13;
	v10 =	vand.u32 $0x7F, v8;
	v11 =	vld [tilespmem:s26+$0x0];
	(pc) =	sbr.rel @p0 .LBB2_59-.Ltmp31, $4  }
0x2b6: {  	v16 =	vand.u32 $0xFFFFFF80, v16;
	v8 =	vld [tilespmem:s26+$0x10];
	v17 =	vsub.s32 v12, v4;
	v12 =	vand.u32 $0x7F, v12  }
0x2b7: {  	v10 =	vor.u32 v10, v16;
	v18 =	vand.u32 $0xFFFFFF80, v17;
	[tilespmem:v6+s15+$0x0] =	vst.idx.add.s32.msk vm1, v2;
	vm1 =	vlt.u32 v17, $0x100  }
0x2b8: {  	v6 =	vor.u32 v12, v18;
	[tilespmem:v5+s15+$0x0] =	vst.idx.add.s32.msk vm3, v2;
	v5 =	vor.u32 v14, v15  }
0x2b9: {  	vm3 =	vlt.u32 v13, $0x100;
	v12 =	vld [tilespmem:s26+$0xFFFFFFE0]  }
0x2ba: {  	_ = 	snop  }
0x2bb: {  	v13 =	vsub.s32 v7, v4  }
0x2bc: {  	v57 =	vand.u32 $0x7F, v7;
	v14 =	vsub.s32 v11, v4;
	v59 =	vand.u32 $0x7F, v11  }
0x2bd: {  	vm4 =	vlt.u32 v13, $0x100;
	v13 =	vand.u32 $0xFFFFFF80, v13;
	v58 =	vsub.s32 v8, v4  }
0x2be: {  	v60 =	vand.u32 $0x7F, v8;
	v62 =	vand.u32 $0xFFFFFF80, v14;
	vm15 =	vlt.u32 v14, $0x100  }
0x2bf: {  	[tilespmem:v9+s15+$0x0] =	vst.idx.add.s32.msk vm2, v2;
	v7 =	vor.u32 v57, v13;
	vm5 =	vlt.u32 v58, $0x100;
	v13 =	vand.u32 $0xFFFFFF80, v58  }
0x2c0: {  	v63 =	vor.u32 v59, v62;
	v8 =	vor.u32 v60, v13;
	v4 =	vsub.s32 v12, v4  }
0x2c1: {  	[tilespmem:v10+s15+$0x0] =	vst.idx.add.s32.msk vm0, v2;
	v61 =	vand.u32 $0x7F, v12;
	vm14 =	vlt.u32 v4, $0x100;
	v4 =	vand.u32 $0xFFFFFF80, v4  }
0x2c2: {  	[tilespmem:v6+s15+$0x0] =	vst.idx.add.s32.msk vm1, v2;
	v4 =	vor.u32 v61, v4  }
0x2c3: {  	[tilespmem:v5+s15+$0x0] =	vst.idx.add.s32.msk vm3, v2  }
0x2c4: {  	[tilespmem:v7+s15+$0x0] =	vst.idx.add.s32.msk vm4, v2  }
0x2c5: {  	[tilespmem:v63+s15+$0x0] =	vst.idx.add.s32.msk vm15, v2  }
0x2c6: {  	[tilespmem:v8+s15+$0x0] =	vst.idx.add.s32.msk vm5, v2  }
0x2c7: {  	[tilespmem:v4+s15+$0x0] =	vst.idx.add.s32.msk vm14, v2  }
.LBB2_61:
0x2c8: {  	s0 =	simm.s32 $0x0;
	s26 =	simm.s32 $0x180F0  }
0x2c9: {  	v4 =	vmov s25;
	s28 =	simm.s32 $0xFF;
	s29 =	simm.s32 $0x0;
	s30 =	simm.s32 $0x0  }
.LBB2_62:
0x2ca: {  	v5 =	vld [tilespmem:s26+$0x0];
	_ =	sdelay $0x4  }
0x2cb: {  	v6 =	vperm.xlane v5, v3;
	_ =	sdelay $0x1  }
0x2cc: {  	(xrf0) =	vadd.scan.msk.s32 $0xffff, v6;
	_ =	sdelay $0x5  }
0x2cd: {  	v6, _, _ =	vpop (xrf0)  }
0x2ce: {  	v6 =	vadd.s32 s29, v6  }
0x2cf: {  	vm0 =	vge.s32 v6, v4  }
0x2d0: {  	v6 =	vsel vm0, $0x1, v1  }
0x2d1: {  	(xrf0) =	vadd.scan.msk.s32 $0xffff, v6;
	_ =	sdelay $0x5  }
0x2d2: {  	v6, _, _ =	vpop (xrf0)  }
0x2d3: {  	vm1 =	veq.s32 v6, $0x1  }
0x2d4: {  	v7 =	vadd.s32 s28, v0;
	vm0 =	vmand vm0, vm1  }
0x2d5: {  	v7 =	vnsel vm0, $0x0, v7  }
0x2d6: {  	(xrf0) =	vadd.scan.msk.s32 $0xffff, v7  }
0x2d7: {  	(xrf0) =	vadd.scan.msk.s32 $0xffff, v5;
	_ =	sdelay $0x1  }
0x2d8: {  	(v2sf) =	vpush v6, $0xF;
	_ =	sdelay $0x2  }
0x2d9: {  	v5, _, _ =	vpop (xrf0)  }
0x2da: {  	(v2sf) =	vpush v5, $0xF;
	v5, _, _ =	vpop (xrf0)  }
0x2db: {  	(v2sf) =	vpush v5, $0xF;
	_ =	sdelay $0x9  }
0x2dc: {  	p1 =	sgt.u32 s30, $0xE;
	s1 =	spop (v2sf)  }
0x2dd: {  	p2 =	slt.s32 @!p1 s1, $0x1  }
0x2de: {  	p1 =	por p1, !p2  }
.Ltmp32:
0x2df: {  	_ = 	snop;
	(pc) =	sbr.rel @!p1 .LBB2_62-.Ltmp32, $4  }
0x2e0: {  	s3 =	smov.u32 s0;
	s0 =	spop (v2sf)  }
0x2e1: {  	p0 =	slt.s32 s1, $0x1;
	s4 =	spop (v2sf)  }
0x2e2: {  	s30 =	sadd.s32 $0x1, s30;
	s26 =	sadd.s32 $0xFFFFFFF0, s26;
	s4 =	simm.s32 @!p0 $0x0  }
0x2e3: {  	s28 =	sadd.s32 $0xFFFFFFF0, s28;
	s0 =	smov.u32 @p0 s3;
	s29 =	sadd.s32 s29, s4  }
0x2e4: {  	p0 =	slt.s32 s25, s23  }
0x2e5: {  	s1 =	sshll.u32 s24, $0x8;
	s0 =	simm.s32 @!p0 $0x0  }
0x2e6: {  	s0 =	sor.u32 s1, s0  }
0x2e7: {  	s24 =	simm.s32 $0x8020;
	s1 =	simm.s32 $0xFFFFFFFF;
	p0 =	sgt.s32 s0, $0xFFFFFFFF  }
0x2e8: {  	v5 =	vld [tilespmem:s24+$0xFFFFFFE0];
	s1 =	simm.s32 @!p0 $0x80000000  }
0x2e9: {  	v8 =	vld [tilespmem:s24+$0x0];
	s0 =	sxor.u32 s0, s1  }
0x2ea: {  	v7 =	vld [tilespmem:s24+$0x10];
	v4 =	vmov s0  }
0x2eb: {  	v9 =	vld [tilespmem:s24+$0xFFFFFFF0];
	v4 =	vbroadcast v4, $0x0;
	_ =	sdelay $0x1  }
0x2ec: {  	s23 =	simm.s32 $0x8060;
	vm0 =	vge.f32 v5, v4;
	v5 =	vmax.f32 v5, $0.0e+00  }
0x2ed: {  	v6 =	vld [tilespmem:s23+$0xFFFFFFE0];
	vm1 =	vge.f32 v8, v4;
	v8 =	vmax.f32 v8, $0.0e+00;
	v10 =	vnsel vm0, $0x0, v5  }
0x2ee: {  	vm14 =	vge.f32 v7, v4;
	v7 =	vmax.f32 v7, $0.0e+00;
	v5 =	vld [tilespmem:s23+$0x10];
	v11 =	vnsel vm1, $0x0, v8;
	[tilespmem:s24+$0xFFFFFFE0] =	vst v10  }
0x2ef: {  	vm15 =	vge.f32 v9, v4;
	v9 =	vmax.f32 v9, $0.0e+00;
	v8 =	vld [tilespmem:s23+$0xFFFFFFF0];
	v10 =	vnsel vm14, $0x0, v7;
	[tilespmem:s24+$0x0] =	vst v11  }
0x2f0: {  	s0 =	simm.s32 $0x4;
	v9 =	vnsel vm15, $0x0, v9;
	v7 =	vld [tilespmem:s23+$0x0];
	[tilespmem:s24+$0x10] =	vst v10  }
.LBB2_64:
0x2f1: {  	s0 =	sadd.s32 $0x4, s0  }
0x2f2: {  	[tilespmem:s24+$0xFFFFFFF0] =	vst v9;
	s24 =	smov.u32 s23;
	p0 =	slt.u32 s0, $0x7FC  }
.Ltmp33:
0x2f3: {  	s23 =	sadd.s32 $0x40, s23;
	vm0 =	vge.f32 v6, v4;
	v9 =	vmax.f32 v6, $0.0e+00;
	(pc) =	sbr.rel @p0 .LBB2_64-.Ltmp33, $4  }
0x2f4: {  	v6 =	vld [tilespmem:s23+$0xFFFFFFE0];
	v9 =	vnsel vm0, $0x0, v9;
	vm0 =	vge.f32 v5, v4;
	v10 =	vmax.f32 v5, $0.0e+00  }
0x2f5: {  	v5 =	vld [tilespmem:s23+$0x10];
	[tilespmem:s24+$0xFFFFFFE0] =	vst v9;
	vm1 =	vge.f32 v7, v4;
	v9 =	vmax.f32 v7, $0.0e+00;
	v10 =	vnsel vm0, $0x0, v10  }
0x2f6: {  	v7 =	vld [tilespmem:s23+$0x0];
	vm0 =	vge.f32 v8, v4;
	v11 =	vmax.f32 v8, $0.0e+00;
	v12 =	vnsel vm1, $0x0, v9;
	[tilespmem:s24+$0x10] =	vst v10  }
0x2f7: {  	v8 =	vld [tilespmem:s23+$0xFFFFFFF0];
	v9 =	vnsel vm0, $0x0, v11;
	[tilespmem:s24+$0x0] =	vst v12  }
0x2f8: {  	_ = 	snop  }
0x2f9: {  	vm0 =	vge.f32 v6, v4;
	v62 =	vmax.f32 v6, $0.0e+00  }
0x2fa: {  	[tilespmem:s24+$0xFFFFFFF0] =	vst v9;
	v6 =	vnsel vm0, $0x0, v62;
	vm14 =	vge.f32 v5, v4;
	v5 =	vmax.f32 v5, $0.0e+00  }
0x2fb: {  	[tilespmem:s23+$0xFFFFFFE0] =	vst v6;
	vm1 =	vge.f32 v7, v4;
	v63 =	vmax.f32 v7, $0.0e+00;
	v5 =	vnsel vm14, $0x0, v5  }
0x2fc: {  	vm15 =	vge.f32 v8, v4;
	v4 =	vmax.f32 v8, $0.0e+00;
	v6 =	vnsel vm1, $0x0, v63;
	[tilespmem:s23+$0x10] =	vst v5  }
0x2fd: {  	v4 =	vnsel vm15, $0x0, v4;
	[tilespmem:s23+$0x0] =	vst v6  }
0x2fe: {  	[tilespmem:s23+$0xFFFFFFF0] =	vst v4  }
0x2ff: {  	s0 =	rddreg [dreg:$0x7]  }
0x300: {  	[hbm4b:s0+s12] =	stream.strided.scatter [tilespmem:s17], [sflag:$0x4], $0x8000, s13, s12, $0x38;
	[tilespmem:$0x18200] =	vst v63  }
0x301: {  	_ =	swait.ge [sflag:s14], $0x8000  }
0x302: {  	[sflag:s14] =	ssyncset.done $0x0  }
0x303: {  	s0 =	simm.s32 $0x18020;
	[sflag:s14] =	ssyncadd.s32 $0xFFFF8000  }
0x304: {  	[tilespmem:s0+$0xFFFFFFE0] =	vst v1  }
0x305: {  	[tilespmem:s0+$0x10] =	vst v1  }
0x306: {  	s23 =	simm.s32 $0x0;
	[tilespmem:s0+$0x0] =	vst v1  }
.LBB2_66:
0x307: {  	s23 =	sadd.s32 $0x4, s23  }
0x308: {  	[tilespmem:s0+$0xFFFFFFF0] =	vst v1;
	s0 =	sadd.s32 $0x40, s0;
	p0 =	slt.u32 s23, $0xC  }
.Ltmp34:
0x309: {  	[tilespmem:s0+$0xFFFFFFE0] =	vst v1;
	(pc) =	sbr.rel @p0 .LBB2_66-.Ltmp34, $3  }
0x30a: {  	_ =	sdelay $0x1  }
0x30b: {  	[tilespmem:s0+$0x10] =	vst v1  }
0x30c: {  	[tilespmem:s0+$0x0] =	vst v1  }
0x30d: {  	[tilespmem:s0+$0xFFFFFFF0] =	vst v1;
	s0 =	simm.s32 $0x18120  }
0x30e: {  	[tilespmem:s0+$0xFFFFFFE0] =	vst v1  }
0x30f: {  	[tilespmem:s0+$0x10] =	vst v1  }
0x310: {  	s24 =	simm.s32 $0x0;
	[tilespmem:s0+$0x0] =	vst v1  }
.LBB2_68:
0x311: {  	s24 =	sadd.s32 $0x4, s24  }
0x312: {  	[tilespmem:s0+$0xFFFFFFF0] =	vst v1;
	s0 =	sadd.s32 $0x40, s0;
	p0 =	slt.u32 s24, $0xC  }
.Ltmp35:
0x313: {  	[tilespmem:s0+$0xFFFFFFE0] =	vst v1;
	(pc) =	sbr.rel @p0 .LBB2_68-.Ltmp35, $3  }
0x314: {  	_ =	sdelay $0x1  }
0x315: {  	[tilespmem:s0+$0x10] =	vst v1  }
0x316: {  	s23 =	simm.s32 $0x10020;
	s25 =	simm.s32 $0x20;
	[tilespmem:s0+$0x0] =	vst v1  }
0x317: {  	[tilespmem:s0+$0xFFFFFFF0] =	vst v1  }
0x318: {  	v4 =	vld [tilespmem:s25+$0xFFFFFFE0];
	_ =	sdelay $0x1  }
0x319: {  	v5 =	vld [tilespmem:s25+$0xFFFFFFF0]  }
0x31a: {  	v6 =	vld [tilespmem:s25+$0x10]  }
0x31b: {  	v7 =	vld [tilespmem:s25+$0x0]  }
0x31c: {  	v8 =	vshra.s32 v4, $0x1F  }
0x31d: {  	v8 =	vor.u32 $0x80000000, v8  }
0x31e: {  	v9 =	vshra.s32 v5, $0x1F;
	v8 =	vxor.u32 v4, v8  }
0x31f: {  	v10 =	vshra.s32 v6, $0x1F;
	v9 =	vor.u32 $0x80000000, v9;
	v4 =	vshrl.u32 v8, $0x18  }
0x320: {  	v11 =	vshra.s32 v7, $0x1F;
	v10 =	vor.u32 $0x80000000, v10;
	v12 =	vxor.u32 v5, v9  }
0x321: {  	s24 =	simm.s32 $0x60;
	v6 =	vxor.u32 v6, v10;
	v10 =	vor.u32 $0x80000000, v11;
	[tilespmem:s23+$0xFFFFFFF0] =	vst v12;
	v11 =	vshrl.u32 v12, $0x18  }
0x322: {  	v5 =	vld [tilespmem:s24+$0x10];
	v13 =	vshrl.u32 v6, $0x18;
	[tilespmem:s23+$0xFFFFFFE0] =	vst v8  }
0x323: {  	v9 =	vld [tilespmem:s24+$0xFFFFFFE0];
	v14 =	vxor.u32 v7, v10;
	v7 =	vshrl.u32 v6, $0x10;
	v12 =	vshrl.u32 v12, $0x10;
	[tilespmem:s23+$0x10] =	vst v6  }
0x324: {  	v6 =	vshrl.u32 v8, $0x10;
	v15 =	vshrl.u32 v14, $0x18;
	v10 =	vadd.s32 $0xFFFF4100, v7;
	[tilespmem:v4+s15+$0x0] =	vst.idx.add.s32.msk $0xffff, v2  }
0x325: {  	v8 =	vadd.s32 $0xFFFF4100, v12;
	v12 =	vshrl.u32 v14, $0x10;
	vm2 =	vlt.u32 v10, $0x100;
	v4 =	vld [tilespmem:s24+$0x0]  }
0x326: {  	vm1 =	vlt.u32 v8, $0x100;
	[tilespmem:v11+s15+$0x0] =	vst.idx.add.s32.msk $0xffff, v2;
	v11 =	vadd.s32 $0xFFFF4100, v12  }
0x327: {  	v7 =	vld [tilespmem:s24+$0xFFFFFFF0];
	v6 =	vadd.s32 $0xFFFF4100, v6;
	vm3 =	vlt.u32 v11, $0x100  }
0x328: {  	[tilespmem:s23+$0x0] =	vst v14;
	vm0 =	vlt.u32 v6, $0x100  }
0x329: {  	v12 =	vshra.s32 v9, $0x1F;
	[tilespmem:v13+s15+$0x0] =	vst.idx.add.s32.msk $0xffff, v2  }
0x32a: {  	s25 =	simm.s32 $0x4;
	v13 =	vor.u32 $0x80000000, v12;
	v12 =	vshra.s32 v5, $0x1F;
	[tilespmem:v15+s15+$0x0] =	vst.idx.add.s32.msk $0xffff, v2  }
.LBB2_70:
0x32b: {  	s25 =	sadd.s32 $0x4, s25;
	v13 =	vxor.u32 v9, v13;
	v9 =	vshra.s32 v4, $0x1F;
	v12 =	vor.u32 $0x80000000, v12;
	[tilespmem:v10+s16+$0x0] =	vst.idx.add.s32.msk vm2, v2;
	s23 =	sadd.s32 $0x40, s23  }
0x32c: {  	p0 =	slt.u32 s25, $0x7FC;
	v14 =	vshrl.u32 v13, $0x18;
	v10 =	vshra.s32 v7, $0x1F;
	v12 =	vxor.u32 v5, v12;
	[tilespmem:v8+s16+$0x0] =	vst.idx.add.s32.msk vm1, v2  }
0x32d: {  	v15 =	vor.u32 $0x80000000, v9;
	v5 =	vor.u32 $0x80000000, v10;
	v8 =	vshrl.u32 v12, $0x10;
	[tilespmem:v11+s16+$0x0] =	vst.idx.add.s32.msk vm3, v2  }
0x32e: {  	s24 =	sadd.s32 $0x40, s24;
	v11 =	vshrl.u32 v13, $0x10;
	v16 =	vshrl.u32 v12, $0x18;
	v7 =	vxor.u32 v7, v5;
	[tilespmem:v6+s16+$0x0] =	vst.idx.add.s32.msk vm0, v2  }
0x32f: {  	v10 =	vadd.s32 $0xFFFF4100, v8;
	v5 =	vld [tilespmem:s24+$0x10];
	[tilespmem:s23+$0xFFFFFFF0] =	vst v7;
	v17 =	vshrl.u32 v7, $0x18;
	v6 =	vshrl.u32 v7, $0x10  }
0x330: {  	vm2 =	vlt.u32 v10, $0x100;
	v9 =	vld [tilespmem:s24+$0xFFFFFFE0];
	[tilespmem:s23+$0xFFFFFFE0] =	vst v13;
	v8 =	vadd.s32 $0xFFFF4100, v6;
	v13 =	vxor.u32 v4, v15  }
0x331: {  	[tilespmem:v14+s15+$0x0] =	vst.idx.add.s32.msk $0xffff, v2;
	vm1 =	vlt.u32 v8, $0x100;
	v14 =	vshrl.u32 v13, $0x18;
	v7 =	vshrl.u32 v13, $0x10  }
.Ltmp36:
0x332: {  	v6 =	vadd.s32 $0xFFFF4100, v11;
	v4 =	vld [tilespmem:s24+$0x0];
	v11 =	vadd.s32 $0xFFFF4100, v7;
	[tilespmem:s23+$0x10] =	vst v12;
	(pc) =	sbr.rel @p0 .LBB2_70-.Ltmp36, $4  }
0x333: {  	vm0 =	vlt.u32 v6, $0x100;
	v7 =	vld [tilespmem:s24+$0xFFFFFFF0];
	[tilespmem:s23+$0x0] =	vst v13;
	vm3 =	vlt.u32 v11, $0x100  }
0x334: {  	[tilespmem:v17+s15+$0x0] =	vst.idx.add.s32.msk $0xffff, v2  }
0x335: {  	v12 =	vshra.s32 v9, $0x1F;
	[tilespmem:v16+s15+$0x0] =	vst.idx.add.s32.msk $0xffff, v2  }
0x336: {  	v13 =	vor.u32 $0x80000000, v12;
	v12 =	vshra.s32 v5, $0x1F;
	[tilespmem:v14+s15+$0x0] =	vst.idx.add.s32.msk $0xffff, v2  }
0x337: {  	_ =	sdelay $0x4  }
0x338: {  	v9 =	vxor.u32 v9, v13;
	[tilespmem:v10+s16+$0x0] =	vst.idx.add.s32.msk vm2, v2  }
0x339: {  	v55 =	vor.u32 $0x80000000, v12;
	[tilespmem:v8+s16+$0x0] =	vst.idx.add.s32.msk vm1, v2;
	v58 =	vshra.s32 v4, $0x1F;
	v56 =	vshrl.u32 v9, $0x18  }
0x33a: {  	[tilespmem:v11+s16+$0x0] =	vst.idx.add.s32.msk vm3, v2;
	s0 =	sadd.s32 $0x40, s23;
	v57 =	vshra.s32 v7, $0x1F;
	v5 =	vxor.u32 v5, v55;
	v8 =	vor.u32 $0x80000000, v58  }
0x33b: {  	[tilespmem:s0+$0xFFFFFFE0] =	vst v9;
	v9 =	vshrl.u32 v9, $0x10;
	v59 =	vor.u32 $0x80000000, v57;
	v60 =	vshrl.u32 v5, $0x10  }
0x33c: {  	v62 =	vshrl.u32 v5, $0x18;
	v4 =	vxor.u32 v4, v8;
	[tilespmem:s0+$0x10] =	vst v5;
	v5 =	vadd.s32 $0xFFFF4100, v9  }
0x33d: {  	[tilespmem:v6+s16+$0x0] =	vst.idx.add.s32.msk vm0, v2;
	v61 =	vxor.u32 v7, v59;
	v11 =	vadd.s32 $0xFFFF4100, v60;
	v8 =	vshrl.u32 v4, $0x18  }
0x33e: {  	v63 =	vshrl.u32 v4, $0x10;
	[tilespmem:s0+$0x0] =	vst v4;
	vm15 =	vlt.u32 v5, $0x100;
	v10 =	vshrl.u32 v61, $0x18  }
0x33f: {  	[tilespmem:s0+$0xFFFFFFF0] =	vst v61;
	v7 =	vshrl.u32 v61, $0x10;
	vm12 =	vlt.u32 v11, $0x100;
	v12 =	vadd.s32 $0xFFFF4100, v63  }
0x340: {  	v7 =	vadd.s32 $0xFFFF4100, v7;
	vm14 =	vlt.u32 v12, $0x100;
	[tilespmem:v56+s15+$0x0] =	vst.idx.add.s32.msk $0xffff, v2  }
0x341: {  	vm13 =	vlt.u32 v7, $0x100;
	[tilespmem:v62+s15+$0x0] =	vst.idx.add.s32.msk $0xffff, v2  }
0x342: {  	[tilespmem:v8+s15+$0x0] =	vst.idx.add.s32.msk $0xffff, v2  }
0x343: {  	[tilespmem:v10+s15+$0x0] =	vst.idx.add.s32.msk $0xffff, v2  }
0x344: {  	[tilespmem:v5+s16+$0x0] =	vst.idx.add.s32.msk vm15, v2  }
0x345: {  	[tilespmem:v11+s16+$0x0] =	vst.idx.add.s32.msk vm12, v2  }
0x346: {  	[tilespmem:v12+s16+$0x0] =	vst.idx.add.s32.msk vm14, v2  }
0x347: {  	[tilespmem:v7+s16+$0x0] =	vst.idx.add.s32.msk vm13, v2  }
0x348: {  	s23 =	simm.s32 $0x0;
	s25 =	simm.s32 $0x800;
	_ =	swait.ge [sflag:s21], $0x8000  }
0x349: {  	s24 =	simm.s32 $0x180F0;
	s26 =	simm.s32 $0xFF;
	[sflag:s21] =	ssyncset.done $0x0  }
0x34a: {  	s28 =	simm.s32 $0x0;
	s0 =	simm.s32 $0x0;
	[sflag:s21] =	ssyncadd.s32 $0xFFFF8000  }
0x34b: {  	[tilespmem:s17], [sflag:$0x2] =	stream.strided.gather [hbm4b:s8+s12], $0x8000, s13, s12, $0x38;
	[tilespmem:$0x18200] =	vst v63  }
.LBB2_72:
0x34c: {  	v4 =	vld [tilespmem:s24+$0x0];
	_ =	sdelay $0x4  }
0x34d: {  	v5 =	vperm.xlane v4, v3;
	_ =	sdelay $0x1  }
0x34e: {  	(xrf0) =	vadd.scan.msk.s32 $0xffff, v5;
	_ =	sdelay $0x5  }
0x34f: {  	v6, _, _ =	vpop (xrf0)  }
0x350: {  	v6 =	vadd.s32 s28, v6  }
0x351: {  	vm0 =	vgt.s32 v6, $0x7FF  }
0x352: {  	v7 =	vsel vm0, $0x1, v1  }
0x353: {  	(xrf0) =	vadd.scan.msk.s32 $0xffff, v7;
	_ =	sdelay $0x5  }
0x354: {  	v7, _, _ =	vpop (xrf0)  }
0x355: {  	vm1 =	veq.s32 v7, $0x1  }
0x356: {  	v8 =	vadd.s32 s26, v0;
	vm0 =	vmand vm0, vm1  }
0x357: {  	v5 =	vsub.s32 v6, v5;
	v63 =	vnsel vm0, $0x0, v8  }
0x358: {  	v5 =	vnsel vm0, $0x0, v5;
	(xrf0) =	vadd.scan.msk.s32 $0xffff, v63  }
0x359: {  	(xrf0) =	vadd.scan.msk.s32 $0xffff, v5  }
0x35a: {  	(xrf0) =	vadd.scan.msk.s32 $0xffff, v4;
	_ =	sdelay $0x1  }
0x35b: {  	(v2sf) =	vpush v7, $0xF;
	_ =	sdelay $0x1  }
0x35c: {  	v4, _, _ =	vpop (xrf0)  }
0x35d: {  	v5, _, _ =	vpop (xrf0);
	(v2sf) =	vpush v4, $0xF  }
0x35e: {  	(v2sf) =	vpush v5, $0xF;
	v4, _, _ =	vpop (xrf0)  }
0x35f: {  	(v2sf) =	vpush v4, $0xF;
	_ =	sdelay $0x9  }
0x360: {  	p0 =	sgt.u32 s0, $0xE;
	s1 =	spop (v2sf)  }
0x361: {  	p2 =	slt.s32 @!p0 s1, $0x1  }
0x362: {  	p0 =	por p0, !p2  }
.Ltmp37:
0x363: {  	s3 =	smov.u32 s23;
	s23 =	spop (v2sf);
	(pc) =	sbr.rel @!p0 .LBB2_72-.Ltmp37, $4  }
0x364: {  	s5 =	smov.u32 s25;
	s0 =	sadd.s32 $0x1, s0;
	s4 =	spop (v2sf)  }
0x365: {  	s24 =	sadd.s32 $0xFFFFFFF0, s24;
	p1 =	slt.s32 s1, $0x1;
	s6 =	spop (v2sf)  }
0x366: {  	s26 =	sadd.s32 $0xFFFFFFF0, s26;
	s25 =	ssub.s32 $0x800, s4;
	s6 =	simm.s32 @!p1 $0x0  }
0x367: {  	s23 =	smov.u32 @p1 s3;
	s25 =	smov.u32 @p1 s5;
	s28 =	sadd.s32 s28, s6  }
0x368: {  	p0 =	seq.s32 s23, $0xBF  }
.Ltmp38:
0x369: {  	_ = 	snop;
	(pc) =	sbr.rel @p0 .LBB2_79-.Ltmp38, $1  }
0x36a: {  	_ =	sdelay $0x3  }
0x36b: {  	s0 =	simm.s32 $0x18120  }
0x36c: {  	[tilespmem:s0+$0xFFFFFFE0] =	vst v1  }
0x36d: {  	[tilespmem:s0+$0x10] =	vst v1  }
0x36e: {  	s24 =	simm.s32 $0x0;
	[tilespmem:s0+$0x0] =	vst v1  }
.LBB2_75:
0x36f: {  	s24 =	sadd.s32 $0x4, s24  }
0x370: {  	[tilespmem:s0+$0xFFFFFFF0] =	vst v1;
	s0 =	sadd.s32 $0x40, s0;
	p0 =	slt.u32 s24, $0xC  }
.Ltmp39:
0x371: {  	[tilespmem:s0+$0xFFFFFFE0] =	vst v1;
	(pc) =	sbr.rel @p0 .LBB2_75-.Ltmp39, $3  }
0x372: {  	_ =	sdelay $0x1  }
0x373: {  	[tilespmem:s0+$0x10] =	vst v1  }
0x374: {  	[tilespmem:s0+$0x0] =	vst v1  }
0x375: {  	[tilespmem:s0+$0xFFFFFFF0] =	vst v1;
	s29 =	simm.s32 $0x10020  }
0x376: {  	v5 =	vld [tilespmem:s29+$0x10]  }
0x377: {  	v6 =	vld [tilespmem:s29+$0xFFFFFFF0]  }
0x378: {  	v7 =	vld [tilespmem:s29+$0x0]  }
0x379: {  	v8 =	vld [tilespmem:s29+$0xFFFFFFE0]  }
0x37a: {  	s30 =	sshll.u32 s23, $0x8  }
0x37b: {  	s31 =	simm.s32 $0x10060;
	v4 =	vmov s30;
	v5 =	vshrl.u32 v5, $0x10  }
0x37c: {  	v10 =	vld [tilespmem:s31+$0x10];
	v6 =	vshrl.u32 v6, $0x10;
	v9 =	vsub.s32 v5, v4  }
0x37d: {  	v5 =	vand.u32 $0x7F, v5;
	vm1 =	vlt.u32 v9, $0x100;
	v9 =	vand.u32 $0xFFFFFF80, v9  }
0x37e: {  	v8 =	vshrl.u32 v8, $0x10;
	v7 =	vshrl.u32 v7, $0x10;
	v11 =	vor.u32 v5, v9  }
0x37f: {  	v12 =	vld [tilespmem:s31+$0xFFFFFFF0];
	v5 =	vsub.s32 v8, v4;
	v9 =	vsub.s32 v6, v4;
	v8 =	vand.u32 $0x7F, v8  }
0x380: {  	v14 =	vand.u32 $0xFFFFFF80, v5;
	v15 =	vand.u32 $0xFFFFFF80, v9;
	vm2 =	vlt.u32 v9, $0x100;
	v9 =	vld [tilespmem:s31+$0x0]  }
0x381: {  	vm0 =	vlt.u32 v5, $0x100;
	v5 =	vor.u32 v8, v14;
	v14 =	vshrl.u32 v10, $0x10;
	v10 =	vld [tilespmem:s31+$0xFFFFFFE0]  }
0x382: {  	v13 =	vsub.s32 v7, v4;
	v17 =	vand.u32 $0x7F, v7;
	v6 =	vand.u32 $0x7F, v6  }
0x383: {  	v16 =	vand.u32 $0xFFFFFF80, v13;
	vm3 =	vlt.u32 v13, $0x100;
	v7 =	vor.u32 v6, v15  }
0x384: {  	v8 =	vshrl.u32 v12, $0x10;
	v6 =	vor.u32 v17, v16;
	v12 =	vsub.s32 v14, v4  }
0x385: {  	s24 =	simm.s32 $0x4;
	s26 =	simm.s32 $0x100A0;
	[tilespmem:v11+s16+$0x0] =	vst.idx.add.s32.msk vm1, v2;
	vm1 =	vlt.u32 v12, $0x100;
	v11 =	vand.u32 $0xFFFFFF80, v12;
	v12 =	vand.u32 $0x7F, v14  }
.LBB2_77:
0x386: {  	v14 =	vshrl.u32 v10, $0x10;
	v15 =	vshrl.u32 v9, $0x10  }
0x387: {  	v13 =	vld [tilespmem:s26+$0x10];
	s24 =	sadd.s32 $0x4, s24;
	v11 =	vor.u32 v12, v11;
	vm5 =	vmmov vm2;
	vm4 =	vmmov vm3  }
0x388: {  	v17 =	vsub.s32 v8, v4;
	v12 =	vld [tilespmem:s26+$0xFFFFFFF0];
	p0 =	slt.u32 s24, $0x7FC;
	v16 =	vsub.s32 v14, v4;
	v18 =	vsub.s32 v15, v4  }
0x389: {  	v20 =	vand.u32 $0xFFFFFF80, v17;
	v9 =	vld [tilespmem:s26+$0x0];
	v19 =	vand.u32 $0xFFFFFF80, v16;
	v21 =	vand.u32 $0xFFFFFF80, v18  }
.Ltmp40:
0x38a: {  	v8 =	vand.u32 $0x7F, v8;
	v14 =	vand.u32 $0x7F, v14;
	v15 =	vand.u32 $0x7F, v15;
	v10 =	vld [tilespmem:s26+$0xFFFFFFE0];
	(pc) =	sbr.rel @p0 .LBB2_77-.Ltmp40, $4  }
0x38b: {  	vm2 =	vlt.u32 v17, $0x100;
	[tilespmem:v5+s16+$0x0] =	vst.idx.add.s32.msk vm0, v2;
	v5 =	vor.u32 v14, v19;
	vm0 =	vlt.u32 v16, $0x100  }
0x38c: {  	vm3 =	vlt.u32 v18, $0x100;
	v14 =	vor.u32 v8, v20;
	v13 =	vshrl.u32 v13, $0x10;
	[tilespmem:v11+s16+$0x0] =	vst.idx.add.s32.msk vm1, v2  }
0x38d: {  	v15 =	vor.u32 v15, v21;
	v8 =	vshrl.u32 v12, $0x10;
	v11 =	vsub.s32 v13, v4;
	[tilespmem:v7+s16+$0x0] =	vst.idx.add.s32.msk vm5, v2  }
0x38e: {  	s26 =	sadd.s32 $0x40, s26;
	v12 =	vand.u32 $0x7F, v13;
	v7 =	vmovc v14;
	vm1 =	vlt.u32 v11, $0x100;
	v11 =	vand.u32 $0xFFFFFF80, v11;
	[tilespmem:v6+s16+$0x0] =	vst.idx.add.s32.msk vm4, v2;
	v6 =	vmovc v15  }
0x38f: {  	v10 =	vshrl.u32 v10, $0x10;
	v9 =	vshrl.u32 v9, $0x10  }
0x390: {  	v11 =	vor.u32 v12, v11;
	vm2 =	vmmov vm2;
	vm3 =	vmmov vm3  }
0x391: {  	v13 =	vsub.s32 v8, v4;
	v63 =	vand.u32 $0x7F, v8;
	v62 =	vsub.s32 v10, v4  }
0x392: {  	v4 =	vsub.s32 v9, v4;
	v15 =	vand.u32 $0xFFFFFF80, v13;
	v10 =	vand.u32 $0x7F, v10  }
0x393: {  	vm5 =	vlt.u32 v13, $0x100;
	v14 =	vand.u32 $0xFFFFFF80, v62;
	vm4 =	vlt.u32 v62, $0x100  }
0x394: {  	v16 =	vand.u32 $0xFFFFFF80, v4;
	vm5 =	vmmov vm5;
	v10 =	vor.u32 v10, v14  }
0x395: {  	[tilespmem:v5+s16+$0x0] =	vst.idx.add.s32.msk vm0, v2;
	vm6 =	vlt.u32 v4, $0x100;
	v4 =	vand.u32 $0x7F, v9;
	v5 =	vor.u32 v63, v15  }
0x396: {  	v4 =	vor.u32 v4, v16;
	[tilespmem:v11+s16+$0x0] =	vst.idx.add.s32.msk vm1, v2  }
0x397: {  	[tilespmem:v7+s16+$0x0] =	vst.idx.add.s32.msk vm2, v2  }
0x398: {  	[tilespmem:v6+s16+$0x0] =	vst.idx.add.s32.msk vm3, v2  }
0x399: {  	[tilespmem:v10+s16+$0x0] =	vst.idx.add.s32.msk vm4, v2  }
0x39a: {  	[tilespmem:v5+s16+$0x0] =	vst.idx.add.s32.msk vm5, v2  }
0x39b: {  	vm15 =	vmmov vm6;
	[tilespmem:v4+s16+$0x0] =	vst.idx.add.s32.msk vm6, v2  }
.LBB2_79:
0x39c: {  	s26 =	simm.s32 $0x0;
	s28 =	simm.s32 $0x181F0;
	s29 =	simm.s32 $0xFF  }
0x39d: {  	v4 =	vmov s25;
	s24 =	smov.u32 s25;
	s0 =	simm.s32 $0x0;
	s30 =	simm.s32 $0x0  }
.LBB2_80:
0x39e: {  	v5 =	vld [tilespmem:s28+$0x0];
	_ =	sdelay $0x4  }
0x39f: {  	v6 =	vperm.xlane v5, v3;
	_ =	sdelay $0x1  }
0x3a0: {  	(xrf0) =	vadd.scan.msk.s32 $0xffff, v6;
	_ =	sdelay $0x5  }
0x3a1: {  	v7, _, _ =	vpop (xrf0)  }
0x3a2: {  	v7 =	vadd.s32 s0, v7  }
0x3a3: {  	vm0 =	vge.s32 v7, v4  }
0x3a4: {  	v8 =	vsel vm0, $0x1, v1  }
0x3a5: {  	(xrf0) =	vadd.scan.msk.s32 $0xffff, v8;
	_ =	sdelay $0x5  }
0x3a6: {  	v8, _, _ =	vpop (xrf0)  }
0x3a7: {  	vm1 =	veq.s32 v8, $0x1  }
0x3a8: {  	v9 =	vadd.s32 s29, v0;
	vm0 =	vmand vm0, vm1  }
0x3a9: {  	v6 =	vsub.s32 v7, v6;
	v7 =	vnsel vm0, $0x0, v9  }
0x3aa: {  	v6 =	vnsel vm0, $0x0, v6;
	(xrf0) =	vadd.scan.msk.s32 $0xffff, v7  }
0x3ab: {  	(xrf0) =	vadd.scan.msk.s32 $0xffff, v6  }
0x3ac: {  	(xrf0) =	vadd.scan.msk.s32 $0xffff, v5;
	_ =	sdelay $0x3  }
0x3ad: {  	(v2sf) =	vpush v8, $0xF;
	v5, _, _ =	vpop (xrf0)  }
0x3ae: {  	v6, _, _ =	vpop (xrf0);
	(v2sf) =	vpush v5, $0xF  }
0x3af: {  	(v2sf) =	vpush v6, $0xF;
	v5, _, _ =	vpop (xrf0)  }
0x3b0: {  	(v2sf) =	vpush v5, $0xF;
	_ =	sdelay $0xb  }
0x3b1: {  	s3 =	smov.u32 s26;
	s1 =	spop (v2sf)  }
0x3b2: {  	s5 =	smov.u32 s24;
	p0 =	sgt.u32 s30, $0xE;
	s26 =	spop (v2sf)  }
0x3b3: {  	p1 =	slt.s32 s1, $0x1;
	p2 =	slt.s32 @!p0 s1, $0x1;
	s4 =	spop (v2sf)  }
0x3b4: {  	s26 =	smov.u32 @p1 s3;
	s24 =	ssub.s32 s25, s4;
	s4 =	spop (v2sf)  }
0x3b5: {  	s4 =	simm.s32 @!p1 $0x0;
	s24 =	smov.u32 @p1 s5;
	p1 =	por p0, !p2  }
.Ltmp41:
0x3b6: {  	_ = 	snop;
	(pc) =	sbr.rel @!p1 .LBB2_80-.Ltmp41, $3  }
0x3b7: {  	_ =	sdelay $0x1  }
0x3b8: {  	s30 =	sadd.s32 $0x1, s30  }
0x3b9: {  	s28 =	sadd.s32 $0xFFFFFFF0, s28;
	s29 =	sadd.s32 $0xFFFFFFF0, s29;
	s0 =	sadd.s32 s0, s4  }
0x3ba: {  	s1 =	simm.s32 $0xFFFFFFFC  }
0x3bb: {  	s1 =	simm.s32 @p0 $0xFFFFFFFC  }
0x3bc: {  	s0 =	simm.s32 $0x18020;
	s25 =	sadd.s32 $0x4, s1  }
0x3bd: {  	s0 =	simm.s32 @p0 $0x18020;
	p0 =	slt.u32 s25, $0xC  }
.Ltmp42:
0x3be: {  	_ = 	snop;
	(pc) =	sbr.rel @!p0 .LBB2_83-.Ltmp42, $4  }
0x3bf: {  	_ = 	snop  }
0x3c0: {  	[tilespmem:s0+$0xFFFFFFE0] =	vst v1  }
0x3c1: {  	[tilespmem:s0+$0x10] =	vst v1  }
0x3c2: {  	[tilespmem:s0+$0x0] =	vst v1  }
.LBB2_82:
0x3c3: {  	s25 =	sadd.s32 $0x4, s25  }
0x3c4: {  	[tilespmem:s0+$0xFFFFFFF0] =	vst v1;
	s0 =	sadd.s32 $0x40, s0;
	p0 =	slt.u32 s25, $0xC  }
.Ltmp43:
0x3c5: {  	[tilespmem:s0+$0xFFFFFFE0] =	vst v1;
	(pc) =	sbr.rel @p0 .LBB2_82-.Ltmp43, $3  }
0x3c6: {  	_ =	sdelay $0x1  }
0x3c7: {  	[tilespmem:s0+$0x10] =	vst v1  }
0x3c8: {  	[tilespmem:s0+$0x0] =	vst v1  }
.LBB2_83:
0x3c9: {  	[tilespmem:s0+$0xFFFFFFF0] =	vst v1;
	s30 =	simm.s32 $0x10020  }
0x3ca: {  	v5 =	vld [tilespmem:s30+$0x10]  }
0x3cb: {  	v6 =	vld [tilespmem:s30+$0xFFFFFFF0]  }
0x3cc: {  	v7 =	vld [tilespmem:s30+$0x0]  }
0x3cd: {  	s1 =	sshll.u32 s23, $0x10;
	s3 =	sshll.u32 s26, $0x8;
	v8 =	vld [tilespmem:s30+$0xFFFFFFE0]  }
0x3ce: {  	s26 =	sor.u32 s1, s3  }
0x3cf: {  	s31 =	simm.s32 $0x10060;
	v4 =	vmov s26;
	v5 =	vshrl.u32 v5, $0x8  }
0x3d0: {  	v10 =	vld [tilespmem:s31+$0x10];
	v6 =	vshrl.u32 v6, $0x8;
	v9 =	vsub.s32 v5, v4  }
0x3d1: {  	v5 =	vand.u32 $0x7F, v5;
	vm1 =	vlt.u32 v9, $0x100;
	v9 =	vand.u32 $0xFFFFFF80, v9  }
0x3d2: {  	v8 =	vshrl.u32 v8, $0x8;
	v7 =	vshrl.u32 v7, $0x8;
	v11 =	vor.u32 v5, v9  }
0x3d3: {  	v12 =	vld [tilespmem:s31+$0xFFFFFFF0];
	v5 =	vsub.s32 v8, v4;
	v9 =	vsub.s32 v6, v4;
	v8 =	vand.u32 $0x7F, v8  }
0x3d4: {  	v14 =	vand.u32 $0xFFFFFF80, v5;
	v15 =	vand.u32 $0xFFFFFF80, v9;
	vm2 =	vlt.u32 v9, $0x100;
	v9 =	vld [tilespmem:s31+$0x0]  }
0x3d5: {  	vm0 =	vlt.u32 v5, $0x100;
	v5 =	vor.u32 v8, v14;
	v14 =	vshrl.u32 v10, $0x8;
	v10 =	vld [tilespmem:s31+$0xFFFFFFE0]  }
0x3d6: {  	v13 =	vsub.s32 v7, v4;
	v17 =	vand.u32 $0x7F, v7;
	v6 =	vand.u32 $0x7F, v6  }
0x3d7: {  	v16 =	vand.u32 $0xFFFFFF80, v13;
	vm3 =	vlt.u32 v13, $0x100;
	v7 =	vor.u32 v6, v15  }
0x3d8: {  	v8 =	vshrl.u32 v12, $0x8;
	v6 =	vor.u32 v17, v16;
	v12 =	vsub.s32 v14, v4  }
0x3d9: {  	s23 =	simm.s32 $0x4;
	s25 =	simm.s32 $0x100A0;
	[tilespmem:v11+s15+$0x0] =	vst.idx.add.s32.msk vm1, v2;
	vm1 =	vlt.u32 v12, $0x100;
	v11 =	vand.u32 $0xFFFFFF80, v12;
	v12 =	vand.u32 $0x7F, v14  }
.LBB2_84:
0x3da: {  	v14 =	vshrl.u32 v10, $0x8;
	v15 =	vshrl.u32 v9, $0x8  }
0x3db: {  	v13 =	vld [tilespmem:s25+$0x10];
	s23 =	sadd.s32 $0x4, s23;
	v11 =	vor.u32 v12, v11;
	vm5 =	vmmov vm2;
	vm4 =	vmmov vm3  }
0x3dc: {  	v17 =	vsub.s32 v8, v4;
	v12 =	vld [tilespmem:s25+$0xFFFFFFF0];
	p0 =	slt.u32 s23, $0x7FC;
	v16 =	vsub.s32 v14, v4;
	v18 =	vsub.s32 v15, v4  }
0x3dd: {  	v20 =	vand.u32 $0xFFFFFF80, v17;
	v9 =	vld [tilespmem:s25+$0x0];
	v19 =	vand.u32 $0xFFFFFF80, v16;
	v21 =	vand.u32 $0xFFFFFF80, v18  }
.Ltmp44:
0x3de: {  	v8 =	vand.u32 $0x7F, v8;
	v14 =	vand.u32 $0x7F, v14;
	v15 =	vand.u32 $0x7F, v15;
	v10 =	vld [tilespmem:s25+$0xFFFFFFE0];
	(pc) =	sbr.rel @p0 .LBB2_84-.Ltmp44, $4  }
0x3df: {  	vm2 =	vlt.u32 v17, $0x100;
	[tilespmem:v5+s15+$0x0] =	vst.idx.add.s32.msk vm0, v2;
	v5 =	vor.u32 v14, v19;
	vm0 =	vlt.u32 v16, $0x100  }
0x3e0: {  	vm3 =	vlt.u32 v18, $0x100;
	v14 =	vor.u32 v8, v20;
	v13 =	vshrl.u32 v13, $0x8;
	[tilespmem:v11+s15+$0x0] =	vst.idx.add.s32.msk vm1, v2  }
0x3e1: {  	v15 =	vor.u32 v15, v21;
	v8 =	vshrl.u32 v12, $0x8;
	v11 =	vsub.s32 v13, v4;
	[tilespmem:v7+s15+$0x0] =	vst.idx.add.s32.msk vm5, v2  }
0x3e2: {  	s25 =	sadd.s32 $0x40, s25;
	v12 =	vand.u32 $0x7F, v13;
	v7 =	vmovc v14;
	vm1 =	vlt.u32 v11, $0x100;
	v11 =	vand.u32 $0xFFFFFF80, v11;
	[tilespmem:v6+s15+$0x0] =	vst.idx.add.s32.msk vm4, v2;
	v6 =	vmovc v15  }
0x3e3: {  	v10 =	vshrl.u32 v10, $0x8;
	v9 =	vshrl.u32 v9, $0x8  }
0x3e4: {  	v11 =	vor.u32 v12, v11;
	vm2 =	vmmov vm2;
	vm3 =	vmmov vm3  }
0x3e5: {  	v13 =	vsub.s32 v8, v4;
	v63 =	vand.u32 $0x7F, v8;
	v62 =	vsub.s32 v10, v4  }
0x3e6: {  	v4 =	vsub.s32 v9, v4;
	v15 =	vand.u32 $0xFFFFFF80, v13;
	v10 =	vand.u32 $0x7F, v10  }
0x3e7: {  	vm5 =	vlt.u32 v13, $0x100;
	v14 =	vand.u32 $0xFFFFFF80, v62;
	vm4 =	vlt.u32 v62, $0x100  }
0x3e8: {  	v16 =	vand.u32 $0xFFFFFF80, v4;
	vm5 =	vmmov vm5;
	v10 =	vor.u32 v10, v14  }
0x3e9: {  	[tilespmem:v5+s15+$0x0] =	vst.idx.add.s32.msk vm0, v2;
	vm6 =	vlt.u32 v4, $0x100;
	v4 =	vand.u32 $0x7F, v9;
	v5 =	vor.u32 v63, v15  }
0x3ea: {  	v4 =	vor.u32 v4, v16;
	[tilespmem:v11+s15+$0x0] =	vst.idx.add.s32.msk vm1, v2  }
0x3eb: {  	[tilespmem:v7+s15+$0x0] =	vst.idx.add.s32.msk vm2, v2  }
0x3ec: {  	[tilespmem:v6+s15+$0x0] =	vst.idx.add.s32.msk vm3, v2  }
0x3ed: {  	s23 =	simm.s32 $0x0;
	[tilespmem:v10+s15+$0x0] =	vst.idx.add.s32.msk vm4, v2  }
0x3ee: {  	s28 =	simm.s32 $0x180F0;
	s29 =	simm.s32 $0xFF;
	s25 =	smov.u32 s24;
	[tilespmem:v5+s15+$0x0] =	vst.idx.add.s32.msk vm5, v2  }
0x3ef: {  	s30 =	simm.s32 $0x0;
	s31 =	simm.s32 $0x0;
	s0 =	simm.s32 $0x0;
	vm15 =	vmmov vm6;
	[tilespmem:v4+s15+$0x0] =	vst.idx.add.s32.msk vm6, v2;
	v4 =	vmov s24  }
.LBB2_86:
0x3f0: {  	v5 =	vld [tilespmem:s28+$0x0];
	_ =	sdelay $0x4  }
0x3f1: {  	v6 =	vperm.xlane v5, v3;
	_ =	sdelay $0x1  }
0x3f2: {  	(xrf0) =	vadd.scan.msk.s32 $0xffff, v6;
	_ =	sdelay $0x5  }
0x3f3: {  	v7, _, _ =	vpop (xrf0)  }
0x3f4: {  	v7 =	vadd.s32 s31, v7  }
0x3f5: {  	vm0 =	vge.s32 v7, v4  }
0x3f6: {  	v8 =	vsel vm0, $0x1, v1  }
0x3f7: {  	(xrf0) =	vadd.scan.msk.s32 $0xffff, v8;
	_ =	sdelay $0x5  }
0x3f8: {  	v8, _, _ =	vpop (xrf0)  }
0x3f9: {  	vm1 =	veq.s32 v8, $0x1  }
0x3fa: {  	v9 =	vadd.s32 s29, v0;
	vm0 =	vmand vm0, vm1  }
0x3fb: {  	v7 =	vsub.s32 v7, v6;
	v9 =	vnsel vm0, $0x0, v9  }
0x3fc: {  	v7 =	vnsel vm0, $0x0, v7;
	(xrf0) =	vadd.scan.msk.s32 $0xffff, v9  }
0x3fd: {  	v6 =	vnsel vm0, $0x0, v6;
	(xrf0) =	vadd.scan.msk.s32 $0xffff, v7  }
0x3fe: {  	(xrf0) =	vadd.scan.msk.s32 $0xffff, v6  }
0x3ff: {  	(xrf0) =	vadd.scan.msk.s32 $0xffff, v5;
	_ =	sdelay $0x1  }
0x400: {  	(v2sf) =	vpush v8, $0xF  }
0x401: {  	v5, _, _ =	vpop (xrf0)  }
0x402: {  	v6, _, _ =	vpop (xrf0);
	(v2sf) =	vpush v5, $0xF  }
0x403: {  	v5, _, _ =	vpop (xrf0);
	(v2sf) =	vpush v6, $0xF  }
0x404: {  	(v2sf) =	vpush v5, $0xF;
	v5, _, _ =	vpop (xrf0)  }
0x405: {  	(v2sf) =	vpush v5, $0xF;
	_ =	sdelay $0x9  }
0x406: {  	p0 =	sgt.u32 s0, $0xE;
	s1 =	spop (v2sf)  }
0x407: {  	s3 =	smov.u32 s30;
	p1 =	slt.s32 @!p0 s1, $0x1  }
0x408: {  	s5 =	smov.u32 s23;
	p0 =	por p0, !p1;
	s30 =	spop (v2sf)  }
.Ltmp45:
0x409: {  	s6 =	smov.u32 s25;
	s4 =	spop (v2sf);
	(pc) =	sbr.rel @!p0 .LBB2_86-.Ltmp45, $4  }
0x40a: {  	s0 =	sadd.s32 $0x1, s0;
	s28 =	sadd.s32 $0xFFFFFFF0, s28;
	s23 =	spop (v2sf)  }
0x40b: {  	s29 =	sadd.s32 $0xFFFFFFF0, s29;
	p1 =	slt.s32 s1, $0x1;
	s7 =	spop (v2sf)  }
0x40c: {  	s30 =	smov.u32 @p1 s3;
	s25 =	ssub.s32 s24, s4;
	s7 =	simm.s32 @!p1 $0x0  }
0x40d: {  	s25 =	smov.u32 @p1 s6;
	s23 =	smov.u32 @p1 s5;
	s31 =	sadd.s32 s31, s7  }
0x40e: {  	p0 =	sge.s32 s25, s23  }
.Ltmp46:
0x40f: {  	_ = 	snop;
	(pc) =	sbr.rel @p0 .LBB2_93-.Ltmp46, $2  }
0x410: {  	_ =	sdelay $0x2  }
0x411: {  	s24 =	sor.u32 s26, s30  }
0x412: {  	s0 =	simm.s32 $0x18020  }
0x413: {  	[tilespmem:s0+$0xFFFFFFE0] =	vst v1  }
0x414: {  	[tilespmem:s0+$0x10] =	vst v1  }
0x415: {  	s26 =	simm.s32 $0x0;
	[tilespmem:s0+$0x0] =	vst v1  }
.LBB2_89:
0x416: {  	s26 =	sadd.s32 $0x4, s26  }
0x417: {  	[tilespmem:s0+$0xFFFFFFF0] =	vst v1;
	s0 =	sadd.s32 $0x40, s0;
	p0 =	slt.u32 s26, $0xC  }
.Ltmp47:
0x418: {  	[tilespmem:s0+$0xFFFFFFE0] =	vst v1;
	(pc) =	sbr.rel @p0 .LBB2_89-.Ltmp47, $3  }
0x419: {  	_ =	sdelay $0x1  }
0x41a: {  	[tilespmem:s0+$0x10] =	vst v1  }
0x41b: {  	[tilespmem:s0+$0x0] =	vst v1  }
0x41c: {  	[tilespmem:s0+$0xFFFFFFF0] =	vst v1;
	s31 =	simm.s32 $0x10020  }
0x41d: {  	v6 =	vld [tilespmem:s31+$0x0]  }
0x41e: {  	v5 =	vld [tilespmem:s31+$0xFFFFFFF0]  }
0x41f: {  	v8 =	vld [tilespmem:s31+$0x10]  }
0x420: {  	s1 =	sshll.u32 s24, $0x8;
	v10 =	vld [tilespmem:s31+$0xFFFFFFE0]  }
0x421: {  	v4 =	vmov s1  }
0x422: {  	v13 =	vsub.s32 v6, v4  }
0x423: {  	s26 =	simm.s32 $0x10060;
	v12 =	vand.u32 $0x7F, v6;
	v6 =	vsub.s32 v5, v4;
	v5 =	vand.u32 $0x7F, v5  }
0x424: {  	v7 =	vld [tilespmem:s26+$0xFFFFFFF0];
	v14 =	vsub.s32 v8, v4;
	vm2 =	vlt.u32 v6, $0x100;
	v6 =	vand.u32 $0xFFFFFF80, v6  }
0x425: {  	v11 =	vld [tilespmem:s26+$0x0];
	v15 =	vsub.s32 v10, v4;
	v16 =	vand.u32 $0x7F, v10;
	v9 =	vor.u32 v5, v6  }
0x426: {  	vm0 =	vlt.u32 v14, $0x100;
	v10 =	vand.u32 $0xFFFFFF80, v14;
	v6 =	vand.u32 $0x7F, v8;
	v8 =	vld [tilespmem:s26+$0x10]  }
0x427: {  	v10 =	vor.u32 v6, v10  }
0x428: {  	vm1 =	vlt.u32 v15, $0x100;
	v14 =	vand.u32 $0xFFFFFF80, v15;
	v5 =	vand.u32 $0xFFFFFF80, v13  }
0x429: {  	s0 =	simm.s32 $0x4;
	vm3 =	vlt.u32 v13, $0x100;
	v6 =	vor.u32 v16, v14;
	v5 =	vor.u32 v12, v5;
	v12 =	vld [tilespmem:s26+$0xFFFFFFE0]  }
.LBB2_91:
0x42a: {  	s0 =	sadd.s32 $0x4, s0;
	v13 =	vsub.s32 v11, v4;
	v14 =	vand.u32 $0x7F, v11;
	s26 =	sadd.s32 $0x40, s26;
	[tilespmem:v9+s15+$0x0] =	vst.idx.add.s32.msk vm2, v2  }
0x42b: {  	v9 =	vsub.s32 v7, v4;
	v15 =	vand.u32 $0x7F, v7;
	p0 =	slt.u32 s0, $0x7FC;
	v7 =	vld [tilespmem:s26+$0xFFFFFFF0];
	v16 =	vsub.s32 v8, v4  }
0x42c: {  	vm2 =	vlt.u32 v9, $0x100;
	v9 =	vand.u32 $0xFFFFFF80, v9;
	[tilespmem:v10+s15+$0x0] =	vst.idx.add.s32.msk vm0, v2;
	vm0 =	vlt.u32 v16, $0x100  }
.Ltmp48:
0x42d: {  	v9 =	vor.u32 v15, v9;
	v15 =	vand.u32 $0xFFFFFF80, v13;
	v10 =	vand.u32 $0x7F, v8;
	v11 =	vld [tilespmem:s26+$0x0];
	(pc) =	sbr.rel @p0 .LBB2_91-.Ltmp48, $4  }
0x42e: {  	v16 =	vand.u32 $0xFFFFFF80, v16;
	v8 =	vld [tilespmem:s26+$0x10];
	v17 =	vsub.s32 v12, v4;
	v12 =	vand.u32 $0x7F, v12  }
0x42f: {  	v10 =	vor.u32 v10, v16;
	v18 =	vand.u32 $0xFFFFFF80, v17;
	[tilespmem:v6+s15+$0x0] =	vst.idx.add.s32.msk vm1, v2;
	vm1 =	vlt.u32 v17, $0x100  }
0x430: {  	v6 =	vor.u32 v12, v18;
	[tilespmem:v5+s15+$0x0] =	vst.idx.add.s32.msk vm3, v2;
	v5 =	vor.u32 v14, v15  }
0x431: {  	vm3 =	vlt.u32 v13, $0x100;
	v12 =	vld [tilespmem:s26+$0xFFFFFFE0]  }
0x432: {  	_ = 	snop  }
0x433: {  	v13 =	vsub.s32 v7, v4  }
0x434: {  	v57 =	vand.u32 $0x7F, v7;
	v14 =	vsub.s32 v11, v4;
	v59 =	vand.u32 $0x7F, v11  }
0x435: {  	vm4 =	vlt.u32 v13, $0x100;
	v13 =	vand.u32 $0xFFFFFF80, v13;
	v58 =	vsub.s32 v8, v4  }
0x436: {  	v60 =	vand.u32 $0x7F, v8;
	v62 =	vand.u32 $0xFFFFFF80, v14;
	vm15 =	vlt.u32 v14, $0x100  }
0x437: {  	[tilespmem:v9+s15+$0x0] =	vst.idx.add.s32.msk vm2, v2;
	v7 =	vor.u32 v57, v13;
	vm5 =	vlt.u32 v58, $0x100;
	v13 =	vand.u32 $0xFFFFFF80, v58  }
0x438: {  	v63 =	vor.u32 v59, v62;
	v8 =	vor.u32 v60, v13;
	v4 =	vsub.s32 v12, v4  }
0x439: {  	[tilespmem:v10+s15+$0x0] =	vst.idx.add.s32.msk vm0, v2;
	v61 =	vand.u32 $0x7F, v12;
	vm14 =	vlt.u32 v4, $0x100;
	v4 =	vand.u32 $0xFFFFFF80, v4  }
0x43a: {  	[tilespmem:v6+s15+$0x0] =	vst.idx.add.s32.msk vm1, v2;
	v4 =	vor.u32 v61, v4  }
0x43b: {  	[tilespmem:v5+s15+$0x0] =	vst.idx.add.s32.msk vm3, v2  }
0x43c: {  	[tilespmem:v7+s15+$0x0] =	vst.idx.add.s32.msk vm4, v2  }
0x43d: {  	[tilespmem:v63+s15+$0x0] =	vst.idx.add.s32.msk vm15, v2  }
0x43e: {  	[tilespmem:v8+s15+$0x0] =	vst.idx.add.s32.msk vm5, v2  }
0x43f: {  	[tilespmem:v4+s15+$0x0] =	vst.idx.add.s32.msk vm14, v2  }
.LBB2_93:
0x440: {  	s0 =	simm.s32 $0x0;
	s26 =	simm.s32 $0x180F0  }
0x441: {  	v4 =	vmov s25;
	s28 =	simm.s32 $0xFF;
	s29 =	simm.s32 $0x0;
	s30 =	simm.s32 $0x0  }
.LBB2_94:
0x442: {  	v5 =	vld [tilespmem:s26+$0x0];
	_ =	sdelay $0x4  }
0x443: {  	v6 =	vperm.xlane v5, v3;
	_ =	sdelay $0x1  }
0x444: {  	(xrf0) =	vadd.scan.msk.s32 $0xffff, v6;
	_ =	sdelay $0x5  }
0x445: {  	v6, _, _ =	vpop (xrf0)  }
0x446: {  	v6 =	vadd.s32 s29, v6  }
0x447: {  	vm0 =	vge.s32 v6, v4  }
0x448: {  	v6 =	vsel vm0, $0x1, v1  }
0x449: {  	(xrf0) =	vadd.scan.msk.s32 $0xffff, v6;
	_ =	sdelay $0x5  }
0x44a: {  	v6, _, _ =	vpop (xrf0)  }
0x44b: {  	vm1 =	veq.s32 v6, $0x1  }
0x44c: {  	v7 =	vadd.s32 s28, v0;
	vm0 =	vmand vm0, vm1  }
0x44d: {  	v7 =	vnsel vm0, $0x0, v7  }
0x44e: {  	(xrf0) =	vadd.scan.msk.s32 $0xffff, v7  }
0x44f: {  	(xrf0) =	vadd.scan.msk.s32 $0xffff, v5;
	_ =	sdelay $0x1  }
0x450: {  	(v2sf) =	vpush v6, $0xF;
	_ =	sdelay $0x2  }
0x451: {  	v5, _, _ =	vpop (xrf0)  }
0x452: {  	(v2sf) =	vpush v5, $0xF;
	v5, _, _ =	vpop (xrf0)  }
0x453: {  	(v2sf) =	vpush v5, $0xF;
	_ =	sdelay $0x9  }
0x454: {  	p1 =	sgt.u32 s30, $0xE;
	s1 =	spop (v2sf)  }
0x455: {  	p2 =	slt.s32 @!p1 s1, $0x1  }
0x456: {  	p1 =	por p1, !p2  }
.Ltmp49:
0x457: {  	_ = 	snop;
	(pc) =	sbr.rel @!p1 .LBB2_94-.Ltmp49, $4  }
0x458: {  	s3 =	smov.u32 s0;
	s0 =	spop (v2sf)  }
0x459: {  	p0 =	slt.s32 s1, $0x1;
	s4 =	spop (v2sf)  }
0x45a: {  	s30 =	sadd.s32 $0x1, s30;
	s26 =	sadd.s32 $0xFFFFFFF0, s26;
	s4 =	simm.s32 @!p0 $0x0  }
0x45b: {  	s28 =	sadd.s32 $0xFFFFFFF0, s28;
	s0 =	smov.u32 @p0 s3;
	s29 =	sadd.s32 s29, s4  }
0x45c: {  	p0 =	slt.s32 s25, s23  }
0x45d: {  	s1 =	sshll.u32 s24, $0x8;
	s0 =	simm.s32 @!p0 $0x0  }
0x45e: {  	s0 =	sor.u32 s1, s0  }
0x45f: {  	s24 =	simm.s32 $0x20;
	s1 =	simm.s32 $0xFFFFFFFF;
	p0 =	sgt.s32 s0, $0xFFFFFFFF  }
0x460: {  	v5 =	vld [tilespmem:s24+$0xFFFFFFE0];
	s1 =	simm.s32 @!p0 $0x80000000  }
0x461: {  	v8 =	vld [tilespmem:s24+$0x0];
	s0 =	sxor.u32 s0, s1  }
0x462: {  	v7 =	vld [tilespmem:s24+$0x10];
	v4 =	vmov s0  }
0x463: {  	v9 =	vld [tilespmem:s24+$0xFFFFFFF0];
	v4 =	vbroadcast v4, $0x0;
	_ =	sdelay $0x1  }
0x464: {  	s23 =	simm.s32 $0x60;
	vm0 =	vge.f32 v5, v4;
	v5 =	vmax.f32 v5, $0.0e+00  }
0x465: {  	v6 =	vld [tilespmem:s23+$0xFFFFFFE0];
	vm1 =	vge.f32 v8, v4;
	v8 =	vmax.f32 v8, $0.0e+00;
	v10 =	vnsel vm0, $0x0, v5  }
0x466: {  	vm14 =	vge.f32 v7, v4;
	v7 =	vmax.f32 v7, $0.0e+00;
	v5 =	vld [tilespmem:s23+$0x10];
	v11 =	vnsel vm1, $0x0, v8;
	[tilespmem:s24+$0xFFFFFFE0] =	vst v10  }
0x467: {  	vm15 =	vge.f32 v9, v4;
	v9 =	vmax.f32 v9, $0.0e+00;
	v8 =	vld [tilespmem:s23+$0xFFFFFFF0];
	v10 =	vnsel vm14, $0x0, v7;
	[tilespmem:s24+$0x0] =	vst v11  }
0x468: {  	s0 =	simm.s32 $0x4;
	v9 =	vnsel vm15, $0x0, v9;
	v7 =	vld [tilespmem:s23+$0x0];
	[tilespmem:s24+$0x10] =	vst v10  }
.LBB2_96:
0x469: {  	s0 =	sadd.s32 $0x4, s0  }
0x46a: {  	[tilespmem:s24+$0xFFFFFFF0] =	vst v9;
	s24 =	smov.u32 s23;
	p0 =	slt.u32 s0, $0x7FC  }
.Ltmp50:
0x46b: {  	s23 =	sadd.s32 $0x40, s23;
	vm0 =	vge.f32 v6, v4;
	v9 =	vmax.f32 v6, $0.0e+00;
	(pc) =	sbr.rel @p0 .LBB2_96-.Ltmp50, $4  }
0x46c: {  	v6 =	vld [tilespmem:s23+$0xFFFFFFE0];
	v9 =	vnsel vm0, $0x0, v9;
	vm0 =	vge.f32 v5, v4;
	v10 =	vmax.f32 v5, $0.0e+00  }
0x46d: {  	v5 =	vld [tilespmem:s23+$0x10];
	[tilespmem:s24+$0xFFFFFFE0] =	vst v9;
	vm1 =	vge.f32 v7, v4;
	v9 =	vmax.f32 v7, $0.0e+00;
	v10 =	vnsel vm0, $0x0, v10  }
0x46e: {  	v7 =	vld [tilespmem:s23+$0x0];
	vm0 =	vge.f32 v8, v4;
	v11 =	vmax.f32 v8, $0.0e+00;
	v12 =	vnsel vm1, $0x0, v9;
	[tilespmem:s24+$0x10] =	vst v10  }
0x46f: {  	v8 =	vld [tilespmem:s23+$0xFFFFFFF0];
	v9 =	vnsel vm0, $0x0, v11;
	[tilespmem:s24+$0x0] =	vst v12  }
0x470: {  	_ = 	snop  }
0x471: {  	vm0 =	vge.f32 v6, v4;
	v62 =	vmax.f32 v6, $0.0e+00  }
0x472: {  	[tilespmem:s24+$0xFFFFFFF0] =	vst v9;
	v6 =	vnsel vm0, $0x0, v62;
	vm14 =	vge.f32 v5, v4;
	v5 =	vmax.f32 v5, $0.0e+00  }
0x473: {  	[tilespmem:s23+$0xFFFFFFE0] =	vst v6;
	vm1 =	vge.f32 v7, v4;
	v63 =	vmax.f32 v7, $0.0e+00;
	v5 =	vnsel vm14, $0x0, v5  }
0x474: {  	vm15 =	vge.f32 v8, v4;
	v4 =	vmax.f32 v8, $0.0e+00;
	v6 =	vnsel vm1, $0x0, v63;
	[tilespmem:s23+$0x10] =	vst v5  }
0x475: {  	v4 =	vnsel vm15, $0x0, v4;
	[tilespmem:s23+$0x0] =	vst v6  }
0x476: {  	[tilespmem:s23+$0xFFFFFFF0] =	vst v4  }
0x477: {  	[hbm4b:s9+s12] =	stream.strided.scatter [tilespmem:s2], [sflag:$0x3], $0x8000, s13, s12, $0x38;
	[tilespmem:$0x18200] =	vst v63  }
0x478: {  	_ =	swait.ge [sflag:s19], $0x8000  }
0x479: {  	[sflag:s19] =	ssyncset.done $0x0  }
0x47a: {  	s0 =	simm.s32 $0x18020;
	[sflag:s19] =	ssyncadd.s32 $0xFFFF8000  }
0x47b: {  	[tilespmem:s0+$0xFFFFFFE0] =	vst v1  }
0x47c: {  	[tilespmem:s0+$0x10] =	vst v1  }
0x47d: {  	s23 =	simm.s32 $0x0;
	[tilespmem:s0+$0x0] =	vst v1  }
.LBB2_98:
0x47e: {  	s23 =	sadd.s32 $0x4, s23  }
0x47f: {  	[tilespmem:s0+$0xFFFFFFF0] =	vst v1;
	s0 =	sadd.s32 $0x40, s0;
	p0 =	slt.u32 s23, $0xC  }
.Ltmp51:
0x480: {  	[tilespmem:s0+$0xFFFFFFE0] =	vst v1;
	(pc) =	sbr.rel @p0 .LBB2_98-.Ltmp51, $3  }
0x481: {  	_ =	sdelay $0x1  }
0x482: {  	[tilespmem:s0+$0x10] =	vst v1  }
0x483: {  	[tilespmem:s0+$0x0] =	vst v1  }
0x484: {  	[tilespmem:s0+$0xFFFFFFF0] =	vst v1;
	s0 =	simm.s32 $0x18120  }
0x485: {  	[tilespmem:s0+$0xFFFFFFE0] =	vst v1  }
0x486: {  	[tilespmem:s0+$0x10] =	vst v1  }
0x487: {  	s24 =	simm.s32 $0x0;
	[tilespmem:s0+$0x0] =	vst v1  }
.LBB2_100:
0x488: {  	s24 =	sadd.s32 $0x4, s24  }
0x489: {  	[tilespmem:s0+$0xFFFFFFF0] =	vst v1;
	s0 =	sadd.s32 $0x40, s0;
	p0 =	slt.u32 s24, $0xC  }
.Ltmp52:
0x48a: {  	[tilespmem:s0+$0xFFFFFFE0] =	vst v1;
	(pc) =	sbr.rel @p0 .LBB2_100-.Ltmp52, $3  }
0x48b: {  	_ =	sdelay $0x1  }
0x48c: {  	[tilespmem:s0+$0x10] =	vst v1  }
0x48d: {  	s23 =	simm.s32 $0x10020;
	s25 =	simm.s32 $0x8020;
	[tilespmem:s0+$0x0] =	vst v1  }
0x48e: {  	[tilespmem:s0+$0xFFFFFFF0] =	vst v1  }
0x48f: {  	v4 =	vld [tilespmem:s25+$0xFFFFFFE0];
	_ =	sdelay $0x1  }
0x490: {  	v5 =	vld [tilespmem:s25+$0xFFFFFFF0]  }
0x491: {  	v6 =	vld [tilespmem:s25+$0x10]  }
0x492: {  	v7 =	vld [tilespmem:s25+$0x0]  }
0x493: {  	v8 =	vshra.s32 v4, $0x1F  }
0x494: {  	v8 =	vor.u32 $0x80000000, v8  }
0x495: {  	v9 =	vshra.s32 v5, $0x1F;
	v8 =	vxor.u32 v4, v8  }
0x496: {  	v10 =	vshra.s32 v6, $0x1F;
	v9 =	vor.u32 $0x80000000, v9;
	v4 =	vshrl.u32 v8, $0x18  }
0x497: {  	v11 =	vshra.s32 v7, $0x1F;
	v10 =	vor.u32 $0x80000000, v10;
	v12 =	vxor.u32 v5, v9  }
0x498: {  	s24 =	simm.s32 $0x8060;
	v6 =	vxor.u32 v6, v10;
	v10 =	vor.u32 $0x80000000, v11;
	[tilespmem:s23+$0xFFFFFFF0] =	vst v12;
	v11 =	vshrl.u32 v12, $0x18  }
0x499: {  	v5 =	vld [tilespmem:s24+$0x10];
	v13 =	vshrl.u32 v6, $0x18;
	[tilespmem:s23+$0xFFFFFFE0] =	vst v8  }
0x49a: {  	v9 =	vld [tilespmem:s24+$0xFFFFFFE0];
	v14 =	vxor.u32 v7, v10;
	v7 =	vshrl.u32 v6, $0x10;
	v12 =	vshrl.u32 v12, $0x10;
	[tilespmem:s23+$0x10] =	vst v6  }
0x49b: {  	v6 =	vshrl.u32 v8, $0x10;
	v15 =	vshrl.u32 v14, $0x18;
	v10 =	vadd.s32 $0xFFFF4100, v7;
	[tilespmem:v4+s15+$0x0] =	vst.idx.add.s32.msk $0xffff, v2  }
0x49c: {  	v8 =	vadd.s32 $0xFFFF4100, v12;
	v12 =	vshrl.u32 v14, $0x10;
	vm2 =	vlt.u32 v10, $0x100;
	v4 =	vld [tilespmem:s24+$0x0]  }
0x49d: {  	vm1 =	vlt.u32 v8, $0x100;
	[tilespmem:v11+s15+$0x0] =	vst.idx.add.s32.msk $0xffff, v2;
	v11 =	vadd.s32 $0xFFFF4100, v12  }
0x49e: {  	v7 =	vld [tilespmem:s24+$0xFFFFFFF0];
	v6 =	vadd.s32 $0xFFFF4100, v6;
	vm3 =	vlt.u32 v11, $0x100  }
0x49f: {  	[tilespmem:s23+$0x0] =	vst v14;
	vm0 =	vlt.u32 v6, $0x100  }
0x4a0: {  	v12 =	vshra.s32 v9, $0x1F;
	[tilespmem:v13+s15+$0x0] =	vst.idx.add.s32.msk $0xffff, v2  }
0x4a1: {  	s25 =	simm.s32 $0x4;
	v13 =	vor.u32 $0x80000000, v12;
	v12 =	vshra.s32 v5, $0x1F;
	[tilespmem:v15+s15+$0x0] =	vst.idx.add.s32.msk $0xffff, v2  }
.LBB2_102:
0x4a2: {  	s25 =	sadd.s32 $0x4, s25;
	v13 =	vxor.u32 v9, v13;
	v9 =	vshra.s32 v4, $0x1F;
	v12 =	vor.u32 $0x80000000, v12;
	[tilespmem:v10+s16+$0x0] =	vst.idx.add.s32.msk vm2, v2;
	s23 =	sadd.s32 $0x40, s23  }
0x4a3: {  	p0 =	slt.u32 s25, $0x7FC;
	v14 =	vshrl.u32 v13, $0x18;
	v10 =	vshra.s32 v7, $0x1F;
	v12 =	vxor.u32 v5, v12;
	[tilespmem:v8+s16+$0x0] =	vst.idx.add.s32.msk vm1, v2  }
0x4a4: {  	v15 =	vor.u32 $0x80000000, v9;
	v5 =	vor.u32 $0x80000000, v10;
	v8 =	vshrl.u32 v12, $0x10;
	[tilespmem:v11+s16+$0x0] =	vst.idx.add.s32.msk vm3, v2  }
0x4a5: {  	s24 =	sadd.s32 $0x40, s24;
	v11 =	vshrl.u32 v13, $0x10;
	v16 =	vshrl.u32 v12, $0x18;
	v7 =	vxor.u32 v7, v5;
	[tilespmem:v6+s16+$0x0] =	vst.idx.add.s32.msk vm0, v2  }
0x4a6: {  	v10 =	vadd.s32 $0xFFFF4100, v8;
	v5 =	vld [tilespmem:s24+$0x10];
	[tilespmem:s23+$0xFFFFFFF0] =	vst v7;
	v17 =	vshrl.u32 v7, $0x18;
	v6 =	vshrl.u32 v7, $0x10  }
0x4a7: {  	vm2 =	vlt.u32 v10, $0x100;
	v9 =	vld [tilespmem:s24+$0xFFFFFFE0];
	[tilespmem:s23+$0xFFFFFFE0] =	vst v13;
	v8 =	vadd.s32 $0xFFFF4100, v6;
	v13 =	vxor.u32 v4, v15  }
0x4a8: {  	[tilespmem:v14+s15+$0x0] =	vst.idx.add.s32.msk $0xffff, v2;
	vm1 =	vlt.u32 v8, $0x100;
	v14 =	vshrl.u32 v13, $0x18;
	v7 =	vshrl.u32 v13, $0x10  }
.Ltmp53:
0x4a9: {  	v6 =	vadd.s32 $0xFFFF4100, v11;
	v4 =	vld [tilespmem:s24+$0x0];
	v11 =	vadd.s32 $0xFFFF4100, v7;
	[tilespmem:s23+$0x10] =	vst v12;
	(pc) =	sbr.rel @p0 .LBB2_102-.Ltmp53, $4  }
0x4aa: {  	vm0 =	vlt.u32 v6, $0x100;
	v7 =	vld [tilespmem:s24+$0xFFFFFFF0];
	[tilespmem:s23+$0x0] =	vst v13;
	vm3 =	vlt.u32 v11, $0x100  }
0x4ab: {  	[tilespmem:v17+s15+$0x0] =	vst.idx.add.s32.msk $0xffff, v2  }
0x4ac: {  	v12 =	vshra.s32 v9, $0x1F;
	[tilespmem:v16+s15+$0x0] =	vst.idx.add.s32.msk $0xffff, v2  }
0x4ad: {  	v13 =	vor.u32 $0x80000000, v12;
	v12 =	vshra.s32 v5, $0x1F;
	[tilespmem:v14+s15+$0x0] =	vst.idx.add.s32.msk $0xffff, v2  }
0x4ae: {  	_ =	sdelay $0x4  }
0x4af: {  	v9 =	vxor.u32 v9, v13;
	[tilespmem:v10+s16+$0x0] =	vst.idx.add.s32.msk vm2, v2  }
0x4b0: {  	v55 =	vor.u32 $0x80000000, v12;
	[tilespmem:v8+s16+$0x0] =	vst.idx.add.s32.msk vm1, v2;
	v58 =	vshra.s32 v4, $0x1F;
	v56 =	vshrl.u32 v9, $0x18  }
0x4b1: {  	[tilespmem:v11+s16+$0x0] =	vst.idx.add.s32.msk vm3, v2;
	s0 =	sadd.s32 $0x40, s23;
	v57 =	vshra.s32 v7, $0x1F;
	v5 =	vxor.u32 v5, v55;
	v8 =	vor.u32 $0x80000000, v58  }
0x4b2: {  	[tilespmem:s0+$0xFFFFFFE0] =	vst v9;
	v9 =	vshrl.u32 v9, $0x10;
	v59 =	vor.u32 $0x80000000, v57;
	v60 =	vshrl.u32 v5, $0x10  }
0x4b3: {  	v62 =	vshrl.u32 v5, $0x18;
	v4 =	vxor.u32 v4, v8;
	[tilespmem:s0+$0x10] =	vst v5;
	v5 =	vadd.s32 $0xFFFF4100, v9  }
0x4b4: {  	[tilespmem:v6+s16+$0x0] =	vst.idx.add.s32.msk vm0, v2;
	v61 =	vxor.u32 v7, v59;
	v11 =	vadd.s32 $0xFFFF4100, v60;
	v8 =	vshrl.u32 v4, $0x18  }
0x4b5: {  	v63 =	vshrl.u32 v4, $0x10;
	[tilespmem:s0+$0x0] =	vst v4;
	vm15 =	vlt.u32 v5, $0x100;
	v10 =	vshrl.u32 v61, $0x18  }
0x4b6: {  	[tilespmem:s0+$0xFFFFFFF0] =	vst v61;
	v7 =	vshrl.u32 v61, $0x10;
	vm12 =	vlt.u32 v11, $0x100;
	v12 =	vadd.s32 $0xFFFF4100, v63  }
0x4b7: {  	v7 =	vadd.s32 $0xFFFF4100, v7;
	vm14 =	vlt.u32 v12, $0x100;
	[tilespmem:v56+s15+$0x0] =	vst.idx.add.s32.msk $0xffff, v2  }
0x4b8: {  	vm13 =	vlt.u32 v7, $0x100;
	[tilespmem:v62+s15+$0x0] =	vst.idx.add.s32.msk $0xffff, v2  }
0x4b9: {  	[tilespmem:v8+s15+$0x0] =	vst.idx.add.s32.msk $0xffff, v2  }
0x4ba: {  	[tilespmem:v10+s15+$0x0] =	vst.idx.add.s32.msk $0xffff, v2  }
0x4bb: {  	[tilespmem:v5+s16+$0x0] =	vst.idx.add.s32.msk vm15, v2  }
0x4bc: {  	[tilespmem:v11+s16+$0x0] =	vst.idx.add.s32.msk vm12, v2  }
0x4bd: {  	[tilespmem:v12+s16+$0x0] =	vst.idx.add.s32.msk vm14, v2  }
0x4be: {  	[tilespmem:v7+s16+$0x0] =	vst.idx.add.s32.msk vm13, v2  }
0x4bf: {  	s23 =	simm.s32 $0x0;
	s25 =	simm.s32 $0x800;
	_ =	swait.ge [sflag:s20], $0x8000  }
0x4c0: {  	s24 =	simm.s32 $0x180F0;
	s26 =	simm.s32 $0xFF;
	[sflag:s20] =	ssyncset.done $0x0  }
0x4c1: {  	s28 =	simm.s32 $0x0;
	s0 =	simm.s32 $0x0;
	[sflag:s20] =	ssyncadd.s32 $0xFFFF8000  }
.LBB2_104:
0x4c2: {  	v4 =	vld [tilespmem:s24+$0x0];
	_ =	sdelay $0x4  }
0x4c3: {  	v5 =	vperm.xlane v4, v3;
	_ =	sdelay $0x1  }
0x4c4: {  	(xrf0) =	vadd.scan.msk.s32 $0xffff, v5;
	_ =	sdelay $0x5  }
0x4c5: {  	v6, _, _ =	vpop (xrf0)  }
0x4c6: {  	v6 =	vadd.s32 s28, v6  }
0x4c7: {  	vm0 =	vgt.s32 v6, $0x7FF  }
0x4c8: {  	v7 =	vsel vm0, $0x1, v1  }
0x4c9: {  	(xrf0) =	vadd.scan.msk.s32 $0xffff, v7;
	_ =	sdelay $0x5  }
0x4ca: {  	v7, _, _ =	vpop (xrf0)  }
0x4cb: {  	vm1 =	veq.s32 v7, $0x1  }
0x4cc: {  	v8 =	vadd.s32 s26, v0;
	vm0 =	vmand vm0, vm1  }
0x4cd: {  	v5 =	vsub.s32 v6, v5;
	v63 =	vnsel vm0, $0x0, v8  }
0x4ce: {  	v5 =	vnsel vm0, $0x0, v5;
	(xrf0) =	vadd.scan.msk.s32 $0xffff, v63  }
0x4cf: {  	(xrf0) =	vadd.scan.msk.s32 $0xffff, v5  }
0x4d0: {  	(xrf0) =	vadd.scan.msk.s32 $0xffff, v4;
	_ =	sdelay $0x1  }
0x4d1: {  	(v2sf) =	vpush v7, $0xF;
	_ =	sdelay $0x1  }
0x4d2: {  	v4, _, _ =	vpop (xrf0)  }
0x4d3: {  	v5, _, _ =	vpop (xrf0);
	(v2sf) =	vpush v4, $0xF  }
0x4d4: {  	(v2sf) =	vpush v5, $0xF;
	v4, _, _ =	vpop (xrf0)  }
0x4d5: {  	(v2sf) =	vpush v4, $0xF;
	_ =	sdelay $0x9  }
0x4d6: {  	p0 =	sgt.u32 s0, $0xE;
	s1 =	spop (v2sf)  }
0x4d7: {  	p2 =	slt.s32 @!p0 s1, $0x1  }
0x4d8: {  	p0 =	por p0, !p2  }
.Ltmp54:
0x4d9: {  	s3 =	smov.u32 s23;
	s23 =	spop (v2sf);
	(pc) =	sbr.rel @!p0 .LBB2_104-.Ltmp54, $4  }
0x4da: {  	s5 =	smov.u32 s25;
	s0 =	sadd.s32 $0x1, s0;
	s4 =	spop (v2sf)  }
0x4db: {  	s24 =	sadd.s32 $0xFFFFFFF0, s24;
	p1 =	slt.s32 s1, $0x1;
	s6 =	spop (v2sf)  }
0x4dc: {  	s26 =	sadd.s32 $0xFFFFFFF0, s26;
	s25 =	ssub.s32 $0x800, s4;
	s6 =	simm.s32 @!p1 $0x0  }
0x4dd: {  	s23 =	smov.u32 @p1 s3;
	s25 =	smov.u32 @p1 s5;
	s28 =	sadd.s32 s28, s6  }
0x4de: {  	p0 =	seq.s32 s23, $0xBF  }
.Ltmp55:
0x4df: {  	_ = 	snop;
	(pc) =	sbr.rel @p0 .LBB2_111-.Ltmp55, $1  }
0x4e0: {  	_ =	sdelay $0x3  }
0x4e1: {  	s0 =	simm.s32 $0x18120  }
0x4e2: {  	[tilespmem:s0+$0xFFFFFFE0] =	vst v1  }
0x4e3: {  	[tilespmem:s0+$0x10] =	vst v1  }
0x4e4: {  	s24 =	simm.s32 $0x0;
	[tilespmem:s0+$0x0] =	vst v1  }
.LBB2_107:
0x4e5: {  	s24 =	sadd.s32 $0x4, s24  }
0x4e6: {  	[tilespmem:s0+$0xFFFFFFF0] =	vst v1;
	s0 =	sadd.s32 $0x40, s0;
	p0 =	slt.u32 s24, $0xC  }
.Ltmp56:
0x4e7: {  	[tilespmem:s0+$0xFFFFFFE0] =	vst v1;
	(pc) =	sbr.rel @p0 .LBB2_107-.Ltmp56, $3  }
0x4e8: {  	_ =	sdelay $0x1  }
0x4e9: {  	[tilespmem:s0+$0x10] =	vst v1  }
0x4ea: {  	[tilespmem:s0+$0x0] =	vst v1  }
0x4eb: {  	[tilespmem:s0+$0xFFFFFFF0] =	vst v1;
	s29 =	simm.s32 $0x10020  }
0x4ec: {  	v5 =	vld [tilespmem:s29+$0x10]  }
0x4ed: {  	v6 =	vld [tilespmem:s29+$0xFFFFFFF0]  }
0x4ee: {  	v7 =	vld [tilespmem:s29+$0x0]  }
0x4ef: {  	v8 =	vld [tilespmem:s29+$0xFFFFFFE0]  }
0x4f0: {  	s30 =	sshll.u32 s23, $0x8  }
0x4f1: {  	s31 =	simm.s32 $0x10060;
	v4 =	vmov s30;
	v5 =	vshrl.u32 v5, $0x10  }
0x4f2: {  	v10 =	vld [tilespmem:s31+$0x10];
	v6 =	vshrl.u32 v6, $0x10;
	v9 =	vsub.s32 v5, v4  }
0x4f3: {  	v5 =	vand.u32 $0x7F, v5;
	vm1 =	vlt.u32 v9, $0x100;
	v9 =	vand.u32 $0xFFFFFF80, v9  }
0x4f4: {  	v8 =	vshrl.u32 v8, $0x10;
	v7 =	vshrl.u32 v7, $0x10;
	v11 =	vor.u32 v5, v9  }
0x4f5: {  	v12 =	vld [tilespmem:s31+$0xFFFFFFF0];
	v5 =	vsub.s32 v8, v4;
	v9 =	vsub.s32 v6, v4;
	v8 =	vand.u32 $0x7F, v8  }
0x4f6: {  	v14 =	vand.u32 $0xFFFFFF80, v5;
	v15 =	vand.u32 $0xFFFFFF80, v9;
	vm2 =	vlt.u32 v9, $0x100;
	v9 =	vld [tilespmem:s31+$0x0]  }
0x4f7: {  	vm0 =	vlt.u32 v5, $0x100;
	v5 =	vor.u32 v8, v14;
	v14 =	vshrl.u32 v10, $0x10;
	v10 =	vld [tilespmem:s31+$0xFFFFFFE0]  }
0x4f8: {  	v13 =	vsub.s32 v7, v4;
	v17 =	vand.u32 $0x7F, v7;
	v6 =	vand.u32 $0x7F, v6  }
0x4f9: {  	v16 =	vand.u32 $0xFFFFFF80, v13;
	vm3 =	vlt.u32 v13, $0x100;
	v7 =	vor.u32 v6, v15  }
0x4fa: {  	v8 =	vshrl.u32 v12, $0x10;
	v6 =	vor.u32 v17, v16;
	v12 =	vsub.s32 v14, v4  }
0x4fb: {  	s24 =	simm.s32 $0x4;
	s26 =	simm.s32 $0x100A0;
	[tilespmem:v11+s16+$0x0] =	vst.idx.add.s32.msk vm1, v2;
	vm1 =	vlt.u32 v12, $0x100;
	v11 =	vand.u32 $0xFFFFFF80, v12;
	v12 =	vand.u32 $0x7F, v14  }
.LBB2_109:
0x4fc: {  	v14 =	vshrl.u32 v10, $0x10;
	v15 =	vshrl.u32 v9, $0x10  }
0x4fd: {  	v13 =	vld [tilespmem:s26+$0x10];
	s24 =	sadd.s32 $0x4, s24;
	v11 =	vor.u32 v12, v11;
	vm5 =	vmmov vm2;
	vm4 =	vmmov vm3  }
0x4fe: {  	v17 =	vsub.s32 v8, v4;
	v12 =	vld [tilespmem:s26+$0xFFFFFFF0];
	p0 =	slt.u32 s24, $0x7FC;
	v16 =	vsub.s32 v14, v4;
	v18 =	vsub.s32 v15, v4  }
0x4ff: {  	v20 =	vand.u32 $0xFFFFFF80, v17;
	v9 =	vld [tilespmem:s26+$0x0];
	v19 =	vand.u32 $0xFFFFFF80, v16;
	v21 =	vand.u32 $0xFFFFFF80, v18  }
.Ltmp57:
0x500: {  	v8 =	vand.u32 $0x7F, v8;
	v14 =	vand.u32 $0x7F, v14;
	v15 =	vand.u32 $0x7F, v15;
	v10 =	vld [tilespmem:s26+$0xFFFFFFE0];
	(pc) =	sbr.rel @p0 .LBB2_109-.Ltmp57, $4  }
0x501: {  	vm2 =	vlt.u32 v17, $0x100;
	[tilespmem:v5+s16+$0x0] =	vst.idx.add.s32.msk vm0, v2;
	v5 =	vor.u32 v14, v19;
	vm0 =	vlt.u32 v16, $0x100  }
0x502: {  	vm3 =	vlt.u32 v18, $0x100;
	v14 =	vor.u32 v8, v20;
	v13 =	vshrl.u32 v13, $0x10;
	[tilespmem:v11+s16+$0x0] =	vst.idx.add.s32.msk vm1, v2  }
0x503: {  	v15 =	vor.u32 v15, v21;
	v8 =	vshrl.u32 v12, $0x10;
	v11 =	vsub.s32 v13, v4;
	[tilespmem:v7+s16+$0x0] =	vst.idx.add.s32.msk vm5, v2  }
0x504: {  	s26 =	sadd.s32 $0x40, s26;
	v12 =	vand.u32 $0x7F, v13;
	v7 =	vmovc v14;
	vm1 =	vlt.u32 v11, $0x100;
	v11 =	vand.u32 $0xFFFFFF80, v11;
	[tilespmem:v6+s16+$0x0] =	vst.idx.add.s32.msk vm4, v2;
	v6 =	vmovc v15  }
0x505: {  	v10 =	vshrl.u32 v10, $0x10;
	v9 =	vshrl.u32 v9, $0x10  }
0x506: {  	v11 =	vor.u32 v12, v11;
	vm2 =	vmmov vm2;
	vm3 =	vmmov vm3  }
0x507: {  	v13 =	vsub.s32 v8, v4;
	v63 =	vand.u32 $0x7F, v8;
	v62 =	vsub.s32 v10, v4  }
0x508: {  	v4 =	vsub.s32 v9, v4;
	v15 =	vand.u32 $0xFFFFFF80, v13;
	v10 =	vand.u32 $0x7F, v10  }
0x509: {  	vm5 =	vlt.u32 v13, $0x100;
	v14 =	vand.u32 $0xFFFFFF80, v62;
	vm4 =	vlt.u32 v62, $0x100  }
0x50a: {  	v16 =	vand.u32 $0xFFFFFF80, v4;
	vm5 =	vmmov vm5;
	v10 =	vor.u32 v10, v14  }
0x50b: {  	[tilespmem:v5+s16+$0x0] =	vst.idx.add.s32.msk vm0, v2;
	vm6 =	vlt.u32 v4, $0x100;
	v4 =	vand.u32 $0x7F, v9;
	v5 =	vor.u32 v63, v15  }
0x50c: {  	v4 =	vor.u32 v4, v16;
	[tilespmem:v11+s16+$0x0] =	vst.idx.add.s32.msk vm1, v2  }
0x50d: {  	[tilespmem:v7+s16+$0x0] =	vst.idx.add.s32.msk vm2, v2  }
0x50e: {  	[tilespmem:v6+s16+$0x0] =	vst.idx.add.s32.msk vm3, v2  }
0x50f: {  	[tilespmem:v10+s16+$0x0] =	vst.idx.add.s32.msk vm4, v2  }
0x510: {  	[tilespmem:v5+s16+$0x0] =	vst.idx.add.s32.msk vm5, v2  }
0x511: {  	vm15 =	vmmov vm6;
	[tilespmem:v4+s16+$0x0] =	vst.idx.add.s32.msk vm6, v2  }
.LBB2_111:
0x512: {  	s26 =	simm.s32 $0x0;
	s28 =	simm.s32 $0x181F0;
	s29 =	simm.s32 $0xFF  }
0x513: {  	v4 =	vmov s25;
	s24 =	smov.u32 s25;
	s0 =	simm.s32 $0x0;
	s30 =	simm.s32 $0x0  }
.LBB2_112:
0x514: {  	v5 =	vld [tilespmem:s28+$0x0];
	_ =	sdelay $0x4  }
0x515: {  	v6 =	vperm.xlane v5, v3;
	_ =	sdelay $0x1  }
0x516: {  	(xrf0) =	vadd.scan.msk.s32 $0xffff, v6;
	_ =	sdelay $0x5  }
0x517: {  	v7, _, _ =	vpop (xrf0)  }
0x518: {  	v7 =	vadd.s32 s0, v7  }
0x519: {  	vm0 =	vge.s32 v7, v4  }
0x51a: {  	v8 =	vsel vm0, $0x1, v1  }
0x51b: {  	(xrf0) =	vadd.scan.msk.s32 $0xffff, v8;
	_ =	sdelay $0x5  }
0x51c: {  	v8, _, _ =	vpop (xrf0)  }
0x51d: {  	vm1 =	veq.s32 v8, $0x1  }
0x51e: {  	v9 =	vadd.s32 s29, v0;
	vm0 =	vmand vm0, vm1  }
0x51f: {  	v6 =	vsub.s32 v7, v6;
	v7 =	vnsel vm0, $0x0, v9  }
0x520: {  	v6 =	vnsel vm0, $0x0, v6;
	(xrf0) =	vadd.scan.msk.s32 $0xffff, v7  }
0x521: {  	(xrf0) =	vadd.scan.msk.s32 $0xffff, v6  }
0x522: {  	(xrf0) =	vadd.scan.msk.s32 $0xffff, v5;
	_ =	sdelay $0x3  }
0x523: {  	(v2sf) =	vpush v8, $0xF;
	v5, _, _ =	vpop (xrf0)  }
0x524: {  	v6, _, _ =	vpop (xrf0);
	(v2sf) =	vpush v5, $0xF  }
0x525: {  	(v2sf) =	vpush v6, $0xF;
	v5, _, _ =	vpop (xrf0)  }
0x526: {  	(v2sf) =	vpush v5, $0xF;
	_ =	sdelay $0xb  }
0x527: {  	s3 =	smov.u32 s26;
	s1 =	spop (v2sf)  }
0x528: {  	s5 =	smov.u32 s24;
	p0 =	sgt.u32 s30, $0xE;
	s26 =	spop (v2sf)  }
0x529: {  	p1 =	slt.s32 s1, $0x1;
	p2 =	slt.s32 @!p0 s1, $0x1;
	s4 =	spop (v2sf)  }
0x52a: {  	s26 =	smov.u32 @p1 s3;
	s24 =	ssub.s32 s25, s4;
	s4 =	spop (v2sf)  }
0x52b: {  	s4 =	simm.s32 @!p1 $0x0;
	s24 =	smov.u32 @p1 s5;
	p1 =	por p0, !p2  }
.Ltmp58:
0x52c: {  	_ = 	snop;
	(pc) =	sbr.rel @!p1 .LBB2_112-.Ltmp58, $3  }
0x52d: {  	_ =	sdelay $0x1  }
0x52e: {  	s30 =	sadd.s32 $0x1, s30  }
0x52f: {  	s28 =	sadd.s32 $0xFFFFFFF0, s28;
	s29 =	sadd.s32 $0xFFFFFFF0, s29;
	s0 =	sadd.s32 s0, s4  }
0x530: {  	s1 =	simm.s32 $0xFFFFFFFC  }
0x531: {  	s1 =	simm.s32 @p0 $0xFFFFFFFC  }
0x532: {  	s0 =	simm.s32 $0x18020;
	s25 =	sadd.s32 $0x4, s1  }
0x533: {  	s0 =	simm.s32 @p0 $0x18020;
	p0 =	slt.u32 s25, $0xC  }
.Ltmp59:
0x534: {  	_ = 	snop;
	(pc) =	sbr.rel @!p0 .LBB2_115-.Ltmp59, $4  }
0x535: {  	_ = 	snop  }
0x536: {  	[tilespmem:s0+$0xFFFFFFE0] =	vst v1  }
0x537: {  	[tilespmem:s0+$0x10] =	vst v1  }
0x538: {  	[tilespmem:s0+$0x0] =	vst v1  }
.LBB2_114:
0x539: {  	s25 =	sadd.s32 $0x4, s25  }
0x53a: {  	[tilespmem:s0+$0xFFFFFFF0] =	vst v1;
	s0 =	sadd.s32 $0x40, s0;
	p0 =	slt.u32 s25, $0xC  }
.Ltmp60:
0x53b: {  	[tilespmem:s0+$0xFFFFFFE0] =	vst v1;
	(pc) =	sbr.rel @p0 .LBB2_114-.Ltmp60, $3  }
0x53c: {  	_ =	sdelay $0x1  }
0x53d: {  	[tilespmem:s0+$0x10] =	vst v1  }
0x53e: {  	[tilespmem:s0+$0x0] =	vst v1  }
.LBB2_115:
0x53f: {  	[tilespmem:s0+$0xFFFFFFF0] =	vst v1;
	s30 =	simm.s32 $0x10020  }
0x540: {  	v5 =	vld [tilespmem:s30+$0x10]  }
0x541: {  	v6 =	vld [tilespmem:s30+$0xFFFFFFF0]  }
0x542: {  	v7 =	vld [tilespmem:s30+$0x0]  }
0x543: {  	s1 =	sshll.u32 s23, $0x10;
	s3 =	sshll.u32 s26, $0x8;
	v8 =	vld [tilespmem:s30+$0xFFFFFFE0]  }
0x544: {  	s26 =	sor.u32 s1, s3  }
0x545: {  	s31 =	simm.s32 $0x10060;
	v4 =	vmov s26;
	v5 =	vshrl.u32 v5, $0x8  }
0x546: {  	v10 =	vld [tilespmem:s31+$0x10];
	v6 =	vshrl.u32 v6, $0x8;
	v9 =	vsub.s32 v5, v4  }
0x547: {  	v5 =	vand.u32 $0x7F, v5;
	vm1 =	vlt.u32 v9, $0x100;
	v9 =	vand.u32 $0xFFFFFF80, v9  }
0x548: {  	v8 =	vshrl.u32 v8, $0x8;
	v7 =	vshrl.u32 v7, $0x8;
	v11 =	vor.u32 v5, v9  }
0x549: {  	v12 =	vld [tilespmem:s31+$0xFFFFFFF0];
	v5 =	vsub.s32 v8, v4;
	v9 =	vsub.s32 v6, v4;
	v8 =	vand.u32 $0x7F, v8  }
0x54a: {  	v14 =	vand.u32 $0xFFFFFF80, v5;
	v15 =	vand.u32 $0xFFFFFF80, v9;
	vm2 =	vlt.u32 v9, $0x100;
	v9 =	vld [tilespmem:s31+$0x0]  }
0x54b: {  	vm0 =	vlt.u32 v5, $0x100;
	v5 =	vor.u32 v8, v14;
	v14 =	vshrl.u32 v10, $0x8;
	v10 =	vld [tilespmem:s31+$0xFFFFFFE0]  }
0x54c: {  	v13 =	vsub.s32 v7, v4;
	v17 =	vand.u32 $0x7F, v7;
	v6 =	vand.u32 $0x7F, v6  }
0x54d: {  	v16 =	vand.u32 $0xFFFFFF80, v13;
	vm3 =	vlt.u32 v13, $0x100;
	v7 =	vor.u32 v6, v15  }
0x54e: {  	v8 =	vshrl.u32 v12, $0x8;
	v6 =	vor.u32 v17, v16;
	v12 =	vsub.s32 v14, v4  }
0x54f: {  	s23 =	simm.s32 $0x4;
	s25 =	simm.s32 $0x100A0;
	[tilespmem:v11+s15+$0x0] =	vst.idx.add.s32.msk vm1, v2;
	vm1 =	vlt.u32 v12, $0x100;
	v11 =	vand.u32 $0xFFFFFF80, v12;
	v12 =	vand.u32 $0x7F, v14  }
.LBB2_116:
0x550: {  	v14 =	vshrl.u32 v10, $0x8;
	v15 =	vshrl.u32 v9, $0x8  }
0x551: {  	v13 =	vld [tilespmem:s25+$0x10];
	s23 =	sadd.s32 $0x4, s23;
	v11 =	vor.u32 v12, v11;
	vm5 =	vmmov vm2;
	vm4 =	vmmov vm3  }
0x552: {  	v17 =	vsub.s32 v8, v4;
	v12 =	vld [tilespmem:s25+$0xFFFFFFF0];
	p0 =	slt.u32 s23, $0x7FC;
	v16 =	vsub.s32 v14, v4;
	v18 =	vsub.s32 v15, v4  }
0x553: {  	v20 =	vand.u32 $0xFFFFFF80, v17;
	v9 =	vld [tilespmem:s25+$0x0];
	v19 =	vand.u32 $0xFFFFFF80, v16;
	v21 =	vand.u32 $0xFFFFFF80, v18  }
.Ltmp61:
0x554: {  	v8 =	vand.u32 $0x7F, v8;
	v14 =	vand.u32 $0x7F, v14;
	v15 =	vand.u32 $0x7F, v15;
	v10 =	vld [tilespmem:s25+$0xFFFFFFE0];
	(pc) =	sbr.rel @p0 .LBB2_116-.Ltmp61, $4  }
0x555: {  	vm2 =	vlt.u32 v17, $0x100;
	[tilespmem:v5+s15+$0x0] =	vst.idx.add.s32.msk vm0, v2;
	v5 =	vor.u32 v14, v19;
	vm0 =	vlt.u32 v16, $0x100  }
0x556: {  	vm3 =	vlt.u32 v18, $0x100;
	v14 =	vor.u32 v8, v20;
	v13 =	vshrl.u32 v13, $0x8;
	[tilespmem:v11+s15+$0x0] =	vst.idx.add.s32.msk vm1, v2  }
0x557: {  	v15 =	vor.u32 v15, v21;
	v8 =	vshrl.u32 v12, $0x8;
	v11 =	vsub.s32 v13, v4;
	[tilespmem:v7+s15+$0x0] =	vst.idx.add.s32.msk vm5, v2  }
0x558: {  	s25 =	sadd.s32 $0x40, s25;
	v12 =	vand.u32 $0x7F, v13;
	v7 =	vmovc v14;
	vm1 =	vlt.u32 v11, $0x100;
	v11 =	vand.u32 $0xFFFFFF80, v11;
	[tilespmem:v6+s15+$0x0] =	vst.idx.add.s32.msk vm4, v2;
	v6 =	vmovc v15  }
0x559: {  	v10 =	vshrl.u32 v10, $0x8;
	v9 =	vshrl.u32 v9, $0x8  }
0x55a: {  	v11 =	vor.u32 v12, v11;
	vm2 =	vmmov vm2;
	vm3 =	vmmov vm3  }
0x55b: {  	v13 =	vsub.s32 v8, v4;
	v63 =	vand.u32 $0x7F, v8;
	v62 =	vsub.s32 v10, v4  }
0x55c: {  	v4 =	vsub.s32 v9, v4;
	v15 =	vand.u32 $0xFFFFFF80, v13;
	v10 =	vand.u32 $0x7F, v10  }
0x55d: {  	vm5 =	vlt.u32 v13, $0x100;
	v14 =	vand.u32 $0xFFFFFF80, v62;
	vm4 =	vlt.u32 v62, $0x100  }
0x55e: {  	v16 =	vand.u32 $0xFFFFFF80, v4;
	vm5 =	vmmov vm5;
	v10 =	vor.u32 v10, v14  }
0x55f: {  	[tilespmem:v5+s15+$0x0] =	vst.idx.add.s32.msk vm0, v2;
	vm6 =	vlt.u32 v4, $0x100;
	v4 =	vand.u32 $0x7F, v9;
	v5 =	vor.u32 v63, v15  }
0x560: {  	v4 =	vor.u32 v4, v16;
	[tilespmem:v11+s15+$0x0] =	vst.idx.add.s32.msk vm1, v2  }
0x561: {  	[tilespmem:v7+s15+$0x0] =	vst.idx.add.s32.msk vm2, v2  }
0x562: {  	[tilespmem:v6+s15+$0x0] =	vst.idx.add.s32.msk vm3, v2  }
0x563: {  	s23 =	simm.s32 $0x0;
	[tilespmem:v10+s15+$0x0] =	vst.idx.add.s32.msk vm4, v2  }
0x564: {  	s28 =	simm.s32 $0x180F0;
	s29 =	simm.s32 $0xFF;
	s25 =	smov.u32 s24;
	[tilespmem:v5+s15+$0x0] =	vst.idx.add.s32.msk vm5, v2  }
0x565: {  	s30 =	simm.s32 $0x0;
	s31 =	simm.s32 $0x0;
	s0 =	simm.s32 $0x0;
	vm15 =	vmmov vm6;
	[tilespmem:v4+s15+$0x0] =	vst.idx.add.s32.msk vm6, v2;
	v4 =	vmov s24  }
.LBB2_118:
0x566: {  	v5 =	vld [tilespmem:s28+$0x0];
	_ =	sdelay $0x4  }
0x567: {  	v6 =	vperm.xlane v5, v3;
	_ =	sdelay $0x1  }
0x568: {  	(xrf0) =	vadd.scan.msk.s32 $0xffff, v6;
	_ =	sdelay $0x5  }
0x569: {  	v7, _, _ =	vpop (xrf0)  }
0x56a: {  	v7 =	vadd.s32 s31, v7  }
0x56b: {  	vm0 =	vge.s32 v7, v4  }
0x56c: {  	v8 =	vsel vm0, $0x1, v1  }
0x56d: {  	(xrf0) =	vadd.scan.msk.s32 $0xffff, v8;
	_ =	sdelay $0x5  }
0x56e: {  	v8, _, _ =	vpop (xrf0)  }
0x56f: {  	vm1 =	veq.s32 v8, $0x1  }
0x570: {  	v9 =	vadd.s32 s29, v0;
	vm0 =	vmand vm0, vm1  }
0x571: {  	v7 =	vsub.s32 v7, v6;
	v9 =	vnsel vm0, $0x0, v9  }
0x572: {  	v7 =	vnsel vm0, $0x0, v7;
	(xrf0) =	vadd.scan.msk.s32 $0xffff, v9  }
0x573: {  	v6 =	vnsel vm0, $0x0, v6;
	(xrf0) =	vadd.scan.msk.s32 $0xffff, v7  }
0x574: {  	(xrf0) =	vadd.scan.msk.s32 $0xffff, v6  }
0x575: {  	(xrf0) =	vadd.scan.msk.s32 $0xffff, v5;
	_ =	sdelay $0x1  }
0x576: {  	(v2sf) =	vpush v8, $0xF  }
0x577: {  	v5, _, _ =	vpop (xrf0)  }
0x578: {  	v6, _, _ =	vpop (xrf0);
	(v2sf) =	vpush v5, $0xF  }
0x579: {  	v5, _, _ =	vpop (xrf0);
	(v2sf) =	vpush v6, $0xF  }
0x57a: {  	(v2sf) =	vpush v5, $0xF;
	v5, _, _ =	vpop (xrf0)  }
0x57b: {  	(v2sf) =	vpush v5, $0xF;
	_ =	sdelay $0x9  }
0x57c: {  	p0 =	sgt.u32 s0, $0xE;
	s1 =	spop (v2sf)  }
0x57d: {  	s3 =	smov.u32 s30;
	p1 =	slt.s32 @!p0 s1, $0x1  }
0x57e: {  	s5 =	smov.u32 s23;
	p0 =	por p0, !p1;
	s30 =	spop (v2sf)  }
.Ltmp62:
0x57f: {  	s6 =	smov.u32 s25;
	s4 =	spop (v2sf);
	(pc) =	sbr.rel @!p0 .LBB2_118-.Ltmp62, $4  }
0x580: {  	s0 =	sadd.s32 $0x1, s0;
	s28 =	sadd.s32 $0xFFFFFFF0, s28;
	s23 =	spop (v2sf)  }
0x581: {  	s29 =	sadd.s32 $0xFFFFFFF0, s29;
	p1 =	slt.s32 s1, $0x1;
	s7 =	spop (v2sf)  }
0x582: {  	s30 =	smov.u32 @p1 s3;
	s25 =	ssub.s32 s24, s4;
	s7 =	simm.s32 @!p1 $0x0  }
0x583: {  	s25 =	smov.u32 @p1 s6;
	s23 =	smov.u32 @p1 s5;
	s31 =	sadd.s32 s31, s7  }
0x584: {  	p0 =	sge.s32 s25, s23  }
.Ltmp63:
0x585: {  	_ = 	snop;
	(pc) =	sbr.rel @p0 .LBB2_125-.Ltmp63, $2  }
0x586: {  	_ =	sdelay $0x2  }
0x587: {  	s24 =	sor.u32 s26, s30  }
0x588: {  	s0 =	simm.s32 $0x18020  }
0x589: {  	[tilespmem:s0+$0xFFFFFFE0] =	vst v1  }
0x58a: {  	[tilespmem:s0+$0x10] =	vst v1  }
0x58b: {  	s26 =	simm.s32 $0x0;
	[tilespmem:s0+$0x0] =	vst v1  }
.LBB2_121:
0x58c: {  	s26 =	sadd.s32 $0x4, s26  }
0x58d: {  	[tilespmem:s0+$0xFFFFFFF0] =	vst v1;
	s0 =	sadd.s32 $0x40, s0;
	p0 =	slt.u32 s26, $0xC  }
.Ltmp64:
0x58e: {  	[tilespmem:s0+$0xFFFFFFE0] =	vst v1;
	(pc) =	sbr.rel @p0 .LBB2_121-.Ltmp64, $3  }
0x58f: {  	_ =	sdelay $0x1  }
0x590: {  	[tilespmem:s0+$0x10] =	vst v1  }
0x591: {  	[tilespmem:s0+$0x0] =	vst v1  }
0x592: {  	[tilespmem:s0+$0xFFFFFFF0] =	vst v1;
	s31 =	simm.s32 $0x10020  }
0x593: {  	v6 =	vld [tilespmem:s31+$0x0]  }
0x594: {  	v5 =	vld [tilespmem:s31+$0xFFFFFFF0]  }
0x595: {  	v8 =	vld [tilespmem:s31+$0x10]  }
0x596: {  	s1 =	sshll.u32 s24, $0x8;
	v10 =	vld [tilespmem:s31+$0xFFFFFFE0]  }
0x597: {  	v4 =	vmov s1  }
0x598: {  	v13 =	vsub.s32 v6, v4  }
0x599: {  	s26 =	simm.s32 $0x10060;
	v12 =	vand.u32 $0x7F, v6;
	v6 =	vsub.s32 v5, v4;
	v5 =	vand.u32 $0x7F, v5  }
0x59a: {  	v7 =	vld [tilespmem:s26+$0xFFFFFFF0];
	v14 =	vsub.s32 v8, v4;
	vm2 =	vlt.u32 v6, $0x100;
	v6 =	vand.u32 $0xFFFFFF80, v6  }
0x59b: {  	v11 =	vld [tilespmem:s26+$0x0];
	v15 =	vsub.s32 v10, v4;
	v16 =	vand.u32 $0x7F, v10;
	v9 =	vor.u32 v5, v6  }
0x59c: {  	vm0 =	vlt.u32 v14, $0x100;
	v10 =	vand.u32 $0xFFFFFF80, v14;
	v6 =	vand.u32 $0x7F, v8;
	v8 =	vld [tilespmem:s26+$0x10]  }
0x59d: {  	v10 =	vor.u32 v6, v10  }
0x59e: {  	vm1 =	vlt.u32 v15, $0x100;
	v14 =	vand.u32 $0xFFFFFF80, v15;
	v5 =	vand.u32 $0xFFFFFF80, v13  }
0x59f: {  	s0 =	simm.s32 $0x4;
	vm3 =	vlt.u32 v13, $0x100;
	v6 =	vor.u32 v16, v14;
	v5 =	vor.u32 v12, v5;
	v12 =	vld [tilespmem:s26+$0xFFFFFFE0]  }
.LBB2_123:
0x5a0: {  	s0 =	sadd.s32 $0x4, s0;
	v13 =	vsub.s32 v11, v4;
	v14 =	vand.u32 $0x7F, v11;
	s26 =	sadd.s32 $0x40, s26;
	[tilespmem:v9+s15+$0x0] =	vst.idx.add.s32.msk vm2, v2  }
0x5a1: {  	v9 =	vsub.s32 v7, v4;
	v15 =	vand.u32 $0x7F, v7;
	p0 =	slt.u32 s0, $0x7FC;
	v7 =	vld [tilespmem:s26+$0xFFFFFFF0];
	v16 =	vsub.s32 v8, v4  }
0x5a2: {  	vm2 =	vlt.u32 v9, $0x100;
	v9 =	vand.u32 $0xFFFFFF80, v9;
	[tilespmem:v10+s15+$0x0] =	vst.idx.add.s32.msk vm0, v2;
	vm0 =	vlt.u32 v16, $0x100  }
.Ltmp65:
0x5a3: {  	v9 =	vor.u32 v15, v9;
	v15 =	vand.u32 $0xFFFFFF80, v13;
	v10 =	vand.u32 $0x7F, v8;
	v11 =	vld [tilespmem:s26+$0x0];
	(pc) =	sbr.rel @p0 .LBB2_123-.Ltmp65, $4  }
0x5a4: {  	v16 =	vand.u32 $0xFFFFFF80, v16;
	v8 =	vld [tilespmem:s26+$0x10];
	v17 =	vsub.s32 v12, v4;
	v12 =	vand.u32 $0x7F, v12  }
0x5a5: {  	v10 =	vor.u32 v10, v16;
	v18 =	vand.u32 $0xFFFFFF80, v17;
	[tilespmem:v6+s15+$0x0] =	vst.idx.add.s32.msk vm1, v2;
	vm1 =	vlt.u32 v17, $0x100  }
0x5a6: {  	v6 =	vor.u32 v12, v18;
	[tilespmem:v5+s15+$0x0] =	vst.idx.add.s32.msk vm3, v2;
	v5 =	vor.u32 v14, v15  }
0x5a7: {  	vm3 =	vlt.u32 v13, $0x100;
	v12 =	vld [tilespmem:s26+$0xFFFFFFE0]  }
0x5a8: {  	_ = 	snop  }
0x5a9: {  	v13 =	vsub.s32 v7, v4  }
0x5aa: {  	v57 =	vand.u32 $0x7F, v7;
	v14 =	vsub.s32 v11, v4;
	v59 =	vand.u32 $0x7F, v11  }
0x5ab: {  	vm4 =	vlt.u32 v13, $0x100;
	v13 =	vand.u32 $0xFFFFFF80, v13;
	v58 =	vsub.s32 v8, v4  }
0x5ac: {  	v60 =	vand.u32 $0x7F, v8;
	v62 =	vand.u32 $0xFFFFFF80, v14;
	vm15 =	vlt.u32 v14, $0x100  }
0x5ad: {  	[tilespmem:v9+s15+$0x0] =	vst.idx.add.s32.msk vm2, v2;
	v7 =	vor.u32 v57, v13;
	vm5 =	vlt.u32 v58, $0x100;
	v13 =	vand.u32 $0xFFFFFF80, v58  }
0x5ae: {  	v63 =	vor.u32 v59, v62;
	v8 =	vor.u32 v60, v13;
	v4 =	vsub.s32 v12, v4  }
0x5af: {  	[tilespmem:v10+s15+$0x0] =	vst.idx.add.s32.msk vm0, v2;
	v61 =	vand.u32 $0x7F, v12;
	vm14 =	vlt.u32 v4, $0x100;
	v4 =	vand.u32 $0xFFFFFF80, v4  }
0x5b0: {  	[tilespmem:v6+s15+$0x0] =	vst.idx.add.s32.msk vm1, v2;
	v4 =	vor.u32 v61, v4  }
0x5b1: {  	[tilespmem:v5+s15+$0x0] =	vst.idx.add.s32.msk vm3, v2  }
0x5b2: {  	[tilespmem:v7+s15+$0x0] =	vst.idx.add.s32.msk vm4, v2  }
0x5b3: {  	[tilespmem:v63+s15+$0x0] =	vst.idx.add.s32.msk vm15, v2  }
0x5b4: {  	[tilespmem:v8+s15+$0x0] =	vst.idx.add.s32.msk vm5, v2  }
0x5b5: {  	[tilespmem:v4+s15+$0x0] =	vst.idx.add.s32.msk vm14, v2  }
.LBB2_125:
0x5b6: {  	s0 =	simm.s32 $0x0;
	s26 =	simm.s32 $0x180F0  }
0x5b7: {  	v4 =	vmov s25;
	s28 =	simm.s32 $0xFF;
	s29 =	simm.s32 $0x0;
	s30 =	simm.s32 $0x0  }
.LBB2_126:
0x5b8: {  	v5 =	vld [tilespmem:s26+$0x0];
	_ =	sdelay $0x4  }
0x5b9: {  	v6 =	vperm.xlane v5, v3;
	_ =	sdelay $0x1  }
0x5ba: {  	(xrf0) =	vadd.scan.msk.s32 $0xffff, v6;
	_ =	sdelay $0x5  }
0x5bb: {  	v6, _, _ =	vpop (xrf0)  }
0x5bc: {  	v6 =	vadd.s32 s29, v6  }
0x5bd: {  	vm0 =	vge.s32 v6, v4  }
0x5be: {  	v6 =	vsel vm0, $0x1, v1  }
0x5bf: {  	(xrf0) =	vadd.scan.msk.s32 $0xffff, v6;
	_ =	sdelay $0x5  }
0x5c0: {  	v6, _, _ =	vpop (xrf0)  }
0x5c1: {  	vm1 =	veq.s32 v6, $0x1  }
0x5c2: {  	v7 =	vadd.s32 s28, v0;
	vm0 =	vmand vm0, vm1  }
0x5c3: {  	v7 =	vnsel vm0, $0x0, v7  }
0x5c4: {  	(xrf0) =	vadd.scan.msk.s32 $0xffff, v7  }
0x5c5: {  	(xrf0) =	vadd.scan.msk.s32 $0xffff, v5;
	_ =	sdelay $0x1  }
0x5c6: {  	(v2sf) =	vpush v6, $0xF;
	_ =	sdelay $0x2  }
0x5c7: {  	v5, _, _ =	vpop (xrf0)  }
0x5c8: {  	(v2sf) =	vpush v5, $0xF;
	v5, _, _ =	vpop (xrf0)  }
0x5c9: {  	(v2sf) =	vpush v5, $0xF;
	_ =	sdelay $0x9  }
0x5ca: {  	p1 =	sgt.u32 s30, $0xE;
	s1 =	spop (v2sf)  }
0x5cb: {  	p2 =	slt.s32 @!p1 s1, $0x1  }
0x5cc: {  	p1 =	por p1, !p2  }
.Ltmp66:
0x5cd: {  	_ = 	snop;
	(pc) =	sbr.rel @!p1 .LBB2_126-.Ltmp66, $4  }
0x5ce: {  	s3 =	smov.u32 s0;
	s0 =	spop (v2sf)  }
0x5cf: {  	p0 =	slt.s32 s1, $0x1;
	s4 =	spop (v2sf)  }
0x5d0: {  	s30 =	sadd.s32 $0x1, s30;
	s26 =	sadd.s32 $0xFFFFFFF0, s26;
	s4 =	simm.s32 @!p0 $0x0  }
0x5d1: {  	s28 =	sadd.s32 $0xFFFFFFF0, s28;
	s0 =	smov.u32 @p0 s3;
	s29 =	sadd.s32 s29, s4  }
0x5d2: {  	p0 =	slt.s32 s25, s23  }
0x5d3: {  	s1 =	sshll.u32 s24, $0x8;
	s0 =	simm.s32 @!p0 $0x0  }
0x5d4: {  	s0 =	sor.u32 s1, s0  }
0x5d5: {  	s24 =	simm.s32 $0x8020;
	s1 =	simm.s32 $0xFFFFFFFF;
	p0 =	sgt.s32 s0, $0xFFFFFFFF  }
0x5d6: {  	v5 =	vld [tilespmem:s24+$0xFFFFFFE0];
	s1 =	simm.s32 @!p0 $0x80000000  }
0x5d7: {  	v8 =	vld [tilespmem:s24+$0x0];
	s0 =	sxor.u32 s0, s1  }
0x5d8: {  	v7 =	vld [tilespmem:s24+$0x10];
	v4 =	vmov s0  }
0x5d9: {  	v9 =	vld [tilespmem:s24+$0xFFFFFFF0];
	v4 =	vbroadcast v4, $0x0;
	_ =	sdelay $0x1  }
0x5da: {  	s23 =	simm.s32 $0x8060;
	vm0 =	vge.f32 v5, v4;
	v5 =	vmax.f32 v5, $0.0e+00  }
0x5db: {  	v6 =	vld [tilespmem:s23+$0xFFFFFFE0];
	vm1 =	vge.f32 v8, v4;
	v8 =	vmax.f32 v8, $0.0e+00;
	v10 =	vnsel vm0, $0x0, v5  }
0x5dc: {  	vm14 =	vge.f32 v7, v4;
	v7 =	vmax.f32 v7, $0.0e+00;
	v5 =	vld [tilespmem:s23+$0x10];
	v11 =	vnsel vm1, $0x0, v8;
	[tilespmem:s24+$0xFFFFFFE0] =	vst v10  }
0x5dd: {  	vm15 =	vge.f32 v9, v4;
	v9 =	vmax.f32 v9, $0.0e+00;
	v8 =	vld [tilespmem:s23+$0xFFFFFFF0];
	v10 =	vnsel vm14, $0x0, v7;
	[tilespmem:s24+$0x0] =	vst v11  }
0x5de: {  	s0 =	simm.s32 $0x4;
	v9 =	vnsel vm15, $0x0, v9;
	v7 =	vld [tilespmem:s23+$0x0];
	[tilespmem:s24+$0x10] =	vst v10  }
.LBB2_128:
0x5df: {  	s0 =	sadd.s32 $0x4, s0  }
0x5e0: {  	[tilespmem:s24+$0xFFFFFFF0] =	vst v9;
	s24 =	smov.u32 s23;
	p0 =	slt.u32 s0, $0x7FC  }
.Ltmp67:
0x5e1: {  	s23 =	sadd.s32 $0x40, s23;
	vm0 =	vge.f32 v6, v4;
	v9 =	vmax.f32 v6, $0.0e+00;
	(pc) =	sbr.rel @p0 .LBB2_128-.Ltmp67, $4  }
0x5e2: {  	v6 =	vld [tilespmem:s23+$0xFFFFFFE0];
	v9 =	vnsel vm0, $0x0, v9;
	vm0 =	vge.f32 v5, v4;
	v10 =	vmax.f32 v5, $0.0e+00  }
0x5e3: {  	v5 =	vld [tilespmem:s23+$0x10];
	[tilespmem:s24+$0xFFFFFFE0] =	vst v9;
	vm1 =	vge.f32 v7, v4;
	v9 =	vmax.f32 v7, $0.0e+00;
	v10 =	vnsel vm0, $0x0, v10  }
0x5e4: {  	v7 =	vld [tilespmem:s23+$0x0];
	vm0 =	vge.f32 v8, v4;
	v11 =	vmax.f32 v8, $0.0e+00;
	v12 =	vnsel vm1, $0x0, v9;
	[tilespmem:s24+$0x10] =	vst v10  }
0x5e5: {  	v8 =	vld [tilespmem:s23+$0xFFFFFFF0];
	v9 =	vnsel vm0, $0x0, v11;
	[tilespmem:s24+$0x0] =	vst v12  }
0x5e6: {  	_ = 	snop  }
0x5e7: {  	vm0 =	vge.f32 v6, v4;
	v62 =	vmax.f32 v6, $0.0e+00  }
0x5e8: {  	[tilespmem:s24+$0xFFFFFFF0] =	vst v9;
	v6 =	vnsel vm0, $0x0, v62;
	vm14 =	vge.f32 v5, v4;
	v5 =	vmax.f32 v5, $0.0e+00  }
0x5e9: {  	[tilespmem:s23+$0xFFFFFFE0] =	vst v6;
	vm1 =	vge.f32 v7, v4;
	v63 =	vmax.f32 v7, $0.0e+00;
	v5 =	vnsel vm14, $0x0, v5  }
0x5ea: {  	s22 =	sadd.s32 $0x1, s22;
	vm15 =	vge.f32 v8, v4;
	v4 =	vmax.f32 v8, $0.0e+00;
	v6 =	vnsel vm1, $0x0, v63;
	[tilespmem:s23+$0x10] =	vst v5  }
0x5eb: {  	p0 =	sne.s32 s22, s11;
	v4 =	vnsel vm15, $0x0, v4;
	[tilespmem:s23+$0x0] =	vst v6  }
.Ltmp68:
0x5ec: {  	[tilespmem:s23+$0xFFFFFFF0] =	vst v4;
	(pc) =	sbr.rel @p0 .LBB2_1-.Ltmp68, $4  }
0x5ed: {  	[hbm4b:s10+s12] =	stream.strided.scatter [tilespmem:s17], [sflag:$0x4], $0x8000, s13, s12, $0x38;
	[tilespmem:$0x18200] =	vst v63  }
0x5ee: {  	_ =	swait.ge [sflag:s21], $0x8000  }
0x5ef: {  	[sflag:s21] =	ssyncset.done $0x0  }
0x5f0: {  	[sflag:s21] =	ssyncadd.s32 $0xFFFF8000  }
0x5f1: {  	_ =	sfence.sel $0x180000  }
0x5f2: {  	[bflag:$0x0] =	sbarrier.arrive $0xFFFF  }
0x5f3: {  	_ =	strace $0x90000047  }
0x5f4: {  	s0 =	stileid.u32;
	[bflag:$0x2] =	sbarrier.arrive $0xFFFF  }
0x5f5: {  	p0 =	sne.s32 s0, $0x0;
	s0 =	rddreg [dreg:$0x2]  }
0x5f6: {  	s0 =	sadd.s32 @!p0 $0x100000, s0  }
0x5f7: {  	[sflag:s0] =	ssyncadd.tile.s32 @!p0 $0x1;
	_ =	shalt  }
.Lfunc_end2:
_tile_overlayer_lowered:
.L_overlay_start_2:
0x5f8: {  	(tag) =	ssettag $0x2  }
0x5f9: {  	s0 =	rddreg [dreg:$0x0];
	s2 =	stileid.u32  }
0x5fa: {  	s1 =	rddreg [dreg:$0x1];
	p0 =	sne.s32 s2, $0x0  }
0x5fb: {  	s3 =	rddreg [dreg:$0x2];
	[bflag:$0x3] =	sbarrier.arrive $0xFFFF;
	s2 =	simm.s32 @!p0 $0x1C05  }
0x5fc: {  	[timem:s3], [sflag:s2] =	dma.local @!p0 [hbm:s0], s1  }
0x5fd: {  	s0 =	simm.s32 @!p0 $0x5  }
0x5fe: {  	_ =	swait.ge @!p0 [sflag:s0], s1  }
0x5ff: {  	s1 =	ssub.s32 @!p0 $0x0, s1;
	[sflag:s0] =	ssyncset.done @!p0 $0x0  }
0x600: {  	[sflag:s0] =	ssyncadd.s32 @!p0 s1  }
0x601: {  	[bflag:$0x3] =	sbarrier.arrive $0xFFFF  }
0x602: {  	_ =	shalt  }

</sc_bundles>
